<compile_context>
chip_gen: v7x
topology: tpu7x:2x2x1
jax: 0.10.2.dev20260603
libtpu: 0.0.44.dev20260713+nightly
codegen_flags: <defaults>
</compile_context>

<pallas_src>
import functools
import math

import jax
import jax.numpy as jnp
from jax import lax
from jax.experimental import pallas as pl
from jax.experimental.pallas import tpu as pltpu
from jax.experimental.pallas import tpu_sc as plsc

H = 1024
W = 2048
N = 4194304
R = H * W

_PI = math.pi

_BNB = 2048

_AT = (0.9999993329, -0.3332985605, 0.1994653599, -0.1390853351,
       0.0964200441, -0.0559098861, 0.0218612288, -0.0040540580)
_AC = (1.5707963050, -0.2145988016, 0.0889789874, -0.0501743046,
       0.0308918810, -0.0170881256, 0.0066700901, -0.0012624911)


def _coords_body(d_ref, ri_ref, w_ref):
    x = d_ref[0]
    y = d_ref[1]
    z = d_ref[2]
    a = x
    b = -z
    absa = jnp.abs(a)
    absb = jnp.abs(b)
    mx = jnp.maximum(absa, absb)
    mn = jnp.minimum(absa, absb)
    t = mn / jnp.maximum(mx, jnp.float32(1e-30))
    t2 = t * t
    p = jnp.float32(_AT[7])
    for c in (_AT[6], _AT[5], _AT[4], _AT[3], _AT[2], _AT[1], _AT[0]):
        p = p * t2 + jnp.float32(c)
    p = p * t
    r = jnp.where(absa > absb, jnp.float32(0.5 * _PI) - p, p)
    r = jnp.where(b < 0.0, jnp.float32(_PI) - r, r)
    r = jnp.where(a < 0.0, -r, r)
    u = r * jnp.float32(1.0 / _PI)
    cy = jnp.clip(y, -1.0 + 1e-6, 1.0 - 1e-6)
    q = jnp.abs(cy)
    pc = jnp.float32(_AC[7])
    for c in (_AC[6], _AC[5], _AC[4], _AC[3], _AC[2], _AC[1], _AC[0]):
        pc = pc * q + jnp.float32(c)
    ac = jnp.sqrt(jnp.maximum(1.0 - q, 0.0)) * pc
    ac = jnp.where(cy < 0.0, jnp.float32(_PI) - ac, ac)
    v = ac * jnp.float32(2.0 / _PI) - 1.0
    ix = jnp.clip(((u + 1.0) * W - 1.0) * 0.5, 0.0, W - 1.0)
    iy = jnp.clip(((v + 1.0) * H - 1.0) * 0.5, 0.0, H - 1.0)
    ix0 = jnp.floor(ix)
    iy0 = jnp.floor(iy)
    wx1 = ix - ix0
    wy1 = iy - iy0
    wx0 = 1.0 - wx1
    wy0 = 1.0 - wy1
    ri_ref[...] = iy0.astype(jnp.int32) * W + ix0.astype(jnp.int32)
    w_ref[:, 0 * _BNB:1 * _BNB] = wx0 * wy0
    w_ref[:, 1 * _BNB:2 * _BNB] = wx1 * wy0
    w_ref[:, 2 * _BNB:3 * _BNB] = wx0 * wy1
    w_ref[:, 3 * _BNB:4 * _BNB] = wx1 * wy1


def _coords(d3):
    nr = N // _BNB
    return pl.pallas_call(
        _coords_body,
        grid=(nr // 8,),
        in_specs=[pl.BlockSpec((3, 8, _BNB), lambda i: (0, i, 0))],
        out_specs=[pl.BlockSpec((8, _BNB), lambda i: (i, 0)),
                   pl.BlockSpec((8, 4 * _BNB), lambda i: (i, 0))],
        out_shape=[jax.ShapeDtypeStruct((nr, _BNB), jnp.int32),
                   jax.ShapeDtypeStruct((nr, 4 * _BNB), jnp.float32)],
    )(d3)


_NC = 2
_NS = 16
_NW = _NC * _NS
_NPW = N // _NW
_CH = 2048
_NCHUNK = _NPW // _CH
_G = _CH // 16
_RWB = H // _NS


def _sc_all_body(b2_hbm, ri_hbm, w_hbm, out_hbm, q_hbm,
                 rb0, rb1, rows0, rows1, idx0, idx1, wv0, wv1, ov0, ov1,
                 s_row, s_q0, s_q1, sidx, sg, sw, so0, so1):
    cid = lax.axis_index("c")
    sid = lax.axis_index("s")
    qtab = q_hbm.at[cid]
    lanes = lax.iota(jnp.int32, 16)

    rbs = (rb0, rb1)
    qvs = (rows0, rows1)
    sqs = (s_q0, s_q1)
    iy0 = sid * _RWB

    def start_row(iy, b):
        pltpu.async_copy(b2_hbm.at[jnp.minimum(iy, H - 1)], rbs[b], s_row)

    def wait_row():
        pltpu.make_async_copy(b2_hbm.at[0], rbs[0], s_row).wait()

    def bcompute(ba, bb):
        rowA = rbs[ba]
        rowB = rbs[bb]
        qv = qvs[ba]

        def gbody(g, carry):
            ixv = g * 16 + lanes
            i0 = ixv * 3
            i1 = jnp.minimum(ixv + 1, W - 1) * 3
            for c in range(3):
                v00 = jnp.exp(plsc.load_gather(rowA, [i0 + c]))
                v01 = jnp.exp(plsc.load_gather(rowA, [i1 + c]))
                v10 = jnp.exp(plsc.load_gather(rowB, [i0 + c]))
                v11 = jnp.exp(plsc.load_gather(rowB, [i1 + c]))
                plsc.store_scatter(qv, [ixv, jnp.full((16,), c, jnp.int32)], v00)
                plsc.store_scatter(qv, [ixv, jnp.full((16,), 3 + c, jnp.int32)], v01)
                plsc.store_scatter(qv, [ixv, jnp.full((16,), 6 + c, jnp.int32)], v10)
                plsc.store_scatter(qv, [ixv, jnp.full((16,), 9 + c, jnp.int32)], v11)
            return carry

        lax.fori_loop(0, W // 16, gbody, 0)

    def start_qout(j, b):
        r0 = pl.multiple_of((iy0 + j) * W, 8)
        pltpu.async_copy(qvs[b], qtab.at[pl.ds(r0, W), :], sqs[b])

    def wait_qout(b):
        pltpu.make_async_copy(qvs[b], qtab.at[pl.ds(0, W), :], sqs[b]).wait()

    start_row(iy0, 0)
    start_row(iy0 + 1, 1)
    wait_row()
    wait_row()
    bcompute(0, 1)
    start_row(iy0 + 2, 0)
    start_qout(0, 0)
    wait_row()
    bcompute(1, 0)
    start_row(iy0 + 3, 1)
    start_qout(1, 1)

    def jbody(j2, carry):
        for jb in (0, 1):
            j = j2 * 2 + jb
            ba = jb
            bb = 1 - jb
            wait_row()
            wait_qout(ba)
            bcompute(ba, bb)
            start_row(iy0 + j + 2, ba)
            start_qout(j, ba)
        return carry

    lax.fori_loop(1, _RWB // 2, jbody, 0)
    wait_row()
    wait_qout(0)
    wait_qout(1)

    plsc.subcore_barrier()

    wid = sid * _NC + cid
    irow0 = wid * (_NPW // 128)
    crow0 = wid * _NCHUNK
    orow0 = wid * _NPW
    idxv = (idx0, idx1)
    rowsv = (rows0, rows1)
    wvv = (wv0, wv1)
    ovv = (ov0, ov1)
    sov = (so0, so1)

    def start_idx(ci, b):
        r0 = pl.multiple_of(irow0 + ci * 16, 16)
        pltpu.async_copy(ri_hbm.at[pl.ds(r0, 16), :], idxv[b], sidx)

    def wait_idx(b):
        pltpu.make_async_copy(ri_hbm.at[pl.ds(0, 16), :], idxv[b], sidx).wait()

    def start_w(ci, b):
        pltpu.async_copy(w_hbm.at[crow0 + ci], wvv[b], sw)

    def wait_w(b):
        pltpu.make_async_copy(w_hbm.at[0], wvv[b], sw).wait()

    def fire_g(b):
        for j in range(16):
            pltpu.async_copy(qtab.at[idxv[b].at[j]],
                             rowsv[b].at[pl.ds(j * 128, 128)], sg)

    def wait_g(b):
        pltpu.make_async_copy(qtab.at[pl.ds(0, _CH)], rowsv[b], sg).wait()

    def start_out(ci, b):
        r0 = pl.multiple_of(orow0 + ci * _CH, _CH)
        for c in range(3):
            pltpu.async_copy(ovv[b].at[c], out_hbm.at[c, pl.ds(r0, _CH)], sov[b])

    def wait_out(b):
        for c in range(3):
            pltpu.make_async_copy(ovv[b].at[c], out_hbm.at[c, pl.ds(0, _CH)],
                                  sov[b]).wait()

    def compute(b):
        rv = rowsv[b]
        wv = wvv[b]
        ov = ovv[b]

        def gbody(g, carry):
            rid = g * 16 + lanes
            o16 = g * 16
            for c in range(3):
                acc = None
                for k in range(4):
                    col = jnp.full((16,), 3 * k + c, jnp.int32)
                    val = plsc.load_gather(rv, [rid, col])
                    term = val * wv[pl.ds(k * _CH + o16, 16)]
                    acc = term if acc is None else acc + term
                ov[c, pl.ds(o16, 16)] = jnp.maximum(acc, 0.0)
            return carry

        lax.fori_loop(0, _G, gbody, 0)

    start_idx(0, 0)
    start_w(0, 0)
    wait_idx(0)
    fire_g(0)

    def cbody(i2, carry):
        for b in (0, 1):
            ci = i2 * 2 + b
            cn = jnp.minimum(ci + 1, _NCHUNK - 1)
            nb = 1 - b
            start_idx(cn, nb)
            wait_g(b)
            wait_idx(nb)
            fire_g(nb)
            start_w(cn, nb)

            @pl.when(ci >= 2)
            def _():
                wait_out(b)

            wait_w(b)
            compute(b)
            start_out(ci, b)
        return carry

    lax.fori_loop(0, _NCHUNK // 2, cbody, 0)
    wait_g(0)
    wait_w(0)
    wait_out(0)
    wait_out(1)


def _sample_all(b2, ri_t, w4):
    mesh = plsc.VectorSubcoreMesh(core_axis_name="c", subcore_axis_name="s")
    fn = functools.partial(
        pl.kernel,
        out_type=[jax.ShapeDtypeStruct((3, N), jnp.float32),
                  jax.ShapeDtypeStruct((_NC, R, 16), jnp.float32)],
        mesh=mesh,
        name="sc_envmap",
        compiler_params=pltpu.CompilerParams(
            needs_layout_passes=False, use_tc_tiling_on_sc=False),
        scratch_types=[
            pltpu.VMEM((W * 3,), jnp.float32),
            pltpu.VMEM((W * 3,), jnp.float32),
            pltpu.VMEM((_CH, 16), jnp.float32),
            pltpu.VMEM((_CH, 16), jnp.float32),
            pltpu.VMEM((16, 128), jnp.int32),
            pltpu.VMEM((16, 128), jnp.int32),
            pltpu.VMEM((4 * _CH,), jnp.float32),
            pltpu.VMEM((4 * _CH,), jnp.float32),
            pltpu.VMEM((3, _CH), jnp.float32),
            pltpu.VMEM((3, _CH), jnp.float32),
            pltpu.SemaphoreType.DMA,
            pltpu.SemaphoreType.DMA,
            pltpu.SemaphoreType.DMA,
            pltpu.SemaphoreType.DMA,
            pltpu.SemaphoreType.DMA,
            pltpu.SemaphoreType.DMA,
            pltpu.SemaphoreType.DMA,
            pltpu.SemaphoreType.DMA,
        ],
    )(_sc_all_body)
    return fn(b2, ri_t, w4)


def kernel(directions, base):
    f32 = jnp.float32
    b2 = base.astype(f32).reshape(H, W * 3)
    d3 = jnp.transpose(directions.astype(f32).reshape(N, 3),
                       (1, 0)).reshape(3, N // _BNB, _BNB)
    ri, w4 = _coords(d3)
    ri_t = ri.reshape(N // 128, 128)

    out3t, _ = _sample_all(b2, ri_t, w4)
    return jnp.transpose(out3t, (1, 0)).reshape(directions.shape[:-1] + (3,))

# --- scband reference (transcript-rebuilt; emitter-appended) ---
"""Pipeline reference for scband-lat-long-env-map-19748259627346 (READ-ONLY COPY).

The authoritative reference and input builder live on the scoring server;
editing this copy changes nothing except your own understanding.
"""

import jax, jax.numpy as jnp
import numpy as np
import math

H = 1024
W = 2048
N = 4194304

def setup_inputs(seed: int = 0) -> dict:
    key = jax.random.key(seed)
    k1, k2 = jax.random.split(key)
    directions = jax.random.normal(k1, (N, 3), dtype=jnp.float32)
    # learned parameter: base (pre-activation env map). Module init is log(clamp(0.5,min=1e-4));
    # add small noise so the map is non-trivial.
    base = jnp.float32(math.log(0.5)) + 0.1 * jax.random.normal(k2, (H, W, 3), dtype=jnp.float32)
    return {"directions": directions, "base": base}

def _grid_sample_bilinear_border(env, u, v):
    # env: [H, W, 3]; u, v in [-1, 1] (grid_sample align_corners=False, padding_mode='border')
    Hc, Wc = env.shape[0], env.shape[1]
    ix = ((u + 1.0) * Wc - 1.0) / 2.0
    iy = ((v + 1.0) * Hc - 1.0) / 2.0
    # border padding: clip source coordinates before weight computation
    ix = jnp.clip(ix, 0.0, Wc - 1.0)
    iy = jnp.clip(iy, 0.0, Hc - 1.0)
    ix0 = jnp.floor(ix)
    iy0 = jnp.floor(iy)
    wx1 = ix - ix0
    wx0 = 1.0 - wx1
    wy1 = iy - iy0
    wy0 = 1.0 - wy1
    ix0i = jnp.clip(ix0.astype(jnp.int32), 0, Wc - 1)
    ix1i = jnp.clip(ix0i + 1, 0, Wc - 1)
    iy0i = jnp.clip(iy0.astype(jnp.int32), 0, Hc - 1)
    iy1i = jnp.clip(iy0i + 1, 0, Hc - 1)
    v00 = env[iy0i, ix0i]
    v01 = env[iy0i, ix1i]
    v10 = env[iy1i, ix0i]
    v11 = env[iy1i, ix1i]
    out = (v00 * (wx0 * wy0)[:, None]
           + v01 * (wx1 * wy0)[:, None]
           + v10 * (wx0 * wy1)[:, None]
           + v11 * (wx1 * wy1)[:, None])
    return out

def reference(directions, base):
    # activated_map: clamp(exp(base), min=0)
    env = jnp.maximum(jnp.exp(base), 0.0)
    flat = directions.reshape(-1, 3)
    u = jnp.nan_to_num(jnp.arctan2(flat[:, 0], -flat[:, 2])) / math.pi
    v = 2.0 * (jnp.arccos(jnp.clip(flat[:, 1], -1.0 + 1e-6, 1.0 - 1e-6)) / math.pi) - 1.0
    sampled = _grid_sample_bilinear_border(env, u, v)
    sampled = sampled.reshape(directions.shape[:-1] + (3,))
    return jnp.maximum(sampled, 0.0)

if __name__ == "__main__":
    import jax
    _d = setup_inputs()
    print(jax.jit(kernel)(*tuple(_d.values())))

</pallas_src>

<mosaic_0001>
#map = affine_map<(d0, d1) -> (0, 0)>
#map1 = affine_map<(d0, d1) -> (0, 0, 0)>
module attributes {stable_mosaic.version = 14 : i64} {
  func.func @sc_envmap(%arg0: i32, %arg1: i32, %arg2: memref<1024x6144xf32, #tpu.memory_space<hbm>>, %arg3: memref<32768x128xi32, #tpu.memory_space<hbm>>, %arg4: memref<2048x8192xf32, #tpu.memory_space<hbm>>, %arg5: memref<3x4194304xf32, #tpu.memory_space<hbm>>, %arg6: memref<2x2097152x16xf32, #tpu.memory_space<hbm>>, %arg7: memref<6144xf32, #tpu.memory_space<vmem>>, %arg8: memref<6144xf32, #tpu.memory_space<vmem>>, %arg9: memref<2048x16xf32, #tpu.memory_space<vmem>>, %arg10: memref<2048x16xf32, #tpu.memory_space<vmem>>, %arg11: memref<16x128xi32, #tpu.memory_space<vmem>>, %arg12: memref<16x128xi32, #tpu.memory_space<vmem>>, %arg13: memref<8192xf32, #tpu.memory_space<vmem>>, %arg14: memref<8192xf32, #tpu.memory_space<vmem>>, %arg15: memref<3x2048xf32, #tpu.memory_space<vmem>>, %arg16: memref<3x2048xf32, #tpu.memory_space<vmem>>, %arg17: memref<!tpu.dma_semaphore, #tpu.memory_space<semaphore_mem>>, %arg18: memref<!tpu.dma_semaphore, #tpu.memory_space<semaphore_mem>>, %arg19: memref<!tpu.dma_semaphore, #tpu.memory_space<semaphore_mem>>, %arg20: memref<!tpu.dma_semaphore, #tpu.memory_space<semaphore_mem>>, %arg21: memref<!tpu.dma_semaphore, #tpu.memory_space<semaphore_mem>>, %arg22: memref<!tpu.dma_semaphore, #tpu.memory_space<semaphore_mem>>, %arg23: memref<!tpu.dma_semaphore, #tpu.memory_space<semaphore_mem>>, %arg24: memref<!tpu.dma_semaphore, #tpu.memory_space<semaphore_mem>>) attributes {dimension_semantics = [#tpu.dimension_semantics<core_parallel>, #tpu.dimension_semantics<subcore_parallel>], iteration_bounds = array<i64: 2, 16>, scalar_prefetch = 0 : i64, scratch_operands = 18 : i64, tpu.core_type = #tpu.core_type<sc_vector_subcore>, window_params = [{transform_indices = #map}, {transform_indices = #map}, {transform_indices = #map}, {transform_indices = #map}, {transform_indices = #map1}]} {
    %iota3A = tpu.iota {dimensions = array<i32: 0>} : vector<16xi32>
    %mul3A = arith.constant 64 : i32
    %mul3A_0 = arith.muli %arg1, %mul3A : i32
    %min3A = arith.constant 1023 : i32
    %min3A_1 = arith.minsi %mul3A_0, %min3A : i32
    %dma_start3A = arith.constant 0 : i32
    %dma_start3A_2 = tpu.memref_slice %arg2[%min3A_1, %dma_start3A] : memref<1024x6144xf32, #tpu.memory_space<hbm>> -> memref<1x6144xf32, #tpu.memory_space<hbm>>
    %dma_start3A_3 = tpu.memref_squeeze %dma_start3A_2 : memref<1x6144xf32, #tpu.memory_space<hbm>> -> memref<6144xf32, #tpu.memory_space<hbm>>
    %dma_start3A_4 = arith.constant 0 : i32
    %dma_start3A_5 = tpu.memref_slice %arg2[%min3A_1, %dma_start3A_4] : memref<1024x6144xf32, #tpu.memory_space<hbm>> -> memref<1x6144xf32, #tpu.memory_space<hbm>>
    %dma_start3A_6 = tpu.memref_squeeze %dma_start3A_5 : memref<1x6144xf32, #tpu.memory_space<hbm>> -> memref<6144xf32, #tpu.memory_space<hbm>>
    tpu.enqueue_dma source(%dma_start3A_6 : memref<6144xf32, #tpu.memory_space<hbm>>) target(%arg7 : memref<6144xf32, #tpu.memory_space<vmem>>) target_semaphore(%arg17 : memref<!tpu.dma_semaphore, #tpu.memory_space<semaphore_mem>>)
    %add3A = arith.constant 1 : i32
    %add3A_7 = arith.addi %mul3A_0, %add3A : i32
    %min3A_8 = arith.constant 1023 : i32
    %min3A_9 = arith.minsi %add3A_7, %min3A_8 : i32
    %dma_start3A_10 = arith.constant 0 : i32
    %dma_start3A_11 = tpu.memref_slice %arg2[%min3A_9, %dma_start3A_10] : memref<1024x6144xf32, #tpu.memory_space<hbm>> -> memref<1x6144xf32, #tpu.memory_space<hbm>>
    %dma_start3A_12 = tpu.memref_squeeze %dma_start3A_11 : memref<1x6144xf32, #tpu.memory_space<hbm>> -> memref<6144xf32, #tpu.memory_space<hbm>>
    %dma_start3A_13 = arith.constant 0 : i32
    %dma_start3A_14 = tpu.memref_slice %arg2[%min3A_9, %dma_start3A_13] : memref<1024x6144xf32, #tpu.memory_space<hbm>> -> memref<1x6144xf32, #tpu.memory_space<hbm>>
    %dma_start3A_15 = tpu.memref_squeeze %dma_start3A_14 : memref<1x6144xf32, #tpu.memory_space<hbm>> -> memref<6144xf32, #tpu.memory_space<hbm>>
    tpu.enqueue_dma source(%dma_start3A_15 : memref<6144xf32, #tpu.memory_space<hbm>>) target(%arg8 : memref<6144xf32, #tpu.memory_space<vmem>>) target_semaphore(%arg17 : memref<!tpu.dma_semaphore, #tpu.memory_space<semaphore_mem>>)
    %dma_wait3A = arith.constant 0 : i32
    %dma_wait3A_16 = arith.constant 0 : i32
    %dma_wait3A_17 = tpu.memref_slice %arg2[%dma_wait3A, %dma_wait3A_16] : memref<1024x6144xf32, #tpu.memory_space<hbm>> -> memref<1x6144xf32, #tpu.memory_space<hbm>>
    %dma_wait3A_18 = tpu.memref_squeeze %dma_wait3A_17 : memref<1x6144xf32, #tpu.memory_space<hbm>> -> memref<6144xf32, #tpu.memory_space<hbm>>
    %dma_wait3A_19 = arith.constant 0 : i32
    %dma_wait3A_20 = tpu.memref_slice %arg2[%dma_wait3A, %dma_wait3A_19] : memref<1024x6144xf32, #tpu.memory_space<hbm>> -> memref<1x6144xf32, #tpu.memory_space<hbm>>
    %dma_wait3A_21 = tpu.memref_squeeze %dma_wait3A_20 : memref<1x6144xf32, #tpu.memory_space<hbm>> -> memref<6144xf32, #tpu.memory_space<hbm>>
    tpu.wait_dma2 semaphore(%arg17 : memref<!tpu.dma_semaphore, #tpu.memory_space<semaphore_mem>>) src(%dma_wait3A_21 : memref<6144xf32, #tpu.memory_space<hbm>>) dst(%arg7 : memref<6144xf32, #tpu.memory_space<vmem>>)
    %dma_wait3A_22 = arith.constant 0 : i32
    %dma_wait3A_23 = arith.constant 0 : i32
    %dma_wait3A_24 = tpu.memref_slice %arg2[%dma_wait3A_22, %dma_wait3A_23] : memref<1024x6144xf32, #tpu.memory_space<hbm>> -> memref<1x6144xf32, #tpu.memory_space<hbm>>
    %dma_wait3A_25 = tpu.memref_squeeze %dma_wait3A_24 : memref<1x6144xf32, #tpu.memory_space<hbm>> -> memref<6144xf32, #tpu.memory_space<hbm>>
    %dma_wait3A_26 = arith.constant 0 : i32
    %dma_wait3A_27 = tpu.memref_slice %arg2[%dma_wait3A_22, %dma_wait3A_26] : memref<1024x6144xf32, #tpu.memory_space<hbm>> -> memref<1x6144xf32, #tpu.memory_space<hbm>>
    %dma_wait3A_28 = tpu.memref_squeeze %dma_wait3A_27 : memref<1x6144xf32, #tpu.memory_space<hbm>> -> memref<6144xf32, #tpu.memory_space<hbm>>
    tpu.wait_dma2 semaphore(%arg17 : memref<!tpu.dma_semaphore, #tpu.memory_space<semaphore_mem>>) src(%dma_wait3A_28 : memref<6144xf32, #tpu.memory_space<hbm>>) dst(%arg7 : memref<6144xf32, #tpu.memory_space<vmem>>)
    %scan3A = arith.constant 0 : i32
    %scan3A_29 = arith.constant 0 : i32
    %scan3A_30 = arith.constant 128 : i32
    %scan3A_31 = arith.addi %scan3A_29, %scan3A_30 : i32
    %scan3A_32 = arith.constant 1 : i32
    scf.for %scan3A_506 = %scan3A_29 to %scan3A_31 step %scan3A_32  : i32 {
      %mul3A_507 = arith.constant 16 : i32
      %mul3A_508 = arith.muli %scan3A_506, %mul3A_507 : i32
      %add3A_509 = vector.broadcast %mul3A_508 : i32 to vector<16xi32>
      %add3A_510 = arith.addi %add3A_509, %iota3A : vector<16xi32>
      %mul3A_511 = arith.constant 3 : i32
      %mul3A_512 = vector.broadcast %mul3A_511 : i32 to vector<16xi32>
      %mul3A_513 = arith.muli %add3A_510, %mul3A_512 : vector<16xi32>
      %add3A_514 = arith.constant 1 : i32
      %add3A_515 = vector.broadcast %add3A_514 : i32 to vector<16xi32>
      %add3A_516 = arith.addi %add3A_510, %add3A_515 : vector<16xi32>
      %min3A_517 = arith.constant 2047 : i32
      %min3A_518 = vector.broadcast %min3A_517 : i32 to vector<16xi32>
      %min3A_519 = arith.minsi %add3A_516, %min3A_518 : vector<16xi32>
      %mul3A_520 = arith.constant 3 : i32
      %mul3A_521 = vector.broadcast %mul3A_520 : i32 to vector<16xi32>
      %mul3A_522 = arith.muli %min3A_519, %mul3A_521 : vector<16xi32>
      %add3A_523 = arith.constant 0 : i32
      %add3A_524 = vector.broadcast %add3A_523 : i32 to vector<16xi32>
      %add3A_525 = arith.addi %mul3A_513, %add3A_524 : vector<16xi32>
      %gather3A = tpu.vector_load_idx %arg7[%add3A_525] : memref<6144xf32, #tpu.memory_space<vmem>>[vector<16xi32>], vector<16xf32>,
      %exp3A = math.exp %gather3A : vector<16xf32>
      %add3A_526 = arith.constant 0 : i32
      %add3A_527 = vector.broadcast %add3A_526 : i32 to vector<16xi32>
      %add3A_528 = arith.addi %mul3A_522, %add3A_527 : vector<16xi32>
      %gather3A_529 = tpu.vector_load_idx %arg7[%add3A_528] : memref<6144xf32, #tpu.memory_space<vmem>>[vector<16xi32>], vector<16xf32>,
      %exp3A_530 = math.exp %gather3A_529 : vector<16xf32>
      %add3A_531 = arith.constant 0 : i32
      %add3A_532 = vector.broadcast %add3A_531 : i32 to vector<16xi32>
      %add3A_533 = arith.addi %mul3A_513, %add3A_532 : vector<16xi32>
      %gather3A_534 = tpu.vector_load_idx %arg8[%add3A_533] : memref<6144xf32, #tpu.memory_space<vmem>>[vector<16xi32>], vector<16xf32>,
      %exp3A_535 = math.exp %gather3A_534 : vector<16xf32>
      %add3A_536 = arith.constant 0 : i32
      %add3A_537 = vector.broadcast %add3A_536 : i32 to vector<16xi32>
      %add3A_538 = arith.addi %mul3A_522, %add3A_537 : vector<16xi32>
      %gather3A_539 = tpu.vector_load_idx %arg8[%add3A_538] : memref<6144xf32, #tpu.memory_space<vmem>>[vector<16xi32>], vector<16xf32>,
      %exp3A_540 = math.exp %gather3A_539 : vector<16xf32>
      %broadcast_in_dim3A = arith.constant 0 : i32
      %broadcast_in_dim3A_541 = vector.broadcast %broadcast_in_dim3A : i32 to vector<16xi32>
      tpu.vector_store_idx %arg9[%add3A_510, %broadcast_in_dim3A_541], %exp3A : memref<2048x16xf32, #tpu.memory_space<vmem>>[vector<16xi32>, vector<16xi32>], vector<16xf32>,
      %broadcast_in_dim3A_542 = arith.constant 3 : i32
      %broadcast_in_dim3A_543 = vector.broadcast %broadcast_in_dim3A_542 : i32 to vector<16xi32>
      tpu.vector_store_idx %arg9[%add3A_510, %broadcast_in_dim3A_543], %exp3A_530 : memref<2048x16xf32, #tpu.memory_space<vmem>>[vector<16xi32>, vector<16xi32>], vector<16xf32>,
      %broadcast_in_dim3A_544 = arith.constant 6 : i32
      %broadcast_in_dim3A_545 = vector.broadcast %broadcast_in_dim3A_544 : i32 to vector<16xi32>
      tpu.vector_store_idx %arg9[%add3A_510, %broadcast_in_dim3A_545], %exp3A_535 : memref<2048x16xf32, #tpu.memory_space<vmem>>[vector<16xi32>, vector<16xi32>], vector<16xf32>,
      %broadcast_in_dim3A_546 = arith.constant 9 : i32
      %broadcast_in_dim3A_547 = vector.broadcast %broadcast_in_dim3A_546 : i32 to vector<16xi32>
      tpu.vector_store_idx %arg9[%add3A_510, %broadcast_in_dim3A_547], %exp3A_540 : memref<2048x16xf32, #tpu.memory_space<vmem>>[vector<16xi32>, vector<16xi32>], vector<16xf32>,
      %add3A_548 = arith.constant 1 : i32
      %add3A_549 = vector.broadcast %add3A_548 : i32 to vector<16xi32>
      %add3A_550 = arith.addi %mul3A_513, %add3A_549 : vector<16xi32>
      %gather3A_551 = tpu.vector_load_idx %arg7[%add3A_550] : memref<6144xf32, #tpu.memory_space<vmem>>[vector<16xi32>], vector<16xf32>,
      %exp3A_552 = math.exp %gather3A_551 : vector<16xf32>
      %add3A_553 = arith.constant 1 : i32
      %add3A_554 = vector.broadcast %add3A_553 : i32 to vector<16xi32>
      %add3A_555 = arith.addi %mul3A_522, %add3A_554 : vector<16xi32>
      %gather3A_556 = tpu.vector_load_idx %arg7[%add3A_555] : memref<6144xf32, #tpu.memory_space<vmem>>[vector<16xi32>], vector<16xf32>,
      %exp3A_557 = math.exp %gather3A_556 : vector<16xf32>
      %add3A_558 = arith.constant 1 : i32
      %add3A_559 = vector.broadcast %add3A_558 : i32 to vector<16xi32>
      %add3A_560 = arith.addi %mul3A_513, %add3A_559 : vector<16xi32>
      %gather3A_561 = tpu.vector_load_idx %arg8[%add3A_560] : memref<6144xf32, #tpu.memory_space<vmem>>[vector<16xi32>], vector<16xf32>,
      %exp3A_562 = math.exp %gather3A_561 : vector<16xf32>
      %add3A_563 = arith.constant 1 : i32
      %add3A_564 = vector.broadcast %add3A_563 : i32 to vector<16xi32>
      %add3A_565 = arith.addi %mul3A_522, %add3A_564 : vector<16xi32>
      %gather3A_566 = tpu.vector_load_idx %arg8[%add3A_565] : memref<6144xf32, #tpu.memory_space<vmem>>[vector<16xi32>], vector<16xf32>,
      %exp3A_567 = math.exp %gather3A_566 : vector<16xf32>
      %broadcast_in_dim3A_568 = arith.constant 1 : i32
      %broadcast_in_dim3A_569 = vector.broadcast %broadcast_in_dim3A_568 : i32 to vector<16xi32>
      tpu.vector_store_idx %arg9[%add3A_510, %broadcast_in_dim3A_569], %exp3A_552 : memref<2048x16xf32, #tpu.memory_space<vmem>>[vector<16xi32>, vector<16xi32>], vector<16xf32>,
      %broadcast_in_dim3A_570 = arith.constant 4 : i32
      %broadcast_in_dim3A_571 = vector.broadcast %broadcast_in_dim3A_570 : i32 to vector<16xi32>
      tpu.vector_store_idx %arg9[%add3A_510, %broadcast_in_dim3A_571], %exp3A_557 : memref<2048x16xf32, #tpu.memory_space<vmem>>[vector<16xi32>, vector<16xi32>], vector<16xf32>,
      %broadcast_in_dim3A_572 = arith.constant 7 : i32
      %broadcast_in_dim3A_573 = vector.broadcast %broadcast_in_dim3A_572 : i32 to vector<16xi32>
      tpu.vector_store_idx %arg9[%add3A_510, %broadcast_in_dim3A_573], %exp3A_562 : memref<2048x16xf32, #tpu.memory_space<vmem>>[vector<16xi32>, vector<16xi32>], vector<16xf32>,
      %broadcast_in_dim3A_574 = arith.constant 10 : i32
      %broadcast_in_dim3A_575 = vector.broadcast %broadcast_in_dim3A_574 : i32 to vector<16xi32>
      tpu.vector_store_idx %arg9[%add3A_510, %broadcast_in_dim3A_575], %exp3A_567 : memref<2048x16xf32, #tpu.memory_space<vmem>>[vector<16xi32>, vector<16xi32>], vector<16xf32>,
      %add3A_576 = arith.constant 2 : i32
      %add3A_577 = vector.broadcast %add3A_576 : i32 to vector<16xi32>
      %add3A_578 = arith.addi %mul3A_513, %add3A_577 : vector<16xi32>
      %gather3A_579 = tpu.vector_load_idx %arg7[%add3A_578] : memref<6144xf32, #tpu.memory_space<vmem>>[vector<16xi32>], vector<16xf32>,
      %exp3A_580 = math.exp %gather3A_579 : vector<16xf32>
      %add3A_581 = arith.constant 2 : i32
      %add3A_582 = vector.broadcast %add3A_581 : i32 to vector<16xi32>
      %add3A_583 = arith.addi %mul3A_522, %add3A_582 : vector<16xi32>
      %gather3A_584 = tpu.vector_load_idx %arg7[%add3A_583] : memref<6144xf32, #tpu.memory_space<vmem>>[vector<16xi32>], vector<16xf32>,
      %exp3A_585 = math.exp %gather3A_584 : vector<16xf32>
      %add3A_586 = arith.constant 2 : i32
      %add3A_587 = vector.broadcast %add3A_586 : i32 to vector<16xi32>
      %add3A_588 = arith.addi %mul3A_513, %add3A_587 : vector<16xi32>
      %gather3A_589 = tpu.vector_load_idx %arg8[%add3A_588] : memref<6144xf32, #tpu.memory_space<vmem>>[vector<16xi32>], vector<16xf32>,
      %exp3A_590 = math.exp %gather3A_589 : vector<16xf32>
      %add3A_591 = arith.constant 2 : i32
      %add3A_592 = vector.broadcast %add3A_591 : i32 to vector<16xi32>
      %add3A_593 = arith.addi %mul3A_522, %add3A_592 : vector<16xi32>
      %gather3A_594 = tpu.vector_load_idx %arg8[%add3A_593] : memref<6144xf32, #tpu.memory_space<vmem>>[vector<16xi32>], vector<16xf32>,
      %exp3A_595 = math.exp %gather3A_594 : vector<16xf32>
      %broadcast_in_dim3A_596 = arith.constant 2 : i32
      %broadcast_in_dim3A_597 = vector.broadcast %broadcast_in_dim3A_596 : i32 to vector<16xi32>
      tpu.vector_store_idx %arg9[%add3A_510, %broadcast_in_dim3A_597], %exp3A_580 : memref<2048x16xf32, #tpu.memory_space<vmem>>[vector<16xi32>, vector<16xi32>], vector<16xf32>,
      %broadcast_in_dim3A_598 = arith.constant 5 : i32
      %broadcast_in_dim3A_599 = vector.broadcast %broadcast_in_dim3A_598 : i32 to vector<16xi32>
      tpu.vector_store_idx %arg9[%add3A_510, %broadcast_in_dim3A_599], %exp3A_585 : memref<2048x16xf32, #tpu.memory_space<vmem>>[vector<16xi32>, vector<16xi32>], vector<16xf32>,
      %broadcast_in_dim3A_600 = arith.constant 8 : i32
      %broadcast_in_dim3A_601 = vector.broadcast %broadcast_in_dim3A_600 : i32 to vector<16xi32>
      tpu.vector_store_idx %arg9[%add3A_510, %broadcast_in_dim3A_601], %exp3A_590 : memref<2048x16xf32, #tpu.memory_space<vmem>>[vector<16xi32>, vector<16xi32>], vector<16xf32>,
      %broadcast_in_dim3A_602 = arith.constant 11 : i32
      %broadcast_in_dim3A_603 = vector.broadcast %broadcast_in_dim3A_602 : i32 to vector<16xi32>
      tpu.vector_store_idx %arg9[%add3A_510, %broadcast_in_dim3A_603], %exp3A_595 : memref<2048x16xf32, #tpu.memory_space<vmem>>[vector<16xi32>, vector<16xi32>], vector<16xf32>,
    }
    %scan3A_33 = arith.constant 128 : i32
    %add3A_34 = arith.constant 2 : i32
    %add3A_35 = arith.addi %mul3A_0, %add3A_34 : i32
    %min3A_36 = arith.constant 1023 : i32
    %min3A_37 = arith.minsi %add3A_35, %min3A_36 : i32
    %dma_start3A_38 = arith.constant 0 : i32
    %dma_start3A_39 = tpu.memref_slice %arg2[%min3A_37, %dma_start3A_38] : memref<1024x6144xf32, #tpu.memory_space<hbm>> -> memref<1x6144xf32, #tpu.memory_space<hbm>>
    %dma_start3A_40 = tpu.memref_squeeze %dma_start3A_39 : memref<1x6144xf32, #tpu.memory_space<hbm>> -> memref<6144xf32, #tpu.memory_space<hbm>>
    %dma_start3A_41 = arith.constant 0 : i32
    %dma_start3A_42 = tpu.memref_slice %arg2[%min3A_37, %dma_start3A_41] : memref<1024x6144xf32, #tpu.memory_space<hbm>> -> memref<1x6144xf32, #tpu.memory_space<hbm>>
    %dma_start3A_43 = tpu.memref_squeeze %dma_start3A_42 : memref<1x6144xf32, #tpu.memory_space<hbm>> -> memref<6144xf32, #tpu.memory_space<hbm>>
    tpu.enqueue_dma source(%dma_start3A_43 : memref<6144xf32, #tpu.memory_space<hbm>>) target(%arg7 : memref<6144xf32, #tpu.memory_space<vmem>>) target_semaphore(%arg17 : memref<!tpu.dma_semaphore, #tpu.memory_space<semaphore_mem>>)
    %add3A_44 = arith.constant 0 : i32
    %add3A_45 = arith.addi %mul3A_0, %add3A_44 : i32
    %mul3A_46 = arith.constant 2048 : i32
    %mul3A_47 = arith.muli %add3A_45, %mul3A_46 : i32
    %multiple_of3A = tpu.assume_multiple %mul3A_47, 8 : i32
    %dma_start3A_48 = arith.constant 0 : i32
    %dma_start3A_49 = arith.constant 0 : i32
    %dma_start3A_50 = tpu.memref_slice %arg6[%arg0, %dma_start3A_48, %dma_start3A_49] : memref<2x2097152x16xf32, #tpu.memory_space<hbm>> -> memref<1x2097152x16xf32, #tpu.memory_space<hbm>>
    %dma_start3A_51 = tpu.memref_squeeze %dma_start3A_50 : memref<1x2097152x16xf32, #tpu.memory_space<hbm>> -> memref<2097152x16xf32, #tpu.memory_space<hbm>>
    %dma_start3A_52 = arith.constant 0 : i32
    %dma_start3A_53 = tpu.memref_slice %dma_start3A_51[%multiple_of3A, %dma_start3A_52] : memref<2097152x16xf32, #tpu.memory_space<hbm>> -> memref<2048x16xf32, #tpu.memory_space<hbm>>
    %dma_start3A_54 = arith.constant 0 : i32
    %dma_start3A_55 = arith.constant 0 : i32
    %dma_start3A_56 = tpu.memref_slice %arg6[%arg0, %dma_start3A_54, %dma_start3A_55] : memref<2x2097152x16xf32, #tpu.memory_space<hbm>> -> memref<1x2097152x16xf32, #tpu.memory_space<hbm>>
    %dma_start3A_57 = tpu.memref_squeeze %dma_start3A_56 : memref<1x2097152x16xf32, #tpu.memory_space<hbm>> -> memref<2097152x16xf32, #tpu.memory_space<hbm>>
    %dma_start3A_58 = arith.constant 0 : i32
    %dma_start3A_59 = tpu.memref_slice %dma_start3A_57[%multiple_of3A, %dma_start3A_58] : memref<2097152x16xf32, #tpu.memory_space<hbm>> -> memref<2048x16xf32, #tpu.memory_space<hbm>>
    tpu.enqueue_dma source(%arg9 : memref<2048x16xf32, #tpu.memory_space<vmem>>) target(%dma_start3A_59 : memref<2048x16xf32, #tpu.memory_space<hbm>>) target_semaphore(%arg18 : memref<!tpu.dma_semaphore, #tpu.memory_space<semaphore_mem>>)
    %dma_wait3A_60 = arith.constant 0 : i32
    %dma_wait3A_61 = arith.constant 0 : i32
    %dma_wait3A_62 = tpu.memref_slice %arg2[%dma_wait3A_60, %dma_wait3A_61] : memref<1024x6144xf32, #tpu.memory_space<hbm>> -> memref<1x6144xf32, #tpu.memory_space<hbm>>
    %dma_wait3A_63 = tpu.memref_squeeze %dma_wait3A_62 : memref<1x6144xf32, #tpu.memory_space<hbm>> -> memref<6144xf32, #tpu.memory_space<hbm>>
    %dma_wait3A_64 = arith.constant 0 : i32
    %dma_wait3A_65 = tpu.memref_slice %arg2[%dma_wait3A_60, %dma_wait3A_64] : memref<1024x6144xf32, #tpu.memory_space<hbm>> -> memref<1x6144xf32, #tpu.memory_space<hbm>>
    %dma_wait3A_66 = tpu.memref_squeeze %dma_wait3A_65 : memref<1x6144xf32, #tpu.memory_space<hbm>> -> memref<6144xf32, #tpu.memory_space<hbm>>
    tpu.wait_dma2 semaphore(%arg17 : memref<!tpu.dma_semaphore, #tpu.memory_space<semaphore_mem>>) src(%dma_wait3A_66 : memref<6144xf32, #tpu.memory_space<hbm>>) dst(%arg7 : memref<6144xf32, #tpu.memory_space<vmem>>)
    %scan3A_67 = arith.constant 0 : i32
    %scan3A_68 = arith.constant 0 : i32
    %scan3A_69 = arith.constant 128 : i32
    %scan3A_70 = arith.addi %scan3A_68, %scan3A_69 : i32
    %scan3A_71 = arith.constant 1 : i32
    scf.for %scan3A_506 = %scan3A_68 to %scan3A_70 step %scan3A_71  : i32 {
      %mul3A_507 = arith.constant 16 : i32
      %mul3A_508 = arith.muli %scan3A_506, %mul3A_507 : i32
      %add3A_509 = vector.broadcast %mul3A_508 : i32 to vector<16xi32>
      %add3A_510 = arith.addi %add3A_509, %iota3A : vector<16xi32>
      %mul3A_511 = arith.constant 3 : i32
      %mul3A_512 = vector.broadcast %mul3A_511 : i32 to vector<16xi32>
      %mul3A_513 = arith.muli %add3A_510, %mul3A_512 : vector<16xi32>
      %add3A_514 = arith.constant 1 : i32
      %add3A_515 = vector.broadcast %add3A_514 : i32 to vector<16xi32>
      %add3A_516 = arith.addi %add3A_510, %add3A_515 : vector<16xi32>
      %min3A_517 = arith.constant 2047 : i32
      %min3A_518 = vector.broadcast %min3A_517 : i32 to vector<16xi32>
      %min3A_519 = arith.minsi %add3A_516, %min3A_518 : vector<16xi32>
      %mul3A_520 = arith.constant 3 : i32
      %mul3A_521 = vector.broadcast %mul3A_520 : i32 to vector<16xi32>
      %mul3A_522 = arith.muli %min3A_519, %mul3A_521 : vector<16xi32>
      %add3A_523 = arith.constant 0 : i32
      %add3A_524 = vector.broadcast %add3A_523 : i32 to vector<16xi32>
      %add3A_525 = arith.addi %mul3A_513, %add3A_524 : vector<16xi32>
      %gather3A = tpu.vector_load_idx %arg8[%add3A_525] : memref<6144xf32, #tpu.memory_space<vmem>>[vector<16xi32>], vector<16xf32>,
      %exp3A = math.exp %gather3A : vector<16xf32>
      %add3A_526 = arith.constant 0 : i32
      %add3A_527 = vector.broadcast %add3A_526 : i32 to vector<16xi32>
      %add3A_528 = arith.addi %mul3A_522, %add3A_527 : vector<16xi32>
      %gather3A_529 = tpu.vector_load_idx %arg8[%add3A_528] : memref<6144xf32, #tpu.memory_space<vmem>>[vector<16xi32>], vector<16xf32>,
      %exp3A_530 = math.exp %gather3A_529 : vector<16xf32>
      %add3A_531 = arith.constant 0 : i32
      %add3A_532 = vector.broadcast %add3A_531 : i32 to vector<16xi32>
      %add3A_533 = arith.addi %mul3A_513, %add3A_532 : vector<16xi32>
      %gather3A_534 = tpu.vector_load_idx %arg7[%add3A_533] : memref<6144xf32, #tpu.memory_space<vmem>>[vector<16xi32>], vector<16xf32>,
      %exp3A_535 = math.exp %gather3A_534 : vector<16xf32>
      %add3A_536 = arith.constant 0 : i32
      %add3A_537 = vector.broadcast %add3A_536 : i32 to vector<16xi32>
      %add3A_538 = arith.addi %mul3A_522, %add3A_537 : vector<16xi32>
      %gather3A_539 = tpu.vector_load_idx %arg7[%add3A_538] : memref<6144xf32, #tpu.memory_space<vmem>>[vector<16xi32>], vector<16xf32>,
      %exp3A_540 = math.exp %gather3A_539 : vector<16xf32>
      %broadcast_in_dim3A = arith.constant 0 : i32
      %broadcast_in_dim3A_541 = vector.broadcast %broadcast_in_dim3A : i32 to vector<16xi32>
      tpu.vector_store_idx %arg10[%add3A_510, %broadcast_in_dim3A_541], %exp3A : memref<2048x16xf32, #tpu.memory_space<vmem>>[vector<16xi32>, vector<16xi32>], vector<16xf32>,
      %broadcast_in_dim3A_542 = arith.constant 3 : i32
      %broadcast_in_dim3A_543 = vector.broadcast %broadcast_in_dim3A_542 : i32 to vector<16xi32>
      tpu.vector_store_idx %arg10[%add3A_510, %broadcast_in_dim3A_543], %exp3A_530 : memref<2048x16xf32, #tpu.memory_space<vmem>>[vector<16xi32>, vector<16xi32>], vector<16xf32>,
      %broadcast_in_dim3A_544 = arith.constant 6 : i32
      %broadcast_in_dim3A_545 = vector.broadcast %broadcast_in_dim3A_544 : i32 to vector<16xi32>
      tpu.vector_store_idx %arg10[%add3A_510, %broadcast_in_dim3A_545], %exp3A_535 : memref<2048x16xf32, #tpu.memory_space<vmem>>[vector<16xi32>, vector<16xi32>], vector<16xf32>,
      %broadcast_in_dim3A_546 = arith.constant 9 : i32
      %broadcast_in_dim3A_547 = vector.broadcast %broadcast_in_dim3A_546 : i32 to vector<16xi32>
      tpu.vector_store_idx %arg10[%add3A_510, %broadcast_in_dim3A_547], %exp3A_540 : memref<2048x16xf32, #tpu.memory_space<vmem>>[vector<16xi32>, vector<16xi32>], vector<16xf32>,
      %add3A_548 = arith.constant 1 : i32
      %add3A_549 = vector.broadcast %add3A_548 : i32 to vector<16xi32>
      %add3A_550 = arith.addi %mul3A_513, %add3A_549 : vector<16xi32>
      %gather3A_551 = tpu.vector_load_idx %arg8[%add3A_550] : memref<6144xf32, #tpu.memory_space<vmem>>[vector<16xi32>], vector<16xf32>,
      %exp3A_552 = math.exp %gather3A_551 : vector<16xf32>
      %add3A_553 = arith.constant 1 : i32
      %add3A_554 = vector.broadcast %add3A_553 : i32 to vector<16xi32>
      %add3A_555 = arith.addi %mul3A_522, %add3A_554 : vector<16xi32>
      %gather3A_556 = tpu.vector_load_idx %arg8[%add3A_555] : memref<6144xf32, #tpu.memory_space<vmem>>[vector<16xi32>], vector<16xf32>,
      %exp3A_557 = math.exp %gather3A_556 : vector<16xf32>
      %add3A_558 = arith.constant 1 : i32
      %add3A_559 = vector.broadcast %add3A_558 : i32 to vector<16xi32>
      %add3A_560 = arith.addi %mul3A_513, %add3A_559 : vector<16xi32>
      %gather3A_561 = tpu.vector_load_idx %arg7[%add3A_560] : memref<6144xf32, #tpu.memory_space<vmem>>[vector<16xi32>], vector<16xf32>,
      %exp3A_562 = math.exp %gather3A_561 : vector<16xf32>
      %add3A_563 = arith.constant 1 : i32
      %add3A_564 = vector.broadcast %add3A_563 : i32 to vector<16xi32>
      %add3A_565 = arith.addi %mul3A_522, %add3A_564 : vector<16xi32>
      %gather3A_566 = tpu.vector_load_idx %arg7[%add3A_565] : memref<6144xf32, #tpu.memory_space<vmem>>[vector<16xi32>], vector<16xf32>,
      %exp3A_567 = math.exp %gather3A_566 : vector<16xf32>
      %broadcast_in_dim3A_568 = arith.constant 1 : i32
      %broadcast_in_dim3A_569 = vector.broadcast %broadcast_in_dim3A_568 : i32 to vector<16xi32>
      tpu.vector_store_idx %arg10[%add3A_510, %broadcast_in_dim3A_569], %exp3A_552 : memref<2048x16xf32, #tpu.memory_space<vmem>>[vector<16xi32>, vector<16xi32>], vector<16xf32>,
      %broadcast_in_dim3A_570 = arith.constant 4 : i32
      %broadcast_in_dim3A_571 = vector.broadcast %broadcast_in_dim3A_570 : i32 to vector<16xi32>
      tpu.vector_store_idx %arg10[%add3A_510, %broadcast_in_dim3A_571], %exp3A_557 : memref<2048x16xf32, #tpu.memory_space<vmem>>[vector<16xi32>, vector<16xi32>], vector<16xf32>,
      %broadcast_in_dim3A_572 = arith.constant 7 : i32
      %broadcast_in_dim3A_573 = vector.broadcast %broadcast_in_dim3A_572 : i32 to vector<16xi32>
      tpu.vector_store_idx %arg10[%add3A_510, %broadcast_in_dim3A_573], %exp3A_562 : memref<2048x16xf32, #tpu.memory_space<vmem>>[vector<16xi32>, vector<16xi32>], vector<16xf32>,
      %broadcast_in_dim3A_574 = arith.constant 10 : i32
      %broadcast_in_dim3A_575 = vector.broadcast %broadcast_in_dim3A_574 : i32 to vector<16xi32>
      tpu.vector_store_idx %arg10[%add3A_510, %broadcast_in_dim3A_575], %exp3A_567 : memref<2048x16xf32, #tpu.memory_space<vmem>>[vector<16xi32>, vector<16xi32>], vector<16xf32>,
      %add3A_576 = arith.constant 2 : i32
      %add3A_577 = vector.broadcast %add3A_576 : i32 to vector<16xi32>
      %add3A_578 = arith.addi %mul3A_513, %add3A_577 : vector<16xi32>
      %gather3A_579 = tpu.vector_load_idx %arg8[%add3A_578] : memref<6144xf32, #tpu.memory_space<vmem>>[vector<16xi32>], vector<16xf32>,
      %exp3A_580 = math.exp %gather3A_579 : vector<16xf32>
      %add3A_581 = arith.constant 2 : i32
      %add3A_582 = vector.broadcast %add3A_581 : i32 to vector<16xi32>
      %add3A_583 = arith.addi %mul3A_522, %add3A_582 : vector<16xi32>
      %gather3A_584 = tpu.vector_load_idx %arg8[%add3A_583] : memref<6144xf32, #tpu.memory_space<vmem>>[vector<16xi32>], vector<16xf32>,
      %exp3A_585 = math.exp %gather3A_584 : vector<16xf32>
      %add3A_586 = arith.constant 2 : i32
      %add3A_587 = vector.broadcast %add3A_586 : i32 to vector<16xi32>
      %add3A_588 = arith.addi %mul3A_513, %add3A_587 : vector<16xi32>
      %gather3A_589 = tpu.vector_load_idx %arg7[%add3A_588] : memref<6144xf32, #tpu.memory_space<vmem>>[vector<16xi32>], vector<16xf32>,
      %exp3A_590 = math.exp %gather3A_589 : vector<16xf32>
      %add3A_591 = arith.constant 2 : i32
      %add3A_592 = vector.broadcast %add3A_591 : i32 to vector<16xi32>
      %add3A_593 = arith.addi %mul3A_522, %add3A_592 : vector<16xi32>
      %gather3A_594 = tpu.vector_load_idx %arg7[%add3A_593] : memref<6144xf32, #tpu.memory_space<vmem>>[vector<16xi32>], vector<16xf32>,
      %exp3A_595 = math.exp %gather3A_594 : vector<16xf32>
      %broadcast_in_dim3A_596 = arith.constant 2 : i32
      %broadcast_in_dim3A_597 = vector.broadcast %broadcast_in_dim3A_596 : i32 to vector<16xi32>
      tpu.vector_store_idx %arg10[%add3A_510, %broadcast_in_dim3A_597], %exp3A_580 : memref<2048x16xf32, #tpu.memory_space<vmem>>[vector<16xi32>, vector<16xi32>], vector<16xf32>,
      %broadcast_in_dim3A_598 = arith.constant 5 : i32
      %broadcast_in_dim3A_599 = vector.broadcast %broadcast_in_dim3A_598 : i32 to vector<16xi32>
      tpu.vector_store_idx %arg10[%add3A_510, %broadcast_in_dim3A_599], %exp3A_585 : memref<2048x16xf32, #tpu.memory_space<vmem>>[vector<16xi32>, vector<16xi32>], vector<16xf32>,
      %broadcast_in_dim3A_600 = arith.constant 8 : i32
      %broadcast_in_dim3A_601 = vector.broadcast %broadcast_in_dim3A_600 : i32 to vector<16xi32>
      tpu.vector_store_idx %arg10[%add3A_510, %broadcast_in_dim3A_601], %exp3A_590 : memref<2048x16xf32, #tpu.memory_space<vmem>>[vector<16xi32>, vector<16xi32>], vector<16xf32>,
      %broadcast_in_dim3A_602 = arith.constant 11 : i32
      %broadcast_in_dim3A_603 = vector.broadcast %broadcast_in_dim3A_602 : i32 to vector<16xi32>
      tpu.vector_store_idx %arg10[%add3A_510, %broadcast_in_dim3A_603], %exp3A_595 : memref<2048x16xf32, #tpu.memory_space<vmem>>[vector<16xi32>, vector<16xi32>], vector<16xf32>,
    }
    %scan3A_72 = arith.constant 128 : i32
    %add3A_73 = arith.constant 3 : i32
    %add3A_74 = arith.addi %mul3A_0, %add3A_73 : i32
    %min3A_75 = arith.constant 1023 : i32
    %min3A_76 = arith.minsi %add3A_74, %min3A_75 : i32
    %dma_start3A_77 = arith.constant 0 : i32
    %dma_start3A_78 = tpu.memref_slice %arg2[%min3A_76, %dma_start3A_77] : memref<1024x6144xf32, #tpu.memory_space<hbm>> -> memref<1x6144xf32, #tpu.memory_space<hbm>>
    %dma_start3A_79 = tpu.memref_squeeze %dma_start3A_78 : memref<1x6144xf32, #tpu.memory_space<hbm>> -> memref<6144xf32, #tpu.memory_space<hbm>>
    %dma_start3A_80 = arith.constant 0 : i32
    %dma_start3A_81 = tpu.memref_slice %arg2[%min3A_76, %dma_start3A_80] : memref<1024x6144xf32, #tpu.memory_space<hbm>> -> memref<1x6144xf32, #tpu.memory_space<hbm>>
    %dma_start3A_82 = tpu.memref_squeeze %dma_start3A_81 : memref<1x6144xf32, #tpu.memory_space<hbm>> -> memref<6144xf32, #tpu.memory_space<hbm>>
    tpu.enqueue_dma source(%dma_start3A_82 : memref<6144xf32, #tpu.memory_space<hbm>>) target(%arg8 : memref<6144xf32, #tpu.memory_space<vmem>>) target_semaphore(%arg17 : memref<!tpu.dma_semaphore, #tpu.memory_space<semaphore_mem>>)
    %add3A_83 = arith.constant 1 : i32
    %add3A_84 = arith.addi %mul3A_0, %add3A_83 : i32
    %mul3A_85 = arith.constant 2048 : i32
    %mul3A_86 = arith.muli %add3A_84, %mul3A_85 : i32
    %multiple_of3A_87 = tpu.assume_multiple %mul3A_86, 8 : i32
    %dma_start3A_88 = arith.constant 0 : i32
    %dma_start3A_89 = arith.constant 0 : i32
    %dma_start3A_90 = tpu.memref_slice %arg6[%arg0, %dma_start3A_88, %dma_start3A_89] : memref<2x2097152x16xf32, #tpu.memory_space<hbm>> -> memref<1x2097152x16xf32, #tpu.memory_space<hbm>>
    %dma_start3A_91 = tpu.memref_squeeze %dma_start3A_90 : memref<1x2097152x16xf32, #tpu.memory_space<hbm>> -> memref<2097152x16xf32, #tpu.memory_space<hbm>>
    %dma_start3A_92 = arith.constant 0 : i32
    %dma_start3A_93 = tpu.memref_slice %dma_start3A_91[%multiple_of3A_87, %dma_start3A_92] : memref<2097152x16xf32, #tpu.memory_space<hbm>> -> memref<2048x16xf32, #tpu.memory_space<hbm>>
    %dma_start3A_94 = arith.constant 0 : i32
    %dma_start3A_95 = arith.constant 0 : i32
    %dma_start3A_96 = tpu.memref_slice %arg6[%arg0, %dma_start3A_94, %dma_start3A_95] : memref<2x2097152x16xf32, #tpu.memory_space<hbm>> -> memref<1x2097152x16xf32, #tpu.memory_space<hbm>>
    %dma_start3A_97 = tpu.memref_squeeze %dma_start3A_96 : memref<1x2097152x16xf32, #tpu.memory_space<hbm>> -> memref<2097152x16xf32, #tpu.memory_space<hbm>>
    %dma_start3A_98 = arith.constant 0 : i32
    %dma_start3A_99 = tpu.memref_slice %dma_start3A_97[%multiple_of3A_87, %dma_start3A_98] : memref<2097152x16xf32, #tpu.memory_space<hbm>> -> memref<2048x16xf32, #tpu.memory_space<hbm>>
    tpu.enqueue_dma source(%arg10 : memref<2048x16xf32, #tpu.memory_space<vmem>>) target(%dma_start3A_99 : memref<2048x16xf32, #tpu.memory_space<hbm>>) target_semaphore(%arg19 : memref<!tpu.dma_semaphore, #tpu.memory_space<semaphore_mem>>)
    %scan3A_100 = arith.constant 0 : i32
    %scan3A_101 = arith.constant 1 : i32
    %scan3A_102 = arith.constant 31 : i32
    %scan3A_103 = arith.addi %scan3A_101, %scan3A_102 : i32
    %scan3A_104 = arith.constant 1 : i32
    scf.for %scan3A_506 = %scan3A_101 to %scan3A_103 step %scan3A_104  : i32 {
      %mul3A_507 = arith.constant 2 : i32
      %mul3A_508 = arith.muli %scan3A_506, %mul3A_507 : i32
      %add3A_509 = arith.constant 0 : i32
      %add3A_510 = arith.addi %mul3A_508, %add3A_509 : i32
      %dma_wait3A_511 = arith.constant 0 : i32
      %dma_wait3A_512 = arith.constant 0 : i32
      %dma_wait3A_513 = tpu.memref_slice %arg2[%dma_wait3A_511, %dma_wait3A_512] : memref<1024x6144xf32, #tpu.memory_space<hbm>> -> memref<1x6144xf32, #tpu.memory_space<hbm>>
      %dma_wait3A_514 = tpu.memref_squeeze %dma_wait3A_513 : memref<1x6144xf32, #tpu.memory_space<hbm>> -> memref<6144xf32, #tpu.memory_space<hbm>>
      %dma_wait3A_515 = arith.constant 0 : i32
      %dma_wait3A_516 = tpu.memref_slice %arg2[%dma_wait3A_511, %dma_wait3A_515] : memref<1024x6144xf32, #tpu.memory_space<hbm>> -> memref<1x6144xf32, #tpu.memory_space<hbm>>
      %dma_wait3A_517 = tpu.memref_squeeze %dma_wait3A_516 : memref<1x6144xf32, #tpu.memory_space<hbm>> -> memref<6144xf32, #tpu.memory_space<hbm>>
      tpu.wait_dma2 semaphore(%arg17 : memref<!tpu.dma_semaphore, #tpu.memory_space<semaphore_mem>>) src(%dma_wait3A_517 : memref<6144xf32, #tpu.memory_space<hbm>>) dst(%arg7 : memref<6144xf32, #tpu.memory_space<vmem>>)
      %dma_wait3A_518 = arith.constant 0 : i32
      %dma_wait3A_519 = arith.constant 0 : i32
      %dma_wait3A_520 = tpu.memref_slice %arg6[%arg0, %dma_wait3A_518, %dma_wait3A_519] : memref<2x2097152x16xf32, #tpu.memory_space<hbm>> -> memref<1x2097152x16xf32, #tpu.memory_space<hbm>>
      %dma_wait3A_521 = tpu.memref_squeeze %dma_wait3A_520 : memref<1x2097152x16xf32, #tpu.memory_space<hbm>> -> memref<2097152x16xf32, #tpu.memory_space<hbm>>
      %dma_wait3A_522 = arith.constant 0 : i32
      %dma_wait3A_523 = arith.constant 0 : i32
      %dma_wait3A_524 = tpu.memref_slice %dma_wait3A_521[%dma_wait3A_522, %dma_wait3A_523] : memref<2097152x16xf32, #tpu.memory_space<hbm>> -> memref<2048x16xf32, #tpu.memory_space<hbm>>
      %dma_wait3A_525 = arith.constant 0 : i32
      %dma_wait3A_526 = arith.constant 0 : i32
      %dma_wait3A_527 = tpu.memref_slice %arg6[%arg0, %dma_wait3A_525, %dma_wait3A_526] : memref<2x2097152x16xf32, #tpu.memory_space<hbm>> -> memref<1x2097152x16xf32, #tpu.memory_space<hbm>>
      %dma_wait3A_528 = tpu.memref_squeeze %dma_wait3A_527 : memref<1x2097152x16xf32, #tpu.memory_space<hbm>> -> memref<2097152x16xf32, #tpu.memory_space<hbm>>
      %dma_wait3A_529 = arith.constant 0 : i32
      %dma_wait3A_530 = arith.constant 0 : i32
      %dma_wait3A_531 = tpu.memref_slice %dma_wait3A_528[%dma_wait3A_529, %dma_wait3A_530] : memref<2097152x16xf32, #tpu.memory_space<hbm>> -> memref<2048x16xf32, #tpu.memory_space<hbm>>
      tpu.wait_dma2 semaphore(%arg18 : memref<!tpu.dma_semaphore, #tpu.memory_space<semaphore_mem>>) src(%arg9 : memref<2048x16xf32, #tpu.memory_space<vmem>>) dst(%dma_wait3A_531 : memref<2048x16xf32, #tpu.memory_space<hbm>>)
      %scan3A_532 = arith.constant 0 : i32
      %scan3A_533 = arith.constant 0 : i32
      %scan3A_534 = arith.constant 128 : i32
      %scan3A_535 = arith.addi %scan3A_533, %scan3A_534 : i32
      %scan3A_536 = arith.constant 1 : i32
      scf.for %scan3A_623 = %scan3A_533 to %scan3A_535 step %scan3A_536  : i32 {
        %mul3A_624 = arith.constant 16 : i32
        %mul3A_625 = arith.muli %scan3A_623, %mul3A_624 : i32
        %add3A_626 = vector.broadcast %mul3A_625 : i32 to vector<16xi32>
        %add3A_627 = arith.addi %add3A_626, %iota3A : vector<16xi32>
        %mul3A_628 = arith.constant 3 : i32
        %mul3A_629 = vector.broadcast %mul3A_628 : i32 to vector<16xi32>
        %mul3A_630 = arith.muli %add3A_627, %mul3A_629 : vector<16xi32>
        %add3A_631 = arith.constant 1 : i32
        %add3A_632 = vector.broadcast %add3A_631 : i32 to vector<16xi32>
        %add3A_633 = arith.addi %add3A_627, %add3A_632 : vector<16xi32>
        %min3A_634 = arith.constant 2047 : i32
        %min3A_635 = vector.broadcast %min3A_634 : i32 to vector<16xi32>
        %min3A_636 = arith.minsi %add3A_633, %min3A_635 : vector<16xi32>
        %mul3A_637 = arith.constant 3 : i32
        %mul3A_638 = vector.broadcast %mul3A_637 : i32 to vector<16xi32>
        %mul3A_639 = arith.muli %min3A_636, %mul3A_638 : vector<16xi32>
        %add3A_640 = arith.constant 0 : i32
        %add3A_641 = vector.broadcast %add3A_640 : i32 to vector<16xi32>
        %add3A_642 = arith.addi %mul3A_630, %add3A_641 : vector<16xi32>
        %gather3A = tpu.vector_load_idx %arg7[%add3A_642] : memref<6144xf32, #tpu.memory_space<vmem>>[vector<16xi32>], vector<16xf32>,
        %exp3A = math.exp %gather3A : vector<16xf32>
        %add3A_643 = arith.constant 0 : i32
        %add3A_644 = vector.broadcast %add3A_643 : i32 to vector<16xi32>
        %add3A_645 = arith.addi %mul3A_639, %add3A_644 : vector<16xi32>
        %gather3A_646 = tpu.vector_load_idx %arg7[%add3A_645] : memref<6144xf32, #tpu.memory_space<vmem>>[vector<16xi32>], vector<16xf32>,
        %exp3A_647 = math.exp %gather3A_646 : vector<16xf32>
        %add3A_648 = arith.constant 0 : i32
        %add3A_649 = vector.broadcast %add3A_648 : i32 to vector<16xi32>
        %add3A_650 = arith.addi %mul3A_630, %add3A_649 : vector<16xi32>
        %gather3A_651 = tpu.vector_load_idx %arg8[%add3A_650] : memref<6144xf32, #tpu.memory_space<vmem>>[vector<16xi32>], vector<16xf32>,
        %exp3A_652 = math.exp %gather3A_651 : vector<16xf32>
        %add3A_653 = arith.constant 0 : i32
        %add3A_654 = vector.broadcast %add3A_653 : i32 to vector<16xi32>
        %add3A_655 = arith.addi %mul3A_639, %add3A_654 : vector<16xi32>
        %gather3A_656 = tpu.vector_load_idx %arg8[%add3A_655] : memref<6144xf32, #tpu.memory_space<vmem>>[vector<16xi32>], vector<16xf32>,
        %exp3A_657 = math.exp %gather3A_656 : vector<16xf32>
        %broadcast_in_dim3A = arith.constant 0 : i32
        %broadcast_in_dim3A_658 = vector.broadcast %broadcast_in_dim3A : i32 to vector<16xi32>
        tpu.vector_store_idx %arg9[%add3A_627, %broadcast_in_dim3A_658], %exp3A : memref<2048x16xf32, #tpu.memory_space<vmem>>[vector<16xi32>, vector<16xi32>], vector<16xf32>,
        %broadcast_in_dim3A_659 = arith.constant 3 : i32
        %broadcast_in_dim3A_660 = vector.broadcast %broadcast_in_dim3A_659 : i32 to vector<16xi32>
        tpu.vector_store_idx %arg9[%add3A_627, %broadcast_in_dim3A_660], %exp3A_647 : memref<2048x16xf32, #tpu.memory_space<vmem>>[vector<16xi32>, vector<16xi32>], vector<16xf32>,
        %broadcast_in_dim3A_661 = arith.constant 6 : i32
        %broadcast_in_dim3A_662 = vector.broadcast %broadcast_in_dim3A_661 : i32 to vector<16xi32>
        tpu.vector_store_idx %arg9[%add3A_627, %broadcast_in_dim3A_662], %exp3A_652 : memref<2048x16xf32, #tpu.memory_space<vmem>>[vector<16xi32>, vector<16xi32>], vector<16xf32>,
        %broadcast_in_dim3A_663 = arith.constant 9 : i32
        %broadcast_in_dim3A_664 = vector.broadcast %broadcast_in_dim3A_663 : i32 to vector<16xi32>
        tpu.vector_store_idx %arg9[%add3A_627, %broadcast_in_dim3A_664], %exp3A_657 : memref<2048x16xf32, #tpu.memory_space<vmem>>[vector<16xi32>, vector<16xi32>], vector<16xf32>,
        %add3A_665 = arith.constant 1 : i32
        %add3A_666 = vector.broadcast %add3A_665 : i32 to vector<16xi32>
        %add3A_667 = arith.addi %mul3A_630, %add3A_666 : vector<16xi32>
        %gather3A_668 = tpu.vector_load_idx %arg7[%add3A_667] : memref<6144xf32, #tpu.memory_space<vmem>>[vector<16xi32>], vector<16xf32>,
        %exp3A_669 = math.exp %gather3A_668 : vector<16xf32>
        %add3A_670 = arith.constant 1 : i32
        %add3A_671 = vector.broadcast %add3A_670 : i32 to vector<16xi32>
        %add3A_672 = arith.addi %mul3A_639, %add3A_671 : vector<16xi32>
        %gather3A_673 = tpu.vector_load_idx %arg7[%add3A_672] : memref<6144xf32, #tpu.memory_space<vmem>>[vector<16xi32>], vector<16xf32>,
        %exp3A_674 = math.exp %gather3A_673 : vector<16xf32>
        %add3A_675 = arith.constant 1 : i32
        %add3A_676 = vector.broadcast %add3A_675 : i32 to vector<16xi32>
        %add3A_677 = arith.addi %mul3A_630, %add3A_676 : vector<16xi32>
        %gather3A_678 = tpu.vector_load_idx %arg8[%add3A_677] : memref<6144xf32, #tpu.memory_space<vmem>>[vector<16xi32>], vector<16xf32>,
        %exp3A_679 = math.exp %gather3A_678 : vector<16xf32>
        %add3A_680 = arith.constant 1 : i32
        %add3A_681 = vector.broadcast %add3A_680 : i32 to vector<16xi32>
        %add3A_682 = arith.addi %mul3A_639, %add3A_681 : vector<16xi32>
        %gather3A_683 = tpu.vector_load_idx %arg8[%add3A_682] : memref<6144xf32, #tpu.memory_space<vmem>>[vector<16xi32>], vector<16xf32>,
        %exp3A_684 = math.exp %gather3A_683 : vector<16xf32>
        %broadcast_in_dim3A_685 = arith.constant 1 : i32
        %broadcast_in_dim3A_686 = vector.broadcast %broadcast_in_dim3A_685 : i32 to vector<16xi32>
        tpu.vector_store_idx %arg9[%add3A_627, %broadcast_in_dim3A_686], %exp3A_669 : memref<2048x16xf32, #tpu.memory_space<vmem>>[vector<16xi32>, vector<16xi32>], vector<16xf32>,
        %broadcast_in_dim3A_687 = arith.constant 4 : i32
        %broadcast_in_dim3A_688 = vector.broadcast %broadcast_in_dim3A_687 : i32 to vector<16xi32>
        tpu.vector_store_idx %arg9[%add3A_627, %broadcast_in_dim3A_688], %exp3A_674 : memref<2048x16xf32, #tpu.memory_space<vmem>>[vector<16xi32>, vector<16xi32>], vector<16xf32>,
        %broadcast_in_dim3A_689 = arith.constant 7 : i32
        %broadcast_in_dim3A_690 = vector.broadcast %broadcast_in_dim3A_689 : i32 to vector<16xi32>
        tpu.vector_store_idx %arg9[%add3A_627, %broadcast_in_dim3A_690], %exp3A_679 : memref<2048x16xf32, #tpu.memory_space<vmem>>[vector<16xi32>, vector<16xi32>], vector<16xf32>,
        %broadcast_in_dim3A_691 = arith.constant 10 : i32
        %broadcast_in_dim3A_692 = vector.broadcast %broadcast_in_dim3A_691 : i32 to vector<16xi32>
        tpu.vector_store_idx %arg9[%add3A_627, %broadcast_in_dim3A_692], %exp3A_684 : memref<2048x16xf32, #tpu.memory_space<vmem>>[vector<16xi32>, vector<16xi32>], vector<16xf32>,
        %add3A_693 = arith.constant 2 : i32
        %add3A_694 = vector.broadcast %add3A_693 : i32 to vector<16xi32>
        %add3A_695 = arith.addi %mul3A_630, %add3A_694 : vector<16xi32>
        %gather3A_696 = tpu.vector_load_idx %arg7[%add3A_695] : memref<6144xf32, #tpu.memory_space<vmem>>[vector<16xi32>], vector<16xf32>,
        %exp3A_697 = math.exp %gather3A_696 : vector<16xf32>
        %add3A_698 = arith.constant 2 : i32
        %add3A_699 = vector.broadcast %add3A_698 : i32 to vector<16xi32>
        %add3A_700 = arith.addi %mul3A_639, %add3A_699 : vector<16xi32>
        %gather3A_701 = tpu.vector_load_idx %arg7[%add3A_700] : memref<6144xf32, #tpu.memory_space<vmem>>[vector<16xi32>], vector<16xf32>,
        %exp3A_702 = math.exp %gather3A_701 : vector<16xf32>
        %add3A_703 = arith.constant 2 : i32
        %add3A_704 = vector.broadcast %add3A_703 : i32 to vector<16xi32>
        %add3A_705 = arith.addi %mul3A_630, %add3A_704 : vector<16xi32>
        %gather3A_706 = tpu.vector_load_idx %arg8[%add3A_705] : memref<6144xf32, #tpu.memory_space<vmem>>[vector<16xi32>], vector<16xf32>,
        %exp3A_707 = math.exp %gather3A_706 : vector<16xf32>
        %add3A_708 = arith.constant 2 : i32
        %add3A_709 = vector.broadcast %add3A_708 : i32 to vector<16xi32>
        %add3A_710 = arith.addi %mul3A_639, %add3A_709 : vector<16xi32>
        %gather3A_711 = tpu.vector_load_idx %arg8[%add3A_710] : memref<6144xf32, #tpu.memory_space<vmem>>[vector<16xi32>], vector<16xf32>,
        %exp3A_712 = math.exp %gather3A_711 : vector<16xf32>
        %broadcast_in_dim3A_713 = arith.constant 2 : i32
        %broadcast_in_dim3A_714 = vector.broadcast %broadcast_in_dim3A_713 : i32 to vector<16xi32>
        tpu.vector_store_idx %arg9[%add3A_627, %broadcast_in_dim3A_714], %exp3A_697 : memref<2048x16xf32, #tpu.memory_space<vmem>>[vector<16xi32>, vector<16xi32>], vector<16xf32>,
        %broadcast_in_dim3A_715 = arith.constant 5 : i32
        %broadcast_in_dim3A_716 = vector.broadcast %broadcast_in_dim3A_715 : i32 to vector<16xi32>
        tpu.vector_store_idx %arg9[%add3A_627, %broadcast_in_dim3A_716], %exp3A_702 : memref<2048x16xf32, #tpu.memory_space<vmem>>[vector<16xi32>, vector<16xi32>], vector<16xf32>,
        %broadcast_in_dim3A_717 = arith.constant 8 : i32
        %broadcast_in_dim3A_718 = vector.broadcast %broadcast_in_dim3A_717 : i32 to vector<16xi32>
        tpu.vector_store_idx %arg9[%add3A_627, %broadcast_in_dim3A_718], %exp3A_707 : memref<2048x16xf32, #tpu.memory_space<vmem>>[vector<16xi32>, vector<16xi32>], vector<16xf32>,
        %broadcast_in_dim3A_719 = arith.constant 11 : i32
        %broadcast_in_dim3A_720 = vector.broadcast %broadcast_in_dim3A_719 : i32 to vector<16xi32>
        tpu.vector_store_idx %arg9[%add3A_627, %broadcast_in_dim3A_720], %exp3A_712 : memref<2048x16xf32, #tpu.memory_space<vmem>>[vector<16xi32>, vector<16xi32>], vector<16xf32>,
      }
      %scan3A_537 = arith.constant 128 : i32
      %add3A_538 = arith.addi %mul3A_0, %add3A_510 : i32
      %add3A_539 = arith.constant 2 : i32
      %add3A_540 = arith.addi %add3A_538, %add3A_539 : i32
      %min3A_541 = arith.constant 1023 : i32
      %min3A_542 = arith.minsi %add3A_540, %min3A_541 : i32
      %dma_start3A_543 = arith.constant 0 : i32
      %dma_start3A_544 = tpu.memref_slice %arg2[%min3A_542, %dma_start3A_543] : memref<1024x6144xf32, #tpu.memory_space<hbm>> -> memref<1x6144xf32, #tpu.memory_space<hbm>>
      %dma_start3A_545 = tpu.memref_squeeze %dma_start3A_544 : memref<1x6144xf32, #tpu.memory_space<hbm>> -> memref<6144xf32, #tpu.memory_space<hbm>>
      %dma_start3A_546 = arith.constant 0 : i32
      %dma_start3A_547 = tpu.memref_slice %arg2[%min3A_542, %dma_start3A_546] : memref<1024x6144xf32, #tpu.memory_space<hbm>> -> memref<1x6144xf32, #tpu.memory_space<hbm>>
      %dma_start3A_548 = tpu.memref_squeeze %dma_start3A_547 : memref<1x6144xf32, #tpu.memory_space<hbm>> -> memref<6144xf32, #tpu.memory_space<hbm>>
      tpu.enqueue_dma source(%dma_start3A_548 : memref<6144xf32, #tpu.memory_space<hbm>>) target(%arg7 : memref<6144xf32, #tpu.memory_space<vmem>>) target_semaphore(%arg17 : memref<!tpu.dma_semaphore, #tpu.memory_space<semaphore_mem>>)
      %add3A_549 = arith.addi %mul3A_0, %add3A_510 : i32
      %mul3A_550 = arith.constant 2048 : i32
      %mul3A_551 = arith.muli %add3A_549, %mul3A_550 : i32
      %multiple_of3A_552 = tpu.assume_multiple %mul3A_551, 8 : i32
      %dma_start3A_553 = arith.constant 0 : i32
      %dma_start3A_554 = arith.constant 0 : i32
      %dma_start3A_555 = tpu.memref_slice %arg6[%arg0, %dma_start3A_553, %dma_start3A_554] : memref<2x2097152x16xf32, #tpu.memory_space<hbm>> -> memref<1x2097152x16xf32, #tpu.memory_space<hbm>>
      %dma_start3A_556 = tpu.memref_squeeze %dma_start3A_555 : memref<1x2097152x16xf32, #tpu.memory_space<hbm>> -> memref<2097152x16xf32, #tpu.memory_space<hbm>>
      %dma_start3A_557 = arith.constant 0 : i32
      %dma_start3A_558 = tpu.memref_slice %dma_start3A_556[%multiple_of3A_552, %dma_start3A_557] : memref<2097152x16xf32, #tpu.memory_space<hbm>> -> memref<2048x16xf32, #tpu.memory_space<hbm>>
      %dma_start3A_559 = arith.constant 0 : i32
      %dma_start3A_560 = arith.constant 0 : i32
      %dma_start3A_561 = tpu.memref_slice %arg6[%arg0, %dma_start3A_559, %dma_start3A_560] : memref<2x2097152x16xf32, #tpu.memory_space<hbm>> -> memref<1x2097152x16xf32, #tpu.memory_space<hbm>>
      %dma_start3A_562 = tpu.memref_squeeze %dma_start3A_561 : memref<1x2097152x16xf32, #tpu.memory_space<hbm>> -> memref<2097152x16xf32, #tpu.memory_space<hbm>>
      %dma_start3A_563 = arith.constant 0 : i32
      %dma_start3A_564 = tpu.memref_slice %dma_start3A_562[%multiple_of3A_552, %dma_start3A_563] : memref<2097152x16xf32, #tpu.memory_space<hbm>> -> memref<2048x16xf32, #tpu.memory_space<hbm>>
      tpu.enqueue_dma source(%arg9 : memref<2048x16xf32, #tpu.memory_space<vmem>>) target(%dma_start3A_564 : memref<2048x16xf32, #tpu.memory_space<hbm>>) target_semaphore(%arg18 : memref<!tpu.dma_semaphore, #tpu.memory_space<semaphore_mem>>)
      %mul3A_565 = arith.constant 2 : i32
      %mul3A_566 = arith.muli %scan3A_506, %mul3A_565 : i32
      %add3A_567 = arith.constant 1 : i32
      %add3A_568 = arith.addi %mul3A_566, %add3A_567 : i32
      %dma_wait3A_569 = arith.constant 0 : i32
      %dma_wait3A_570 = arith.constant 0 : i32
      %dma_wait3A_571 = tpu.memref_slice %arg2[%dma_wait3A_569, %dma_wait3A_570] : memref<1024x6144xf32, #tpu.memory_space<hbm>> -> memref<1x6144xf32, #tpu.memory_space<hbm>>
      %dma_wait3A_572 = tpu.memref_squeeze %dma_wait3A_571 : memref<1x6144xf32, #tpu.memory_space<hbm>> -> memref<6144xf32, #tpu.memory_space<hbm>>
      %dma_wait3A_573 = arith.constant 0 : i32
      %dma_wait3A_574 = tpu.memref_slice %arg2[%dma_wait3A_569, %dma_wait3A_573] : memref<1024x6144xf32, #tpu.memory_space<hbm>> -> memref<1x6144xf32, #tpu.memory_space<hbm>>
      %dma_wait3A_575 = tpu.memref_squeeze %dma_wait3A_574 : memref<1x6144xf32, #tpu.memory_space<hbm>> -> memref<6144xf32, #tpu.memory_space<hbm>>
      tpu.wait_dma2 semaphore(%arg17 : memref<!tpu.dma_semaphore, #tpu.memory_space<semaphore_mem>>) src(%dma_wait3A_575 : memref<6144xf32, #tpu.memory_space<hbm>>) dst(%arg7 : memref<6144xf32, #tpu.memory_space<vmem>>)
      %dma_wait3A_576 = arith.constant 0 : i32
      %dma_wait3A_577 = arith.constant 0 : i32
      %dma_wait3A_578 = tpu.memref_slice %arg6[%arg0, %dma_wait3A_576, %dma_wait3A_577] : memref<2x2097152x16xf32, #tpu.memory_space<hbm>> -> memref<1x2097152x16xf32, #tpu.memory_space<hbm>>
      %dma_wait3A_579 = tpu.memref_squeeze %dma_wait3A_578 : memref<1x2097152x16xf32, #tpu.memory_space<hbm>> -> memref<2097152x16xf32, #tpu.memory_space<hbm>>
      %dma_wait3A_580 = arith.constant 0 : i32
      %dma_wait3A_581 = arith.constant 0 : i32
      %dma_wait3A_582 = tpu.memref_slice %dma_wait3A_579[%dma_wait3A_580, %dma_wait3A_581] : memref<2097152x16xf32, #tpu.memory_space<hbm>> -> memref<2048x16xf32, #tpu.memory_space<hbm>>
      %dma_wait3A_583 = arith.constant 0 : i32
      %dma_wait3A_584 = arith.constant 0 : i32
      %dma_wait3A_585 = tpu.memref_slice %arg6[%arg0, %dma_wait3A_583, %dma_wait3A_584] : memref<2x2097152x16xf32, #tpu.memory_space<hbm>> -> memref<1x2097152x16xf32, #tpu.memory_space<hbm>>
      %dma_wait3A_586 = tpu.memref_squeeze %dma_wait3A_585 : memref<1x2097152x16xf32, #tpu.memory_space<hbm>> -> memref<2097152x16xf32, #tpu.memory_space<hbm>>
      %dma_wait3A_587 = arith.constant 0 : i32
      %dma_wait3A_588 = arith.constant 0 : i32
      %dma_wait3A_589 = tpu.memref_slice %dma_wait3A_586[%dma_wait3A_587, %dma_wait3A_588] : memref<2097152x16xf32, #tpu.memory_space<hbm>> -> memref<2048x16xf32, #tpu.memory_space<hbm>>
      tpu.wait_dma2 semaphore(%arg19 : memref<!tpu.dma_semaphore, #tpu.memory_space<semaphore_mem>>) src(%arg10 : memref<2048x16xf32, #tpu.memory_space<vmem>>) dst(%dma_wait3A_589 : memref<2048x16xf32, #tpu.memory_space<hbm>>)
      %scan3A_590 = arith.constant 0 : i32
      %scan3A_591 = arith.constant 0 : i32
      %scan3A_592 = arith.constant 128 : i32
      %scan3A_593 = arith.addi %scan3A_591, %scan3A_592 : i32
      %scan3A_594 = arith.constant 1 : i32
      scf.for %scan3A_623 = %scan3A_591 to %scan3A_593 step %scan3A_594  : i32 {
        %mul3A_624 = arith.constant 16 : i32
        %mul3A_625 = arith.muli %scan3A_623, %mul3A_624 : i32
        %add3A_626 = vector.broadcast %mul3A_625 : i32 to vector<16xi32>
        %add3A_627 = arith.addi %add3A_626, %iota3A : vector<16xi32>
        %mul3A_628 = arith.constant 3 : i32
        %mul3A_629 = vector.broadcast %mul3A_628 : i32 to vector<16xi32>
        %mul3A_630 = arith.muli %add3A_627, %mul3A_629 : vector<16xi32>
        %add3A_631 = arith.constant 1 : i32
        %add3A_632 = vector.broadcast %add3A_631 : i32 to vector<16xi32>
        %add3A_633 = arith.addi %add3A_627, %add3A_632 : vector<16xi32>
        %min3A_634 = arith.constant 2047 : i32
        %min3A_635 = vector.broadcast %min3A_634 : i32 to vector<16xi32>
        %min3A_636 = arith.minsi %add3A_633, %min3A_635 : vector<16xi32>
        %mul3A_637 = arith.constant 3 : i32
        %mul3A_638 = vector.broadcast %mul3A_637 : i32 to vector<16xi32>
        %mul3A_639 = arith.muli %min3A_636, %mul3A_638 : vector<16xi32>
        %add3A_640 = arith.constant 0 : i32
        %add3A_641 = vector.broadcast %add3A_640 : i32 to vector<16xi32>
        %add3A_642 = arith.addi %mul3A_630, %add3A_641 : vector<16xi32>
        %gather3A = tpu.vector_load_idx %arg8[%add3A_642] : memref<6144xf32, #tpu.memory_space<vmem>>[vector<16xi32>], vector<16xf32>,
        %exp3A = math.exp %gather3A : vector<16xf32>
        %add3A_643 = arith.constant 0 : i32
        %add3A_644 = vector.broadcast %add3A_643 : i32 to vector<16xi32>
        %add3A_645 = arith.addi %mul3A_639, %add3A_644 : vector<16xi32>
        %gather3A_646 = tpu.vector_load_idx %arg8[%add3A_645] : memref<6144xf32, #tpu.memory_space<vmem>>[vector<16xi32>], vector<16xf32>,
        %exp3A_647 = math.exp %gather3A_646 : vector<16xf32>
        %add3A_648 = arith.constant 0 : i32
        %add3A_649 = vector.broadcast %add3A_648 : i32 to vector<16xi32>
        %add3A_650 = arith.addi %mul3A_630, %add3A_649 : vector<16xi32>
        %gather3A_651 = tpu.vector_load_idx %arg7[%add3A_650] : memref<6144xf32, #tpu.memory_space<vmem>>[vector<16xi32>], vector<16xf32>,
        %exp3A_652 = math.exp %gather3A_651 : vector<16xf32>
        %add3A_653 = arith.constant 0 : i32
        %add3A_654 = vector.broadcast %add3A_653 : i32 to vector<16xi32>
        %add3A_655 = arith.addi %mul3A_639, %add3A_654 : vector<16xi32>
        %gather3A_656 = tpu.vector_load_idx %arg7[%add3A_655] : memref<6144xf32, #tpu.memory_space<vmem>>[vector<16xi32>], vector<16xf32>,
        %exp3A_657 = math.exp %gather3A_656 : vector<16xf32>
        %broadcast_in_dim3A = arith.constant 0 : i32
        %broadcast_in_dim3A_658 = vector.broadcast %broadcast_in_dim3A : i32 to vector<16xi32>
        tpu.vector_store_idx %arg10[%add3A_627, %broadcast_in_dim3A_658], %exp3A : memref<2048x16xf32, #tpu.memory_space<vmem>>[vector<16xi32>, vector<16xi32>], vector<16xf32>,
        %broadcast_in_dim3A_659 = arith.constant 3 : i32
        %broadcast_in_dim3A_660 = vector.broadcast %broadcast_in_dim3A_659 : i32 to vector<16xi32>
        tpu.vector_store_idx %arg10[%add3A_627, %broadcast_in_dim3A_660], %exp3A_647 : memref<2048x16xf32, #tpu.memory_space<vmem>>[vector<16xi32>, vector<16xi32>], vector<16xf32>,
        %broadcast_in_dim3A_661 = arith.constant 6 : i32
        %broadcast_in_dim3A_662 = vector.broadcast %broadcast_in_dim3A_661 : i32 to vector<16xi32>
        tpu.vector_store_idx %arg10[%add3A_627, %broadcast_in_dim3A_662], %exp3A_652 : memref<2048x16xf32, #tpu.memory_space<vmem>>[vector<16xi32>, vector<16xi32>], vector<16xf32>,
        %broadcast_in_dim3A_663 = arith.constant 9 : i32
        %broadcast_in_dim3A_664 = vector.broadcast %broadcast_in_dim3A_663 : i32 to vector<16xi32>
        tpu.vector_store_idx %arg10[%add3A_627, %broadcast_in_dim3A_664], %exp3A_657 : memref<2048x16xf32, #tpu.memory_space<vmem>>[vector<16xi32>, vector<16xi32>], vector<16xf32>,
        %add3A_665 = arith.constant 1 : i32
        %add3A_666 = vector.broadcast %add3A_665 : i32 to vector<16xi32>
        %add3A_667 = arith.addi %mul3A_630, %add3A_666 : vector<16xi32>
        %gather3A_668 = tpu.vector_load_idx %arg8[%add3A_667] : memref<6144xf32, #tpu.memory_space<vmem>>[vector<16xi32>], vector<16xf32>,
        %exp3A_669 = math.exp %gather3A_668 : vector<16xf32>
        %add3A_670 = arith.constant 1 : i32
        %add3A_671 = vector.broadcast %add3A_670 : i32 to vector<16xi32>
        %add3A_672 = arith.addi %mul3A_639, %add3A_671 : vector<16xi32>
        %gather3A_673 = tpu.vector_load_idx %arg8[%add3A_672] : memref<6144xf32, #tpu.memory_space<vmem>>[vector<16xi32>], vector<16xf32>,
        %exp3A_674 = math.exp %gather3A_673 : vector<16xf32>
        %add3A_675 = arith.constant 1 : i32
        %add3A_676 = vector.broadcast %add3A_675 : i32 to vector<16xi32>
        %add3A_677 = arith.addi %mul3A_630, %add3A_676 : vector<16xi32>
        %gather3A_678 = tpu.vector_load_idx %arg7[%add3A_677] : memref<6144xf32, #tpu.memory_space<vmem>>[vector<16xi32>], vector<16xf32>,
        %exp3A_679 = math.exp %gather3A_678 : vector<16xf32>
        %add3A_680 = arith.constant 1 : i32
        %add3A_681 = vector.broadcast %add3A_680 : i32 to vector<16xi32>
        %add3A_682 = arith.addi %mul3A_639, %add3A_681 : vector<16xi32>
        %gather3A_683 = tpu.vector_load_idx %arg7[%add3A_682] : memref<6144xf32, #tpu.memory_space<vmem>>[vector<16xi32>], vector<16xf32>,
        %exp3A_684 = math.exp %gather3A_683 : vector<16xf32>
        %broadcast_in_dim3A_685 = arith.constant 1 : i32
        %broadcast_in_dim3A_686 = vector.broadcast %broadcast_in_dim3A_685 : i32 to vector<16xi32>
        tpu.vector_store_idx %arg10[%add3A_627, %broadcast_in_dim3A_686], %exp3A_669 : memref<2048x16xf32, #tpu.memory_space<vmem>>[vector<16xi32>, vector<16xi32>], vector<16xf32>,
        %broadcast_in_dim3A_687 = arith.constant 4 : i32
        %broadcast_in_dim3A_688 = vector.broadcast %broadcast_in_dim3A_687 : i32 to vector<16xi32>
        tpu.vector_store_idx %arg10[%add3A_627, %broadcast_in_dim3A_688], %exp3A_674 : memref<2048x16xf32, #tpu.memory_space<vmem>>[vector<16xi32>, vector<16xi32>], vector<16xf32>,
        %broadcast_in_dim3A_689 = arith.constant 7 : i32
        %broadcast_in_dim3A_690 = vector.broadcast %broadcast_in_dim3A_689 : i32 to vector<16xi32>
        tpu.vector_store_idx %arg10[%add3A_627, %broadcast_in_dim3A_690], %exp3A_679 : memref<2048x16xf32, #tpu.memory_space<vmem>>[vector<16xi32>, vector<16xi32>], vector<16xf32>,
        %broadcast_in_dim3A_691 = arith.constant 10 : i32
        %broadcast_in_dim3A_692 = vector.broadcast %broadcast_in_dim3A_691 : i32 to vector<16xi32>
        tpu.vector_store_idx %arg10[%add3A_627, %broadcast_in_dim3A_692], %exp3A_684 : memref<2048x16xf32, #tpu.memory_space<vmem>>[vector<16xi32>, vector<16xi32>], vector<16xf32>,
        %add3A_693 = arith.constant 2 : i32
        %add3A_694 = vector.broadcast %add3A_693 : i32 to vector<16xi32>
        %add3A_695 = arith.addi %mul3A_630, %add3A_694 : vector<16xi32>
        %gather3A_696 = tpu.vector_load_idx %arg8[%add3A_695] : memref<6144xf32, #tpu.memory_space<vmem>>[vector<16xi32>], vector<16xf32>,
        %exp3A_697 = math.exp %gather3A_696 : vector<16xf32>
        %add3A_698 = arith.constant 2 : i32
        %add3A_699 = vector.broadcast %add3A_698 : i32 to vector<16xi32>
        %add3A_700 = arith.addi %mul3A_639, %add3A_699 : vector<16xi32>
        %gather3A_701 = tpu.vector_load_idx %arg8[%add3A_700] : memref<6144xf32, #tpu.memory_space<vmem>>[vector<16xi32>], vector<16xf32>,
        %exp3A_702 = math.exp %gather3A_701 : vector<16xf32>
        %add3A_703 = arith.constant 2 : i32
        %add3A_704 = vector.broadcast %add3A_703 : i32 to vector<16xi32>
        %add3A_705 = arith.addi %mul3A_630, %add3A_704 : vector<16xi32>
        %gather3A_706 = tpu.vector_load_idx %arg7[%add3A_705] : memref<6144xf32, #tpu.memory_space<vmem>>[vector<16xi32>], vector<16xf32>,
        %exp3A_707 = math.exp %gather3A_706 : vector<16xf32>
        %add3A_708 = arith.constant 2 : i32
        %add3A_709 = vector.broadcast %add3A_708 : i32 to vector<16xi32>
        %add3A_710 = arith.addi %mul3A_639, %add3A_709 : vector<16xi32>
        %gather3A_711 = tpu.vector_load_idx %arg7[%add3A_710] : memref<6144xf32, #tpu.memory_space<vmem>>[vector<16xi32>], vector<16xf32>,
        %exp3A_712 = math.exp %gather3A_711 : vector<16xf32>
        %broadcast_in_dim3A_713 = arith.constant 2 : i32
        %broadcast_in_dim3A_714 = vector.broadcast %broadcast_in_dim3A_713 : i32 to vector<16xi32>
        tpu.vector_store_idx %arg10[%add3A_627, %broadcast_in_dim3A_714], %exp3A_697 : memref<2048x16xf32, #tpu.memory_space<vmem>>[vector<16xi32>, vector<16xi32>], vector<16xf32>,
        %broadcast_in_dim3A_715 = arith.constant 5 : i32
        %broadcast_in_dim3A_716 = vector.broadcast %broadcast_in_dim3A_715 : i32 to vector<16xi32>
        tpu.vector_store_idx %arg10[%add3A_627, %broadcast_in_dim3A_716], %exp3A_702 : memref<2048x16xf32, #tpu.memory_space<vmem>>[vector<16xi32>, vector<16xi32>], vector<16xf32>,
        %broadcast_in_dim3A_717 = arith.constant 8 : i32
        %broadcast_in_dim3A_718 = vector.broadcast %broadcast_in_dim3A_717 : i32 to vector<16xi32>
        tpu.vector_store_idx %arg10[%add3A_627, %broadcast_in_dim3A_718], %exp3A_707 : memref<2048x16xf32, #tpu.memory_space<vmem>>[vector<16xi32>, vector<16xi32>], vector<16xf32>,
        %broadcast_in_dim3A_719 = arith.constant 11 : i32
        %broadcast_in_dim3A_720 = vector.broadcast %broadcast_in_dim3A_719 : i32 to vector<16xi32>
        tpu.vector_store_idx %arg10[%add3A_627, %broadcast_in_dim3A_720], %exp3A_712 : memref<2048x16xf32, #tpu.memory_space<vmem>>[vector<16xi32>, vector<16xi32>], vector<16xf32>,
      }
      %scan3A_595 = arith.constant 128 : i32
      %add3A_596 = arith.addi %mul3A_0, %add3A_568 : i32
      %add3A_597 = arith.constant 2 : i32
      %add3A_598 = arith.addi %add3A_596, %add3A_597 : i32
      %min3A_599 = arith.constant 1023 : i32
      %min3A_600 = arith.minsi %add3A_598, %min3A_599 : i32
      %dma_start3A_601 = arith.constant 0 : i32
      %dma_start3A_602 = tpu.memref_slice %arg2[%min3A_600, %dma_start3A_601] : memref<1024x6144xf32, #tpu.memory_space<hbm>> -> memref<1x6144xf32, #tpu.memory_space<hbm>>
      %dma_start3A_603 = tpu.memref_squeeze %dma_start3A_602 : memref<1x6144xf32, #tpu.memory_space<hbm>> -> memref<6144xf32, #tpu.memory_space<hbm>>
      %dma_start3A_604 = arith.constant 0 : i32
      %dma_start3A_605 = tpu.memref_slice %arg2[%min3A_600, %dma_start3A_604] : memref<1024x6144xf32, #tpu.memory_space<hbm>> -> memref<1x6144xf32, #tpu.memory_space<hbm>>
      %dma_start3A_606 = tpu.memref_squeeze %dma_start3A_605 : memref<1x6144xf32, #tpu.memory_space<hbm>> -> memref<6144xf32, #tpu.memory_space<hbm>>
      tpu.enqueue_dma source(%dma_start3A_606 : memref<6144xf32, #tpu.memory_space<hbm>>) target(%arg8 : memref<6144xf32, #tpu.memory_space<vmem>>) target_semaphore(%arg17 : memref<!tpu.dma_semaphore, #tpu.memory_space<semaphore_mem>>)
      %add3A_607 = arith.addi %mul3A_0, %add3A_568 : i32
      %mul3A_608 = arith.constant 2048 : i32
      %mul3A_609 = arith.muli %add3A_607, %mul3A_608 : i32
      %multiple_of3A_610 = tpu.assume_multiple %mul3A_609, 8 : i32
      %dma_start3A_611 = arith.constant 0 : i32
      %dma_start3A_612 = arith.constant 0 : i32
      %dma_start3A_613 = tpu.memref_slice %arg6[%arg0, %dma_start3A_611, %dma_start3A_612] : memref<2x2097152x16xf32, #tpu.memory_space<hbm>> -> memref<1x2097152x16xf32, #tpu.memory_space<hbm>>
      %dma_start3A_614 = tpu.memref_squeeze %dma_start3A_613 : memref<1x2097152x16xf32, #tpu.memory_space<hbm>> -> memref<2097152x16xf32, #tpu.memory_space<hbm>>
      %dma_start3A_615 = arith.constant 0 : i32
      %dma_start3A_616 = tpu.memref_slice %dma_start3A_614[%multiple_of3A_610, %dma_start3A_615] : memref<2097152x16xf32, #tpu.memory_space<hbm>> -> memref<2048x16xf32, #tpu.memory_space<hbm>>
      %dma_start3A_617 = arith.constant 0 : i32
      %dma_start3A_618 = arith.constant 0 : i32
      %dma_start3A_619 = tpu.memref_slice %arg6[%arg0, %dma_start3A_617, %dma_start3A_618] : memref<2x2097152x16xf32, #tpu.memory_space<hbm>> -> memref<1x2097152x16xf32, #tpu.memory_space<hbm>>
      %dma_start3A_620 = tpu.memref_squeeze %dma_start3A_619 : memref<1x2097152x16xf32, #tpu.memory_space<hbm>> -> memref<2097152x16xf32, #tpu.memory_space<hbm>>
      %dma_start3A_621 = arith.constant 0 : i32
      %dma_start3A_622 = tpu.memref_slice %dma_start3A_620[%multiple_of3A_610, %dma_start3A_621] : memref<2097152x16xf32, #tpu.memory_space<hbm>> -> memref<2048x16xf32, #tpu.memory_space<hbm>>
      tpu.enqueue_dma source(%arg10 : memref<2048x16xf32, #tpu.memory_space<vmem>>) target(%dma_start3A_622 : memref<2048x16xf32, #tpu.memory_space<hbm>>) target_semaphore(%arg19 : memref<!tpu.dma_semaphore, #tpu.memory_space<semaphore_mem>>)
    }
    %scan3A_105 = arith.constant 31 : i32
    %dma_wait3A_106 = arith.constant 0 : i32
    %dma_wait3A_107 = arith.constant 0 : i32
    %dma_wait3A_108 = tpu.memref_slice %arg2[%dma_wait3A_106, %dma_wait3A_107] : memref<1024x6144xf32, #tpu.memory_space<hbm>> -> memref<1x6144xf32, #tpu.memory_space<hbm>>
    %dma_wait3A_109 = tpu.memref_squeeze %dma_wait3A_108 : memref<1x6144xf32, #tpu.memory_space<hbm>> -> memref<6144xf32, #tpu.memory_space<hbm>>
    %dma_wait3A_110 = arith.constant 0 : i32
    %dma_wait3A_111 = tpu.memref_slice %arg2[%dma_wait3A_106, %dma_wait3A_110] : memref<1024x6144xf32, #tpu.memory_space<hbm>> -> memref<1x6144xf32, #tpu.memory_space<hbm>>
    %dma_wait3A_112 = tpu.memref_squeeze %dma_wait3A_111 : memref<1x6144xf32, #tpu.memory_space<hbm>> -> memref<6144xf32, #tpu.memory_space<hbm>>
    tpu.wait_dma2 semaphore(%arg17 : memref<!tpu.dma_semaphore, #tpu.memory_space<semaphore_mem>>) src(%dma_wait3A_112 : memref<6144xf32, #tpu.memory_space<hbm>>) dst(%arg7 : memref<6144xf32, #tpu.memory_space<vmem>>)
    %dma_wait3A_113 = arith.constant 0 : i32
    %dma_wait3A_114 = arith.constant 0 : i32
    %dma_wait3A_115 = tpu.memref_slice %arg6[%arg0, %dma_wait3A_113, %dma_wait3A_114] : memref<2x2097152x16xf32, #tpu.memory_space<hbm>> -> memref<1x2097152x16xf32, #tpu.memory_space<hbm>>
    %dma_wait3A_116 = tpu.memref_squeeze %dma_wait3A_115 : memref<1x2097152x16xf32, #tpu.memory_space<hbm>> -> memref<2097152x16xf32, #tpu.memory_space<hbm>>
    %dma_wait3A_117 = arith.constant 0 : i32
    %dma_wait3A_118 = arith.constant 0 : i32
    %dma_wait3A_119 = tpu.memref_slice %dma_wait3A_116[%dma_wait3A_117, %dma_wait3A_118] : memref<2097152x16xf32, #tpu.memory_space<hbm>> -> memref<2048x16xf32, #tpu.memory_space<hbm>>
    %dma_wait3A_120 = arith.constant 0 : i32
    %dma_wait3A_121 = arith.constant 0 : i32
    %dma_wait3A_122 = tpu.memref_slice %arg6[%arg0, %dma_wait3A_120, %dma_wait3A_121] : memref<2x2097152x16xf32, #tpu.memory_space<hbm>> -> memref<1x2097152x16xf32, #tpu.memory_space<hbm>>
    %dma_wait3A_123 = tpu.memref_squeeze %dma_wait3A_122 : memref<1x2097152x16xf32, #tpu.memory_space<hbm>> -> memref<2097152x16xf32, #tpu.memory_space<hbm>>
    %dma_wait3A_124 = arith.constant 0 : i32
    %dma_wait3A_125 = arith.constant 0 : i32
    %dma_wait3A_126 = tpu.memref_slice %dma_wait3A_123[%dma_wait3A_124, %dma_wait3A_125] : memref<2097152x16xf32, #tpu.memory_space<hbm>> -> memref<2048x16xf32, #tpu.memory_space<hbm>>
    tpu.wait_dma2 semaphore(%arg18 : memref<!tpu.dma_semaphore, #tpu.memory_space<semaphore_mem>>) src(%arg9 : memref<2048x16xf32, #tpu.memory_space<vmem>>) dst(%dma_wait3A_126 : memref<2048x16xf32, #tpu.memory_space<hbm>>)
    %dma_wait3A_127 = arith.constant 0 : i32
    %dma_wait3A_128 = arith.constant 0 : i32
    %dma_wait3A_129 = tpu.memref_slice %arg6[%arg0, %dma_wait3A_127, %dma_wait3A_128] : memref<2x2097152x16xf32, #tpu.memory_space<hbm>> -> memref<1x2097152x16xf32, #tpu.memory_space<hbm>>
    %dma_wait3A_130 = tpu.memref_squeeze %dma_wait3A_129 : memref<1x2097152x16xf32, #tpu.memory_space<hbm>> -> memref<2097152x16xf32, #tpu.memory_space<hbm>>
    %dma_wait3A_131 = arith.constant 0 : i32
    %dma_wait3A_132 = arith.constant 0 : i32
    %dma_wait3A_133 = tpu.memref_slice %dma_wait3A_130[%dma_wait3A_131, %dma_wait3A_132] : memref<2097152x16xf32, #tpu.memory_space<hbm>> -> memref<2048x16xf32, #tpu.memory_space<hbm>>
    %dma_wait3A_134 = arith.constant 0 : i32
    %dma_wait3A_135 = arith.constant 0 : i32
    %dma_wait3A_136 = tpu.memref_slice %arg6[%arg0, %dma_wait3A_134, %dma_wait3A_135] : memref<2x2097152x16xf32, #tpu.memory_space<hbm>> -> memref<1x2097152x16xf32, #tpu.memory_space<hbm>>
    %dma_wait3A_137 = tpu.memref_squeeze %dma_wait3A_136 : memref<1x2097152x16xf32, #tpu.memory_space<hbm>> -> memref<2097152x16xf32, #tpu.memory_space<hbm>>
    %dma_wait3A_138 = arith.constant 0 : i32
    %dma_wait3A_139 = arith.constant 0 : i32
    %dma_wait3A_140 = tpu.memref_slice %dma_wait3A_137[%dma_wait3A_138, %dma_wait3A_139] : memref<2097152x16xf32, #tpu.memory_space<hbm>> -> memref<2048x16xf32, #tpu.memory_space<hbm>>
    tpu.wait_dma2 semaphore(%arg19 : memref<!tpu.dma_semaphore, #tpu.memory_space<semaphore_mem>>) src(%arg10 : memref<2048x16xf32, #tpu.memory_space<vmem>>) dst(%dma_wait3A_140 : memref<2048x16xf32, #tpu.memory_space<hbm>>)
    %barrier3A = arith.constant 0 : index
    tpu.barrier barrier_id(%barrier3A)
    %mul3A_141 = arith.constant 2 : i32
    %mul3A_142 = arith.muli %arg1, %mul3A_141 : i32
    %add3A_143 = arith.addi %mul3A_142, %arg0 : i32
    %mul3A_144 = arith.constant 1024 : i32
    %mul3A_145 = arith.muli %add3A_143, %mul3A_144 : i32
    %mul3A_146 = arith.constant 64 : i32
    %mul3A_147 = arith.muli %add3A_143, %mul3A_146 : i32
    %mul3A_148 = arith.constant 131072 : i32
    %mul3A_149 = arith.muli %add3A_143, %mul3A_148 : i32
    %add3A_150 = arith.constant 0 : i32
    %add3A_151 = arith.addi %mul3A_145, %add3A_150 : i32
    %multiple_of3A_152 = tpu.assume_multiple %add3A_151, 16 : i32
    %dma_start3A_153 = arith.constant 0 : i32
    %dma_start3A_154 = tpu.memref_slice %arg3[%multiple_of3A_152, %dma_start3A_153] : memref<32768x128xi32, #tpu.memory_space<hbm>> -> memref<16x128xi32, #tpu.memory_space<hbm>>
    %dma_start3A_155 = arith.constant 0 : i32
    %dma_start3A_156 = tpu.memref_slice %arg3[%multiple_of3A_152, %dma_start3A_155] : memref<32768x128xi32, #tpu.memory_space<hbm>> -> memref<16x128xi32, #tpu.memory_space<hbm>>
    tpu.enqueue_dma source(%dma_start3A_156 : memref<16x128xi32, #tpu.memory_space<hbm>>) target(%arg11 : memref<16x128xi32, #tpu.memory_space<vmem>>) target_semaphore(%arg20 : memref<!tpu.dma_semaphore, #tpu.memory_space<semaphore_mem>>)
    %add3A_157 = arith.constant 0 : i32
    %add3A_158 = arith.addi %mul3A_147, %add3A_157 : i32
    %dma_start3A_159 = arith.constant 0 : i32
    %dma_start3A_160 = tpu.memref_slice %arg4[%add3A_158, %dma_start3A_159] : memref<2048x8192xf32, #tpu.memory_space<hbm>> -> memref<1x8192xf32, #tpu.memory_space<hbm>>
    %dma_start3A_161 = tpu.memref_squeeze %dma_start3A_160 : memref<1x8192xf32, #tpu.memory_space<hbm>> -> memref<8192xf32, #tpu.memory_space<hbm>>
    %dma_start3A_162 = arith.constant 0 : i32
    %dma_start3A_163 = tpu.memref_slice %arg4[%add3A_158, %dma_start3A_162] : memref<2048x8192xf32, #tpu.memory_space<hbm>> -> memref<1x8192xf32, #tpu.memory_space<hbm>>
    %dma_start3A_164 = tpu.memref_squeeze %dma_start3A_163 : memref<1x8192xf32, #tpu.memory_space<hbm>> -> memref<8192xf32, #tpu.memory_space<hbm>>
    tpu.enqueue_dma source(%dma_start3A_164 : memref<8192xf32, #tpu.memory_space<hbm>>) target(%arg13 : memref<8192xf32, #tpu.memory_space<vmem>>) target_semaphore(%arg22 : memref<!tpu.dma_semaphore, #tpu.memory_space<semaphore_mem>>)
    %dma_wait3A_165 = arith.constant 0 : i32
    %dma_wait3A_166 = arith.constant 0 : i32
    %dma_wait3A_167 = tpu.memref_slice %arg3[%dma_wait3A_165, %dma_wait3A_166] : memref<32768x128xi32, #tpu.memory_space<hbm>> -> memref<16x128xi32, #tpu.memory_space<hbm>>
    %dma_wait3A_168 = arith.constant 0 : i32
    %dma_wait3A_169 = arith.constant 0 : i32
    %dma_wait3A_170 = tpu.memref_slice %arg3[%dma_wait3A_168, %dma_wait3A_169] : memref<32768x128xi32, #tpu.memory_space<hbm>> -> memref<16x128xi32, #tpu.memory_space<hbm>>
    tpu.wait_dma2 semaphore(%arg20 : memref<!tpu.dma_semaphore, #tpu.memory_space<semaphore_mem>>) src(%dma_wait3A_170 : memref<16x128xi32, #tpu.memory_space<hbm>>) dst(%arg11 : memref<16x128xi32, #tpu.memory_space<vmem>>)
    %dma_start3A_171 = arith.constant 0 : i32
    %dma_start3A_172 = arith.constant 0 : i32
    %dma_start3A_173 = arith.constant 0 : i32
    %dma_start3A_174 = tpu.memref_slice %arg9[%dma_start3A_172, %dma_start3A_173] : memref<2048x16xf32, #tpu.memory_space<vmem>> -> memref<128x16xf32, #tpu.memory_space<vmem>>
    %dma_start3A_175 = arith.constant 0 : i32
    %dma_start3A_176 = tpu.memref_slice %arg11[%dma_start3A_171, %dma_start3A_175] : memref<16x128xi32, #tpu.memory_space<vmem>> -> memref<1x128xi32, #tpu.memory_space<vmem>>
    %dma_start3A_177 = tpu.memref_squeeze %dma_start3A_176 : memref<1x128xi32, #tpu.memory_space<vmem>> -> memref<128xi32, #tpu.memory_space<vmem>>
    %dma_start3A_178 = arith.constant 0 : i32
    %dma_start3A_179 = arith.constant 0 : i32
    %dma_start3A_180 = tpu.memref_slice %arg6[%arg0, %dma_start3A_178, %dma_start3A_179] : memref<2x2097152x16xf32, #tpu.memory_space<hbm>> -> memref<1x2097152x16xf32, #tpu.memory_space<hbm>>
    %dma_start3A_181 = tpu.memref_squeeze %dma_start3A_180 : memref<1x2097152x16xf32, #tpu.memory_space<hbm>> -> memref<2097152x16xf32, #tpu.memory_space<hbm>>
    %dma_start3A_182 = arith.constant 0 : i32
    %dma_start3A_183 = arith.constant 0 : i32
    %dma_start3A_184 = tpu.memref_slice %dma_start3A_181[%dma_start3A_182, %dma_start3A_183] : memref<2097152x16xf32, #tpu.memory_space<hbm>> -> memref<2097152x16xf32, #tpu.memory_space<hbm>>
    tpu.enqueue_indirect_dma source(%dma_start3A_184 : memref<2097152x16xf32, #tpu.memory_space<hbm>>) target(%dma_start3A_174 : memref<128x16xf32, #tpu.memory_space<vmem>>) offsets(%dma_start3A_177 : memref<128xi32, #tpu.memory_space<vmem>>) semaphore(%arg21 : memref<!tpu.dma_semaphore, #tpu.memory_space<semaphore_mem>>)
    %dma_start3A_185 = arith.constant 1 : i32
    %dma_start3A_186 = arith.constant 128 : i32
    %dma_start3A_187 = arith.constant 0 : i32
    %dma_start3A_188 = tpu.memref_slice %arg9[%dma_start3A_186, %dma_start3A_187] : memref<2048x16xf32, #tpu.memory_space<vmem>> -> memref<128x16xf32, #tpu.memory_space<vmem>>
    %dma_start3A_189 = arith.constant 0 : i32
    %dma_start3A_190 = tpu.memref_slice %arg11[%dma_start3A_185, %dma_start3A_189] : memref<16x128xi32, #tpu.memory_space<vmem>> -> memref<1x128xi32, #tpu.memory_space<vmem>>
    %dma_start3A_191 = tpu.memref_squeeze %dma_start3A_190 : memref<1x128xi32, #tpu.memory_space<vmem>> -> memref<128xi32, #tpu.memory_space<vmem>>
    %dma_start3A_192 = arith.constant 0 : i32
    %dma_start3A_193 = arith.constant 0 : i32
    %dma_start3A_194 = tpu.memref_slice %arg6[%arg0, %dma_start3A_192, %dma_start3A_193] : memref<2x2097152x16xf32, #tpu.memory_space<hbm>> -> memref<1x2097152x16xf32, #tpu.memory_space<hbm>>
    %dma_start3A_195 = tpu.memref_squeeze %dma_start3A_194 : memref<1x2097152x16xf32, #tpu.memory_space<hbm>> -> memref<2097152x16xf32, #tpu.memory_space<hbm>>
    %dma_start3A_196 = arith.constant 0 : i32
    %dma_start3A_197 = arith.constant 0 : i32
    %dma_start3A_198 = tpu.memref_slice %dma_start3A_195[%dma_start3A_196, %dma_start3A_197] : memref<2097152x16xf32, #tpu.memory_space<hbm>> -> memref<2097152x16xf32, #tpu.memory_space<hbm>>
    tpu.enqueue_indirect_dma source(%dma_start3A_198 : memref<2097152x16xf32, #tpu.memory_space<hbm>>) target(%dma_start3A_188 : memref<128x16xf32, #tpu.memory_space<vmem>>) offsets(%dma_start3A_191 : memref<128xi32, #tpu.memory_space<vmem>>) semaphore(%arg21 : memref<!tpu.dma_semaphore, #tpu.memory_space<semaphore_mem>>)
    %dma_start3A_199 = arith.constant 2 : i32
    %dma_start3A_200 = arith.constant 256 : i32
    %dma_start3A_201 = arith.constant 0 : i32
    %dma_start3A_202 = tpu.memref_slice %arg9[%dma_start3A_200, %dma_start3A_201] : memref<2048x16xf32, #tpu.memory_space<vmem>> -> memref<128x16xf32, #tpu.memory_space<vmem>>
    %dma_start3A_203 = arith.constant 0 : i32
    %dma_start3A_204 = tpu.memref_slice %arg11[%dma_start3A_199, %dma_start3A_203] : memref<16x128xi32, #tpu.memory_space<vmem>> -> memref<1x128xi32, #tpu.memory_space<vmem>>
    %dma_start3A_205 = tpu.memref_squeeze %dma_start3A_204 : memref<1x128xi32, #tpu.memory_space<vmem>> -> memref<128xi32, #tpu.memory_space<vmem>>
    %dma_start3A_206 = arith.constant 0 : i32
    %dma_start3A_207 = arith.constant 0 : i32
    %dma_start3A_208 = tpu.memref_slice %arg6[%arg0, %dma_start3A_206, %dma_start3A_207] : memref<2x2097152x16xf32, #tpu.memory_space<hbm>> -> memref<1x2097152x16xf32, #tpu.memory_space<hbm>>
    %dma_start3A_209 = tpu.memref_squeeze %dma_start3A_208 : memref<1x2097152x16xf32, #tpu.memory_space<hbm>> -> memref<2097152x16xf32, #tpu.memory_space<hbm>>
    %dma_start3A_210 = arith.constant 0 : i32
    %dma_start3A_211 = arith.constant 0 : i32
    %dma_start3A_212 = tpu.memref_slice %dma_start3A_209[%dma_start3A_210, %dma_start3A_211] : memref<2097152x16xf32, #tpu.memory_space<hbm>> -> memref<2097152x16xf32, #tpu.memory_space<hbm>>
    tpu.enqueue_indirect_dma source(%dma_start3A_212 : memref<2097152x16xf32, #tpu.memory_space<hbm>>) target(%dma_start3A_202 : memref<128x16xf32, #tpu.memory_space<vmem>>) offsets(%dma_start3A_205 : memref<128xi32, #tpu.memory_space<vmem>>) semaphore(%arg21 : memref<!tpu.dma_semaphore, #tpu.memory_space<semaphore_mem>>)
    %dma_start3A_213 = arith.constant 3 : i32
    %dma_start3A_214 = arith.constant 384 : i32
    %dma_start3A_215 = arith.constant 0 : i32
    %dma_start3A_216 = tpu.memref_slice %arg9[%dma_start3A_214, %dma_start3A_215] : memref<2048x16xf32, #tpu.memory_space<vmem>> -> memref<128x16xf32, #tpu.memory_space<vmem>>
    %dma_start3A_217 = arith.constant 0 : i32
    %dma_start3A_218 = tpu.memref_slice %arg11[%dma_start3A_213, %dma_start3A_217] : memref<16x128xi32, #tpu.memory_space<vmem>> -> memref<1x128xi32, #tpu.memory_space<vmem>>
    %dma_start3A_219 = tpu.memref_squeeze %dma_start3A_218 : memref<1x128xi32, #tpu.memory_space<vmem>> -> memref<128xi32, #tpu.memory_space<vmem>>
    %dma_start3A_220 = arith.constant 0 : i32
    %dma_start3A_221 = arith.constant 0 : i32
    %dma_start3A_222 = tpu.memref_slice %arg6[%arg0, %dma_start3A_220, %dma_start3A_221] : memref<2x2097152x16xf32, #tpu.memory_space<hbm>> -> memref<1x2097152x16xf32, #tpu.memory_space<hbm>>
    %dma_start3A_223 = tpu.memref_squeeze %dma_start3A_222 : memref<1x2097152x16xf32, #tpu.memory_space<hbm>> -> memref<2097152x16xf32, #tpu.memory_space<hbm>>
    %dma_start3A_224 = arith.constant 0 : i32
    %dma_start3A_225 = arith.constant 0 : i32
    %dma_start3A_226 = tpu.memref_slice %dma_start3A_223[%dma_start3A_224, %dma_start3A_225] : memref<2097152x16xf32, #tpu.memory_space<hbm>> -> memref<2097152x16xf32, #tpu.memory_space<hbm>>
    tpu.enqueue_indirect_dma source(%dma_start3A_226 : memref<2097152x16xf32, #tpu.memory_space<hbm>>) target(%dma_start3A_216 : memref<128x16xf32, #tpu.memory_space<vmem>>) offsets(%dma_start3A_219 : memref<128xi32, #tpu.memory_space<vmem>>) semaphore(%arg21 : memref<!tpu.dma_semaphore, #tpu.memory_space<semaphore_mem>>)
    %dma_start3A_227 = arith.constant 4 : i32
    %dma_start3A_228 = arith.constant 512 : i32
    %dma_start3A_229 = arith.constant 0 : i32
    %dma_start3A_230 = tpu.memref_slice %arg9[%dma_start3A_228, %dma_start3A_229] : memref<2048x16xf32, #tpu.memory_space<vmem>> -> memref<128x16xf32, #tpu.memory_space<vmem>>
    %dma_start3A_231 = arith.constant 0 : i32
    %dma_start3A_232 = tpu.memref_slice %arg11[%dma_start3A_227, %dma_start3A_231] : memref<16x128xi32, #tpu.memory_space<vmem>> -> memref<1x128xi32, #tpu.memory_space<vmem>>
    %dma_start3A_233 = tpu.memref_squeeze %dma_start3A_232 : memref<1x128xi32, #tpu.memory_space<vmem>> -> memref<128xi32, #tpu.memory_space<vmem>>
    %dma_start3A_234 = arith.constant 0 : i32
    %dma_start3A_235 = arith.constant 0 : i32
    %dma_start3A_236 = tpu.memref_slice %arg6[%arg0, %dma_start3A_234, %dma_start3A_235] : memref<2x2097152x16xf32, #tpu.memory_space<hbm>> -> memref<1x2097152x16xf32, #tpu.memory_space<hbm>>
    %dma_start3A_237 = tpu.memref_squeeze %dma_start3A_236 : memref<1x2097152x16xf32, #tpu.memory_space<hbm>> -> memref<2097152x16xf32, #tpu.memory_space<hbm>>
    %dma_start3A_238 = arith.constant 0 : i32
    %dma_start3A_239 = arith.constant 0 : i32
    %dma_start3A_240 = tpu.memref_slice %dma_start3A_237[%dma_start3A_238, %dma_start3A_239] : memref<2097152x16xf32, #tpu.memory_space<hbm>> -> memref<2097152x16xf32, #tpu.memory_space<hbm>>
    tpu.enqueue_indirect_dma source(%dma_start3A_240 : memref<2097152x16xf32, #tpu.memory_space<hbm>>) target(%dma_start3A_230 : memref<128x16xf32, #tpu.memory_space<vmem>>) offsets(%dma_start3A_233 : memref<128xi32, #tpu.memory_space<vmem>>) semaphore(%arg21 : memref<!tpu.dma_semaphore, #tpu.memory_space<semaphore_mem>>)
    %dma_start3A_241 = arith.constant 5 : i32
    %dma_start3A_242 = arith.constant 640 : i32
    %dma_start3A_243 = arith.constant 0 : i32
    %dma_start3A_244 = tpu.memref_slice %arg9[%dma_start3A_242, %dma_start3A_243] : memref<2048x16xf32, #tpu.memory_space<vmem>> -> memref<128x16xf32, #tpu.memory_space<vmem>>
    %dma_start3A_245 = arith.constant 0 : i32
    %dma_start3A_246 = tpu.memref_slice %arg11[%dma_start3A_241, %dma_start3A_245] : memref<16x128xi32, #tpu.memory_space<vmem>> -> memref<1x128xi32, #tpu.memory_space<vmem>>
    %dma_start3A_247 = tpu.memref_squeeze %dma_start3A_246 : memref<1x128xi32, #tpu.memory_space<vmem>> -> memref<128xi32, #tpu.memory_space<vmem>>
    %dma_start3A_248 = arith.constant 0 : i32
    %dma_start3A_249 = arith.constant 0 : i32
    %dma_start3A_250 = tpu.memref_slice %arg6[%arg0, %dma_start3A_248, %dma_start3A_249] : memref<2x2097152x16xf32, #tpu.memory_space<hbm>> -> memref<1x2097152x16xf32, #tpu.memory_space<hbm>>
    %dma_start3A_251 = tpu.memref_squeeze %dma_start3A_250 : memref<1x2097152x16xf32, #tpu.memory_space<hbm>> -> memref<2097152x16xf32, #tpu.memory_space<hbm>>
    %dma_start3A_252 = arith.constant 0 : i32
    %dma_start3A_253 = arith.constant 0 : i32
    %dma_start3A_254 = tpu.memref_slice %dma_start3A_251[%dma_start3A_252, %dma_start3A_253] : memref<2097152x16xf32, #tpu.memory_space<hbm>> -> memref<2097152x16xf32, #tpu.memory_space<hbm>>
    tpu.enqueue_indirect_dma source(%dma_start3A_254 : memref<2097152x16xf32, #tpu.memory_space<hbm>>) target(%dma_start3A_244 : memref<128x16xf32, #tpu.memory_space<vmem>>) offsets(%dma_start3A_247 : memref<128xi32, #tpu.memory_space<vmem>>) semaphore(%arg21 : memref<!tpu.dma_semaphore, #tpu.memory_space<semaphore_mem>>)
    %dma_start3A_255 = arith.constant 6 : i32
    %dma_start3A_256 = arith.constant 768 : i32
    %dma_start3A_257 = arith.constant 0 : i32
    %dma_start3A_258 = tpu.memref_slice %arg9[%dma_start3A_256, %dma_start3A_257] : memref<2048x16xf32, #tpu.memory_space<vmem>> -> memref<128x16xf32, #tpu.memory_space<vmem>>
    %dma_start3A_259 = arith.constant 0 : i32
    %dma_start3A_260 = tpu.memref_slice %arg11[%dma_start3A_255, %dma_start3A_259] : memref<16x128xi32, #tpu.memory_space<vmem>> -> memref<1x128xi32, #tpu.memory_space<vmem>>
    %dma_start3A_261 = tpu.memref_squeeze %dma_start3A_260 : memref<1x128xi32, #tpu.memory_space<vmem>> -> memref<128xi32, #tpu.memory_space<vmem>>
    %dma_start3A_262 = arith.constant 0 : i32
    %dma_start3A_263 = arith.constant 0 : i32
    %dma_start3A_264 = tpu.memref_slice %arg6[%arg0, %dma_start3A_262, %dma_start3A_263] : memref<2x2097152x16xf32, #tpu.memory_space<hbm>> -> memref<1x2097152x16xf32, #tpu.memory_space<hbm>>
    %dma_start3A_265 = tpu.memref_squeeze %dma_start3A_264 : memref<1x2097152x16xf32, #tpu.memory_space<hbm>> -> memref<2097152x16xf32, #tpu.memory_space<hbm>>
    %dma_start3A_266 = arith.constant 0 : i32
    %dma_start3A_267 = arith.constant 0 : i32
    %dma_start3A_268 = tpu.memref_slice %dma_start3A_265[%dma_start3A_266, %dma_start3A_267] : memref<2097152x16xf32, #tpu.memory_space<hbm>> -> memref<2097152x16xf32, #tpu.memory_space<hbm>>
    tpu.enqueue_indirect_dma source(%dma_start3A_268 : memref<2097152x16xf32, #tpu.memory_space<hbm>>) target(%dma_start3A_258 : memref<128x16xf32, #tpu.memory_space<vmem>>) offsets(%dma_start3A_261 : memref<128xi32, #tpu.memory_space<vmem>>) semaphore(%arg21 : memref<!tpu.dma_semaphore, #tpu.memory_space<semaphore_mem>>)
    %dma_start3A_269 = arith.constant 7 : i32
    %dma_start3A_270 = arith.constant 896 : i32
    %dma_start3A_271 = arith.constant 0 : i32
    %dma_start3A_272 = tpu.memref_slice %arg9[%dma_start3A_270, %dma_start3A_271] : memref<2048x16xf32, #tpu.memory_space<vmem>> -> memref<128x16xf32, #tpu.memory_space<vmem>>
    %dma_start3A_273 = arith.constant 0 : i32
    %dma_start3A_274 = tpu.memref_slice %arg11[%dma_start3A_269, %dma_start3A_273] : memref<16x128xi32, #tpu.memory_space<vmem>> -> memref<1x128xi32, #tpu.memory_space<vmem>>
    %dma_start3A_275 = tpu.memref_squeeze %dma_start3A_274 : memref<1x128xi32, #tpu.memory_space<vmem>> -> memref<128xi32, #tpu.memory_space<vmem>>
    %dma_start3A_276 = arith.constant 0 : i32
    %dma_start3A_277 = arith.constant 0 : i32
    %dma_start3A_278 = tpu.memref_slice %arg6[%arg0, %dma_start3A_276, %dma_start3A_277] : memref<2x2097152x16xf32, #tpu.memory_space<hbm>> -> memref<1x2097152x16xf32, #tpu.memory_space<hbm>>
    %dma_start3A_279 = tpu.memref_squeeze %dma_start3A_278 : memref<1x2097152x16xf32, #tpu.memory_space<hbm>> -> memref<2097152x16xf32, #tpu.memory_space<hbm>>
    %dma_start3A_280 = arith.constant 0 : i32
    %dma_start3A_281 = arith.constant 0 : i32
    %dma_start3A_282 = tpu.memref_slice %dma_start3A_279[%dma_start3A_280, %dma_start3A_281] : memref<2097152x16xf32, #tpu.memory_space<hbm>> -> memref<2097152x16xf32, #tpu.memory_space<hbm>>
    tpu.enqueue_indirect_dma source(%dma_start3A_282 : memref<2097152x16xf32, #tpu.memory_space<hbm>>) target(%dma_start3A_272 : memref<128x16xf32, #tpu.memory_space<vmem>>) offsets(%dma_start3A_275 : memref<128xi32, #tpu.memory_space<vmem>>) semaphore(%arg21 : memref<!tpu.dma_semaphore, #tpu.memory_space<semaphore_mem>>)
    %dma_start3A_283 = arith.constant 8 : i32
    %dma_start3A_284 = arith.constant 1024 : i32
    %dma_start3A_285 = arith.constant 0 : i32
    %dma_start3A_286 = tpu.memref_slice %arg9[%dma_start3A_284, %dma_start3A_285] : memref<2048x16xf32, #tpu.memory_space<vmem>> -> memref<128x16xf32, #tpu.memory_space<vmem>>
    %dma_start3A_287 = arith.constant 0 : i32
    %dma_start3A_288 = tpu.memref_slice %arg11[%dma_start3A_283, %dma_start3A_287] : memref<16x128xi32, #tpu.memory_space<vmem>> -> memref<1x128xi32, #tpu.memory_space<vmem>>
    %dma_start3A_289 = tpu.memref_squeeze %dma_start3A_288 : memref<1x128xi32, #tpu.memory_space<vmem>> -> memref<128xi32, #tpu.memory_space<vmem>>
    %dma_start3A_290 = arith.constant 0 : i32
    %dma_start3A_291 = arith.constant 0 : i32
    %dma_start3A_292 = tpu.memref_slice %arg6[%arg0, %dma_start3A_290, %dma_start3A_291] : memref<2x2097152x16xf32, #tpu.memory_space<hbm>> -> memref<1x2097152x16xf32, #tpu.memory_space<hbm>>
    %dma_start3A_293 = tpu.memref_squeeze %dma_start3A_292 : memref<1x2097152x16xf32, #tpu.memory_space<hbm>> -> memref<2097152x16xf32, #tpu.memory_space<hbm>>
    %dma_start3A_294 = arith.constant 0 : i32
    %dma_start3A_295 = arith.constant 0 : i32
    %dma_start3A_296 = tpu.memref_slice %dma_start3A_293[%dma_start3A_294, %dma_start3A_295] : memref<2097152x16xf32, #tpu.memory_space<hbm>> -> memref<2097152x16xf32, #tpu.memory_space<hbm>>
    tpu.enqueue_indirect_dma source(%dma_start3A_296 : memref<2097152x16xf32, #tpu.memory_space<hbm>>) target(%dma_start3A_286 : memref<128x16xf32, #tpu.memory_space<vmem>>) offsets(%dma_start3A_289 : memref<128xi32, #tpu.memory_space<vmem>>) semaphore(%arg21 : memref<!tpu.dma_semaphore, #tpu.memory_space<semaphore_mem>>)
    %dma_start3A_297 = arith.constant 9 : i32
    %dma_start3A_298 = arith.constant 1152 : i32
    %dma_start3A_299 = arith.constant 0 : i32
    %dma_start3A_300 = tpu.memref_slice %arg9[%dma_start3A_298, %dma_start3A_299] : memref<2048x16xf32, #tpu.memory_space<vmem>> -> memref<128x16xf32, #tpu.memory_space<vmem>>
    %dma_start3A_301 = arith.constant 0 : i32
    %dma_start3A_302 = tpu.memref_slice %arg11[%dma_start3A_297, %dma_start3A_301] : memref<16x128xi32, #tpu.memory_space<vmem>> -> memref<1x128xi32, #tpu.memory_space<vmem>>
    %dma_start3A_303 = tpu.memref_squeeze %dma_start3A_302 : memref<1x128xi32, #tpu.memory_space<vmem>> -> memref<128xi32, #tpu.memory_space<vmem>>
    %dma_start3A_304 = arith.constant 0 : i32
    %dma_start3A_305 = arith.constant 0 : i32
    %dma_start3A_306 = tpu.memref_slice %arg6[%arg0, %dma_start3A_304, %dma_start3A_305] : memref<2x2097152x16xf32, #tpu.memory_space<hbm>> -> memref<1x2097152x16xf32, #tpu.memory_space<hbm>>
    %dma_start3A_307 = tpu.memref_squeeze %dma_start3A_306 : memref<1x2097152x16xf32, #tpu.memory_space<hbm>> -> memref<2097152x16xf32, #tpu.memory_space<hbm>>
    %dma_start3A_308 = arith.constant 0 : i32
    %dma_start3A_309 = arith.constant 0 : i32
    %dma_start3A_310 = tpu.memref_slice %dma_start3A_307[%dma_start3A_308, %dma_start3A_309] : memref<2097152x16xf32, #tpu.memory_space<hbm>> -> memref<2097152x16xf32, #tpu.memory_space<hbm>>
    tpu.enqueue_indirect_dma source(%dma_start3A_310 : memref<2097152x16xf32, #tpu.memory_space<hbm>>) target(%dma_start3A_300 : memref<128x16xf32, #tpu.memory_space<vmem>>) offsets(%dma_start3A_303 : memref<128xi32, #tpu.memory_space<vmem>>) semaphore(%arg21 : memref<!tpu.dma_semaphore, #tpu.memory_space<semaphore_mem>>)
    %dma_start3A_311 = arith.constant 10 : i32
    %dma_start3A_312 = arith.constant 1280 : i32
    %dma_start3A_313 = arith.constant 0 : i32
    %dma_start3A_314 = tpu.memref_slice %arg9[%dma_start3A_312, %dma_start3A_313] : memref<2048x16xf32, #tpu.memory_space<vmem>> -> memref<128x16xf32, #tpu.memory_space<vmem>>
    %dma_start3A_315 = arith.constant 0 : i32
    %dma_start3A_316 = tpu.memref_slice %arg11[%dma_start3A_311, %dma_start3A_315] : memref<16x128xi32, #tpu.memory_space<vmem>> -> memref<1x128xi32, #tpu.memory_space<vmem>>
    %dma_start3A_317 = tpu.memref_squeeze %dma_start3A_316 : memref<1x128xi32, #tpu.memory_space<vmem>> -> memref<128xi32, #tpu.memory_space<vmem>>
    %dma_start3A_318 = arith.constant 0 : i32
    %dma_start3A_319 = arith.constant 0 : i32
    %dma_start3A_320 = tpu.memref_slice %arg6[%arg0, %dma_start3A_318, %dma_start3A_319] : memref<2x2097152x16xf32, #tpu.memory_space<hbm>> -> memref<1x2097152x16xf32, #tpu.memory_space<hbm>>
    %dma_start3A_321 = tpu.memref_squeeze %dma_start3A_320 : memref<1x2097152x16xf32, #tpu.memory_space<hbm>> -> memref<2097152x16xf32, #tpu.memory_space<hbm>>
    %dma_start3A_322 = arith.constant 0 : i32
    %dma_start3A_323 = arith.constant 0 : i32
    %dma_start3A_324 = tpu.memref_slice %dma_start3A_321[%dma_start3A_322, %dma_start3A_323] : memref<2097152x16xf32, #tpu.memory_space<hbm>> -> memref<2097152x16xf32, #tpu.memory_space<hbm>>
    tpu.enqueue_indirect_dma source(%dma_start3A_324 : memref<2097152x16xf32, #tpu.memory_space<hbm>>) target(%dma_start3A_314 : memref<128x16xf32, #tpu.memory_space<vmem>>) offsets(%dma_start3A_317 : memref<128xi32, #tpu.memory_space<vmem>>) semaphore(%arg21 : memref<!tpu.dma_semaphore, #tpu.memory_space<semaphore_mem>>)
    %dma_start3A_325 = arith.constant 11 : i32
    %dma_start3A_326 = arith.constant 1408 : i32
    %dma_start3A_327 = arith.constant 0 : i32
    %dma_start3A_328 = tpu.memref_slice %arg9[%dma_start3A_326, %dma_start3A_327] : memref<2048x16xf32, #tpu.memory_space<vmem>> -> memref<128x16xf32, #tpu.memory_space<vmem>>
    %dma_start3A_329 = arith.constant 0 : i32
    %dma_start3A_330 = tpu.memref_slice %arg11[%dma_start3A_325, %dma_start3A_329] : memref<16x128xi32, #tpu.memory_space<vmem>> -> memref<1x128xi32, #tpu.memory_space<vmem>>
    %dma_start3A_331 = tpu.memref_squeeze %dma_start3A_330 : memref<1x128xi32, #tpu.memory_space<vmem>> -> memref<128xi32, #tpu.memory_space<vmem>>
    %dma_start3A_332 = arith.constant 0 : i32
    %dma_start3A_333 = arith.constant 0 : i32
    %dma_start3A_334 = tpu.memref_slice %arg6[%arg0, %dma_start3A_332, %dma_start3A_333] : memref<2x2097152x16xf32, #tpu.memory_space<hbm>> -> memref<1x2097152x16xf32, #tpu.memory_space<hbm>>
    %dma_start3A_335 = tpu.memref_squeeze %dma_start3A_334 : memref<1x2097152x16xf32, #tpu.memory_space<hbm>> -> memref<2097152x16xf32, #tpu.memory_space<hbm>>
    %dma_start3A_336 = arith.constant 0 : i32
    %dma_start3A_337 = arith.constant 0 : i32
    %dma_start3A_338 = tpu.memref_slice %dma_start3A_335[%dma_start3A_336, %dma_start3A_337] : memref<2097152x16xf32, #tpu.memory_space<hbm>> -> memref<2097152x16xf32, #tpu.memory_space<hbm>>
    tpu.enqueue_indirect_dma source(%dma_start3A_338 : memref<2097152x16xf32, #tpu.memory_space<hbm>>) target(%dma_start3A_328 : memref<128x16xf32, #tpu.memory_space<vmem>>) offsets(%dma_start3A_331 : memref<128xi32, #tpu.memory_space<vmem>>) semaphore(%arg21 : memref<!tpu.dma_semaphore, #tpu.memory_space<semaphore_mem>>)
    %dma_start3A_339 = arith.constant 12 : i32
    %dma_start3A_340 = arith.constant 1536 : i32
    %dma_start3A_341 = arith.constant 0 : i32
    %dma_start3A_342 = tpu.memref_slice %arg9[%dma_start3A_340, %dma_start3A_341] : memref<2048x16xf32, #tpu.memory_space<vmem>> -> memref<128x16xf32, #tpu.memory_space<vmem>>
    %dma_start3A_343 = arith.constant 0 : i32
    %dma_start3A_344 = tpu.memref_slice %arg11[%dma_start3A_339, %dma_start3A_343] : memref<16x128xi32, #tpu.memory_space<vmem>> -> memref<1x128xi32, #tpu.memory_space<vmem>>
    %dma_start3A_345 = tpu.memref_squeeze %dma_start3A_344 : memref<1x128xi32, #tpu.memory_space<vmem>> -> memref<128xi32, #tpu.memory_space<vmem>>
    %dma_start3A_346 = arith.constant 0 : i32
    %dma_start3A_347 = arith.constant 0 : i32
    %dma_start3A_348 = tpu.memref_slice %arg6[%arg0, %dma_start3A_346, %dma_start3A_347] : memref<2x2097152x16xf32, #tpu.memory_space<hbm>> -> memref<1x2097152x16xf32, #tpu.memory_space<hbm>>
    %dma_start3A_349 = tpu.memref_squeeze %dma_start3A_348 : memref<1x2097152x16xf32, #tpu.memory_space<hbm>> -> memref<2097152x16xf32, #tpu.memory_space<hbm>>
    %dma_start3A_350 = arith.constant 0 : i32
    %dma_start3A_351 = arith.constant 0 : i32
    %dma_start3A_352 = tpu.memref_slice %dma_start3A_349[%dma_start3A_350, %dma_start3A_351] : memref<2097152x16xf32, #tpu.memory_space<hbm>> -> memref<2097152x16xf32, #tpu.memory_space<hbm>>
    tpu.enqueue_indirect_dma source(%dma_start3A_352 : memref<2097152x16xf32, #tpu.memory_space<hbm>>) target(%dma_start3A_342 : memref<128x16xf32, #tpu.memory_space<vmem>>) offsets(%dma_start3A_345 : memref<128xi32, #tpu.memory_space<vmem>>) semaphore(%arg21 : memref<!tpu.dma_semaphore, #tpu.memory_space<semaphore_mem>>)
    %dma_start3A_353 = arith.constant 13 : i32
    %dma_start3A_354 = arith.constant 1664 : i32
    %dma_start3A_355 = arith.constant 0 : i32
    %dma_start3A_356 = tpu.memref_slice %arg9[%dma_start3A_354, %dma_start3A_355] : memref<2048x16xf32, #tpu.memory_space<vmem>> -> memref<128x16xf32, #tpu.memory_space<vmem>>
    %dma_start3A_357 = arith.constant 0 : i32
    %dma_start3A_358 = tpu.memref_slice %arg11[%dma_start3A_353, %dma_start3A_357] : memref<16x128xi32, #tpu.memory_space<vmem>> -> memref<1x128xi32, #tpu.memory_space<vmem>>
    %dma_start3A_359 = tpu.memref_squeeze %dma_start3A_358 : memref<1x128xi32, #tpu.memory_space<vmem>> -> memref<128xi32, #tpu.memory_space<vmem>>
    %dma_start3A_360 = arith.constant 0 : i32
    %dma_start3A_361 = arith.constant 0 : i32
    %dma_start3A_362 = tpu.memref_slice %arg6[%arg0, %dma_start3A_360, %dma_start3A_361] : memref<2x2097152x16xf32, #tpu.memory_space<hbm>> -> memref<1x2097152x16xf32, #tpu.memory_space<hbm>>
    %dma_start3A_363 = tpu.memref_squeeze %dma_start3A_362 : memref<1x2097152x16xf32, #tpu.memory_space<hbm>> -> memref<2097152x16xf32, #tpu.memory_space<hbm>>
    %dma_start3A_364 = arith.constant 0 : i32
    %dma_start3A_365 = arith.constant 0 : i32
    %dma_start3A_366 = tpu.memref_slice %dma_start3A_363[%dma_start3A_364, %dma_start3A_365] : memref<2097152x16xf32, #tpu.memory_space<hbm>> -> memref<2097152x16xf32, #tpu.memory_space<hbm>>
    tpu.enqueue_indirect_dma source(%dma_start3A_366 : memref<2097152x16xf32, #tpu.memory_space<hbm>>) target(%dma_start3A_356 : memref<128x16xf32, #tpu.memory_space<vmem>>) offsets(%dma_start3A_359 : memref<128xi32, #tpu.memory_space<vmem>>) semaphore(%arg21 : memref<!tpu.dma_semaphore, #tpu.memory_space<semaphore_mem>>)
    %dma_start3A_367 = arith.constant 14 : i32
    %dma_start3A_368 = arith.constant 1792 : i32
    %dma_start3A_369 = arith.constant 0 : i32
    %dma_start3A_370 = tpu.memref_slice %arg9[%dma_start3A_368, %dma_start3A_369] : memref<2048x16xf32, #tpu.memory_space<vmem>> -> memref<128x16xf32, #tpu.memory_space<vmem>>
    %dma_start3A_371 = arith.constant 0 : i32
    %dma_start3A_372 = tpu.memref_slice %arg11[%dma_start3A_367, %dma_start3A_371] : memref<16x128xi32, #tpu.memory_space<vmem>> -> memref<1x128xi32, #tpu.memory_space<vmem>>
    %dma_start3A_373 = tpu.memref_squeeze %dma_start3A_372 : memref<1x128xi32, #tpu.memory_space<vmem>> -> memref<128xi32, #tpu.memory_space<vmem>>
    %dma_start3A_374 = arith.constant 0 : i32
    %dma_start3A_375 = arith.constant 0 : i32
    %dma_start3A_376 = tpu.memref_slice %arg6[%arg0, %dma_start3A_374, %dma_start3A_375] : memref<2x2097152x16xf32, #tpu.memory_space<hbm>> -> memref<1x2097152x16xf32, #tpu.memory_space<hbm>>
    %dma_start3A_377 = tpu.memref_squeeze %dma_start3A_376 : memref<1x2097152x16xf32, #tpu.memory_space<hbm>> -> memref<2097152x16xf32, #tpu.memory_space<hbm>>
    %dma_start3A_378 = arith.constant 0 : i32
    %dma_start3A_379 = arith.constant 0 : i32
    %dma_start3A_380 = tpu.memref_slice %dma_start3A_377[%dma_start3A_378, %dma_start3A_379] : memref<2097152x16xf32, #tpu.memory_space<hbm>> -> memref<2097152x16xf32, #tpu.memory_space<hbm>>
    tpu.enqueue_indirect_dma source(%dma_start3A_380 : memref<2097152x16xf32, #tpu.memory_space<hbm>>) target(%dma_start3A_370 : memref<128x16xf32, #tpu.memory_space<vmem>>) offsets(%dma_start3A_373 : memref<128xi32, #tpu.memory_space<vmem>>) semaphore(%arg21 : memref<!tpu.dma_semaphore, #tpu.memory_space<semaphore_mem>>)
    %dma_start3A_381 = arith.constant 15 : i32
    %dma_start3A_382 = arith.constant 1920 : i32
    %dma_start3A_383 = arith.constant 0 : i32
    %dma_start3A_384 = tpu.memref_slice %arg9[%dma_start3A_382, %dma_start3A_383] : memref<2048x16xf32, #tpu.memory_space<vmem>> -> memref<128x16xf32, #tpu.memory_space<vmem>>
    %dma_start3A_385 = arith.constant 0 : i32
    %dma_start3A_386 = tpu.memref_slice %arg11[%dma_start3A_381, %dma_start3A_385] : memref<16x128xi32, #tpu.memory_space<vmem>> -> memref<1x128xi32, #tpu.memory_space<vmem>>
    %dma_start3A_387 = tpu.memref_squeeze %dma_start3A_386 : memref<1x128xi32, #tpu.memory_space<vmem>> -> memref<128xi32, #tpu.memory_space<vmem>>
    %dma_start3A_388 = arith.constant 0 : i32
    %dma_start3A_389 = arith.constant 0 : i32
    %dma_start3A_390 = tpu.memref_slice %arg6[%arg0, %dma_start3A_388, %dma_start3A_389] : memref<2x2097152x16xf32, #tpu.memory_space<hbm>> -> memref<1x2097152x16xf32, #tpu.memory_space<hbm>>
    %dma_start3A_391 = tpu.memref_squeeze %dma_start3A_390 : memref<1x2097152x16xf32, #tpu.memory_space<hbm>> -> memref<2097152x16xf32, #tpu.memory_space<hbm>>
    %dma_start3A_392 = arith.constant 0 : i32
    %dma_start3A_393 = arith.constant 0 : i32
    %dma_start3A_394 = tpu.memref_slice %dma_start3A_391[%dma_start3A_392, %dma_start3A_393] : memref<2097152x16xf32, #tpu.memory_space<hbm>> -> memref<2097152x16xf32, #tpu.memory_space<hbm>>
    tpu.enqueue_indirect_dma source(%dma_start3A_394 : memref<2097152x16xf32, #tpu.memory_space<hbm>>) target(%dma_start3A_384 : memref<128x16xf32, #tpu.memory_space<vmem>>) offsets(%dma_start3A_387 : memref<128xi32, #tpu.memory_space<vmem>>) semaphore(%arg21 : memref<!tpu.dma_semaphore, #tpu.memory_space<semaphore_mem>>)
    %scan3A_395 = arith.constant 0 : i32
    %scan3A_396 = arith.constant 0 : i32
    %scan3A_397 = arith.constant 32 : i32
    %scan3A_398 = arith.addi %scan3A_396, %scan3A_397 : i32
    %scan3A_399 = arith.constant 1 : i32
    scf.for %scan3A_506 = %scan3A_396 to %scan3A_398 step %scan3A_399  : i32 {
      %mul3A_507 = arith.constant 2 : i32
      %mul3A_508 = arith.muli %scan3A_506, %mul3A_507 : i32
      %add3A_509 = arith.constant 0 : i32
      %add3A_510 = arith.addi %mul3A_508, %add3A_509 : i32
      %add3A_511 = arith.constant 1 : i32
      %add3A_512 = arith.addi %add3A_510, %add3A_511 : i32
      %min3A_513 = arith.constant 63 : i32
      %min3A_514 = arith.minsi %add3A_512, %min3A_513 : i32
      %mul3A_515 = arith.constant 16 : i32
      %mul3A_516 = arith.muli %min3A_514, %mul3A_515 : i32
      %add3A_517 = arith.addi %mul3A_145, %mul3A_516 : i32
      %multiple_of3A_518 = tpu.assume_multiple %add3A_517, 16 : i32
      %dma_start3A_519 = arith.constant 0 : i32
      %dma_start3A_520 = tpu.memref_slice %arg3[%multiple_of3A_518, %dma_start3A_519] : memref<32768x128xi32, #tpu.memory_space<hbm>> -> memref<16x128xi32, #tpu.memory_space<hbm>>
      %dma_start3A_521 = arith.constant 0 : i32
      %dma_start3A_522 = tpu.memref_slice %arg3[%multiple_of3A_518, %dma_start3A_521] : memref<32768x128xi32, #tpu.memory_space<hbm>> -> memref<16x128xi32, #tpu.memory_space<hbm>>
      tpu.enqueue_dma source(%dma_start3A_522 : memref<16x128xi32, #tpu.memory_space<hbm>>) target(%arg12 : memref<16x128xi32, #tpu.memory_space<vmem>>) target_semaphore(%arg20 : memref<!tpu.dma_semaphore, #tpu.memory_space<semaphore_mem>>)
      %dma_wait3A_523 = arith.constant 0 : i32
      %dma_wait3A_524 = arith.constant 0 : i32
      %dma_wait3A_525 = tpu.memref_slice %arg6[%arg0, %dma_wait3A_523, %dma_wait3A_524] : memref<2x2097152x16xf32, #tpu.memory_space<hbm>> -> memref<1x2097152x16xf32, #tpu.memory_space<hbm>>
      %dma_wait3A_526 = tpu.memref_squeeze %dma_wait3A_525 : memref<1x2097152x16xf32, #tpu.memory_space<hbm>> -> memref<2097152x16xf32, #tpu.memory_space<hbm>>
      %dma_wait3A_527 = arith.constant 0 : i32
      %dma_wait3A_528 = arith.constant 0 : i32
      %dma_wait3A_529 = tpu.memref_slice %dma_wait3A_526[%dma_wait3A_527, %dma_wait3A_528] : memref<2097152x16xf32, #tpu.memory_space<hbm>> -> memref<2048x16xf32, #tpu.memory_space<hbm>>
      %dma_wait3A_530 = arith.constant 0 : i32
      %dma_wait3A_531 = arith.constant 0 : i32
      %dma_wait3A_532 = tpu.memref_slice %arg6[%arg0, %dma_wait3A_530, %dma_wait3A_531] : memref<2x2097152x16xf32, #tpu.memory_space<hbm>> -> memref<1x2097152x16xf32, #tpu.memory_space<hbm>>
      %dma_wait3A_533 = tpu.memref_squeeze %dma_wait3A_532 : memref<1x2097152x16xf32, #tpu.memory_space<hbm>> -> memref<2097152x16xf32, #tpu.memory_space<hbm>>
      %dma_wait3A_534 = arith.constant 0 : i32
      %dma_wait3A_535 = arith.constant 0 : i32
      %dma_wait3A_536 = tpu.memref_slice %dma_wait3A_533[%dma_wait3A_534, %dma_wait3A_535] : memref<2097152x16xf32, #tpu.memory_space<hbm>> -> memref<2048x16xf32, #tpu.memory_space<hbm>>
      tpu.wait_dma2 semaphore(%arg21 : memref<!tpu.dma_semaphore, #tpu.memory_space<semaphore_mem>>) src(%dma_wait3A_536 : memref<2048x16xf32, #tpu.memory_space<hbm>>) dst(%arg9 : memref<2048x16xf32, #tpu.memory_space<vmem>>)
      %dma_wait3A_537 = arith.constant 0 : i32
      %dma_wait3A_538 = arith.constant 0 : i32
      %dma_wait3A_539 = tpu.memref_slice %arg3[%dma_wait3A_537, %dma_wait3A_538] : memref<32768x128xi32, #tpu.memory_space<hbm>> -> memref<16x128xi32, #tpu.memory_space<hbm>>
      %dma_wait3A_540 = arith.constant 0 : i32
      %dma_wait3A_541 = arith.constant 0 : i32
      %dma_wait3A_542 = tpu.memref_slice %arg3[%dma_wait3A_540, %dma_wait3A_541] : memref<32768x128xi32, #tpu.memory_space<hbm>> -> memref<16x128xi32, #tpu.memory_space<hbm>>
      tpu.wait_dma2 semaphore(%arg20 : memref<!tpu.dma_semaphore, #tpu.memory_space<semaphore_mem>>) src(%dma_wait3A_542 : memref<16x128xi32, #tpu.memory_space<hbm>>) dst(%arg12 : memref<16x128xi32, #tpu.memory_space<vmem>>)
      %dma_start3A_543 = arith.constant 0 : i32
      %dma_start3A_544 = arith.constant 0 : i32
      %dma_start3A_545 = arith.constant 0 : i32
      %dma_start3A_546 = tpu.memref_slice %arg10[%dma_start3A_544, %dma_start3A_545] : memref<2048x16xf32, #tpu.memory_space<vmem>> -> memref<128x16xf32, #tpu.memory_space<vmem>>
      %dma_start3A_547 = arith.constant 0 : i32
      %dma_start3A_548 = tpu.memref_slice %arg12[%dma_start3A_543, %dma_start3A_547] : memref<16x128xi32, #tpu.memory_space<vmem>> -> memref<1x128xi32, #tpu.memory_space<vmem>>
      %dma_start3A_549 = tpu.memref_squeeze %dma_start3A_548 : memref<1x128xi32, #tpu.memory_space<vmem>> -> memref<128xi32, #tpu.memory_space<vmem>>
      %dma_start3A_550 = arith.constant 0 : i32
      %dma_start3A_551 = arith.constant 0 : i32
      %dma_start3A_552 = tpu.memref_slice %arg6[%arg0, %dma_start3A_550, %dma_start3A_551] : memref<2x2097152x16xf32, #tpu.memory_space<hbm>> -> memref<1x2097152x16xf32, #tpu.memory_space<hbm>>
      %dma_start3A_553 = tpu.memref_squeeze %dma_start3A_552 : memref<1x2097152x16xf32, #tpu.memory_space<hbm>> -> memref<2097152x16xf32, #tpu.memory_space<hbm>>
      %dma_start3A_554 = arith.constant 0 : i32
      %dma_start3A_555 = arith.constant 0 : i32
      %dma_start3A_556 = tpu.memref_slice %dma_start3A_553[%dma_start3A_554, %dma_start3A_555] : memref<2097152x16xf32, #tpu.memory_space<hbm>> -> memref<2097152x16xf32, #tpu.memory_space<hbm>>
      tpu.enqueue_indirect_dma source(%dma_start3A_556 : memref<2097152x16xf32, #tpu.memory_space<hbm>>) target(%dma_start3A_546 : memref<128x16xf32, #tpu.memory_space<vmem>>) offsets(%dma_start3A_549 : memref<128xi32, #tpu.memory_space<vmem>>) semaphore(%arg21 : memref<!tpu.dma_semaphore, #tpu.memory_space<semaphore_mem>>)
      %dma_start3A_557 = arith.constant 1 : i32
      %dma_start3A_558 = arith.constant 128 : i32
      %dma_start3A_559 = arith.constant 0 : i32
      %dma_start3A_560 = tpu.memref_slice %arg10[%dma_start3A_558, %dma_start3A_559] : memref<2048x16xf32, #tpu.memory_space<vmem>> -> memref<128x16xf32, #tpu.memory_space<vmem>>
      %dma_start3A_561 = arith.constant 0 : i32
      %dma_start3A_562 = tpu.memref_slice %arg12[%dma_start3A_557, %dma_start3A_561] : memref<16x128xi32, #tpu.memory_space<vmem>> -> memref<1x128xi32, #tpu.memory_space<vmem>>
      %dma_start3A_563 = tpu.memref_squeeze %dma_start3A_562 : memref<1x128xi32, #tpu.memory_space<vmem>> -> memref<128xi32, #tpu.memory_space<vmem>>
      %dma_start3A_564 = arith.constant 0 : i32
      %dma_start3A_565 = arith.constant 0 : i32
      %dma_start3A_566 = tpu.memref_slice %arg6[%arg0, %dma_start3A_564, %dma_start3A_565] : memref<2x2097152x16xf32, #tpu.memory_space<hbm>> -> memref<1x2097152x16xf32, #tpu.memory_space<hbm>>
      %dma_start3A_567 = tpu.memref_squeeze %dma_start3A_566 : memref<1x2097152x16xf32, #tpu.memory_space<hbm>> -> memref<2097152x16xf32, #tpu.memory_space<hbm>>
      %dma_start3A_568 = arith.constant 0 : i32
      %dma_start3A_569 = arith.constant 0 : i32
      %dma_start3A_570 = tpu.memref_slice %dma_start3A_567[%dma_start3A_568, %dma_start3A_569] : memref<2097152x16xf32, #tpu.memory_space<hbm>> -> memref<2097152x16xf32, #tpu.memory_space<hbm>>
      tpu.enqueue_indirect_dma source(%dma_start3A_570 : memref<2097152x16xf32, #tpu.memory_space<hbm>>) target(%dma_start3A_560 : memref<128x16xf32, #tpu.memory_space<vmem>>) offsets(%dma_start3A_563 : memref<128xi32, #tpu.memory_space<vmem>>) semaphore(%arg21 : memref<!tpu.dma_semaphore, #tpu.memory_space<semaphore_mem>>)
      %dma_start3A_571 = arith.constant 2 : i32
      %dma_start3A_572 = arith.constant 256 : i32
      %dma_start3A_573 = arith.constant 0 : i32
      %dma_start3A_574 = tpu.memref_slice %arg10[%dma_start3A_572, %dma_start3A_573] : memref<2048x16xf32, #tpu.memory_space<vmem>> -> memref<128x16xf32, #tpu.memory_space<vmem>>
      %dma_start3A_575 = arith.constant 0 : i32
      %dma_start3A_576 = tpu.memref_slice %arg12[%dma_start3A_571, %dma_start3A_575] : memref<16x128xi32, #tpu.memory_space<vmem>> -> memref<1x128xi32, #tpu.memory_space<vmem>>
      %dma_start3A_577 = tpu.memref_squeeze %dma_start3A_576 : memref<1x128xi32, #tpu.memory_space<vmem>> -> memref<128xi32, #tpu.memory_space<vmem>>
      %dma_start3A_578 = arith.constant 0 : i32
      %dma_start3A_579 = arith.constant 0 : i32
      %dma_start3A_580 = tpu.memref_slice %arg6[%arg0, %dma_start3A_578, %dma_start3A_579] : memref<2x2097152x16xf32, #tpu.memory_space<hbm>> -> memref<1x2097152x16xf32, #tpu.memory_space<hbm>>
      %dma_start3A_581 = tpu.memref_squeeze %dma_start3A_580 : memref<1x2097152x16xf32, #tpu.memory_space<hbm>> -> memref<2097152x16xf32, #tpu.memory_space<hbm>>
      %dma_start3A_582 = arith.constant 0 : i32
      %dma_start3A_583 = arith.constant 0 : i32
      %dma_start3A_584 = tpu.memref_slice %dma_start3A_581[%dma_start3A_582, %dma_start3A_583] : memref<2097152x16xf32, #tpu.memory_space<hbm>> -> memref<2097152x16xf32, #tpu.memory_space<hbm>>
      tpu.enqueue_indirect_dma source(%dma_start3A_584 : memref<2097152x16xf32, #tpu.memory_space<hbm>>) target(%dma_start3A_574 : memref<128x16xf32, #tpu.memory_space<vmem>>) offsets(%dma_start3A_577 : memref<128xi32, #tpu.memory_space<vmem>>) semaphore(%arg21 : memref<!tpu.dma_semaphore, #tpu.memory_space<semaphore_mem>>)
      %dma_start3A_585 = arith.constant 3 : i32
      %dma_start3A_586 = arith.constant 384 : i32
      %dma_start3A_587 = arith.constant 0 : i32
      %dma_start3A_588 = tpu.memref_slice %arg10[%dma_start3A_586, %dma_start3A_587] : memref<2048x16xf32, #tpu.memory_space<vmem>> -> memref<128x16xf32, #tpu.memory_space<vmem>>
      %dma_start3A_589 = arith.constant 0 : i32
      %dma_start3A_590 = tpu.memref_slice %arg12[%dma_start3A_585, %dma_start3A_589] : memref<16x128xi32, #tpu.memory_space<vmem>> -> memref<1x128xi32, #tpu.memory_space<vmem>>
      %dma_start3A_591 = tpu.memref_squeeze %dma_start3A_590 : memref<1x128xi32, #tpu.memory_space<vmem>> -> memref<128xi32, #tpu.memory_space<vmem>>
      %dma_start3A_592 = arith.constant 0 : i32
      %dma_start3A_593 = arith.constant 0 : i32
      %dma_start3A_594 = tpu.memref_slice %arg6[%arg0, %dma_start3A_592, %dma_start3A_593] : memref<2x2097152x16xf32, #tpu.memory_space<hbm>> -> memref<1x2097152x16xf32, #tpu.memory_space<hbm>>
      %dma_start3A_595 = tpu.memref_squeeze %dma_start3A_594 : memref<1x2097152x16xf32, #tpu.memory_space<hbm>> -> memref<2097152x16xf32, #tpu.memory_space<hbm>>
      %dma_start3A_596 = arith.constant 0 : i32
      %dma_start3A_597 = arith.constant 0 : i32
      %dma_start3A_598 = tpu.memref_slice %dma_start3A_595[%dma_start3A_596, %dma_start3A_597] : memref<2097152x16xf32, #tpu.memory_space<hbm>> -> memref<2097152x16xf32, #tpu.memory_space<hbm>>
      tpu.enqueue_indirect_dma source(%dma_start3A_598 : memref<2097152x16xf32, #tpu.memory_space<hbm>>) target(%dma_start3A_588 : memref<128x16xf32, #tpu.memory_space<vmem>>) offsets(%dma_start3A_591 : memref<128xi32, #tpu.memory_space<vmem>>) semaphore(%arg21 : memref<!tpu.dma_semaphore, #tpu.memory_space<semaphore_mem>>)
      %dma_start3A_599 = arith.constant 4 : i32
      %dma_start3A_600 = arith.constant 512 : i32
      %dma_start3A_601 = arith.constant 0 : i32
      %dma_start3A_602 = tpu.memref_slice %arg10[%dma_start3A_600, %dma_start3A_601] : memref<2048x16xf32, #tpu.memory_space<vmem>> -> memref<128x16xf32, #tpu.memory_space<vmem>>
      %dma_start3A_603 = arith.constant 0 : i32
      %dma_start3A_604 = tpu.memref_slice %arg12[%dma_start3A_599, %dma_start3A_603] : memref<16x128xi32, #tpu.memory_space<vmem>> -> memref<1x128xi32, #tpu.memory_space<vmem>>
      %dma_start3A_605 = tpu.memref_squeeze %dma_start3A_604 : memref<1x128xi32, #tpu.memory_space<vmem>> -> memref<128xi32, #tpu.memory_space<vmem>>
      %dma_start3A_606 = arith.constant 0 : i32
      %dma_start3A_607 = arith.constant 0 : i32
      %dma_start3A_608 = tpu.memref_slice %arg6[%arg0, %dma_start3A_606, %dma_start3A_607] : memref<2x2097152x16xf32, #tpu.memory_space<hbm>> -> memref<1x2097152x16xf32, #tpu.memory_space<hbm>>
      %dma_start3A_609 = tpu.memref_squeeze %dma_start3A_608 : memref<1x2097152x16xf32, #tpu.memory_space<hbm>> -> memref<2097152x16xf32, #tpu.memory_space<hbm>>
      %dma_start3A_610 = arith.constant 0 : i32
      %dma_start3A_611 = arith.constant 0 : i32
      %dma_start3A_612 = tpu.memref_slice %dma_start3A_609[%dma_start3A_610, %dma_start3A_611] : memref<2097152x16xf32, #tpu.memory_space<hbm>> -> memref<2097152x16xf32, #tpu.memory_space<hbm>>
      tpu.enqueue_indirect_dma source(%dma_start3A_612 : memref<2097152x16xf32, #tpu.memory_space<hbm>>) target(%dma_start3A_602 : memref<128x16xf32, #tpu.memory_space<vmem>>) offsets(%dma_start3A_605 : memref<128xi32, #tpu.memory_space<vmem>>) semaphore(%arg21 : memref<!tpu.dma_semaphore, #tpu.memory_space<semaphore_mem>>)
      %dma_start3A_613 = arith.constant 5 : i32
      %dma_start3A_614 = arith.constant 640 : i32
      %dma_start3A_615 = arith.constant 0 : i32
      %dma_start3A_616 = tpu.memref_slice %arg10[%dma_start3A_614, %dma_start3A_615] : memref<2048x16xf32, #tpu.memory_space<vmem>> -> memref<128x16xf32, #tpu.memory_space<vmem>>
      %dma_start3A_617 = arith.constant 0 : i32
      %dma_start3A_618 = tpu.memref_slice %arg12[%dma_start3A_613, %dma_start3A_617] : memref<16x128xi32, #tpu.memory_space<vmem>> -> memref<1x128xi32, #tpu.memory_space<vmem>>
      %dma_start3A_619 = tpu.memref_squeeze %dma_start3A_618 : memref<1x128xi32, #tpu.memory_space<vmem>> -> memref<128xi32, #tpu.memory_space<vmem>>
      %dma_start3A_620 = arith.constant 0 : i32
      %dma_start3A_621 = arith.constant 0 : i32
      %dma_start3A_622 = tpu.memref_slice %arg6[%arg0, %dma_start3A_620, %dma_start3A_621] : memref<2x2097152x16xf32, #tpu.memory_space<hbm>> -> memref<1x2097152x16xf32, #tpu.memory_space<hbm>>
      %dma_start3A_623 = tpu.memref_squeeze %dma_start3A_622 : memref<1x2097152x16xf32, #tpu.memory_space<hbm>> -> memref<2097152x16xf32, #tpu.memory_space<hbm>>
      %dma_start3A_624 = arith.constant 0 : i32
      %dma_start3A_625 = arith.constant 0 : i32
      %dma_start3A_626 = tpu.memref_slice %dma_start3A_623[%dma_start3A_624, %dma_start3A_625] : memref<2097152x16xf32, #tpu.memory_space<hbm>> -> memref<2097152x16xf32, #tpu.memory_space<hbm>>
      tpu.enqueue_indirect_dma source(%dma_start3A_626 : memref<2097152x16xf32, #tpu.memory_space<hbm>>) target(%dma_start3A_616 : memref<128x16xf32, #tpu.memory_space<vmem>>) offsets(%dma_start3A_619 : memref<128xi32, #tpu.memory_space<vmem>>) semaphore(%arg21 : memref<!tpu.dma_semaphore, #tpu.memory_space<semaphore_mem>>)
      %dma_start3A_627 = arith.constant 6 : i32
      %dma_start3A_628 = arith.constant 768 : i32
      %dma_start3A_629 = arith.constant 0 : i32
      %dma_start3A_630 = tpu.memref_slice %arg10[%dma_start3A_628, %dma_start3A_629] : memref<2048x16xf32, #tpu.memory_space<vmem>> -> memref<128x16xf32, #tpu.memory_space<vmem>>
      %dma_start3A_631 = arith.constant 0 : i32
      %dma_start3A_632 = tpu.memref_slice %arg12[%dma_start3A_627, %dma_start3A_631] : memref<16x128xi32, #tpu.memory_space<vmem>> -> memref<1x128xi32, #tpu.memory_space<vmem>>
      %dma_start3A_633 = tpu.memref_squeeze %dma_start3A_632 : memref<1x128xi32, #tpu.memory_space<vmem>> -> memref<128xi32, #tpu.memory_space<vmem>>
      %dma_start3A_634 = arith.constant 0 : i32
      %dma_start3A_635 = arith.constant 0 : i32
      %dma_start3A_636 = tpu.memref_slice %arg6[%arg0, %dma_start3A_634, %dma_start3A_635] : memref<2x2097152x16xf32, #tpu.memory_space<hbm>> -> memref<1x2097152x16xf32, #tpu.memory_space<hbm>>
      %dma_start3A_637 = tpu.memref_squeeze %dma_start3A_636 : memref<1x2097152x16xf32, #tpu.memory_space<hbm>> -> memref<2097152x16xf32, #tpu.memory_space<hbm>>
      %dma_start3A_638 = arith.constant 0 : i32
      %dma_start3A_639 = arith.constant 0 : i32
      %dma_start3A_640 = tpu.memref_slice %dma_start3A_637[%dma_start3A_638, %dma_start3A_639] : memref<2097152x16xf32, #tpu.memory_space<hbm>> -> memref<2097152x16xf32, #tpu.memory_space<hbm>>
      tpu.enqueue_indirect_dma source(%dma_start3A_640 : memref<2097152x16xf32, #tpu.memory_space<hbm>>) target(%dma_start3A_630 : memref<128x16xf32, #tpu.memory_space<vmem>>) offsets(%dma_start3A_633 : memref<128xi32, #tpu.memory_space<vmem>>) semaphore(%arg21 : memref<!tpu.dma_semaphore, #tpu.memory_space<semaphore_mem>>)
      %dma_start3A_641 = arith.constant 7 : i32
      %dma_start3A_642 = arith.constant 896 : i32
      %dma_start3A_643 = arith.constant 0 : i32
      %dma_start3A_644 = tpu.memref_slice %arg10[%dma_start3A_642, %dma_start3A_643] : memref<2048x16xf32, #tpu.memory_space<vmem>> -> memref<128x16xf32, #tpu.memory_space<vmem>>
      %dma_start3A_645 = arith.constant 0 : i32
      %dma_start3A_646 = tpu.memref_slice %arg12[%dma_start3A_641, %dma_start3A_645] : memref<16x128xi32, #tpu.memory_space<vmem>> -> memref<1x128xi32, #tpu.memory_space<vmem>>
      %dma_start3A_647 = tpu.memref_squeeze %dma_start3A_646 : memref<1x128xi32, #tpu.memory_space<vmem>> -> memref<128xi32, #tpu.memory_space<vmem>>
      %dma_start3A_648 = arith.constant 0 : i32
      %dma_start3A_649 = arith.constant 0 : i32
      %dma_start3A_650 = tpu.memref_slice %arg6[%arg0, %dma_start3A_648, %dma_start3A_649] : memref<2x2097152x16xf32, #tpu.memory_space<hbm>> -> memref<1x2097152x16xf32, #tpu.memory_space<hbm>>
      %dma_start3A_651 = tpu.memref_squeeze %dma_start3A_650 : memref<1x2097152x16xf32, #tpu.memory_space<hbm>> -> memref<2097152x16xf32, #tpu.memory_space<hbm>>
      %dma_start3A_652 = arith.constant 0 : i32
      %dma_start3A_653 = arith.constant 0 : i32
      %dma_start3A_654 = tpu.memref_slice %dma_start3A_651[%dma_start3A_652, %dma_start3A_653] : memref<2097152x16xf32, #tpu.memory_space<hbm>> -> memref<2097152x16xf32, #tpu.memory_space<hbm>>
      tpu.enqueue_indirect_dma source(%dma_start3A_654 : memref<2097152x16xf32, #tpu.memory_space<hbm>>) target(%dma_start3A_644 : memref<128x16xf32, #tpu.memory_space<vmem>>) offsets(%dma_start3A_647 : memref<128xi32, #tpu.memory_space<vmem>>) semaphore(%arg21 : memref<!tpu.dma_semaphore, #tpu.memory_space<semaphore_mem>>)
      %dma_start3A_655 = arith.constant 8 : i32
      %dma_start3A_656 = arith.constant 1024 : i32
      %dma_start3A_657 = arith.constant 0 : i32
      %dma_start3A_658 = tpu.memref_slice %arg10[%dma_start3A_656, %dma_start3A_657] : memref<2048x16xf32, #tpu.memory_space<vmem>> -> memref<128x16xf32, #tpu.memory_space<vmem>>
      %dma_start3A_659 = arith.constant 0 : i32
      %dma_start3A_660 = tpu.memref_slice %arg12[%dma_start3A_655, %dma_start3A_659] : memref<16x128xi32, #tpu.memory_space<vmem>> -> memref<1x128xi32, #tpu.memory_space<vmem>>
      %dma_start3A_661 = tpu.memref_squeeze %dma_start3A_660 : memref<1x128xi32, #tpu.memory_space<vmem>> -> memref<128xi32, #tpu.memory_space<vmem>>
      %dma_start3A_662 = arith.constant 0 : i32
      %dma_start3A_663 = arith.constant 0 : i32
      %dma_start3A_664 = tpu.memref_slice %arg6[%arg0, %dma_start3A_662, %dma_start3A_663] : memref<2x2097152x16xf32, #tpu.memory_space<hbm>> -> memref<1x2097152x16xf32, #tpu.memory_space<hbm>>
      %dma_start3A_665 = tpu.memref_squeeze %dma_start3A_664 : memref<1x2097152x16xf32, #tpu.memory_space<hbm>> -> memref<2097152x16xf32, #tpu.memory_space<hbm>>
      %dma_start3A_666 = arith.constant 0 : i32
      %dma_start3A_667 = arith.constant 0 : i32
      %dma_start3A_668 = tpu.memref_slice %dma_start3A_665[%dma_start3A_666, %dma_start3A_667] : memref<2097152x16xf32, #tpu.memory_space<hbm>> -> memref<2097152x16xf32, #tpu.memory_space<hbm>>
      tpu.enqueue_indirect_dma source(%dma_start3A_668 : memref<2097152x16xf32, #tpu.memory_space<hbm>>) target(%dma_start3A_658 : memref<128x16xf32, #tpu.memory_space<vmem>>) offsets(%dma_start3A_661 : memref<128xi32, #tpu.memory_space<vmem>>) semaphore(%arg21 : memref<!tpu.dma_semaphore, #tpu.memory_space<semaphore_mem>>)
      %dma_start3A_669 = arith.constant 9 : i32
      %dma_start3A_670 = arith.constant 1152 : i32
      %dma_start3A_671 = arith.constant 0 : i32
      %dma_start3A_672 = tpu.memref_slice %arg10[%dma_start3A_670, %dma_start3A_671] : memref<2048x16xf32, #tpu.memory_space<vmem>> -> memref<128x16xf32, #tpu.memory_space<vmem>>
      %dma_start3A_673 = arith.constant 0 : i32
      %dma_start3A_674 = tpu.memref_slice %arg12[%dma_start3A_669, %dma_start3A_673] : memref<16x128xi32, #tpu.memory_space<vmem>> -> memref<1x128xi32, #tpu.memory_space<vmem>>
      %dma_start3A_675 = tpu.memref_squeeze %dma_start3A_674 : memref<1x128xi32, #tpu.memory_space<vmem>> -> memref<128xi32, #tpu.memory_space<vmem>>
      %dma_start3A_676 = arith.constant 0 : i32
      %dma_start3A_677 = arith.constant 0 : i32
      %dma_start3A_678 = tpu.memref_slice %arg6[%arg0, %dma_start3A_676, %dma_start3A_677] : memref<2x2097152x16xf32, #tpu.memory_space<hbm>> -> memref<1x2097152x16xf32, #tpu.memory_space<hbm>>
      %dma_start3A_679 = tpu.memref_squeeze %dma_start3A_678 : memref<1x2097152x16xf32, #tpu.memory_space<hbm>> -> memref<2097152x16xf32, #tpu.memory_space<hbm>>
      %dma_start3A_680 = arith.constant 0 : i32
      %dma_start3A_681 = arith.constant 0 : i32
      %dma_start3A_682 = tpu.memref_slice %dma_start3A_679[%dma_start3A_680, %dma_start3A_681] : memref<2097152x16xf32, #tpu.memory_space<hbm>> -> memref<2097152x16xf32, #tpu.memory_space<hbm>>
      tpu.enqueue_indirect_dma source(%dma_start3A_682 : memref<2097152x16xf32, #tpu.memory_space<hbm>>) target(%dma_start3A_672 : memref<128x16xf32, #tpu.memory_space<vmem>>) offsets(%dma_start3A_675 : memref<128xi32, #tpu.memory_space<vmem>>) semaphore(%arg21 : memref<!tpu.dma_semaphore, #tpu.memory_space<semaphore_mem>>)
      %dma_start3A_683 = arith.constant 10 : i32
      %dma_start3A_684 = arith.constant 1280 : i32
      %dma_start3A_685 = arith.constant 0 : i32
      %dma_start3A_686 = tpu.memref_slice %arg10[%dma_start3A_684, %dma_start3A_685] : memref<2048x16xf32, #tpu.memory_space<vmem>> -> memref<128x16xf32, #tpu.memory_space<vmem>>
      %dma_start3A_687 = arith.constant 0 : i32
      %dma_start3A_688 = tpu.memref_slice %arg12[%dma_start3A_683, %dma_start3A_687] : memref<16x128xi32, #tpu.memory_space<vmem>> -> memref<1x128xi32, #tpu.memory_space<vmem>>
      %dma_start3A_689 = tpu.memref_squeeze %dma_start3A_688 : memref<1x128xi32, #tpu.memory_space<vmem>> -> memref<128xi32, #tpu.memory_space<vmem>>
      %dma_start3A_690 = arith.constant 0 : i32
      %dma_start3A_691 = arith.constant 0 : i32
      %dma_start3A_692 = tpu.memref_slice %arg6[%arg0, %dma_start3A_690, %dma_start3A_691] : memref<2x2097152x16xf32, #tpu.memory_space<hbm>> -> memref<1x2097152x16xf32, #tpu.memory_space<hbm>>
      %dma_start3A_693 = tpu.memref_squeeze %dma_start3A_692 : memref<1x2097152x16xf32, #tpu.memory_space<hbm>> -> memref<2097152x16xf32, #tpu.memory_space<hbm>>
      %dma_start3A_694 = arith.constant 0 : i32
      %dma_start3A_695 = arith.constant 0 : i32
      %dma_start3A_696 = tpu.memref_slice %dma_start3A_693[%dma_start3A_694, %dma_start3A_695] : memref<2097152x16xf32, #tpu.memory_space<hbm>> -> memref<2097152x16xf32, #tpu.memory_space<hbm>>
      tpu.enqueue_indirect_dma source(%dma_start3A_696 : memref<2097152x16xf32, #tpu.memory_space<hbm>>) target(%dma_start3A_686 : memref<128x16xf32, #tpu.memory_space<vmem>>) offsets(%dma_start3A_689 : memref<128xi32, #tpu.memory_space<vmem>>) semaphore(%arg21 : memref<!tpu.dma_semaphore, #tpu.memory_space<semaphore_mem>>)
      %dma_start3A_697 = arith.constant 11 : i32
      %dma_start3A_698 = arith.constant 1408 : i32
      %dma_start3A_699 = arith.constant 0 : i32
      %dma_start3A_700 = tpu.memref_slice %arg10[%dma_start3A_698, %dma_start3A_699] : memref<2048x16xf32, #tpu.memory_space<vmem>> -> memref<128x16xf32, #tpu.memory_space<vmem>>
      %dma_start3A_701 = arith.constant 0 : i32
      %dma_start3A_702 = tpu.memref_slice %arg12[%dma_start3A_697, %dma_start3A_701] : memref<16x128xi32, #tpu.memory_space<vmem>> -> memref<1x128xi32, #tpu.memory_space<vmem>>
      %dma_start3A_703 = tpu.memref_squeeze %dma_start3A_702 : memref<1x128xi32, #tpu.memory_space<vmem>> -> memref<128xi32, #tpu.memory_space<vmem>>
      %dma_start3A_704 = arith.constant 0 : i32
      %dma_start3A_705 = arith.constant 0 : i32
      %dma_start3A_706 = tpu.memref_slice %arg6[%arg0, %dma_start3A_704, %dma_start3A_705] : memref<2x2097152x16xf32, #tpu.memory_space<hbm>> -> memref<1x2097152x16xf32, #tpu.memory_space<hbm>>
      %dma_start3A_707 = tpu.memref_squeeze %dma_start3A_706 : memref<1x2097152x16xf32, #tpu.memory_space<hbm>> -> memref<2097152x16xf32, #tpu.memory_space<hbm>>
      %dma_start3A_708 = arith.constant 0 : i32
      %dma_start3A_709 = arith.constant 0 : i32
      %dma_start3A_710 = tpu.memref_slice %dma_start3A_707[%dma_start3A_708, %dma_start3A_709] : memref<2097152x16xf32, #tpu.memory_space<hbm>> -> memref<2097152x16xf32, #tpu.memory_space<hbm>>
      tpu.enqueue_indirect_dma source(%dma_start3A_710 : memref<2097152x16xf32, #tpu.memory_space<hbm>>) target(%dma_start3A_700 : memref<128x16xf32, #tpu.memory_space<vmem>>) offsets(%dma_start3A_703 : memref<128xi32, #tpu.memory_space<vmem>>) semaphore(%arg21 : memref<!tpu.dma_semaphore, #tpu.memory_space<semaphore_mem>>)
      %dma_start3A_711 = arith.constant 12 : i32
      %dma_start3A_712 = arith.constant 1536 : i32
      %dma_start3A_713 = arith.constant 0 : i32
      %dma_start3A_714 = tpu.memref_slice %arg10[%dma_start3A_712, %dma_start3A_713] : memref<2048x16xf32, #tpu.memory_space<vmem>> -> memref<128x16xf32, #tpu.memory_space<vmem>>
      %dma_start3A_715 = arith.constant 0 : i32
      %dma_start3A_716 = tpu.memref_slice %arg12[%dma_start3A_711, %dma_start3A_715] : memref<16x128xi32, #tpu.memory_space<vmem>> -> memref<1x128xi32, #tpu.memory_space<vmem>>
      %dma_start3A_717 = tpu.memref_squeeze %dma_start3A_716 : memref<1x128xi32, #tpu.memory_space<vmem>> -> memref<128xi32, #tpu.memory_space<vmem>>
      %dma_start3A_718 = arith.constant 0 : i32
      %dma_start3A_719 = arith.constant 0 : i32
      %dma_start3A_720 = tpu.memref_slice %arg6[%arg0, %dma_start3A_718, %dma_start3A_719] : memref<2x2097152x16xf32, #tpu.memory_space<hbm>> -> memref<1x2097152x16xf32, #tpu.memory_space<hbm>>
      %dma_start3A_721 = tpu.memref_squeeze %dma_start3A_720 : memref<1x2097152x16xf32, #tpu.memory_space<hbm>> -> memref<2097152x16xf32, #tpu.memory_space<hbm>>
      %dma_start3A_722 = arith.constant 0 : i32
      %dma_start3A_723 = arith.constant 0 : i32
      %dma_start3A_724 = tpu.memref_slice %dma_start3A_721[%dma_start3A_722, %dma_start3A_723] : memref<2097152x16xf32, #tpu.memory_space<hbm>> -> memref<2097152x16xf32, #tpu.memory_space<hbm>>
      tpu.enqueue_indirect_dma source(%dma_start3A_724 : memref<2097152x16xf32, #tpu.memory_space<hbm>>) target(%dma_start3A_714 : memref<128x16xf32, #tpu.memory_space<vmem>>) offsets(%dma_start3A_717 : memref<128xi32, #tpu.memory_space<vmem>>) semaphore(%arg21 : memref<!tpu.dma_semaphore, #tpu.memory_space<semaphore_mem>>)
      %dma_start3A_725 = arith.constant 13 : i32
      %dma_start3A_726 = arith.constant 1664 : i32
      %dma_start3A_727 = arith.constant 0 : i32
      %dma_start3A_728 = tpu.memref_slice %arg10[%dma_start3A_726, %dma_start3A_727] : memref<2048x16xf32, #tpu.memory_space<vmem>> -> memref<128x16xf32, #tpu.memory_space<vmem>>
      %dma_start3A_729 = arith.constant 0 : i32
      %dma_start3A_730 = tpu.memref_slice %arg12[%dma_start3A_725, %dma_start3A_729] : memref<16x128xi32, #tpu.memory_space<vmem>> -> memref<1x128xi32, #tpu.memory_space<vmem>>
      %dma_start3A_731 = tpu.memref_squeeze %dma_start3A_730 : memref<1x128xi32, #tpu.memory_space<vmem>> -> memref<128xi32, #tpu.memory_space<vmem>>
      %dma_start3A_732 = arith.constant 0 : i32
      %dma_start3A_733 = arith.constant 0 : i32
      %dma_start3A_734 = tpu.memref_slice %arg6[%arg0, %dma_start3A_732, %dma_start3A_733] : memref<2x2097152x16xf32, #tpu.memory_space<hbm>> -> memref<1x2097152x16xf32, #tpu.memory_space<hbm>>
      %dma_start3A_735 = tpu.memref_squeeze %dma_start3A_734 : memref<1x2097152x16xf32, #tpu.memory_space<hbm>> -> memref<2097152x16xf32, #tpu.memory_space<hbm>>
      %dma_start3A_736 = arith.constant 0 : i32
      %dma_start3A_737 = arith.constant 0 : i32
      %dma_start3A_738 = tpu.memref_slice %dma_start3A_735[%dma_start3A_736, %dma_start3A_737] : memref<2097152x16xf32, #tpu.memory_space<hbm>> -> memref<2097152x16xf32, #tpu.memory_space<hbm>>
      tpu.enqueue_indirect_dma source(%dma_start3A_738 : memref<2097152x16xf32, #tpu.memory_space<hbm>>) target(%dma_start3A_728 : memref<128x16xf32, #tpu.memory_space<vmem>>) offsets(%dma_start3A_731 : memref<128xi32, #tpu.memory_space<vmem>>) semaphore(%arg21 : memref<!tpu.dma_semaphore, #tpu.memory_space<semaphore_mem>>)
      %dma_start3A_739 = arith.constant 14 : i32
      %dma_start3A_740 = arith.constant 1792 : i32
      %dma_start3A_741 = arith.constant 0 : i32
      %dma_start3A_742 = tpu.memref_slice %arg10[%dma_start3A_740, %dma_start3A_741] : memref<2048x16xf32, #tpu.memory_space<vmem>> -> memref<128x16xf32, #tpu.memory_space<vmem>>
      %dma_start3A_743 = arith.constant 0 : i32
      %dma_start3A_744 = tpu.memref_slice %arg12[%dma_start3A_739, %dma_start3A_743] : memref<16x128xi32, #tpu.memory_space<vmem>> -> memref<1x128xi32, #tpu.memory_space<vmem>>
      %dma_start3A_745 = tpu.memref_squeeze %dma_start3A_744 : memref<1x128xi32, #tpu.memory_space<vmem>> -> memref<128xi32, #tpu.memory_space<vmem>>
      %dma_start3A_746 = arith.constant 0 : i32
      %dma_start3A_747 = arith.constant 0 : i32
      %dma_start3A_748 = tpu.memref_slice %arg6[%arg0, %dma_start3A_746, %dma_start3A_747] : memref<2x2097152x16xf32, #tpu.memory_space<hbm>> -> memref<1x2097152x16xf32, #tpu.memory_space<hbm>>
      %dma_start3A_749 = tpu.memref_squeeze %dma_start3A_748 : memref<1x2097152x16xf32, #tpu.memory_space<hbm>> -> memref<2097152x16xf32, #tpu.memory_space<hbm>>
      %dma_start3A_750 = arith.constant 0 : i32
      %dma_start3A_751 = arith.constant 0 : i32
      %dma_start3A_752 = tpu.memref_slice %dma_start3A_749[%dma_start3A_750, %dma_start3A_751] : memref<2097152x16xf32, #tpu.memory_space<hbm>> -> memref<2097152x16xf32, #tpu.memory_space<hbm>>
      tpu.enqueue_indirect_dma source(%dma_start3A_752 : memref<2097152x16xf32, #tpu.memory_space<hbm>>) target(%dma_start3A_742 : memref<128x16xf32, #tpu.memory_space<vmem>>) offsets(%dma_start3A_745 : memref<128xi32, #tpu.memory_space<vmem>>) semaphore(%arg21 : memref<!tpu.dma_semaphore, #tpu.memory_space<semaphore_mem>>)
      %dma_start3A_753 = arith.constant 15 : i32
      %dma_start3A_754 = arith.constant 1920 : i32
      %dma_start3A_755 = arith.constant 0 : i32
      %dma_start3A_756 = tpu.memref_slice %arg10[%dma_start3A_754, %dma_start3A_755] : memref<2048x16xf32, #tpu.memory_space<vmem>> -> memref<128x16xf32, #tpu.memory_space<vmem>>
      %dma_start3A_757 = arith.constant 0 : i32
      %dma_start3A_758 = tpu.memref_slice %arg12[%dma_start3A_753, %dma_start3A_757] : memref<16x128xi32, #tpu.memory_space<vmem>> -> memref<1x128xi32, #tpu.memory_space<vmem>>
      %dma_start3A_759 = tpu.memref_squeeze %dma_start3A_758 : memref<1x128xi32, #tpu.memory_space<vmem>> -> memref<128xi32, #tpu.memory_space<vmem>>
      %dma_start3A_760 = arith.constant 0 : i32
      %dma_start3A_761 = arith.constant 0 : i32
      %dma_start3A_762 = tpu.memref_slice %arg6[%arg0, %dma_start3A_760, %dma_start3A_761] : memref<2x2097152x16xf32, #tpu.memory_space<hbm>> -> memref<1x2097152x16xf32, #tpu.memory_space<hbm>>
      %dma_start3A_763 = tpu.memref_squeeze %dma_start3A_762 : memref<1x2097152x16xf32, #tpu.memory_space<hbm>> -> memref<2097152x16xf32, #tpu.memory_space<hbm>>
      %dma_start3A_764 = arith.constant 0 : i32
      %dma_start3A_765 = arith.constant 0 : i32
      %dma_start3A_766 = tpu.memref_slice %dma_start3A_763[%dma_start3A_764, %dma_start3A_765] : memref<2097152x16xf32, #tpu.memory_space<hbm>> -> memref<2097152x16xf32, #tpu.memory_space<hbm>>
      tpu.enqueue_indirect_dma source(%dma_start3A_766 : memref<2097152x16xf32, #tpu.memory_space<hbm>>) target(%dma_start3A_756 : memref<128x16xf32, #tpu.memory_space<vmem>>) offsets(%dma_start3A_759 : memref<128xi32, #tpu.memory_space<vmem>>) semaphore(%arg21 : memref<!tpu.dma_semaphore, #tpu.memory_space<semaphore_mem>>)
      %add3A_767 = arith.addi %mul3A_147, %min3A_514 : i32
      %dma_start3A_768 = arith.constant 0 : i32
      %dma_start3A_769 = tpu.memref_slice %arg4[%add3A_767, %dma_start3A_768] : memref<2048x8192xf32, #tpu.memory_space<hbm>> -> memref<1x8192xf32, #tpu.memory_space<hbm>>
      %dma_start3A_770 = tpu.memref_squeeze %dma_start3A_769 : memref<1x8192xf32, #tpu.memory_space<hbm>> -> memref<8192xf32, #tpu.memory_space<hbm>>
      %dma_start3A_771 = arith.constant 0 : i32
      %dma_start3A_772 = tpu.memref_slice %arg4[%add3A_767, %dma_start3A_771] : memref<2048x8192xf32, #tpu.memory_space<hbm>> -> memref<1x8192xf32, #tpu.memory_space<hbm>>
      %dma_start3A_773 = tpu.memref_squeeze %dma_start3A_772 : memref<1x8192xf32, #tpu.memory_space<hbm>> -> memref<8192xf32, #tpu.memory_space<hbm>>
      tpu.enqueue_dma source(%dma_start3A_773 : memref<8192xf32, #tpu.memory_space<hbm>>) target(%arg14 : memref<8192xf32, #tpu.memory_space<vmem>>) target_semaphore(%arg22 : memref<!tpu.dma_semaphore, #tpu.memory_space<semaphore_mem>>)
      %ge3A = arith.constant 2 : i32
      %ge3A_774 = arith.cmpi sge, %add3A_510, %ge3A : i32
      %convert_element_type3A = arith.extui %ge3A_774 : i1 to i32
      %cond3A = arith.constant 0 : i32
      %cond3A_775 = arith.cmpi ne, %convert_element_type3A, %cond3A : i32
      scf.if %cond3A_775 {
        %dma_wait3A_1154 = arith.constant 0 : i32
        %dma_wait3A_1155 = arith.constant 0 : i32
        %dma_wait3A_1156 = arith.constant 0 : i32
        %dma_wait3A_1157 = tpu.memref_slice %arg15[%dma_wait3A_1154, %dma_wait3A_1156] : memref<3x2048xf32, #tpu.memory_space<vmem>> -> memref<1x2048xf32, #tpu.memory_space<vmem>>
        %dma_wait3A_1158 = tpu.memref_squeeze %dma_wait3A_1157 : memref<1x2048xf32, #tpu.memory_space<vmem>> -> memref<2048xf32, #tpu.memory_space<vmem>>
        %dma_wait3A_1159 = arith.constant 0 : i32
        %dma_wait3A_1160 = tpu.memref_slice %arg5[%dma_wait3A_1155, %dma_wait3A_1159] : memref<3x4194304xf32, #tpu.memory_space<hbm>> -> memref<1x2048xf32, #tpu.memory_space<hbm>>
        %dma_wait3A_1161 = tpu.memref_squeeze %dma_wait3A_1160 : memref<1x2048xf32, #tpu.memory_space<hbm>> -> memref<2048xf32, #tpu.memory_space<hbm>>
        %dma_wait3A_1162 = arith.constant 0 : i32
        %dma_wait3A_1163 = tpu.memref_slice %arg5[%dma_wait3A_1155, %dma_wait3A_1162] : memref<3x4194304xf32, #tpu.memory_space<hbm>> -> memref<1x2048xf32, #tpu.memory_space<hbm>>
        %dma_wait3A_1164 = tpu.memref_squeeze %dma_wait3A_1163 : memref<1x2048xf32, #tpu.memory_space<hbm>> -> memref<2048xf32, #tpu.memory_space<hbm>>
        %dma_wait3A_1165 = arith.constant 0 : i32
        %dma_wait3A_1166 = tpu.memref_slice %arg15[%dma_wait3A_1154, %dma_wait3A_1165] : memref<3x2048xf32, #tpu.memory_space<vmem>> -> memref<1x2048xf32, #tpu.memory_space<vmem>>
        %dma_wait3A_1167 = tpu.memref_squeeze %dma_wait3A_1166 : memref<1x2048xf32, #tpu.memory_space<vmem>> -> memref<2048xf32, #tpu.memory_space<vmem>>
        tpu.wait_dma2 semaphore(%arg23 : memref<!tpu.dma_semaphore, #tpu.memory_space<semaphore_mem>>) src(%dma_wait3A_1167 : memref<2048xf32, #tpu.memory_space<vmem>>) dst(%dma_wait3A_1164 : memref<2048xf32, #tpu.memory_space<hbm>>)
        %dma_wait3A_1168 = arith.constant 1 : i32
        %dma_wait3A_1169 = arith.constant 1 : i32
        %dma_wait3A_1170 = arith.constant 0 : i32
        %dma_wait3A_1171 = tpu.memref_slice %arg15[%dma_wait3A_1168, %dma_wait3A_1170] : memref<3x2048xf32, #tpu.memory_space<vmem>> -> memref<1x2048xf32, #tpu.memory_space<vmem>>
        %dma_wait3A_1172 = tpu.memref_squeeze %dma_wait3A_1171 : memref<1x2048xf32, #tpu.memory_space<vmem>> -> memref<2048xf32, #tpu.memory_space<vmem>>
        %dma_wait3A_1173 = arith.constant 0 : i32
        %dma_wait3A_1174 = tpu.memref_slice %arg5[%dma_wait3A_1169, %dma_wait3A_1173] : memref<3x4194304xf32, #tpu.memory_space<hbm>> -> memref<1x2048xf32, #tpu.memory_space<hbm>>
        %dma_wait3A_1175 = tpu.memref_squeeze %dma_wait3A_1174 : memref<1x2048xf32, #tpu.memory_space<hbm>> -> memref<2048xf32, #tpu.memory_space<hbm>>
        %dma_wait3A_1176 = arith.constant 0 : i32
        %dma_wait3A_1177 = tpu.memref_slice %arg5[%dma_wait3A_1169, %dma_wait3A_1176] : memref<3x4194304xf32, #tpu.memory_space<hbm>> -> memref<1x2048xf32, #tpu.memory_space<hbm>>
        %dma_wait3A_1178 = tpu.memref_squeeze %dma_wait3A_1177 : memref<1x2048xf32, #tpu.memory_space<hbm>> -> memref<2048xf32, #tpu.memory_space<hbm>>
        %dma_wait3A_1179 = arith.constant 0 : i32
        %dma_wait3A_1180 = tpu.memref_slice %arg15[%dma_wait3A_1168, %dma_wait3A_1179] : memref<3x2048xf32, #tpu.memory_space<vmem>> -> memref<1x2048xf32, #tpu.memory_space<vmem>>
        %dma_wait3A_1181 = tpu.memref_squeeze %dma_wait3A_1180 : memref<1x2048xf32, #tpu.memory_space<vmem>> -> memref<2048xf32, #tpu.memory_space<vmem>>
        tpu.wait_dma2 semaphore(%arg23 : memref<!tpu.dma_semaphore, #tpu.memory_space<semaphore_mem>>) src(%dma_wait3A_1181 : memref<2048xf32, #tpu.memory_space<vmem>>) dst(%dma_wait3A_1178 : memref<2048xf32, #tpu.memory_space<hbm>>)
        %dma_wait3A_1182 = arith.constant 2 : i32
        %dma_wait3A_1183 = arith.constant 2 : i32
        %dma_wait3A_1184 = arith.constant 0 : i32
        %dma_wait3A_1185 = tpu.memref_slice %arg15[%dma_wait3A_1182, %dma_wait3A_1184] : memref<3x2048xf32, #tpu.memory_space<vmem>> -> memref<1x2048xf32, #tpu.memory_space<vmem>>
        %dma_wait3A_1186 = tpu.memref_squeeze %dma_wait3A_1185 : memref<1x2048xf32, #tpu.memory_space<vmem>> -> memref<2048xf32, #tpu.memory_space<vmem>>
        %dma_wait3A_1187 = arith.constant 0 : i32
        %dma_wait3A_1188 = tpu.memref_slice %arg5[%dma_wait3A_1183, %dma_wait3A_1187] : memref<3x4194304xf32, #tpu.memory_space<hbm>> -> memref<1x2048xf32, #tpu.memory_space<hbm>>
        %dma_wait3A_1189 = tpu.memref_squeeze %dma_wait3A_1188 : memref<1x2048xf32, #tpu.memory_space<hbm>> -> memref<2048xf32, #tpu.memory_space<hbm>>
        %dma_wait3A_1190 = arith.constant 0 : i32
        %dma_wait3A_1191 = tpu.memref_slice %arg5[%dma_wait3A_1183, %dma_wait3A_1190] : memref<3x4194304xf32, #tpu.memory_space<hbm>> -> memref<1x2048xf32, #tpu.memory_space<hbm>>
        %dma_wait3A_1192 = tpu.memref_squeeze %dma_wait3A_1191 : memref<1x2048xf32, #tpu.memory_space<hbm>> -> memref<2048xf32, #tpu.memory_space<hbm>>
        %dma_wait3A_1193 = arith.constant 0 : i32
        %dma_wait3A_1194 = tpu.memref_slice %arg15[%dma_wait3A_1182, %dma_wait3A_1193] : memref<3x2048xf32, #tpu.memory_space<vmem>> -> memref<1x2048xf32, #tpu.memory_space<vmem>>
        %dma_wait3A_1195 = tpu.memref_squeeze %dma_wait3A_1194 : memref<1x2048xf32, #tpu.memory_space<vmem>> -> memref<2048xf32, #tpu.memory_space<vmem>>
        tpu.wait_dma2 semaphore(%arg23 : memref<!tpu.dma_semaphore, #tpu.memory_space<semaphore_mem>>) src(%dma_wait3A_1195 : memref<2048xf32, #tpu.memory_space<vmem>>) dst(%dma_wait3A_1192 : memref<2048xf32, #tpu.memory_space<hbm>>)
      } else {
      }
      %dma_wait3A_776 = arith.constant 0 : i32
      %dma_wait3A_777 = arith.constant 0 : i32
      %dma_wait3A_778 = tpu.memref_slice %arg4[%dma_wait3A_776, %dma_wait3A_777] : memref<2048x8192xf32, #tpu.memory_space<hbm>> -> memref<1x8192xf32, #tpu.memory_space<hbm>>
      %dma_wait3A_779 = tpu.memref_squeeze %dma_wait3A_778 : memref<1x8192xf32, #tpu.memory_space<hbm>> -> memref<8192xf32, #tpu.memory_space<hbm>>
      %dma_wait3A_780 = arith.constant 0 : i32
      %dma_wait3A_781 = tpu.memref_slice %arg4[%dma_wait3A_776, %dma_wait3A_780] : memref<2048x8192xf32, #tpu.memory_space<hbm>> -> memref<1x8192xf32, #tpu.memory_space<hbm>>
      %dma_wait3A_782 = tpu.memref_squeeze %dma_wait3A_781 : memref<1x8192xf32, #tpu.memory_space<hbm>> -> memref<8192xf32, #tpu.memory_space<hbm>>
      tpu.wait_dma2 semaphore(%arg22 : memref<!tpu.dma_semaphore, #tpu.memory_space<semaphore_mem>>) src(%dma_wait3A_782 : memref<8192xf32, #tpu.memory_space<hbm>>) dst(%arg13 : memref<8192xf32, #tpu.memory_space<vmem>>)
      %scan3A_783 = arith.constant 0 : i32
      %scan3A_784 = arith.constant 0 : i32
      %scan3A_785 = arith.constant 128 : i32
      %scan3A_786 = arith.addi %scan3A_784, %scan3A_785 : i32
      %scan3A_787 = arith.constant 1 : i32
      scf.for %scan3A_1154 = %scan3A_784 to %scan3A_786 step %scan3A_787  : i32 {
        %mul3A_1155 = arith.constant 16 : i32
        %mul3A_1156 = arith.muli %scan3A_1154, %mul3A_1155 : i32
        %add3A_1157 = vector.broadcast %mul3A_1156 : i32 to vector<16xi32>
        %add3A_1158 = arith.addi %add3A_1157, %iota3A : vector<16xi32>
        %mul3A_1159 = arith.constant 16 : i32
        %mul3A_1160 = arith.muli %scan3A_1154, %mul3A_1159 : i32
        %broadcast_in_dim3A = arith.constant 0 : i32
        %broadcast_in_dim3A_1161 = vector.broadcast %broadcast_in_dim3A : i32 to vector<16xi32>
        %gather3A = tpu.vector_load_idx %arg9[%add3A_1158, %broadcast_in_dim3A_1161] : memref<2048x16xf32, #tpu.memory_space<vmem>>[vector<16xi32>, vector<16xi32>], vector<16xf32>,
        %add3A_1162 = arith.constant 0 : i32
        %add3A_1163 = arith.addi %add3A_1162, %mul3A_1160 : i32
        %get3A = arith.index_cast %add3A_1163 : i32 to index
        %get3A_1164 = tpu.vector_load %arg13[%get3A] {strides = array<i32>} : memref<8192xf32, #tpu.memory_space<vmem>>, vector<16xf32>,
        %mul3A_1165 = arith.mulf %gather3A, %get3A_1164 : vector<16xf32>
        %broadcast_in_dim3A_1166 = arith.constant 3 : i32
        %broadcast_in_dim3A_1167 = vector.broadcast %broadcast_in_dim3A_1166 : i32 to vector<16xi32>
        %gather3A_1168 = tpu.vector_load_idx %arg9[%add3A_1158, %broadcast_in_dim3A_1167] : memref<2048x16xf32, #tpu.memory_space<vmem>>[vector<16xi32>, vector<16xi32>], vector<16xf32>,
        %add3A_1169 = arith.constant 2048 : i32
        %add3A_1170 = arith.addi %add3A_1169, %mul3A_1160 : i32
        %get3A_1171 = arith.index_cast %add3A_1170 : i32 to index
        %get3A_1172 = tpu.vector_load %arg13[%get3A_1171] {strides = array<i32>} : memref<8192xf32, #tpu.memory_space<vmem>>, vector<16xf32>,
        %mul3A_1173 = arith.mulf %gather3A_1168, %get3A_1172 : vector<16xf32>
        %add3A_1174 = arith.addf %mul3A_1165, %mul3A_1173 : vector<16xf32>
        %broadcast_in_dim3A_1175 = arith.constant 6 : i32
        %broadcast_in_dim3A_1176 = vector.broadcast %broadcast_in_dim3A_1175 : i32 to vector<16xi32>
        %gather3A_1177 = tpu.vector_load_idx %arg9[%add3A_1158, %broadcast_in_dim3A_1176] : memref<2048x16xf32, #tpu.memory_space<vmem>>[vector<16xi32>, vector<16xi32>], vector<16xf32>,
        %add3A_1178 = arith.constant 4096 : i32
        %add3A_1179 = arith.addi %add3A_1178, %mul3A_1160 : i32
        %get3A_1180 = arith.index_cast %add3A_1179 : i32 to index
        %get3A_1181 = tpu.vector_load %arg13[%get3A_1180] {strides = array<i32>} : memref<8192xf32, #tpu.memory_space<vmem>>, vector<16xf32>,
        %mul3A_1182 = arith.mulf %gather3A_1177, %get3A_1181 : vector<16xf32>
        %add3A_1183 = arith.addf %add3A_1174, %mul3A_1182 : vector<16xf32>
        %broadcast_in_dim3A_1184 = arith.constant 9 : i32
        %broadcast_in_dim3A_1185 = vector.broadcast %broadcast_in_dim3A_1184 : i32 to vector<16xi32>
        %gather3A_1186 = tpu.vector_load_idx %arg9[%add3A_1158, %broadcast_in_dim3A_1185] : memref<2048x16xf32, #tpu.memory_space<vmem>>[vector<16xi32>, vector<16xi32>], vector<16xf32>,
        %add3A_1187 = arith.constant 6144 : i32
        %add3A_1188 = arith.addi %add3A_1187, %mul3A_1160 : i32
        %get3A_1189 = arith.index_cast %add3A_1188 : i32 to index
        %get3A_1190 = tpu.vector_load %arg13[%get3A_1189] {strides = array<i32>} : memref<8192xf32, #tpu.memory_space<vmem>>, vector<16xf32>,
        %mul3A_1191 = arith.mulf %gather3A_1186, %get3A_1190 : vector<16xf32>
        %add3A_1192 = arith.addf %add3A_1183, %mul3A_1191 : vector<16xf32>
        %max3A = arith.constant 0.000000e+00 : f32
        %max3A_1193 = vector.broadcast %max3A : f32 to vector<16xf32>
        %max3A_1194 = arith.maximumf %add3A_1192, %max3A_1193 : vector<16xf32>
        %swap3A = arith.constant 0 : i32
        %swap3A_1195 = arith.index_cast %swap3A : i32 to index
        %swap3A_1196 = arith.index_cast %mul3A_1160 : i32 to index
        %swap3A_1197 = tpu.vector_load %arg15[%swap3A_1195, %swap3A_1196] {strides = array<i32>} : memref<3x2048xf32, #tpu.memory_space<vmem>>, vector<16xf32>,
        tpu.vector_store %arg15[%swap3A_1195, %swap3A_1196], %max3A_1194 {strides = array<i32>} : memref<3x2048xf32, #tpu.memory_space<vmem>>, vector<16xf32>,
        %broadcast_in_dim3A_1198 = arith.constant 1 : i32
        %broadcast_in_dim3A_1199 = vector.broadcast %broadcast_in_dim3A_1198 : i32 to vector<16xi32>
        %gather3A_1200 = tpu.vector_load_idx %arg9[%add3A_1158, %broadcast_in_dim3A_1199] : memref<2048x16xf32, #tpu.memory_space<vmem>>[vector<16xi32>, vector<16xi32>], vector<16xf32>,
        %add3A_1201 = arith.constant 0 : i32
        %add3A_1202 = arith.addi %add3A_1201, %mul3A_1160 : i32
        %get3A_1203 = arith.index_cast %add3A_1202 : i32 to index
        %get3A_1204 = tpu.vector_load %arg13[%get3A_1203] {strides = array<i32>} : memref<8192xf32, #tpu.memory_space<vmem>>, vector<16xf32>,
        %mul3A_1205 = arith.mulf %gather3A_1200, %get3A_1204 : vector<16xf32>
        %broadcast_in_dim3A_1206 = arith.constant 4 : i32
        %broadcast_in_dim3A_1207 = vector.broadcast %broadcast_in_dim3A_1206 : i32 to vector<16xi32>
        %gather3A_1208 = tpu.vector_load_idx %arg9[%add3A_1158, %broadcast_in_dim3A_1207] : memref<2048x16xf32, #tpu.memory_space<vmem>>[vector<16xi32>, vector<16xi32>], vector<16xf32>,
        %add3A_1209 = arith.constant 2048 : i32
        %add3A_1210 = arith.addi %add3A_1209, %mul3A_1160 : i32
        %get3A_1211 = arith.index_cast %add3A_1210 : i32 to index
        %get3A_1212 = tpu.vector_load %arg13[%get3A_1211] {strides = array<i32>} : memref<8192xf32, #tpu.memory_space<vmem>>, vector<16xf32>,
        %mul3A_1213 = arith.mulf %gather3A_1208, %get3A_1212 : vector<16xf32>
        %add3A_1214 = arith.addf %mul3A_1205, %mul3A_1213 : vector<16xf32>
        %broadcast_in_dim3A_1215 = arith.constant 7 : i32
        %broadcast_in_dim3A_1216 = vector.broadcast %broadcast_in_dim3A_1215 : i32 to vector<16xi32>
        %gather3A_1217 = tpu.vector_load_idx %arg9[%add3A_1158, %broadcast_in_dim3A_1216] : memref<2048x16xf32, #tpu.memory_space<vmem>>[vector<16xi32>, vector<16xi32>], vector<16xf32>,
        %add3A_1218 = arith.constant 4096 : i32
        %add3A_1219 = arith.addi %add3A_1218, %mul3A_1160 : i32
        %get3A_1220 = arith.index_cast %add3A_1219 : i32 to index
        %get3A_1221 = tpu.vector_load %arg13[%get3A_1220] {strides = array<i32>} : memref<8192xf32, #tpu.memory_space<vmem>>, vector<16xf32>,
        %mul3A_1222 = arith.mulf %gather3A_1217, %get3A_1221 : vector<16xf32>
        %add3A_1223 = arith.addf %add3A_1214, %mul3A_1222 : vector<16xf32>
        %broadcast_in_dim3A_1224 = arith.constant 10 : i32
        %broadcast_in_dim3A_1225 = vector.broadcast %broadcast_in_dim3A_1224 : i32 to vector<16xi32>
        %gather3A_1226 = tpu.vector_load_idx %arg9[%add3A_1158, %broadcast_in_dim3A_1225] : memref<2048x16xf32, #tpu.memory_space<vmem>>[vector<16xi32>, vector<16xi32>], vector<16xf32>,
        %add3A_1227 = arith.constant 6144 : i32
        %add3A_1228 = arith.addi %add3A_1227, %mul3A_1160 : i32
        %get3A_1229 = arith.index_cast %add3A_1228 : i32 to index
        %get3A_1230 = tpu.vector_load %arg13[%get3A_1229] {strides = array<i32>} : memref<8192xf32, #tpu.memory_space<vmem>>, vector<16xf32>,
        %mul3A_1231 = arith.mulf %gather3A_1226, %get3A_1230 : vector<16xf32>
        %add3A_1232 = arith.addf %add3A_1223, %mul3A_1231 : vector<16xf32>
        %max3A_1233 = arith.constant 0.000000e+00 : f32
        %max3A_1234 = vector.broadcast %max3A_1233 : f32 to vector<16xf32>
        %max3A_1235 = arith.maximumf %add3A_1232, %max3A_1234 : vector<16xf32>
        %swap3A_1236 = arith.constant 1 : i32
        %swap3A_1237 = arith.index_cast %swap3A_1236 : i32 to index
        %swap3A_1238 = arith.index_cast %mul3A_1160 : i32 to index
        %swap3A_1239 = tpu.vector_load %arg15[%swap3A_1237, %swap3A_1238] {strides = array<i32>} : memref<3x2048xf32, #tpu.memory_space<vmem>>, vector<16xf32>,
        tpu.vector_store %arg15[%swap3A_1237, %swap3A_1238], %max3A_1235 {strides = array<i32>} : memref<3x2048xf32, #tpu.memory_space<vmem>>, vector<16xf32>,
        %broadcast_in_dim3A_1240 = arith.constant 2 : i32
        %broadcast_in_dim3A_1241 = vector.broadcast %broadcast_in_dim3A_1240 : i32 to vector<16xi32>
        %gather3A_1242 = tpu.vector_load_idx %arg9[%add3A_1158, %broadcast_in_dim3A_1241] : memref<2048x16xf32, #tpu.memory_space<vmem>>[vector<16xi32>, vector<16xi32>], vector<16xf32>,
        %add3A_1243 = arith.constant 0 : i32
        %add3A_1244 = arith.addi %add3A_1243, %mul3A_1160 : i32
        %get3A_1245 = arith.index_cast %add3A_1244 : i32 to index
        %get3A_1246 = tpu.vector_load %arg13[%get3A_1245] {strides = array<i32>} : memref<8192xf32, #tpu.memory_space<vmem>>, vector<16xf32>,
        %mul3A_1247 = arith.mulf %gather3A_1242, %get3A_1246 : vector<16xf32>
        %broadcast_in_dim3A_1248 = arith.constant 5 : i32
        %broadcast_in_dim3A_1249 = vector.broadcast %broadcast_in_dim3A_1248 : i32 to vector<16xi32>
        %gather3A_1250 = tpu.vector_load_idx %arg9[%add3A_1158, %broadcast_in_dim3A_1249] : memref<2048x16xf32, #tpu.memory_space<vmem>>[vector<16xi32>, vector<16xi32>], vector<16xf32>,
        %add3A_1251 = arith.constant 2048 : i32
        %add3A_1252 = arith.addi %add3A_1251, %mul3A_1160 : i32
        %get3A_1253 = arith.index_cast %add3A_1252 : i32 to index
        %get3A_1254 = tpu.vector_load %arg13[%get3A_1253] {strides = array<i32>} : memref<8192xf32, #tpu.memory_space<vmem>>, vector<16xf32>,
        %mul3A_1255 = arith.mulf %gather3A_1250, %get3A_1254 : vector<16xf32>
        %add3A_1256 = arith.addf %mul3A_1247, %mul3A_1255 : vector<16xf32>
        %broadcast_in_dim3A_1257 = arith.constant 8 : i32
        %broadcast_in_dim3A_1258 = vector.broadcast %broadcast_in_dim3A_1257 : i32 to vector<16xi32>
        %gather3A_1259 = tpu.vector_load_idx %arg9[%add3A_1158, %broadcast_in_dim3A_1258] : memref<2048x16xf32, #tpu.memory_space<vmem>>[vector<16xi32>, vector<16xi32>], vector<16xf32>,
        %add3A_1260 = arith.constant 4096 : i32
        %add3A_1261 = arith.addi %add3A_1260, %mul3A_1160 : i32
        %get3A_1262 = arith.index_cast %add3A_1261 : i32 to index
        %get3A_1263 = tpu.vector_load %arg13[%get3A_1262] {strides = array<i32>} : memref<8192xf32, #tpu.memory_space<vmem>>, vector<16xf32>,
        %mul3A_1264 = arith.mulf %gather3A_1259, %get3A_1263 : vector<16xf32>
        %add3A_1265 = arith.addf %add3A_1256, %mul3A_1264 : vector<16xf32>
        %broadcast_in_dim3A_1266 = arith.constant 11 : i32
        %broadcast_in_dim3A_1267 = vector.broadcast %broadcast_in_dim3A_1266 : i32 to vector<16xi32>
        %gather3A_1268 = tpu.vector_load_idx %arg9[%add3A_1158, %broadcast_in_dim3A_1267] : memref<2048x16xf32, #tpu.memory_space<vmem>>[vector<16xi32>, vector<16xi32>], vector<16xf32>,
        %add3A_1269 = arith.constant 6144 : i32
        %add3A_1270 = arith.addi %add3A_1269, %mul3A_1160 : i32
        %get3A_1271 = arith.index_cast %add3A_1270 : i32 to index
        %get3A_1272 = tpu.vector_load %arg13[%get3A_1271] {strides = array<i32>} : memref<8192xf32, #tpu.memory_space<vmem>>, vector<16xf32>,
        %mul3A_1273 = arith.mulf %gather3A_1268, %get3A_1272 : vector<16xf32>
        %add3A_1274 = arith.addf %add3A_1265, %mul3A_1273 : vector<16xf32>
        %max3A_1275 = arith.constant 0.000000e+00 : f32
        %max3A_1276 = vector.broadcast %max3A_1275 : f32 to vector<16xf32>
        %max3A_1277 = arith.maximumf %add3A_1274, %max3A_1276 : vector<16xf32>
        %swap3A_1278 = arith.constant 2 : i32
        %swap3A_1279 = arith.index_cast %swap3A_1278 : i32 to index
        %swap3A_1280 = arith.index_cast %mul3A_1160 : i32 to index
        %swap3A_1281 = tpu.vector_load %arg15[%swap3A_1279, %swap3A_1280] {strides = array<i32>} : memref<3x2048xf32, #tpu.memory_space<vmem>>, vector<16xf32>,
        tpu.vector_store %arg15[%swap3A_1279, %swap3A_1280], %max3A_1277 {strides = array<i32>} : memref<3x2048xf32, #tpu.memory_space<vmem>>, vector<16xf32>,
      }
      %scan3A_788 = arith.constant 128 : i32
      %mul3A_789 = arith.constant 2048 : i32
      %mul3A_790 = arith.muli %add3A_510, %mul3A_789 : i32
      %add3A_791 = arith.addi %mul3A_149, %mul3A_790 : i32
      %multiple_of3A_792 = tpu.assume_multiple %add3A_791, 2048 : i32
      %dma_start3A_793 = arith.constant 0 : i32
      %dma_start3A_794 = arith.constant 0 : i32
      %dma_start3A_795 = arith.constant 0 : i32
      %dma_start3A_796 = tpu.memref_slice %arg15[%dma_start3A_793, %dma_start3A_795] : memref<3x2048xf32, #tpu.memory_space<vmem>> -> memref<1x2048xf32, #tpu.memory_space<vmem>>
      %dma_start3A_797 = tpu.memref_squeeze %dma_start3A_796 : memref<1x2048xf32, #tpu.memory_space<vmem>> -> memref<2048xf32, #tpu.memory_space<vmem>>
      %dma_start3A_798 = tpu.memref_slice %arg5[%dma_start3A_794, %multiple_of3A_792] : memref<3x4194304xf32, #tpu.memory_space<hbm>> -> memref<1x2048xf32, #tpu.memory_space<hbm>>
      %dma_start3A_799 = tpu.memref_squeeze %dma_start3A_798 : memref<1x2048xf32, #tpu.memory_space<hbm>> -> memref<2048xf32, #tpu.memory_space<hbm>>
      %dma_start3A_800 = tpu.memref_slice %arg5[%dma_start3A_794, %multiple_of3A_792] : memref<3x4194304xf32, #tpu.memory_space<hbm>> -> memref<1x2048xf32, #tpu.memory_space<hbm>>
      %dma_start3A_801 = tpu.memref_squeeze %dma_start3A_800 : memref<1x2048xf32, #tpu.memory_space<hbm>> -> memref<2048xf32, #tpu.memory_space<hbm>>
      %dma_start3A_802 = arith.constant 0 : i32
      %dma_start3A_803 = tpu.memref_slice %arg15[%dma_start3A_793, %dma_start3A_802] : memref<3x2048xf32, #tpu.memory_space<vmem>> -> memref<1x2048xf32, #tpu.memory_space<vmem>>
      %dma_start3A_804 = tpu.memref_squeeze %dma_start3A_803 : memref<1x2048xf32, #tpu.memory_space<vmem>> -> memref<2048xf32, #tpu.memory_space<vmem>>
      tpu.enqueue_dma source(%dma_start3A_804 : memref<2048xf32, #tpu.memory_space<vmem>>) target(%dma_start3A_801 : memref<2048xf32, #tpu.memory_space<hbm>>) target_semaphore(%arg23 : memref<!tpu.dma_semaphore, #tpu.memory_space<semaphore_mem>>)
      %dma_start3A_805 = arith.constant 1 : i32
      %dma_start3A_806 = arith.constant 1 : i32
      %dma_start3A_807 = arith.constant 0 : i32
      %dma_start3A_808 = tpu.memref_slice %arg15[%dma_start3A_805, %dma_start3A_807] : memref<3x2048xf32, #tpu.memory_space<vmem>> -> memref<1x2048xf32, #tpu.memory_space<vmem>>
      %dma_start3A_809 = tpu.memref_squeeze %dma_start3A_808 : memref<1x2048xf32, #tpu.memory_space<vmem>> -> memref<2048xf32, #tpu.memory_space<vmem>>
      %dma_start3A_810 = tpu.memref_slice %arg5[%dma_start3A_806, %multiple_of3A_792] : memref<3x4194304xf32, #tpu.memory_space<hbm>> -> memref<1x2048xf32, #tpu.memory_space<hbm>>
      %dma_start3A_811 = tpu.memref_squeeze %dma_start3A_810 : memref<1x2048xf32, #tpu.memory_space<hbm>> -> memref<2048xf32, #tpu.memory_space<hbm>>
      %dma_start3A_812 = tpu.memref_slice %arg5[%dma_start3A_806, %multiple_of3A_792] : memref<3x4194304xf32, #tpu.memory_space<hbm>> -> memref<1x2048xf32, #tpu.memory_space<hbm>>
      %dma_start3A_813 = tpu.memref_squeeze %dma_start3A_812 : memref<1x2048xf32, #tpu.memory_space<hbm>> -> memref<2048xf32, #tpu.memory_space<hbm>>
      %dma_start3A_814 = arith.constant 0 : i32
      %dma_start3A_815 = tpu.memref_slice %arg15[%dma_start3A_805, %dma_start3A_814] : memref<3x2048xf32, #tpu.memory_space<vmem>> -> memref<1x2048xf32, #tpu.memory_space<vmem>>
      %dma_start3A_816 = tpu.memref_squeeze %dma_start3A_815 : memref<1x2048xf32, #tpu.memory_space<vmem>> -> memref<2048xf32, #tpu.memory_space<vmem>>
      tpu.enqueue_dma source(%dma_start3A_816 : memref<2048xf32, #tpu.memory_space<vmem>>) target(%dma_start3A_813 : memref<2048xf32, #tpu.memory_space<hbm>>) target_semaphore(%arg23 : memref<!tpu.dma_semaphore, #tpu.memory_space<semaphore_mem>>)
      %dma_start3A_817 = arith.constant 2 : i32
      %dma_start3A_818 = arith.constant 2 : i32
      %dma_start3A_819 = arith.constant 0 : i32
      %dma_start3A_820 = tpu.memref_slice %arg15[%dma_start3A_817, %dma_start3A_819] : memref<3x2048xf32, #tpu.memory_space<vmem>> -> memref<1x2048xf32, #tpu.memory_space<vmem>>
      %dma_start3A_821 = tpu.memref_squeeze %dma_start3A_820 : memref<1x2048xf32, #tpu.memory_space<vmem>> -> memref<2048xf32, #tpu.memory_space<vmem>>
      %dma_start3A_822 = tpu.memref_slice %arg5[%dma_start3A_818, %multiple_of3A_792] : memref<3x4194304xf32, #tpu.memory_space<hbm>> -> memref<1x2048xf32, #tpu.memory_space<hbm>>
      %dma_start3A_823 = tpu.memref_squeeze %dma_start3A_822 : memref<1x2048xf32, #tpu.memory_space<hbm>> -> memref<2048xf32, #tpu.memory_space<hbm>>
      %dma_start3A_824 = tpu.memref_slice %arg5[%dma_start3A_818, %multiple_of3A_792] : memref<3x4194304xf32, #tpu.memory_space<hbm>> -> memref<1x2048xf32, #tpu.memory_space<hbm>>
      %dma_start3A_825 = tpu.memref_squeeze %dma_start3A_824 : memref<1x2048xf32, #tpu.memory_space<hbm>> -> memref<2048xf32, #tpu.memory_space<hbm>>
      %dma_start3A_826 = arith.constant 0 : i32
      %dma_start3A_827 = tpu.memref_slice %arg15[%dma_start3A_817, %dma_start3A_826] : memref<3x2048xf32, #tpu.memory_space<vmem>> -> memref<1x2048xf32, #tpu.memory_space<vmem>>
      %dma_start3A_828 = tpu.memref_squeeze %dma_start3A_827 : memref<1x2048xf32, #tpu.memory_space<vmem>> -> memref<2048xf32, #tpu.memory_space<vmem>>
      tpu.enqueue_dma source(%dma_start3A_828 : memref<2048xf32, #tpu.memory_space<vmem>>) target(%dma_start3A_825 : memref<2048xf32, #tpu.memory_space<hbm>>) target_semaphore(%arg23 : memref<!tpu.dma_semaphore, #tpu.memory_space<semaphore_mem>>)
      %mul3A_829 = arith.constant 2 : i32
      %mul3A_830 = arith.muli %scan3A_506, %mul3A_829 : i32
      %add3A_831 = arith.constant 1 : i32
      %add3A_832 = arith.addi %mul3A_830, %add3A_831 : i32
      %add3A_833 = arith.constant 1 : i32
      %add3A_834 = arith.addi %add3A_832, %add3A_833 : i32
      %min3A_835 = arith.constant 63 : i32
      %min3A_836 = arith.minsi %add3A_834, %min3A_835 : i32
      %mul3A_837 = arith.constant 16 : i32
      %mul3A_838 = arith.muli %min3A_836, %mul3A_837 : i32
      %add3A_839 = arith.addi %mul3A_145, %mul3A_838 : i32
      %multiple_of3A_840 = tpu.assume_multiple %add3A_839, 16 : i32
      %dma_start3A_841 = arith.constant 0 : i32
      %dma_start3A_842 = tpu.memref_slice %arg3[%multiple_of3A_840, %dma_start3A_841] : memref<32768x128xi32, #tpu.memory_space<hbm>> -> memref<16x128xi32, #tpu.memory_space<hbm>>
      %dma_start3A_843 = arith.constant 0 : i32
      %dma_start3A_844 = tpu.memref_slice %arg3[%multiple_of3A_840, %dma_start3A_843] : memref<32768x128xi32, #tpu.memory_space<hbm>> -> memref<16x128xi32, #tpu.memory_space<hbm>>
      tpu.enqueue_dma source(%dma_start3A_844 : memref<16x128xi32, #tpu.memory_space<hbm>>) target(%arg11 : memref<16x128xi32, #tpu.memory_space<vmem>>) target_semaphore(%arg20 : memref<!tpu.dma_semaphore, #tpu.memory_space<semaphore_mem>>)
      %dma_wait3A_845 = arith.constant 0 : i32
      %dma_wait3A_846 = arith.constant 0 : i32
      %dma_wait3A_847 = tpu.memref_slice %arg6[%arg0, %dma_wait3A_845, %dma_wait3A_846] : memref<2x2097152x16xf32, #tpu.memory_space<hbm>> -> memref<1x2097152x16xf32, #tpu.memory_space<hbm>>
      %dma_wait3A_848 = tpu.memref_squeeze %dma_wait3A_847 : memref<1x2097152x16xf32, #tpu.memory_space<hbm>> -> memref<2097152x16xf32, #tpu.memory_space<hbm>>
      %dma_wait3A_849 = arith.constant 0 : i32
      %dma_wait3A_850 = arith.constant 0 : i32
      %dma_wait3A_851 = tpu.memref_slice %dma_wait3A_848[%dma_wait3A_849, %dma_wait3A_850] : memref<2097152x16xf32, #tpu.memory_space<hbm>> -> memref<2048x16xf32, #tpu.memory_space<hbm>>
      %dma_wait3A_852 = arith.constant 0 : i32
      %dma_wait3A_853 = arith.constant 0 : i32
      %dma_wait3A_854 = tpu.memref_slice %arg6[%arg0, %dma_wait3A_852, %dma_wait3A_853] : memref<2x2097152x16xf32, #tpu.memory_space<hbm>> -> memref<1x2097152x16xf32, #tpu.memory_space<hbm>>
      %dma_wait3A_855 = tpu.memref_squeeze %dma_wait3A_854 : memref<1x2097152x16xf32, #tpu.memory_space<hbm>> -> memref<2097152x16xf32, #tpu.memory_space<hbm>>
      %dma_wait3A_856 = arith.constant 0 : i32
      %dma_wait3A_857 = arith.constant 0 : i32
      %dma_wait3A_858 = tpu.memref_slice %dma_wait3A_855[%dma_wait3A_856, %dma_wait3A_857] : memref<2097152x16xf32, #tpu.memory_space<hbm>> -> memref<2048x16xf32, #tpu.memory_space<hbm>>
      tpu.wait_dma2 semaphore(%arg21 : memref<!tpu.dma_semaphore, #tpu.memory_space<semaphore_mem>>) src(%dma_wait3A_858 : memref<2048x16xf32, #tpu.memory_space<hbm>>) dst(%arg10 : memref<2048x16xf32, #tpu.memory_space<vmem>>)
      %dma_wait3A_859 = arith.constant 0 : i32
      %dma_wait3A_860 = arith.constant 0 : i32
      %dma_wait3A_861 = tpu.memref_slice %arg3[%dma_wait3A_859, %dma_wait3A_860] : memref<32768x128xi32, #tpu.memory_space<hbm>> -> memref<16x128xi32, #tpu.memory_space<hbm>>
      %dma_wait3A_862 = arith.constant 0 : i32
      %dma_wait3A_863 = arith.constant 0 : i32
      %dma_wait3A_864 = tpu.memref_slice %arg3[%dma_wait3A_862, %dma_wait3A_863] : memref<32768x128xi32, #tpu.memory_space<hbm>> -> memref<16x128xi32, #tpu.memory_space<hbm>>
      tpu.wait_dma2 semaphore(%arg20 : memref<!tpu.dma_semaphore, #tpu.memory_space<semaphore_mem>>) src(%dma_wait3A_864 : memref<16x128xi32, #tpu.memory_space<hbm>>) dst(%arg11 : memref<16x128xi32, #tpu.memory_space<vmem>>)
      %dma_start3A_865 = arith.constant 0 : i32
      %dma_start3A_866 = arith.constant 0 : i32
      %dma_start3A_867 = arith.constant 0 : i32
      %dma_start3A_868 = tpu.memref_slice %arg9[%dma_start3A_866, %dma_start3A_867] : memref<2048x16xf32, #tpu.memory_space<vmem>> -> memref<128x16xf32, #tpu.memory_space<vmem>>
      %dma_start3A_869 = arith.constant 0 : i32
      %dma_start3A_870 = tpu.memref_slice %arg11[%dma_start3A_865, %dma_start3A_869] : memref<16x128xi32, #tpu.memory_space<vmem>> -> memref<1x128xi32, #tpu.memory_space<vmem>>
      %dma_start3A_871 = tpu.memref_squeeze %dma_start3A_870 : memref<1x128xi32, #tpu.memory_space<vmem>> -> memref<128xi32, #tpu.memory_space<vmem>>
      %dma_start3A_872 = arith.constant 0 : i32
      %dma_start3A_873 = arith.constant 0 : i32
      %dma_start3A_874 = tpu.memref_slice %arg6[%arg0, %dma_start3A_872, %dma_start3A_873] : memref<2x2097152x16xf32, #tpu.memory_space<hbm>> -> memref<1x2097152x16xf32, #tpu.memory_space<hbm>>
      %dma_start3A_875 = tpu.memref_squeeze %dma_start3A_874 : memref<1x2097152x16xf32, #tpu.memory_space<hbm>> -> memref<2097152x16xf32, #tpu.memory_space<hbm>>
      %dma_start3A_876 = arith.constant 0 : i32
      %dma_start3A_877 = arith.constant 0 : i32
      %dma_start3A_878 = tpu.memref_slice %dma_start3A_875[%dma_start3A_876, %dma_start3A_877] : memref<2097152x16xf32, #tpu.memory_space<hbm>> -> memref<2097152x16xf32, #tpu.memory_space<hbm>>
      tpu.enqueue_indirect_dma source(%dma_start3A_878 : memref<2097152x16xf32, #tpu.memory_space<hbm>>) target(%dma_start3A_868 : memref<128x16xf32, #tpu.memory_space<vmem>>) offsets(%dma_start3A_871 : memref<128xi32, #tpu.memory_space<vmem>>) semaphore(%arg21 : memref<!tpu.dma_semaphore, #tpu.memory_space<semaphore_mem>>)
      %dma_start3A_879 = arith.constant 1 : i32
      %dma_start3A_880 = arith.constant 128 : i32
      %dma_start3A_881 = arith.constant 0 : i32
      %dma_start3A_882 = tpu.memref_slice %arg9[%dma_start3A_880, %dma_start3A_881] : memref<2048x16xf32, #tpu.memory_space<vmem>> -> memref<128x16xf32, #tpu.memory_space<vmem>>
      %dma_start3A_883 = arith.constant 0 : i32
      %dma_start3A_884 = tpu.memref_slice %arg11[%dma_start3A_879, %dma_start3A_883] : memref<16x128xi32, #tpu.memory_space<vmem>> -> memref<1x128xi32, #tpu.memory_space<vmem>>
      %dma_start3A_885 = tpu.memref_squeeze %dma_start3A_884 : memref<1x128xi32, #tpu.memory_space<vmem>> -> memref<128xi32, #tpu.memory_space<vmem>>
      %dma_start3A_886 = arith.constant 0 : i32
      %dma_start3A_887 = arith.constant 0 : i32
      %dma_start3A_888 = tpu.memref_slice %arg6[%arg0, %dma_start3A_886, %dma_start3A_887] : memref<2x2097152x16xf32, #tpu.memory_space<hbm>> -> memref<1x2097152x16xf32, #tpu.memory_space<hbm>>
      %dma_start3A_889 = tpu.memref_squeeze %dma_start3A_888 : memref<1x2097152x16xf32, #tpu.memory_space<hbm>> -> memref<2097152x16xf32, #tpu.memory_space<hbm>>
      %dma_start3A_890 = arith.constant 0 : i32
      %dma_start3A_891 = arith.constant 0 : i32
      %dma_start3A_892 = tpu.memref_slice %dma_start3A_889[%dma_start3A_890, %dma_start3A_891] : memref<2097152x16xf32, #tpu.memory_space<hbm>> -> memref<2097152x16xf32, #tpu.memory_space<hbm>>
      tpu.enqueue_indirect_dma source(%dma_start3A_892 : memref<2097152x16xf32, #tpu.memory_space<hbm>>) target(%dma_start3A_882 : memref<128x16xf32, #tpu.memory_space<vmem>>) offsets(%dma_start3A_885 : memref<128xi32, #tpu.memory_space<vmem>>) semaphore(%arg21 : memref<!tpu.dma_semaphore, #tpu.memory_space<semaphore_mem>>)
      %dma_start3A_893 = arith.constant 2 : i32
      %dma_start3A_894 = arith.constant 256 : i32
      %dma_start3A_895 = arith.constant 0 : i32
      %dma_start3A_896 = tpu.memref_slice %arg9[%dma_start3A_894, %dma_start3A_895] : memref<2048x16xf32, #tpu.memory_space<vmem>> -> memref<128x16xf32, #tpu.memory_space<vmem>>
      %dma_start3A_897 = arith.constant 0 : i32
      %dma_start3A_898 = tpu.memref_slice %arg11[%dma_start3A_893, %dma_start3A_897] : memref<16x128xi32, #tpu.memory_space<vmem>> -> memref<1x128xi32, #tpu.memory_space<vmem>>
      %dma_start3A_899 = tpu.memref_squeeze %dma_start3A_898 : memref<1x128xi32, #tpu.memory_space<vmem>> -> memref<128xi32, #tpu.memory_space<vmem>>
      %dma_start3A_900 = arith.constant 0 : i32
      %dma_start3A_901 = arith.constant 0 : i32
      %dma_start3A_902 = tpu.memref_slice %arg6[%arg0, %dma_start3A_900, %dma_start3A_901] : memref<2x2097152x16xf32, #tpu.memory_space<hbm>> -> memref<1x2097152x16xf32, #tpu.memory_space<hbm>>
      %dma_start3A_903 = tpu.memref_squeeze %dma_start3A_902 : memref<1x2097152x16xf32, #tpu.memory_space<hbm>> -> memref<2097152x16xf32, #tpu.memory_space<hbm>>
      %dma_start3A_904 = arith.constant 0 : i32
      %dma_start3A_905 = arith.constant 0 : i32
      %dma_start3A_906 = tpu.memref_slice %dma_start3A_903[%dma_start3A_904, %dma_start3A_905] : memref<2097152x16xf32, #tpu.memory_space<hbm>> -> memref<2097152x16xf32, #tpu.memory_space<hbm>>
      tpu.enqueue_indirect_dma source(%dma_start3A_906 : memref<2097152x16xf32, #tpu.memory_space<hbm>>) target(%dma_start3A_896 : memref<128x16xf32, #tpu.memory_space<vmem>>) offsets(%dma_start3A_899 : memref<128xi32, #tpu.memory_space<vmem>>) semaphore(%arg21 : memref<!tpu.dma_semaphore, #tpu.memory_space<semaphore_mem>>)
      %dma_start3A_907 = arith.constant 3 : i32
      %dma_start3A_908 = arith.constant 384 : i32
      %dma_start3A_909 = arith.constant 0 : i32
      %dma_start3A_910 = tpu.memref_slice %arg9[%dma_start3A_908, %dma_start3A_909] : memref<2048x16xf32, #tpu.memory_space<vmem>> -> memref<128x16xf32, #tpu.memory_space<vmem>>
      %dma_start3A_911 = arith.constant 0 : i32
      %dma_start3A_912 = tpu.memref_slice %arg11[%dma_start3A_907, %dma_start3A_911] : memref<16x128xi32, #tpu.memory_space<vmem>> -> memref<1x128xi32, #tpu.memory_space<vmem>>
      %dma_start3A_913 = tpu.memref_squeeze %dma_start3A_912 : memref<1x128xi32, #tpu.memory_space<vmem>> -> memref<128xi32, #tpu.memory_space<vmem>>
      %dma_start3A_914 = arith.constant 0 : i32
      %dma_start3A_915 = arith.constant 0 : i32
      %dma_start3A_916 = tpu.memref_slice %arg6[%arg0, %dma_start3A_914, %dma_start3A_915] : memref<2x2097152x16xf32, #tpu.memory_space<hbm>> -> memref<1x2097152x16xf32, #tpu.memory_space<hbm>>
      %dma_start3A_917 = tpu.memref_squeeze %dma_start3A_916 : memref<1x2097152x16xf32, #tpu.memory_space<hbm>> -> memref<2097152x16xf32, #tpu.memory_space<hbm>>
      %dma_start3A_918 = arith.constant 0 : i32
      %dma_start3A_919 = arith.constant 0 : i32
      %dma_start3A_920 = tpu.memref_slice %dma_start3A_917[%dma_start3A_918, %dma_start3A_919] : memref<2097152x16xf32, #tpu.memory_space<hbm>> -> memref<2097152x16xf32, #tpu.memory_space<hbm>>
      tpu.enqueue_indirect_dma source(%dma_start3A_920 : memref<2097152x16xf32, #tpu.memory_space<hbm>>) target(%dma_start3A_910 : memref<128x16xf32, #tpu.memory_space<vmem>>) offsets(%dma_start3A_913 : memref<128xi32, #tpu.memory_space<vmem>>) semaphore(%arg21 : memref<!tpu.dma_semaphore, #tpu.memory_space<semaphore_mem>>)
      %dma_start3A_921 = arith.constant 4 : i32
      %dma_start3A_922 = arith.constant 512 : i32
      %dma_start3A_923 = arith.constant 0 : i32
      %dma_start3A_924 = tpu.memref_slice %arg9[%dma_start3A_922, %dma_start3A_923] : memref<2048x16xf32, #tpu.memory_space<vmem>> -> memref<128x16xf32, #tpu.memory_space<vmem>>
      %dma_start3A_925 = arith.constant 0 : i32
      %dma_start3A_926 = tpu.memref_slice %arg11[%dma_start3A_921, %dma_start3A_925] : memref<16x128xi32, #tpu.memory_space<vmem>> -> memref<1x128xi32, #tpu.memory_space<vmem>>
      %dma_start3A_927 = tpu.memref_squeeze %dma_start3A_926 : memref<1x128xi32, #tpu.memory_space<vmem>> -> memref<128xi32, #tpu.memory_space<vmem>>
      %dma_start3A_928 = arith.constant 0 : i32
      %dma_start3A_929 = arith.constant 0 : i32
      %dma_start3A_930 = tpu.memref_slice %arg6[%arg0, %dma_start3A_928, %dma_start3A_929] : memref<2x2097152x16xf32, #tpu.memory_space<hbm>> -> memref<1x2097152x16xf32, #tpu.memory_space<hbm>>
      %dma_start3A_931 = tpu.memref_squeeze %dma_start3A_930 : memref<1x2097152x16xf32, #tpu.memory_space<hbm>> -> memref<2097152x16xf32, #tpu.memory_space<hbm>>
      %dma_start3A_932 = arith.constant 0 : i32
      %dma_start3A_933 = arith.constant 0 : i32
      %dma_start3A_934 = tpu.memref_slice %dma_start3A_931[%dma_start3A_932, %dma_start3A_933] : memref<2097152x16xf32, #tpu.memory_space<hbm>> -> memref<2097152x16xf32, #tpu.memory_space<hbm>>
      tpu.enqueue_indirect_dma source(%dma_start3A_934 : memref<2097152x16xf32, #tpu.memory_space<hbm>>) target(%dma_start3A_924 : memref<128x16xf32, #tpu.memory_space<vmem>>) offsets(%dma_start3A_927 : memref<128xi32, #tpu.memory_space<vmem>>) semaphore(%arg21 : memref<!tpu.dma_semaphore, #tpu.memory_space<semaphore_mem>>)
      %dma_start3A_935 = arith.constant 5 : i32
      %dma_start3A_936 = arith.constant 640 : i32
      %dma_start3A_937 = arith.constant 0 : i32
      %dma_start3A_938 = tpu.memref_slice %arg9[%dma_start3A_936, %dma_start3A_937] : memref<2048x16xf32, #tpu.memory_space<vmem>> -> memref<128x16xf32, #tpu.memory_space<vmem>>
      %dma_start3A_939 = arith.constant 0 : i32
      %dma_start3A_940 = tpu.memref_slice %arg11[%dma_start3A_935, %dma_start3A_939] : memref<16x128xi32, #tpu.memory_space<vmem>> -> memref<1x128xi32, #tpu.memory_space<vmem>>
      %dma_start3A_941 = tpu.memref_squeeze %dma_start3A_940 : memref<1x128xi32, #tpu.memory_space<vmem>> -> memref<128xi32, #tpu.memory_space<vmem>>
      %dma_start3A_942 = arith.constant 0 : i32
      %dma_start3A_943 = arith.constant 0 : i32
      %dma_start3A_944 = tpu.memref_slice %arg6[%arg0, %dma_start3A_942, %dma_start3A_943] : memref<2x2097152x16xf32, #tpu.memory_space<hbm>> -> memref<1x2097152x16xf32, #tpu.memory_space<hbm>>
      %dma_start3A_945 = tpu.memref_squeeze %dma_start3A_944 : memref<1x2097152x16xf32, #tpu.memory_space<hbm>> -> memref<2097152x16xf32, #tpu.memory_space<hbm>>
      %dma_start3A_946 = arith.constant 0 : i32
      %dma_start3A_947 = arith.constant 0 : i32
      %dma_start3A_948 = tpu.memref_slice %dma_start3A_945[%dma_start3A_946, %dma_start3A_947] : memref<2097152x16xf32, #tpu.memory_space<hbm>> -> memref<2097152x16xf32, #tpu.memory_space<hbm>>
      tpu.enqueue_indirect_dma source(%dma_start3A_948 : memref<2097152x16xf32, #tpu.memory_space<hbm>>) target(%dma_start3A_938 : memref<128x16xf32, #tpu.memory_space<vmem>>) offsets(%dma_start3A_941 : memref<128xi32, #tpu.memory_space<vmem>>) semaphore(%arg21 : memref<!tpu.dma_semaphore, #tpu.memory_space<semaphore_mem>>)
      %dma_start3A_949 = arith.constant 6 : i32
      %dma_start3A_950 = arith.constant 768 : i32
      %dma_start3A_951 = arith.constant 0 : i32
      %dma_start3A_952 = tpu.memref_slice %arg9[%dma_start3A_950, %dma_start3A_951] : memref<2048x16xf32, #tpu.memory_space<vmem>> -> memref<128x16xf32, #tpu.memory_space<vmem>>
      %dma_start3A_953 = arith.constant 0 : i32
      %dma_start3A_954 = tpu.memref_slice %arg11[%dma_start3A_949, %dma_start3A_953] : memref<16x128xi32, #tpu.memory_space<vmem>> -> memref<1x128xi32, #tpu.memory_space<vmem>>
      %dma_start3A_955 = tpu.memref_squeeze %dma_start3A_954 : memref<1x128xi32, #tpu.memory_space<vmem>> -> memref<128xi32, #tpu.memory_space<vmem>>
      %dma_start3A_956 = arith.constant 0 : i32
      %dma_start3A_957 = arith.constant 0 : i32
      %dma_start3A_958 = tpu.memref_slice %arg6[%arg0, %dma_start3A_956, %dma_start3A_957] : memref<2x2097152x16xf32, #tpu.memory_space<hbm>> -> memref<1x2097152x16xf32, #tpu.memory_space<hbm>>
      %dma_start3A_959 = tpu.memref_squeeze %dma_start3A_958 : memref<1x2097152x16xf32, #tpu.memory_space<hbm>> -> memref<2097152x16xf32, #tpu.memory_space<hbm>>
      %dma_start3A_960 = arith.constant 0 : i32
      %dma_start3A_961 = arith.constant 0 : i32
      %dma_start3A_962 = tpu.memref_slice %dma_start3A_959[%dma_start3A_960, %dma_start3A_961] : memref<2097152x16xf32, #tpu.memory_space<hbm>> -> memref<2097152x16xf32, #tpu.memory_space<hbm>>
      tpu.enqueue_indirect_dma source(%dma_start3A_962 : memref<2097152x16xf32, #tpu.memory_space<hbm>>) target(%dma_start3A_952 : memref<128x16xf32, #tpu.memory_space<vmem>>) offsets(%dma_start3A_955 : memref<128xi32, #tpu.memory_space<vmem>>) semaphore(%arg21 : memref<!tpu.dma_semaphore, #tpu.memory_space<semaphore_mem>>)
      %dma_start3A_963 = arith.constant 7 : i32
      %dma_start3A_964 = arith.constant 896 : i32
      %dma_start3A_965 = arith.constant 0 : i32
      %dma_start3A_966 = tpu.memref_slice %arg9[%dma_start3A_964, %dma_start3A_965] : memref<2048x16xf32, #tpu.memory_space<vmem>> -> memref<128x16xf32, #tpu.memory_space<vmem>>
      %dma_start3A_967 = arith.constant 0 : i32
      %dma_start3A_968 = tpu.memref_slice %arg11[%dma_start3A_963, %dma_start3A_967] : memref<16x128xi32, #tpu.memory_space<vmem>> -> memref<1x128xi32, #tpu.memory_space<vmem>>
      %dma_start3A_969 = tpu.memref_squeeze %dma_start3A_968 : memref<1x128xi32, #tpu.memory_space<vmem>> -> memref<128xi32, #tpu.memory_space<vmem>>
      %dma_start3A_970 = arith.constant 0 : i32
      %dma_start3A_971 = arith.constant 0 : i32
      %dma_start3A_972 = tpu.memref_slice %arg6[%arg0, %dma_start3A_970, %dma_start3A_971] : memref<2x2097152x16xf32, #tpu.memory_space<hbm>> -> memref<1x2097152x16xf32, #tpu.memory_space<hbm>>
      %dma_start3A_973 = tpu.memref_squeeze %dma_start3A_972 : memref<1x2097152x16xf32, #tpu.memory_space<hbm>> -> memref<2097152x16xf32, #tpu.memory_space<hbm>>
      %dma_start3A_974 = arith.constant 0 : i32
      %dma_start3A_975 = arith.constant 0 : i32
      %dma_start3A_976 = tpu.memref_slice %dma_start3A_973[%dma_start3A_974, %dma_start3A_975] : memref<2097152x16xf32, #tpu.memory_space<hbm>> -> memref<2097152x16xf32, #tpu.memory_space<hbm>>
      tpu.enqueue_indirect_dma source(%dma_start3A_976 : memref<2097152x16xf32, #tpu.memory_space<hbm>>) target(%dma_start3A_966 : memref<128x16xf32, #tpu.memory_space<vmem>>) offsets(%dma_start3A_969 : memref<128xi32, #tpu.memory_space<vmem>>) semaphore(%arg21 : memref<!tpu.dma_semaphore, #tpu.memory_space<semaphore_mem>>)
      %dma_start3A_977 = arith.constant 8 : i32
      %dma_start3A_978 = arith.constant 1024 : i32
      %dma_start3A_979 = arith.constant 0 : i32
      %dma_start3A_980 = tpu.memref_slice %arg9[%dma_start3A_978, %dma_start3A_979] : memref<2048x16xf32, #tpu.memory_space<vmem>> -> memref<128x16xf32, #tpu.memory_space<vmem>>
      %dma_start3A_981 = arith.constant 0 : i32
      %dma_start3A_982 = tpu.memref_slice %arg11[%dma_start3A_977, %dma_start3A_981] : memref<16x128xi32, #tpu.memory_space<vmem>> -> memref<1x128xi32, #tpu.memory_space<vmem>>
      %dma_start3A_983 = tpu.memref_squeeze %dma_start3A_982 : memref<1x128xi32, #tpu.memory_space<vmem>> -> memref<128xi32, #tpu.memory_space<vmem>>
      %dma_start3A_984 = arith.constant 0 : i32
      %dma_start3A_985 = arith.constant 0 : i32
      %dma_start3A_986 = tpu.memref_slice %arg6[%arg0, %dma_start3A_984, %dma_start3A_985] : memref<2x2097152x16xf32, #tpu.memory_space<hbm>> -> memref<1x2097152x16xf32, #tpu.memory_space<hbm>>
      %dma_start3A_987 = tpu.memref_squeeze %dma_start3A_986 : memref<1x2097152x16xf32, #tpu.memory_space<hbm>> -> memref<2097152x16xf32, #tpu.memory_space<hbm>>
      %dma_start3A_988 = arith.constant 0 : i32
      %dma_start3A_989 = arith.constant 0 : i32
      %dma_start3A_990 = tpu.memref_slice %dma_start3A_987[%dma_start3A_988, %dma_start3A_989] : memref<2097152x16xf32, #tpu.memory_space<hbm>> -> memref<2097152x16xf32, #tpu.memory_space<hbm>>
      tpu.enqueue_indirect_dma source(%dma_start3A_990 : memref<2097152x16xf32, #tpu.memory_space<hbm>>) target(%dma_start3A_980 : memref<128x16xf32, #tpu.memory_space<vmem>>) offsets(%dma_start3A_983 : memref<128xi32, #tpu.memory_space<vmem>>) semaphore(%arg21 : memref<!tpu.dma_semaphore, #tpu.memory_space<semaphore_mem>>)
      %dma_start3A_991 = arith.constant 9 : i32
      %dma_start3A_992 = arith.constant 1152 : i32
      %dma_start3A_993 = arith.constant 0 : i32
      %dma_start3A_994 = tpu.memref_slice %arg9[%dma_start3A_992, %dma_start3A_993] : memref<2048x16xf32, #tpu.memory_space<vmem>> -> memref<128x16xf32, #tpu.memory_space<vmem>>
      %dma_start3A_995 = arith.constant 0 : i32
      %dma_start3A_996 = tpu.memref_slice %arg11[%dma_start3A_991, %dma_start3A_995] : memref<16x128xi32, #tpu.memory_space<vmem>> -> memref<1x128xi32, #tpu.memory_space<vmem>>
      %dma_start3A_997 = tpu.memref_squeeze %dma_start3A_996 : memref<1x128xi32, #tpu.memory_space<vmem>> -> memref<128xi32, #tpu.memory_space<vmem>>
      %dma_start3A_998 = arith.constant 0 : i32
      %dma_start3A_999 = arith.constant 0 : i32
      %dma_start3A_1000 = tpu.memref_slice %arg6[%arg0, %dma_start3A_998, %dma_start3A_999] : memref<2x2097152x16xf32, #tpu.memory_space<hbm>> -> memref<1x2097152x16xf32, #tpu.memory_space<hbm>>
      %dma_start3A_1001 = tpu.memref_squeeze %dma_start3A_1000 : memref<1x2097152x16xf32, #tpu.memory_space<hbm>> -> memref<2097152x16xf32, #tpu.memory_space<hbm>>
      %dma_start3A_1002 = arith.constant 0 : i32
      %dma_start3A_1003 = arith.constant 0 : i32
      %dma_start3A_1004 = tpu.memref_slice %dma_start3A_1001[%dma_start3A_1002, %dma_start3A_1003] : memref<2097152x16xf32, #tpu.memory_space<hbm>> -> memref<2097152x16xf32, #tpu.memory_space<hbm>>
      tpu.enqueue_indirect_dma source(%dma_start3A_1004 : memref<2097152x16xf32, #tpu.memory_space<hbm>>) target(%dma_start3A_994 : memref<128x16xf32, #tpu.memory_space<vmem>>) offsets(%dma_start3A_997 : memref<128xi32, #tpu.memory_space<vmem>>) semaphore(%arg21 : memref<!tpu.dma_semaphore, #tpu.memory_space<semaphore_mem>>)
      %dma_start3A_1005 = arith.constant 10 : i32
      %dma_start3A_1006 = arith.constant 1280 : i32
      %dma_start3A_1007 = arith.constant 0 : i32
      %dma_start3A_1008 = tpu.memref_slice %arg9[%dma_start3A_1006, %dma_start3A_1007] : memref<2048x16xf32, #tpu.memory_space<vmem>> -> memref<128x16xf32, #tpu.memory_space<vmem>>
      %dma_start3A_1009 = arith.constant 0 : i32
      %dma_start3A_1010 = tpu.memref_slice %arg11[%dma_start3A_1005, %dma_start3A_1009] : memref<16x128xi32, #tpu.memory_space<vmem>> -> memref<1x128xi32, #tpu.memory_space<vmem>>
      %dma_start3A_1011 = tpu.memref_squeeze %dma_start3A_1010 : memref<1x128xi32, #tpu.memory_space<vmem>> -> memref<128xi32, #tpu.memory_space<vmem>>
      %dma_start3A_1012 = arith.constant 0 : i32
      %dma_start3A_1013 = arith.constant 0 : i32
      %dma_start3A_1014 = tpu.memref_slice %arg6[%arg0, %dma_start3A_1012, %dma_start3A_1013] : memref<2x2097152x16xf32, #tpu.memory_space<hbm>> -> memref<1x2097152x16xf32, #tpu.memory_space<hbm>>
      %dma_start3A_1015 = tpu.memref_squeeze %dma_start3A_1014 : memref<1x2097152x16xf32, #tpu.memory_space<hbm>> -> memref<2097152x16xf32, #tpu.memory_space<hbm>>
      %dma_start3A_1016 = arith.constant 0 : i32
      %dma_start3A_1017 = arith.constant 0 : i32
      %dma_start3A_1018 = tpu.memref_slice %dma_start3A_1015[%dma_start3A_1016, %dma_start3A_1017] : memref<2097152x16xf32, #tpu.memory_space<hbm>> -> memref<2097152x16xf32, #tpu.memory_space<hbm>>
      tpu.enqueue_indirect_dma source(%dma_start3A_1018 : memref<2097152x16xf32, #tpu.memory_space<hbm>>) target(%dma_start3A_1008 : memref<128x16xf32, #tpu.memory_space<vmem>>) offsets(%dma_start3A_1011 : memref<128xi32, #tpu.memory_space<vmem>>) semaphore(%arg21 : memref<!tpu.dma_semaphore, #tpu.memory_space<semaphore_mem>>)
      %dma_start3A_1019 = arith.constant 11 : i32
      %dma_start3A_1020 = arith.constant 1408 : i32
      %dma_start3A_1021 = arith.constant 0 : i32
      %dma_start3A_1022 = tpu.memref_slice %arg9[%dma_start3A_1020, %dma_start3A_1021] : memref<2048x16xf32, #tpu.memory_space<vmem>> -> memref<128x16xf32, #tpu.memory_space<vmem>>
      %dma_start3A_1023 = arith.constant 0 : i32
      %dma_start3A_1024 = tpu.memref_slice %arg11[%dma_start3A_1019, %dma_start3A_1023] : memref<16x128xi32, #tpu.memory_space<vmem>> -> memref<1x128xi32, #tpu.memory_space<vmem>>
      %dma_start3A_1025 = tpu.memref_squeeze %dma_start3A_1024 : memref<1x128xi32, #tpu.memory_space<vmem>> -> memref<128xi32, #tpu.memory_space<vmem>>
      %dma_start3A_1026 = arith.constant 0 : i32
      %dma_start3A_1027 = arith.constant 0 : i32
      %dma_start3A_1028 = tpu.memref_slice %arg6[%arg0, %dma_start3A_1026, %dma_start3A_1027] : memref<2x2097152x16xf32, #tpu.memory_space<hbm>> -> memref<1x2097152x16xf32, #tpu.memory_space<hbm>>
      %dma_start3A_1029 = tpu.memref_squeeze %dma_start3A_1028 : memref<1x2097152x16xf32, #tpu.memory_space<hbm>> -> memref<2097152x16xf32, #tpu.memory_space<hbm>>
      %dma_start3A_1030 = arith.constant 0 : i32
      %dma_start3A_1031 = arith.constant 0 : i32
      %dma_start3A_1032 = tpu.memref_slice %dma_start3A_1029[%dma_start3A_1030, %dma_start3A_1031] : memref<2097152x16xf32, #tpu.memory_space<hbm>> -> memref<2097152x16xf32, #tpu.memory_space<hbm>>
      tpu.enqueue_indirect_dma source(%dma_start3A_1032 : memref<2097152x16xf32, #tpu.memory_space<hbm>>) target(%dma_start3A_1022 : memref<128x16xf32, #tpu.memory_space<vmem>>) offsets(%dma_start3A_1025 : memref<128xi32, #tpu.memory_space<vmem>>) semaphore(%arg21 : memref<!tpu.dma_semaphore, #tpu.memory_space<semaphore_mem>>)
      %dma_start3A_1033 = arith.constant 12 : i32
      %dma_start3A_1034 = arith.constant 1536 : i32
      %dma_start3A_1035 = arith.constant 0 : i32
      %dma_start3A_1036 = tpu.memref_slice %arg9[%dma_start3A_1034, %dma_start3A_1035] : memref<2048x16xf32, #tpu.memory_space<vmem>> -> memref<128x16xf32, #tpu.memory_space<vmem>>
      %dma_start3A_1037 = arith.constant 0 : i32
      %dma_start3A_1038 = tpu.memref_slice %arg11[%dma_start3A_1033, %dma_start3A_1037] : memref<16x128xi32, #tpu.memory_space<vmem>> -> memref<1x128xi32, #tpu.memory_space<vmem>>
      %dma_start3A_1039 = tpu.memref_squeeze %dma_start3A_1038 : memref<1x128xi32, #tpu.memory_space<vmem>> -> memref<128xi32, #tpu.memory_space<vmem>>
      %dma_start3A_1040 = arith.constant 0 : i32
      %dma_start3A_1041 = arith.constant 0 : i32
      %dma_start3A_1042 = tpu.memref_slice %arg6[%arg0, %dma_start3A_1040, %dma_start3A_1041] : memref<2x2097152x16xf32, #tpu.memory_space<hbm>> -> memref<1x2097152x16xf32, #tpu.memory_space<hbm>>
      %dma_start3A_1043 = tpu.memref_squeeze %dma_start3A_1042 : memref<1x2097152x16xf32, #tpu.memory_space<hbm>> -> memref<2097152x16xf32, #tpu.memory_space<hbm>>
      %dma_start3A_1044 = arith.constant 0 : i32
      %dma_start3A_1045 = arith.constant 0 : i32
      %dma_start3A_1046 = tpu.memref_slice %dma_start3A_1043[%dma_start3A_1044, %dma_start3A_1045] : memref<2097152x16xf32, #tpu.memory_space<hbm>> -> memref<2097152x16xf32, #tpu.memory_space<hbm>>
      tpu.enqueue_indirect_dma source(%dma_start3A_1046 : memref<2097152x16xf32, #tpu.memory_space<hbm>>) target(%dma_start3A_1036 : memref<128x16xf32, #tpu.memory_space<vmem>>) offsets(%dma_start3A_1039 : memref<128xi32, #tpu.memory_space<vmem>>) semaphore(%arg21 : memref<!tpu.dma_semaphore, #tpu.memory_space<semaphore_mem>>)
      %dma_start3A_1047 = arith.constant 13 : i32
      %dma_start3A_1048 = arith.constant 1664 : i32
      %dma_start3A_1049 = arith.constant 0 : i32
      %dma_start3A_1050 = tpu.memref_slice %arg9[%dma_start3A_1048, %dma_start3A_1049] : memref<2048x16xf32, #tpu.memory_space<vmem>> -> memref<128x16xf32, #tpu.memory_space<vmem>>
      %dma_start3A_1051 = arith.constant 0 : i32
      %dma_start3A_1052 = tpu.memref_slice %arg11[%dma_start3A_1047, %dma_start3A_1051] : memref<16x128xi32, #tpu.memory_space<vmem>> -> memref<1x128xi32, #tpu.memory_space<vmem>>
      %dma_start3A_1053 = tpu.memref_squeeze %dma_start3A_1052 : memref<1x128xi32, #tpu.memory_space<vmem>> -> memref<128xi32, #tpu.memory_space<vmem>>
      %dma_start3A_1054 = arith.constant 0 : i32
      %dma_start3A_1055 = arith.constant 0 : i32
      %dma_start3A_1056 = tpu.memref_slice %arg6[%arg0, %dma_start3A_1054, %dma_start3A_1055] : memref<2x2097152x16xf32, #tpu.memory_space<hbm>> -> memref<1x2097152x16xf32, #tpu.memory_space<hbm>>
      %dma_start3A_1057 = tpu.memref_squeeze %dma_start3A_1056 : memref<1x2097152x16xf32, #tpu.memory_space<hbm>> -> memref<2097152x16xf32, #tpu.memory_space<hbm>>
      %dma_start3A_1058 = arith.constant 0 : i32
      %dma_start3A_1059 = arith.constant 0 : i32
      %dma_start3A_1060 = tpu.memref_slice %dma_start3A_1057[%dma_start3A_1058, %dma_start3A_1059] : memref<2097152x16xf32, #tpu.memory_space<hbm>> -> memref<2097152x16xf32, #tpu.memory_space<hbm>>
      tpu.enqueue_indirect_dma source(%dma_start3A_1060 : memref<2097152x16xf32, #tpu.memory_space<hbm>>) target(%dma_start3A_1050 : memref<128x16xf32, #tpu.memory_space<vmem>>) offsets(%dma_start3A_1053 : memref<128xi32, #tpu.memory_space<vmem>>) semaphore(%arg21 : memref<!tpu.dma_semaphore, #tpu.memory_space<semaphore_mem>>)
      %dma_start3A_1061 = arith.constant 14 : i32
      %dma_start3A_1062 = arith.constant 1792 : i32
      %dma_start3A_1063 = arith.constant 0 : i32
      %dma_start3A_1064 = tpu.memref_slice %arg9[%dma_start3A_1062, %dma_start3A_1063] : memref<2048x16xf32, #tpu.memory_space<vmem>> -> memref<128x16xf32, #tpu.memory_space<vmem>>
      %dma_start3A_1065 = arith.constant 0 : i32
      %dma_start3A_1066 = tpu.memref_slice %arg11[%dma_start3A_1061, %dma_start3A_1065] : memref<16x128xi32, #tpu.memory_space<vmem>> -> memref<1x128xi32, #tpu.memory_space<vmem>>
      %dma_start3A_1067 = tpu.memref_squeeze %dma_start3A_1066 : memref<1x128xi32, #tpu.memory_space<vmem>> -> memref<128xi32, #tpu.memory_space<vmem>>
      %dma_start3A_1068 = arith.constant 0 : i32
      %dma_start3A_1069 = arith.constant 0 : i32
      %dma_start3A_1070 = tpu.memref_slice %arg6[%arg0, %dma_start3A_1068, %dma_start3A_1069] : memref<2x2097152x16xf32, #tpu.memory_space<hbm>> -> memref<1x2097152x16xf32, #tpu.memory_space<hbm>>
      %dma_start3A_1071 = tpu.memref_squeeze %dma_start3A_1070 : memref<1x2097152x16xf32, #tpu.memory_space<hbm>> -> memref<2097152x16xf32, #tpu.memory_space<hbm>>
      %dma_start3A_1072 = arith.constant 0 : i32
      %dma_start3A_1073 = arith.constant 0 : i32
      %dma_start3A_1074 = tpu.memref_slice %dma_start3A_1071[%dma_start3A_1072, %dma_start3A_1073] : memref<2097152x16xf32, #tpu.memory_space<hbm>> -> memref<2097152x16xf32, #tpu.memory_space<hbm>>
      tpu.enqueue_indirect_dma source(%dma_start3A_1074 : memref<2097152x16xf32, #tpu.memory_space<hbm>>) target(%dma_start3A_1064 : memref<128x16xf32, #tpu.memory_space<vmem>>) offsets(%dma_start3A_1067 : memref<128xi32, #tpu.memory_space<vmem>>) semaphore(%arg21 : memref<!tpu.dma_semaphore, #tpu.memory_space<semaphore_mem>>)
      %dma_start3A_1075 = arith.constant 15 : i32
      %dma_start3A_1076 = arith.constant 1920 : i32
      %dma_start3A_1077 = arith.constant 0 : i32
      %dma_start3A_1078 = tpu.memref_slice %arg9[%dma_start3A_1076, %dma_start3A_1077] : memref<2048x16xf32, #tpu.memory_space<vmem>> -> memref<128x16xf32, #tpu.memory_space<vmem>>
      %dma_start3A_1079 = arith.constant 0 : i32
      %dma_start3A_1080 = tpu.memref_slice %arg11[%dma_start3A_1075, %dma_start3A_1079] : memref<16x128xi32, #tpu.memory_space<vmem>> -> memref<1x128xi32, #tpu.memory_space<vmem>>
      %dma_start3A_1081 = tpu.memref_squeeze %dma_start3A_1080 : memref<1x128xi32, #tpu.memory_space<vmem>> -> memref<128xi32, #tpu.memory_space<vmem>>
      %dma_start3A_1082 = arith.constant 0 : i32
      %dma_start3A_1083 = arith.constant 0 : i32
      %dma_start3A_1084 = tpu.memref_slice %arg6[%arg0, %dma_start3A_1082, %dma_start3A_1083] : memref<2x2097152x16xf32, #tpu.memory_space<hbm>> -> memref<1x2097152x16xf32, #tpu.memory_space<hbm>>
      %dma_start3A_1085 = tpu.memref_squeeze %dma_start3A_1084 : memref<1x2097152x16xf32, #tpu.memory_space<hbm>> -> memref<2097152x16xf32, #tpu.memory_space<hbm>>
      %dma_start3A_1086 = arith.constant 0 : i32
      %dma_start3A_1087 = arith.constant 0 : i32
      %dma_start3A_1088 = tpu.memref_slice %dma_start3A_1085[%dma_start3A_1086, %dma_start3A_1087] : memref<2097152x16xf32, #tpu.memory_space<hbm>> -> memref<2097152x16xf32, #tpu.memory_space<hbm>>
      tpu.enqueue_indirect_dma source(%dma_start3A_1088 : memref<2097152x16xf32, #tpu.memory_space<hbm>>) target(%dma_start3A_1078 : memref<128x16xf32, #tpu.memory_space<vmem>>) offsets(%dma_start3A_1081 : memref<128xi32, #tpu.memory_space<vmem>>) semaphore(%arg21 : memref<!tpu.dma_semaphore, #tpu.memory_space<semaphore_mem>>)
      %add3A_1089 = arith.addi %mul3A_147, %min3A_836 : i32
      %dma_start3A_1090 = arith.constant 0 : i32
      %dma_start3A_1091 = tpu.memref_slice %arg4[%add3A_1089, %dma_start3A_1090] : memref<2048x8192xf32, #tpu.memory_space<hbm>> -> memref<1x8192xf32, #tpu.memory_space<hbm>>
      %dma_start3A_1092 = tpu.memref_squeeze %dma_start3A_1091 : memref<1x8192xf32, #tpu.memory_space<hbm>> -> memref<8192xf32, #tpu.memory_space<hbm>>
      %dma_start3A_1093 = arith.constant 0 : i32
      %dma_start3A_1094 = tpu.memref_slice %arg4[%add3A_1089, %dma_start3A_1093] : memref<2048x8192xf32, #tpu.memory_space<hbm>> -> memref<1x8192xf32, #tpu.memory_space<hbm>>
      %dma_start3A_1095 = tpu.memref_squeeze %dma_start3A_1094 : memref<1x8192xf32, #tpu.memory_space<hbm>> -> memref<8192xf32, #tpu.memory_space<hbm>>
      tpu.enqueue_dma source(%dma_start3A_1095 : memref<8192xf32, #tpu.memory_space<hbm>>) target(%arg13 : memref<8192xf32, #tpu.memory_space<vmem>>) target_semaphore(%arg22 : memref<!tpu.dma_semaphore, #tpu.memory_space<semaphore_mem>>)
      %ge3A_1096 = arith.constant 2 : i32
      %ge3A_1097 = arith.cmpi sge, %add3A_832, %ge3A_1096 : i32
      %convert_element_type3A_1098 = arith.extui %ge3A_1097 : i1 to i32
      %cond3A_1099 = arith.constant 0 : i32
      %cond3A_1100 = arith.cmpi ne, %convert_element_type3A_1098, %cond3A_1099 : i32
      scf.if %cond3A_1100 {
        %dma_wait3A_1154 = arith.constant 0 : i32
        %dma_wait3A_1155 = arith.constant 0 : i32
        %dma_wait3A_1156 = arith.constant 0 : i32
        %dma_wait3A_1157 = tpu.memref_slice %arg16[%dma_wait3A_1154, %dma_wait3A_1156] : memref<3x2048xf32, #tpu.memory_space<vmem>> -> memref<1x2048xf32, #tpu.memory_space<vmem>>
        %dma_wait3A_1158 = tpu.memref_squeeze %dma_wait3A_1157 : memref<1x2048xf32, #tpu.memory_space<vmem>> -> memref<2048xf32, #tpu.memory_space<vmem>>
        %dma_wait3A_1159 = arith.constant 0 : i32
        %dma_wait3A_1160 = tpu.memref_slice %arg5[%dma_wait3A_1155, %dma_wait3A_1159] : memref<3x4194304xf32, #tpu.memory_space<hbm>> -> memref<1x2048xf32, #tpu.memory_space<hbm>>
        %dma_wait3A_1161 = tpu.memref_squeeze %dma_wait3A_1160 : memref<1x2048xf32, #tpu.memory_space<hbm>> -> memref<2048xf32, #tpu.memory_space<hbm>>
        %dma_wait3A_1162 = arith.constant 0 : i32
        %dma_wait3A_1163 = tpu.memref_slice %arg5[%dma_wait3A_1155, %dma_wait3A_1162] : memref<3x4194304xf32, #tpu.memory_space<hbm>> -> memref<1x2048xf32, #tpu.memory_space<hbm>>
        %dma_wait3A_1164 = tpu.memref_squeeze %dma_wait3A_1163 : memref<1x2048xf32, #tpu.memory_space<hbm>> -> memref<2048xf32, #tpu.memory_space<hbm>>
        %dma_wait3A_1165 = arith.constant 0 : i32
        %dma_wait3A_1166 = tpu.memref_slice %arg16[%dma_wait3A_1154, %dma_wait3A_1165] : memref<3x2048xf32, #tpu.memory_space<vmem>> -> memref<1x2048xf32, #tpu.memory_space<vmem>>
        %dma_wait3A_1167 = tpu.memref_squeeze %dma_wait3A_1166 : memref<1x2048xf32, #tpu.memory_space<vmem>> -> memref<2048xf32, #tpu.memory_space<vmem>>
        tpu.wait_dma2 semaphore(%arg24 : memref<!tpu.dma_semaphore, #tpu.memory_space<semaphore_mem>>) src(%dma_wait3A_1167 : memref<2048xf32, #tpu.memory_space<vmem>>) dst(%dma_wait3A_1164 : memref<2048xf32, #tpu.memory_space<hbm>>)
        %dma_wait3A_1168 = arith.constant 1 : i32
        %dma_wait3A_1169 = arith.constant 1 : i32
        %dma_wait3A_1170 = arith.constant 0 : i32
        %dma_wait3A_1171 = tpu.memref_slice %arg16[%dma_wait3A_1168, %dma_wait3A_1170] : memref<3x2048xf32, #tpu.memory_space<vmem>> -> memref<1x2048xf32, #tpu.memory_space<vmem>>
        %dma_wait3A_1172 = tpu.memref_squeeze %dma_wait3A_1171 : memref<1x2048xf32, #tpu.memory_space<vmem>> -> memref<2048xf32, #tpu.memory_space<vmem>>
        %dma_wait3A_1173 = arith.constant 0 : i32
        %dma_wait3A_1174 = tpu.memref_slice %arg5[%dma_wait3A_1169, %dma_wait3A_1173] : memref<3x4194304xf32, #tpu.memory_space<hbm>> -> memref<1x2048xf32, #tpu.memory_space<hbm>>
        %dma_wait3A_1175 = tpu.memref_squeeze %dma_wait3A_1174 : memref<1x2048xf32, #tpu.memory_space<hbm>> -> memref<2048xf32, #tpu.memory_space<hbm>>
        %dma_wait3A_1176 = arith.constant 0 : i32
        %dma_wait3A_1177 = tpu.memref_slice %arg5[%dma_wait3A_1169, %dma_wait3A_1176] : memref<3x4194304xf32, #tpu.memory_space<hbm>> -> memref<1x2048xf32, #tpu.memory_space<hbm>>
        %dma_wait3A_1178 = tpu.memref_squeeze %dma_wait3A_1177 : memref<1x2048xf32, #tpu.memory_space<hbm>> -> memref<2048xf32, #tpu.memory_space<hbm>>
        %dma_wait3A_1179 = arith.constant 0 : i32
        %dma_wait3A_1180 = tpu.memref_slice %arg16[%dma_wait3A_1168, %dma_wait3A_1179] : memref<3x2048xf32, #tpu.memory_space<vmem>> -> memref<1x2048xf32, #tpu.memory_space<vmem>>
        %dma_wait3A_1181 = tpu.memref_squeeze %dma_wait3A_1180 : memref<1x2048xf32, #tpu.memory_space<vmem>> -> memref<2048xf32, #tpu.memory_space<vmem>>
        tpu.wait_dma2 semaphore(%arg24 : memref<!tpu.dma_semaphore, #tpu.memory_space<semaphore_mem>>) src(%dma_wait3A_1181 : memref<2048xf32, #tpu.memory_space<vmem>>) dst(%dma_wait3A_1178 : memref<2048xf32, #tpu.memory_space<hbm>>)
        %dma_wait3A_1182 = arith.constant 2 : i32
        %dma_wait3A_1183 = arith.constant 2 : i32
        %dma_wait3A_1184 = arith.constant 0 : i32
        %dma_wait3A_1185 = tpu.memref_slice %arg16[%dma_wait3A_1182, %dma_wait3A_1184] : memref<3x2048xf32, #tpu.memory_space<vmem>> -> memref<1x2048xf32, #tpu.memory_space<vmem>>
        %dma_wait3A_1186 = tpu.memref_squeeze %dma_wait3A_1185 : memref<1x2048xf32, #tpu.memory_space<vmem>> -> memref<2048xf32, #tpu.memory_space<vmem>>
        %dma_wait3A_1187 = arith.constant 0 : i32
        %dma_wait3A_1188 = tpu.memref_slice %arg5[%dma_wait3A_1183, %dma_wait3A_1187] : memref<3x4194304xf32, #tpu.memory_space<hbm>> -> memref<1x2048xf32, #tpu.memory_space<hbm>>
        %dma_wait3A_1189 = tpu.memref_squeeze %dma_wait3A_1188 : memref<1x2048xf32, #tpu.memory_space<hbm>> -> memref<2048xf32, #tpu.memory_space<hbm>>
        %dma_wait3A_1190 = arith.constant 0 : i32
        %dma_wait3A_1191 = tpu.memref_slice %arg5[%dma_wait3A_1183, %dma_wait3A_1190] : memref<3x4194304xf32, #tpu.memory_space<hbm>> -> memref<1x2048xf32, #tpu.memory_space<hbm>>
        %dma_wait3A_1192 = tpu.memref_squeeze %dma_wait3A_1191 : memref<1x2048xf32, #tpu.memory_space<hbm>> -> memref<2048xf32, #tpu.memory_space<hbm>>
        %dma_wait3A_1193 = arith.constant 0 : i32
        %dma_wait3A_1194 = tpu.memref_slice %arg16[%dma_wait3A_1182, %dma_wait3A_1193] : memref<3x2048xf32, #tpu.memory_space<vmem>> -> memref<1x2048xf32, #tpu.memory_space<vmem>>
        %dma_wait3A_1195 = tpu.memref_squeeze %dma_wait3A_1194 : memref<1x2048xf32, #tpu.memory_space<vmem>> -> memref<2048xf32, #tpu.memory_space<vmem>>
        tpu.wait_dma2 semaphore(%arg24 : memref<!tpu.dma_semaphore, #tpu.memory_space<semaphore_mem>>) src(%dma_wait3A_1195 : memref<2048xf32, #tpu.memory_space<vmem>>) dst(%dma_wait3A_1192 : memref<2048xf32, #tpu.memory_space<hbm>>)
      } else {
      }
      %dma_wait3A_1101 = arith.constant 0 : i32
      %dma_wait3A_1102 = arith.constant 0 : i32
      %dma_wait3A_1103 = tpu.memref_slice %arg4[%dma_wait3A_1101, %dma_wait3A_1102] : memref<2048x8192xf32, #tpu.memory_space<hbm>> -> memref<1x8192xf32, #tpu.memory_space<hbm>>
      %dma_wait3A_1104 = tpu.memref_squeeze %dma_wait3A_1103 : memref<1x8192xf32, #tpu.memory_space<hbm>> -> memref<8192xf32, #tpu.memory_space<hbm>>
      %dma_wait3A_1105 = arith.constant 0 : i32
      %dma_wait3A_1106 = tpu.memref_slice %arg4[%dma_wait3A_1101, %dma_wait3A_1105] : memref<2048x8192xf32, #tpu.memory_space<hbm>> -> memref<1x8192xf32, #tpu.memory_space<hbm>>
      %dma_wait3A_1107 = tpu.memref_squeeze %dma_wait3A_1106 : memref<1x8192xf32, #tpu.memory_space<hbm>> -> memref<8192xf32, #tpu.memory_space<hbm>>
      tpu.wait_dma2 semaphore(%arg22 : memref<!tpu.dma_semaphore, #tpu.memory_space<semaphore_mem>>) src(%dma_wait3A_1107 : memref<8192xf32, #tpu.memory_space<hbm>>) dst(%arg14 : memref<8192xf32, #tpu.memory_space<vmem>>)
      %scan3A_1108 = arith.constant 0 : i32
      %scan3A_1109 = arith.constant 0 : i32
      %scan3A_1110 = arith.constant 128 : i32
      %scan3A_1111 = arith.addi %scan3A_1109, %scan3A_1110 : i32
      %scan3A_1112 = arith.constant 1 : i32
      scf.for %scan3A_1154 = %scan3A_1109 to %scan3A_1111 step %scan3A_1112  : i32 {
        %mul3A_1155 = arith.constant 16 : i32
        %mul3A_1156 = arith.muli %scan3A_1154, %mul3A_1155 : i32
        %add3A_1157 = vector.broadcast %mul3A_1156 : i32 to vector<16xi32>
        %add3A_1158 = arith.addi %add3A_1157, %iota3A : vector<16xi32>
        %mul3A_1159 = arith.constant 16 : i32
        %mul3A_1160 = arith.muli %scan3A_1154, %mul3A_1159 : i32
        %broadcast_in_dim3A = arith.constant 0 : i32
        %broadcast_in_dim3A_1161 = vector.broadcast %broadcast_in_dim3A : i32 to vector<16xi32>
        %gather3A = tpu.vector_load_idx %arg10[%add3A_1158, %broadcast_in_dim3A_1161] : memref<2048x16xf32, #tpu.memory_space<vmem>>[vector<16xi32>, vector<16xi32>], vector<16xf32>,
        %add3A_1162 = arith.constant 0 : i32
        %add3A_1163 = arith.addi %add3A_1162, %mul3A_1160 : i32
        %get3A = arith.index_cast %add3A_1163 : i32 to index
        %get3A_1164 = tpu.vector_load %arg14[%get3A] {strides = array<i32>} : memref<8192xf32, #tpu.memory_space<vmem>>, vector<16xf32>,
        %mul3A_1165 = arith.mulf %gather3A, %get3A_1164 : vector<16xf32>
        %broadcast_in_dim3A_1166 = arith.constant 3 : i32
        %broadcast_in_dim3A_1167 = vector.broadcast %broadcast_in_dim3A_1166 : i32 to vector<16xi32>
        %gather3A_1168 = tpu.vector_load_idx %arg10[%add3A_1158, %broadcast_in_dim3A_1167] : memref<2048x16xf32, #tpu.memory_space<vmem>>[vector<16xi32>, vector<16xi32>], vector<16xf32>,
        %add3A_1169 = arith.constant 2048 : i32
        %add3A_1170 = arith.addi %add3A_1169, %mul3A_1160 : i32
        %get3A_1171 = arith.index_cast %add3A_1170 : i32 to index
        %get3A_1172 = tpu.vector_load %arg14[%get3A_1171] {strides = array<i32>} : memref<8192xf32, #tpu.memory_space<vmem>>, vector<16xf32>,
        %mul3A_1173 = arith.mulf %gather3A_1168, %get3A_1172 : vector<16xf32>
        %add3A_1174 = arith.addf %mul3A_1165, %mul3A_1173 : vector<16xf32>
        %broadcast_in_dim3A_1175 = arith.constant 6 : i32
        %broadcast_in_dim3A_1176 = vector.broadcast %broadcast_in_dim3A_1175 : i32 to vector<16xi32>
        %gather3A_1177 = tpu.vector_load_idx %arg10[%add3A_1158, %broadcast_in_dim3A_1176] : memref<2048x16xf32, #tpu.memory_space<vmem>>[vector<16xi32>, vector<16xi32>], vector<16xf32>,
        %add3A_1178 = arith.constant 4096 : i32
        %add3A_1179 = arith.addi %add3A_1178, %mul3A_1160 : i32
        %get3A_1180 = arith.index_cast %add3A_1179 : i32 to index
        %get3A_1181 = tpu.vector_load %arg14[%get3A_1180] {strides = array<i32>} : memref<8192xf32, #tpu.memory_space<vmem>>, vector<16xf32>,
        %mul3A_1182 = arith.mulf %gather3A_1177, %get3A_1181 : vector<16xf32>
        %add3A_1183 = arith.addf %add3A_1174, %mul3A_1182 : vector<16xf32>
        %broadcast_in_dim3A_1184 = arith.constant 9 : i32
        %broadcast_in_dim3A_1185 = vector.broadcast %broadcast_in_dim3A_1184 : i32 to vector<16xi32>
        %gather3A_1186 = tpu.vector_load_idx %arg10[%add3A_1158, %broadcast_in_dim3A_1185] : memref<2048x16xf32, #tpu.memory_space<vmem>>[vector<16xi32>, vector<16xi32>], vector<16xf32>,
        %add3A_1187 = arith.constant 6144 : i32
        %add3A_1188 = arith.addi %add3A_1187, %mul3A_1160 : i32
        %get3A_1189 = arith.index_cast %add3A_1188 : i32 to index
        %get3A_1190 = tpu.vector_load %arg14[%get3A_1189] {strides = array<i32>} : memref<8192xf32, #tpu.memory_space<vmem>>, vector<16xf32>,
        %mul3A_1191 = arith.mulf %gather3A_1186, %get3A_1190 : vector<16xf32>
        %add3A_1192 = arith.addf %add3A_1183, %mul3A_1191 : vector<16xf32>
        %max3A = arith.constant 0.000000e+00 : f32
        %max3A_1193 = vector.broadcast %max3A : f32 to vector<16xf32>
        %max3A_1194 = arith.maximumf %add3A_1192, %max3A_1193 : vector<16xf32>
        %swap3A = arith.constant 0 : i32
        %swap3A_1195 = arith.index_cast %swap3A : i32 to index
        %swap3A_1196 = arith.index_cast %mul3A_1160 : i32 to index
        %swap3A_1197 = tpu.vector_load %arg16[%swap3A_1195, %swap3A_1196] {strides = array<i32>} : memref<3x2048xf32, #tpu.memory_space<vmem>>, vector<16xf32>,
        tpu.vector_store %arg16[%swap3A_1195, %swap3A_1196], %max3A_1194 {strides = array<i32>} : memref<3x2048xf32, #tpu.memory_space<vmem>>, vector<16xf32>,
        %broadcast_in_dim3A_1198 = arith.constant 1 : i32
        %broadcast_in_dim3A_1199 = vector.broadcast %broadcast_in_dim3A_1198 : i32 to vector<16xi32>
        %gather3A_1200 = tpu.vector_load_idx %arg10[%add3A_1158, %broadcast_in_dim3A_1199] : memref<2048x16xf32, #tpu.memory_space<vmem>>[vector<16xi32>, vector<16xi32>], vector<16xf32>,
        %add3A_1201 = arith.constant 0 : i32
        %add3A_1202 = arith.addi %add3A_1201, %mul3A_1160 : i32
        %get3A_1203 = arith.index_cast %add3A_1202 : i32 to index
        %get3A_1204 = tpu.vector_load %arg14[%get3A_1203] {strides = array<i32>} : memref<8192xf32, #tpu.memory_space<vmem>>, vector<16xf32>,
        %mul3A_1205 = arith.mulf %gather3A_1200, %get3A_1204 : vector<16xf32>
        %broadcast_in_dim3A_1206 = arith.constant 4 : i32
        %broadcast_in_dim3A_1207 = vector.broadcast %broadcast_in_dim3A_1206 : i32 to vector<16xi32>
        %gather3A_1208 = tpu.vector_load_idx %arg10[%add3A_1158, %broadcast_in_dim3A_1207] : memref<2048x16xf32, #tpu.memory_space<vmem>>[vector<16xi32>, vector<16xi32>], vector<16xf32>,
        %add3A_1209 = arith.constant 2048 : i32
        %add3A_1210 = arith.addi %add3A_1209, %mul3A_1160 : i32
        %get3A_1211 = arith.index_cast %add3A_1210 : i32 to index
        %get3A_1212 = tpu.vector_load %arg14[%get3A_1211] {strides = array<i32>} : memref<8192xf32, #tpu.memory_space<vmem>>, vector<16xf32>,
        %mul3A_1213 = arith.mulf %gather3A_1208, %get3A_1212 : vector<16xf32>
        %add3A_1214 = arith.addf %mul3A_1205, %mul3A_1213 : vector<16xf32>
        %broadcast_in_dim3A_1215 = arith.constant 7 : i32
        %broadcast_in_dim3A_1216 = vector.broadcast %broadcast_in_dim3A_1215 : i32 to vector<16xi32>
        %gather3A_1217 = tpu.vector_load_idx %arg10[%add3A_1158, %broadcast_in_dim3A_1216] : memref<2048x16xf32, #tpu.memory_space<vmem>>[vector<16xi32>, vector<16xi32>], vector<16xf32>,
        %add3A_1218 = arith.constant 4096 : i32
        %add3A_1219 = arith.addi %add3A_1218, %mul3A_1160 : i32
        %get3A_1220 = arith.index_cast %add3A_1219 : i32 to index
        %get3A_1221 = tpu.vector_load %arg14[%get3A_1220] {strides = array<i32>} : memref<8192xf32, #tpu.memory_space<vmem>>, vector<16xf32>,
        %mul3A_1222 = arith.mulf %gather3A_1217, %get3A_1221 : vector<16xf32>
        %add3A_1223 = arith.addf %add3A_1214, %mul3A_1222 : vector<16xf32>
        %broadcast_in_dim3A_1224 = arith.constant 10 : i32
        %broadcast_in_dim3A_1225 = vector.broadcast %broadcast_in_dim3A_1224 : i32 to vector<16xi32>
        %gather3A_1226 = tpu.vector_load_idx %arg10[%add3A_1158, %broadcast_in_dim3A_1225] : memref<2048x16xf32, #tpu.memory_space<vmem>>[vector<16xi32>, vector<16xi32>], vector<16xf32>,
        %add3A_1227 = arith.constant 6144 : i32
        %add3A_1228 = arith.addi %add3A_1227, %mul3A_1160 : i32
        %get3A_1229 = arith.index_cast %add3A_1228 : i32 to index
        %get3A_1230 = tpu.vector_load %arg14[%get3A_1229] {strides = array<i32>} : memref<8192xf32, #tpu.memory_space<vmem>>, vector<16xf32>,
        %mul3A_1231 = arith.mulf %gather3A_1226, %get3A_1230 : vector<16xf32>
        %add3A_1232 = arith.addf %add3A_1223, %mul3A_1231 : vector<16xf32>
        %max3A_1233 = arith.constant 0.000000e+00 : f32
        %max3A_1234 = vector.broadcast %max3A_1233 : f32 to vector<16xf32>
        %max3A_1235 = arith.maximumf %add3A_1232, %max3A_1234 : vector<16xf32>
        %swap3A_1236 = arith.constant 1 : i32
        %swap3A_1237 = arith.index_cast %swap3A_1236 : i32 to index
        %swap3A_1238 = arith.index_cast %mul3A_1160 : i32 to index
        %swap3A_1239 = tpu.vector_load %arg16[%swap3A_1237, %swap3A_1238] {strides = array<i32>} : memref<3x2048xf32, #tpu.memory_space<vmem>>, vector<16xf32>,
        tpu.vector_store %arg16[%swap3A_1237, %swap3A_1238], %max3A_1235 {strides = array<i32>} : memref<3x2048xf32, #tpu.memory_space<vmem>>, vector<16xf32>,
        %broadcast_in_dim3A_1240 = arith.constant 2 : i32
        %broadcast_in_dim3A_1241 = vector.broadcast %broadcast_in_dim3A_1240 : i32 to vector<16xi32>
        %gather3A_1242 = tpu.vector_load_idx %arg10[%add3A_1158, %broadcast_in_dim3A_1241] : memref<2048x16xf32, #tpu.memory_space<vmem>>[vector<16xi32>, vector<16xi32>], vector<16xf32>,
        %add3A_1243 = arith.constant 0 : i32
        %add3A_1244 = arith.addi %add3A_1243, %mul3A_1160 : i32
        %get3A_1245 = arith.index_cast %add3A_1244 : i32 to index
        %get3A_1246 = tpu.vector_load %arg14[%get3A_1245] {strides = array<i32>} : memref<8192xf32, #tpu.memory_space<vmem>>, vector<16xf32>,
        %mul3A_1247 = arith.mulf %gather3A_1242, %get3A_1246 : vector<16xf32>
        %broadcast_in_dim3A_1248 = arith.constant 5 : i32
        %broadcast_in_dim3A_1249 = vector.broadcast %broadcast_in_dim3A_1248 : i32 to vector<16xi32>
        %gather3A_1250 = tpu.vector_load_idx %arg10[%add3A_1158, %broadcast_in_dim3A_1249] : memref<2048x16xf32, #tpu.memory_space<vmem>>[vector<16xi32>, vector<16xi32>], vector<16xf32>,
        %add3A_1251 = arith.constant 2048 : i32
        %add3A_1252 = arith.addi %add3A_1251, %mul3A_1160 : i32
        %get3A_1253 = arith.index_cast %add3A_1252 : i32 to index
        %get3A_1254 = tpu.vector_load %arg14[%get3A_1253] {strides = array<i32>} : memref<8192xf32, #tpu.memory_space<vmem>>, vector<16xf32>,
        %mul3A_1255 = arith.mulf %gather3A_1250, %get3A_1254 : vector<16xf32>
        %add3A_1256 = arith.addf %mul3A_1247, %mul3A_1255 : vector<16xf32>
        %broadcast_in_dim3A_1257 = arith.constant 8 : i32
        %broadcast_in_dim3A_1258 = vector.broadcast %broadcast_in_dim3A_1257 : i32 to vector<16xi32>
        %gather3A_1259 = tpu.vector_load_idx %arg10[%add3A_1158, %broadcast_in_dim3A_1258] : memref<2048x16xf32, #tpu.memory_space<vmem>>[vector<16xi32>, vector<16xi32>], vector<16xf32>,
        %add3A_1260 = arith.constant 4096 : i32
        %add3A_1261 = arith.addi %add3A_1260, %mul3A_1160 : i32
        %get3A_1262 = arith.index_cast %add3A_1261 : i32 to index
        %get3A_1263 = tpu.vector_load %arg14[%get3A_1262] {strides = array<i32>} : memref<8192xf32, #tpu.memory_space<vmem>>, vector<16xf32>,
        %mul3A_1264 = arith.mulf %gather3A_1259, %get3A_1263 : vector<16xf32>
        %add3A_1265 = arith.addf %add3A_1256, %mul3A_1264 : vector<16xf32>
        %broadcast_in_dim3A_1266 = arith.constant 11 : i32
        %broadcast_in_dim3A_1267 = vector.broadcast %broadcast_in_dim3A_1266 : i32 to vector<16xi32>
        %gather3A_1268 = tpu.vector_load_idx %arg10[%add3A_1158, %broadcast_in_dim3A_1267] : memref<2048x16xf32, #tpu.memory_space<vmem>>[vector<16xi32>, vector<16xi32>], vector<16xf32>,
        %add3A_1269 = arith.constant 6144 : i32
        %add3A_1270 = arith.addi %add3A_1269, %mul3A_1160 : i32
        %get3A_1271 = arith.index_cast %add3A_1270 : i32 to index
        %get3A_1272 = tpu.vector_load %arg14[%get3A_1271] {strides = array<i32>} : memref<8192xf32, #tpu.memory_space<vmem>>, vector<16xf32>,
        %mul3A_1273 = arith.mulf %gather3A_1268, %get3A_1272 : vector<16xf32>
        %add3A_1274 = arith.addf %add3A_1265, %mul3A_1273 : vector<16xf32>
        %max3A_1275 = arith.constant 0.000000e+00 : f32
        %max3A_1276 = vector.broadcast %max3A_1275 : f32 to vector<16xf32>
        %max3A_1277 = arith.maximumf %add3A_1274, %max3A_1276 : vector<16xf32>
        %swap3A_1278 = arith.constant 2 : i32
        %swap3A_1279 = arith.index_cast %swap3A_1278 : i32 to index
        %swap3A_1280 = arith.index_cast %mul3A_1160 : i32 to index
        %swap3A_1281 = tpu.vector_load %arg16[%swap3A_1279, %swap3A_1280] {strides = array<i32>} : memref<3x2048xf32, #tpu.memory_space<vmem>>, vector<16xf32>,
        tpu.vector_store %arg16[%swap3A_1279, %swap3A_1280], %max3A_1277 {strides = array<i32>} : memref<3x2048xf32, #tpu.memory_space<vmem>>, vector<16xf32>,
      }
      %scan3A_1113 = arith.constant 128 : i32
      %mul3A_1114 = arith.constant 2048 : i32
      %mul3A_1115 = arith.muli %add3A_832, %mul3A_1114 : i32
      %add3A_1116 = arith.addi %mul3A_149, %mul3A_1115 : i32
      %multiple_of3A_1117 = tpu.assume_multiple %add3A_1116, 2048 : i32
      %dma_start3A_1118 = arith.constant 0 : i32
      %dma_start3A_1119 = arith.constant 0 : i32
      %dma_start3A_1120 = arith.constant 0 : i32
      %dma_start3A_1121 = tpu.memref_slice %arg16[%dma_start3A_1118, %dma_start3A_1120] : memref<3x2048xf32, #tpu.memory_space<vmem>> -> memref<1x2048xf32, #tpu.memory_space<vmem>>
      %dma_start3A_1122 = tpu.memref_squeeze %dma_start3A_1121 : memref<1x2048xf32, #tpu.memory_space<vmem>> -> memref<2048xf32, #tpu.memory_space<vmem>>
      %dma_start3A_1123 = tpu.memref_slice %arg5[%dma_start3A_1119, %multiple_of3A_1117] : memref<3x4194304xf32, #tpu.memory_space<hbm>> -> memref<1x2048xf32, #tpu.memory_space<hbm>>
      %dma_start3A_1124 = tpu.memref_squeeze %dma_start3A_1123 : memref<1x2048xf32, #tpu.memory_space<hbm>> -> memref<2048xf32, #tpu.memory_space<hbm>>
      %dma_start3A_1125 = tpu.memref_slice %arg5[%dma_start3A_1119, %multiple_of3A_1117] : memref<3x4194304xf32, #tpu.memory_space<hbm>> -> memref<1x2048xf32, #tpu.memory_space<hbm>>
      %dma_start3A_1126 = tpu.memref_squeeze %dma_start3A_1125 : memref<1x2048xf32, #tpu.memory_space<hbm>> -> memref<2048xf32, #tpu.memory_space<hbm>>
      %dma_start3A_1127 = arith.constant 0 : i32
      %dma_start3A_1128 = tpu.memref_slice %arg16[%dma_start3A_1118, %dma_start3A_1127] : memref<3x2048xf32, #tpu.memory_space<vmem>> -> memref<1x2048xf32, #tpu.memory_space<vmem>>
      %dma_start3A_1129 = tpu.memref_squeeze %dma_start3A_1128 : memref<1x2048xf32, #tpu.memory_space<vmem>> -> memref<2048xf32, #tpu.memory_space<vmem>>
      tpu.enqueue_dma source(%dma_start3A_1129 : memref<2048xf32, #tpu.memory_space<vmem>>) target(%dma_start3A_1126 : memref<2048xf32, #tpu.memory_space<hbm>>) target_semaphore(%arg24 : memref<!tpu.dma_semaphore, #tpu.memory_space<semaphore_mem>>)
      %dma_start3A_1130 = arith.constant 1 : i32
      %dma_start3A_1131 = arith.constant 1 : i32
      %dma_start3A_1132 = arith.constant 0 : i32
      %dma_start3A_1133 = tpu.memref_slice %arg16[%dma_start3A_1130, %dma_start3A_1132] : memref<3x2048xf32, #tpu.memory_space<vmem>> -> memref<1x2048xf32, #tpu.memory_space<vmem>>
      %dma_start3A_1134 = tpu.memref_squeeze %dma_start3A_1133 : memref<1x2048xf32, #tpu.memory_space<vmem>> -> memref<2048xf32, #tpu.memory_space<vmem>>
      %dma_start3A_1135 = tpu.memref_slice %arg5[%dma_start3A_1131, %multiple_of3A_1117] : memref<3x4194304xf32, #tpu.memory_space<hbm>> -> memref<1x2048xf32, #tpu.memory_space<hbm>>
      %dma_start3A_1136 = tpu.memref_squeeze %dma_start3A_1135 : memref<1x2048xf32, #tpu.memory_space<hbm>> -> memref<2048xf32, #tpu.memory_space<hbm>>
      %dma_start3A_1137 = tpu.memref_slice %arg5[%dma_start3A_1131, %multiple_of3A_1117] : memref<3x4194304xf32, #tpu.memory_space<hbm>> -> memref<1x2048xf32, #tpu.memory_space<hbm>>
      %dma_start3A_1138 = tpu.memref_squeeze %dma_start3A_1137 : memref<1x2048xf32, #tpu.memory_space<hbm>> -> memref<2048xf32, #tpu.memory_space<hbm>>
      %dma_start3A_1139 = arith.constant 0 : i32
      %dma_start3A_1140 = tpu.memref_slice %arg16[%dma_start3A_1130, %dma_start3A_1139] : memref<3x2048xf32, #tpu.memory_space<vmem>> -> memref<1x2048xf32, #tpu.memory_space<vmem>>
      %dma_start3A_1141 = tpu.memref_squeeze %dma_start3A_1140 : memref<1x2048xf32, #tpu.memory_space<vmem>> -> memref<2048xf32, #tpu.memory_space<vmem>>
      tpu.enqueue_dma source(%dma_start3A_1141 : memref<2048xf32, #tpu.memory_space<vmem>>) target(%dma_start3A_1138 : memref<2048xf32, #tpu.memory_space<hbm>>) target_semaphore(%arg24 : memref<!tpu.dma_semaphore, #tpu.memory_space<semaphore_mem>>)
      %dma_start3A_1142 = arith.constant 2 : i32
      %dma_start3A_1143 = arith.constant 2 : i32
      %dma_start3A_1144 = arith.constant 0 : i32
      %dma_start3A_1145 = tpu.memref_slice %arg16[%dma_start3A_1142, %dma_start3A_1144] : memref<3x2048xf32, #tpu.memory_space<vmem>> -> memref<1x2048xf32, #tpu.memory_space<vmem>>
      %dma_start3A_1146 = tpu.memref_squeeze %dma_start3A_1145 : memref<1x2048xf32, #tpu.memory_space<vmem>> -> memref<2048xf32, #tpu.memory_space<vmem>>
      %dma_start3A_1147 = tpu.memref_slice %arg5[%dma_start3A_1143, %multiple_of3A_1117] : memref<3x4194304xf32, #tpu.memory_space<hbm>> -> memref<1x2048xf32, #tpu.memory_space<hbm>>
      %dma_start3A_1148 = tpu.memref_squeeze %dma_start3A_1147 : memref<1x2048xf32, #tpu.memory_space<hbm>> -> memref<2048xf32, #tpu.memory_space<hbm>>
      %dma_start3A_1149 = tpu.memref_slice %arg5[%dma_start3A_1143, %multiple_of3A_1117] : memref<3x4194304xf32, #tpu.memory_space<hbm>> -> memref<1x2048xf32, #tpu.memory_space<hbm>>
      %dma_start3A_1150 = tpu.memref_squeeze %dma_start3A_1149 : memref<1x2048xf32, #tpu.memory_space<hbm>> -> memref<2048xf32, #tpu.memory_space<hbm>>
      %dma_start3A_1151 = arith.constant 0 : i32
      %dma_start3A_1152 = tpu.memref_slice %arg16[%dma_start3A_1142, %dma_start3A_1151] : memref<3x2048xf32, #tpu.memory_space<vmem>> -> memref<1x2048xf32, #tpu.memory_space<vmem>>
      %dma_start3A_1153 = tpu.memref_squeeze %dma_start3A_1152 : memref<1x2048xf32, #tpu.memory_space<vmem>> -> memref<2048xf32, #tpu.memory_space<vmem>>
      tpu.enqueue_dma source(%dma_start3A_1153 : memref<2048xf32, #tpu.memory_space<vmem>>) target(%dma_start3A_1150 : memref<2048xf32, #tpu.memory_space<hbm>>) target_semaphore(%arg24 : memref<!tpu.dma_semaphore, #tpu.memory_space<semaphore_mem>>)
    }
    %scan3A_400 = arith.constant 32 : i32
    %dma_wait3A_401 = arith.constant 0 : i32
    %dma_wait3A_402 = arith.constant 0 : i32
    %dma_wait3A_403 = tpu.memref_slice %arg6[%arg0, %dma_wait3A_401, %dma_wait3A_402] : memref<2x2097152x16xf32, #tpu.memory_space<hbm>> -> memref<1x2097152x16xf32, #tpu.memory_space<hbm>>
    %dma_wait3A_404 = tpu.memref_squeeze %dma_wait3A_403 : memref<1x2097152x16xf32, #tpu.memory_space<hbm>> -> memref<2097152x16xf32, #tpu.memory_space<hbm>>
    %dma_wait3A_405 = arith.constant 0 : i32
    %dma_wait3A_406 = arith.constant 0 : i32
    %dma_wait3A_407 = tpu.memref_slice %dma_wait3A_404[%dma_wait3A_405, %dma_wait3A_406] : memref<2097152x16xf32, #tpu.memory_space<hbm>> -> memref<2048x16xf32, #tpu.memory_space<hbm>>
    %dma_wait3A_408 = arith.constant 0 : i32
    %dma_wait3A_409 = arith.constant 0 : i32
    %dma_wait3A_410 = tpu.memref_slice %arg6[%arg0, %dma_wait3A_408, %dma_wait3A_409] : memref<2x2097152x16xf32, #tpu.memory_space<hbm>> -> memref<1x2097152x16xf32, #tpu.memory_space<hbm>>
    %dma_wait3A_411 = tpu.memref_squeeze %dma_wait3A_410 : memref<1x2097152x16xf32, #tpu.memory_space<hbm>> -> memref<2097152x16xf32, #tpu.memory_space<hbm>>
    %dma_wait3A_412 = arith.constant 0 : i32
    %dma_wait3A_413 = arith.constant 0 : i32
    %dma_wait3A_414 = tpu.memref_slice %dma_wait3A_411[%dma_wait3A_412, %dma_wait3A_413] : memref<2097152x16xf32, #tpu.memory_space<hbm>> -> memref<2048x16xf32, #tpu.memory_space<hbm>>
    tpu.wait_dma2 semaphore(%arg21 : memref<!tpu.dma_semaphore, #tpu.memory_space<semaphore_mem>>) src(%dma_wait3A_414 : memref<2048x16xf32, #tpu.memory_space<hbm>>) dst(%arg9 : memref<2048x16xf32, #tpu.memory_space<vmem>>)
    %dma_wait3A_415 = arith.constant 0 : i32
    %dma_wait3A_416 = arith.constant 0 : i32
    %dma_wait3A_417 = tpu.memref_slice %arg4[%dma_wait3A_415, %dma_wait3A_416] : memref<2048x8192xf32, #tpu.memory_space<hbm>> -> memref<1x8192xf32, #tpu.memory_space<hbm>>
    %dma_wait3A_418 = tpu.memref_squeeze %dma_wait3A_417 : memref<1x8192xf32, #tpu.memory_space<hbm>> -> memref<8192xf32, #tpu.memory_space<hbm>>
    %dma_wait3A_419 = arith.constant 0 : i32
    %dma_wait3A_420 = tpu.memref_slice %arg4[%dma_wait3A_415, %dma_wait3A_419] : memref<2048x8192xf32, #tpu.memory_space<hbm>> -> memref<1x8192xf32, #tpu.memory_space<hbm>>
    %dma_wait3A_421 = tpu.memref_squeeze %dma_wait3A_420 : memref<1x8192xf32, #tpu.memory_space<hbm>> -> memref<8192xf32, #tpu.memory_space<hbm>>
    tpu.wait_dma2 semaphore(%arg22 : memref<!tpu.dma_semaphore, #tpu.memory_space<semaphore_mem>>) src(%dma_wait3A_421 : memref<8192xf32, #tpu.memory_space<hbm>>) dst(%arg13 : memref<8192xf32, #tpu.memory_space<vmem>>)
    %dma_wait3A_422 = arith.constant 0 : i32
    %dma_wait3A_423 = arith.constant 0 : i32
    %dma_wait3A_424 = arith.constant 0 : i32
    %dma_wait3A_425 = tpu.memref_slice %arg15[%dma_wait3A_422, %dma_wait3A_424] : memref<3x2048xf32, #tpu.memory_space<vmem>> -> memref<1x2048xf32, #tpu.memory_space<vmem>>
    %dma_wait3A_426 = tpu.memref_squeeze %dma_wait3A_425 : memref<1x2048xf32, #tpu.memory_space<vmem>> -> memref<2048xf32, #tpu.memory_space<vmem>>
    %dma_wait3A_427 = arith.constant 0 : i32
    %dma_wait3A_428 = tpu.memref_slice %arg5[%dma_wait3A_423, %dma_wait3A_427] : memref<3x4194304xf32, #tpu.memory_space<hbm>> -> memref<1x2048xf32, #tpu.memory_space<hbm>>
    %dma_wait3A_429 = tpu.memref_squeeze %dma_wait3A_428 : memref<1x2048xf32, #tpu.memory_space<hbm>> -> memref<2048xf32, #tpu.memory_space<hbm>>
    %dma_wait3A_430 = arith.constant 0 : i32
    %dma_wait3A_431 = tpu.memref_slice %arg5[%dma_wait3A_423, %dma_wait3A_430] : memref<3x4194304xf32, #tpu.memory_space<hbm>> -> memref<1x2048xf32, #tpu.memory_space<hbm>>
    %dma_wait3A_432 = tpu.memref_squeeze %dma_wait3A_431 : memref<1x2048xf32, #tpu.memory_space<hbm>> -> memref<2048xf32, #tpu.memory_space<hbm>>
    %dma_wait3A_433 = arith.constant 0 : i32
    %dma_wait3A_434 = tpu.memref_slice %arg15[%dma_wait3A_422, %dma_wait3A_433] : memref<3x2048xf32, #tpu.memory_space<vmem>> -> memref<1x2048xf32, #tpu.memory_space<vmem>>
    %dma_wait3A_435 = tpu.memref_squeeze %dma_wait3A_434 : memref<1x2048xf32, #tpu.memory_space<vmem>> -> memref<2048xf32, #tpu.memory_space<vmem>>
    tpu.wait_dma2 semaphore(%arg23 : memref<!tpu.dma_semaphore, #tpu.memory_space<semaphore_mem>>) src(%dma_wait3A_435 : memref<2048xf32, #tpu.memory_space<vmem>>) dst(%dma_wait3A_432 : memref<2048xf32, #tpu.memory_space<hbm>>)
    %dma_wait3A_436 = arith.constant 1 : i32
    %dma_wait3A_437 = arith.constant 1 : i32
    %dma_wait3A_438 = arith.constant 0 : i32
    %dma_wait3A_439 = tpu.memref_slice %arg15[%dma_wait3A_436, %dma_wait3A_438] : memref<3x2048xf32, #tpu.memory_space<vmem>> -> memref<1x2048xf32, #tpu.memory_space<vmem>>
    %dma_wait3A_440 = tpu.memref_squeeze %dma_wait3A_439 : memref<1x2048xf32, #tpu.memory_space<vmem>> -> memref<2048xf32, #tpu.memory_space<vmem>>
    %dma_wait3A_441 = arith.constant 0 : i32
    %dma_wait3A_442 = tpu.memref_slice %arg5[%dma_wait3A_437, %dma_wait3A_441] : memref<3x4194304xf32, #tpu.memory_space<hbm>> -> memref<1x2048xf32, #tpu.memory_space<hbm>>
    %dma_wait3A_443 = tpu.memref_squeeze %dma_wait3A_442 : memref<1x2048xf32, #tpu.memory_space<hbm>> -> memref<2048xf32, #tpu.memory_space<hbm>>
    %dma_wait3A_444 = arith.constant 0 : i32
    %dma_wait3A_445 = tpu.memref_slice %arg5[%dma_wait3A_437, %dma_wait3A_444] : memref<3x4194304xf32, #tpu.memory_space<hbm>> -> memref<1x2048xf32, #tpu.memory_space<hbm>>
    %dma_wait3A_446 = tpu.memref_squeeze %dma_wait3A_445 : memref<1x2048xf32, #tpu.memory_space<hbm>> -> memref<2048xf32, #tpu.memory_space<hbm>>
    %dma_wait3A_447 = arith.constant 0 : i32
    %dma_wait3A_448 = tpu.memref_slice %arg15[%dma_wait3A_436, %dma_wait3A_447] : memref<3x2048xf32, #tpu.memory_space<vmem>> -> memref<1x2048xf32, #tpu.memory_space<vmem>>
    %dma_wait3A_449 = tpu.memref_squeeze %dma_wait3A_448 : memref<1x2048xf32, #tpu.memory_space<vmem>> -> memref<2048xf32, #tpu.memory_space<vmem>>
    tpu.wait_dma2 semaphore(%arg23 : memref<!tpu.dma_semaphore, #tpu.memory_space<semaphore_mem>>) src(%dma_wait3A_449 : memref<2048xf32, #tpu.memory_space<vmem>>) dst(%dma_wait3A_446 : memref<2048xf32, #tpu.memory_space<hbm>>)
    %dma_wait3A_450 = arith.constant 2 : i32
    %dma_wait3A_451 = arith.constant 2 : i32
    %dma_wait3A_452 = arith.constant 0 : i32
    %dma_wait3A_453 = tpu.memref_slice %arg15[%dma_wait3A_450, %dma_wait3A_452] : memref<3x2048xf32, #tpu.memory_space<vmem>> -> memref<1x2048xf32, #tpu.memory_space<vmem>>
    %dma_wait3A_454 = tpu.memref_squeeze %dma_wait3A_453 : memref<1x2048xf32, #tpu.memory_space<vmem>> -> memref<2048xf32, #tpu.memory_space<vmem>>
    %dma_wait3A_455 = arith.constant 0 : i32
    %dma_wait3A_456 = tpu.memref_slice %arg5[%dma_wait3A_451, %dma_wait3A_455] : memref<3x4194304xf32, #tpu.memory_space<hbm>> -> memref<1x2048xf32, #tpu.memory_space<hbm>>
    %dma_wait3A_457 = tpu.memref_squeeze %dma_wait3A_456 : memref<1x2048xf32, #tpu.memory_space<hbm>> -> memref<2048xf32, #tpu.memory_space<hbm>>
    %dma_wait3A_458 = arith.constant 0 : i32
    %dma_wait3A_459 = tpu.memref_slice %arg5[%dma_wait3A_451, %dma_wait3A_458] : memref<3x4194304xf32, #tpu.memory_space<hbm>> -> memref<1x2048xf32, #tpu.memory_space<hbm>>
    %dma_wait3A_460 = tpu.memref_squeeze %dma_wait3A_459 : memref<1x2048xf32, #tpu.memory_space<hbm>> -> memref<2048xf32, #tpu.memory_space<hbm>>
    %dma_wait3A_461 = arith.constant 0 : i32
    %dma_wait3A_462 = tpu.memref_slice %arg15[%dma_wait3A_450, %dma_wait3A_461] : memref<3x2048xf32, #tpu.memory_space<vmem>> -> memref<1x2048xf32, #tpu.memory_space<vmem>>
    %dma_wait3A_463 = tpu.memref_squeeze %dma_wait3A_462 : memref<1x2048xf32, #tpu.memory_space<vmem>> -> memref<2048xf32, #tpu.memory_space<vmem>>
    tpu.wait_dma2 semaphore(%arg23 : memref<!tpu.dma_semaphore, #tpu.memory_space<semaphore_mem>>) src(%dma_wait3A_463 : memref<2048xf32, #tpu.memory_space<vmem>>) dst(%dma_wait3A_460 : memref<2048xf32, #tpu.memory_space<hbm>>)
    %dma_wait3A_464 = arith.constant 0 : i32
    %dma_wait3A_465 = arith.constant 0 : i32
    %dma_wait3A_466 = arith.constant 0 : i32
    %dma_wait3A_467 = tpu.memref_slice %arg16[%dma_wait3A_464, %dma_wait3A_466] : memref<3x2048xf32, #tpu.memory_space<vmem>> -> memref<1x2048xf32, #tpu.memory_space<vmem>>
    %dma_wait3A_468 = tpu.memref_squeeze %dma_wait3A_467 : memref<1x2048xf32, #tpu.memory_space<vmem>> -> memref<2048xf32, #tpu.memory_space<vmem>>
    %dma_wait3A_469 = arith.constant 0 : i32
    %dma_wait3A_470 = tpu.memref_slice %arg5[%dma_wait3A_465, %dma_wait3A_469] : memref<3x4194304xf32, #tpu.memory_space<hbm>> -> memref<1x2048xf32, #tpu.memory_space<hbm>>
    %dma_wait3A_471 = tpu.memref_squeeze %dma_wait3A_470 : memref<1x2048xf32, #tpu.memory_space<hbm>> -> memref<2048xf32, #tpu.memory_space<hbm>>
    %dma_wait3A_472 = arith.constant 0 : i32
    %dma_wait3A_473 = tpu.memref_slice %arg5[%dma_wait3A_465, %dma_wait3A_472] : memref<3x4194304xf32, #tpu.memory_space<hbm>> -> memref<1x2048xf32, #tpu.memory_space<hbm>>
    %dma_wait3A_474 = tpu.memref_squeeze %dma_wait3A_473 : memref<1x2048xf32, #tpu.memory_space<hbm>> -> memref<2048xf32, #tpu.memory_space<hbm>>
    %dma_wait3A_475 = arith.constant 0 : i32
    %dma_wait3A_476 = tpu.memref_slice %arg16[%dma_wait3A_464, %dma_wait3A_475] : memref<3x2048xf32, #tpu.memory_space<vmem>> -> memref<1x2048xf32, #tpu.memory_space<vmem>>
    %dma_wait3A_477 = tpu.memref_squeeze %dma_wait3A_476 : memref<1x2048xf32, #tpu.memory_space<vmem>> -> memref<2048xf32, #tpu.memory_space<vmem>>
    tpu.wait_dma2 semaphore(%arg24 : memref<!tpu.dma_semaphore, #tpu.memory_space<semaphore_mem>>) src(%dma_wait3A_477 : memref<2048xf32, #tpu.memory_space<vmem>>) dst(%dma_wait3A_474 : memref<2048xf32, #tpu.memory_space<hbm>>)
    %dma_wait3A_478 = arith.constant 1 : i32
    %dma_wait3A_479 = arith.constant 1 : i32
    %dma_wait3A_480 = arith.constant 0 : i32
    %dma_wait3A_481 = tpu.memref_slice %arg16[%dma_wait3A_478, %dma_wait3A_480] : memref<3x2048xf32, #tpu.memory_space<vmem>> -> memref<1x2048xf32, #tpu.memory_space<vmem>>
    %dma_wait3A_482 = tpu.memref_squeeze %dma_wait3A_481 : memref<1x2048xf32, #tpu.memory_space<vmem>> -> memref<2048xf32, #tpu.memory_space<vmem>>
    %dma_wait3A_483 = arith.constant 0 : i32
    %dma_wait3A_484 = tpu.memref_slice %arg5[%dma_wait3A_479, %dma_wait3A_483] : memref<3x4194304xf32, #tpu.memory_space<hbm>> -> memref<1x2048xf32, #tpu.memory_space<hbm>>
    %dma_wait3A_485 = tpu.memref_squeeze %dma_wait3A_484 : memref<1x2048xf32, #tpu.memory_space<hbm>> -> memref<2048xf32, #tpu.memory_space<hbm>>
    %dma_wait3A_486 = arith.constant 0 : i32
    %dma_wait3A_487 = tpu.memref_slice %arg5[%dma_wait3A_479, %dma_wait3A_486] : memref<3x4194304xf32, #tpu.memory_space<hbm>> -> memref<1x2048xf32, #tpu.memory_space<hbm>>
    %dma_wait3A_488 = tpu.memref_squeeze %dma_wait3A_487 : memref<1x2048xf32, #tpu.memory_space<hbm>> -> memref<2048xf32, #tpu.memory_space<hbm>>
    %dma_wait3A_489 = arith.constant 0 : i32
    %dma_wait3A_490 = tpu.memref_slice %arg16[%dma_wait3A_478, %dma_wait3A_489] : memref<3x2048xf32, #tpu.memory_space<vmem>> -> memref<1x2048xf32, #tpu.memory_space<vmem>>
    %dma_wait3A_491 = tpu.memref_squeeze %dma_wait3A_490 : memref<1x2048xf32, #tpu.memory_space<vmem>> -> memref<2048xf32, #tpu.memory_space<vmem>>
    tpu.wait_dma2 semaphore(%arg24 : memref<!tpu.dma_semaphore, #tpu.memory_space<semaphore_mem>>) src(%dma_wait3A_491 : memref<2048xf32, #tpu.memory_space<vmem>>) dst(%dma_wait3A_488 : memref<2048xf32, #tpu.memory_space<hbm>>)
    %dma_wait3A_492 = arith.constant 2 : i32
    %dma_wait3A_493 = arith.constant 2 : i32
    %dma_wait3A_494 = arith.constant 0 : i32
    %dma_wait3A_495 = tpu.memref_slice %arg16[%dma_wait3A_492, %dma_wait3A_494] : memref<3x2048xf32, #tpu.memory_space<vmem>> -> memref<1x2048xf32, #tpu.memory_space<vmem>>
    %dma_wait3A_496 = tpu.memref_squeeze %dma_wait3A_495 : memref<1x2048xf32, #tpu.memory_space<vmem>> -> memref<2048xf32, #tpu.memory_space<vmem>>
    %dma_wait3A_497 = arith.constant 0 : i32
    %dma_wait3A_498 = tpu.memref_slice %arg5[%dma_wait3A_493, %dma_wait3A_497] : memref<3x4194304xf32, #tpu.memory_space<hbm>> -> memref<1x2048xf32, #tpu.memory_space<hbm>>
    %dma_wait3A_499 = tpu.memref_squeeze %dma_wait3A_498 : memref<1x2048xf32, #tpu.memory_space<hbm>> -> memref<2048xf32, #tpu.memory_space<hbm>>
    %dma_wait3A_500 = arith.constant 0 : i32
    %dma_wait3A_501 = tpu.memref_slice %arg5[%dma_wait3A_493, %dma_wait3A_500] : memref<3x4194304xf32, #tpu.memory_space<hbm>> -> memref<1x2048xf32, #tpu.memory_space<hbm>>
    %dma_wait3A_502 = tpu.memref_squeeze %dma_wait3A_501 : memref<1x2048xf32, #tpu.memory_space<hbm>> -> memref<2048xf32, #tpu.memory_space<hbm>>
    %dma_wait3A_503 = arith.constant 0 : i32
    %dma_wait3A_504 = tpu.memref_slice %arg16[%dma_wait3A_492, %dma_wait3A_503] : memref<3x2048xf32, #tpu.memory_space<vmem>> -> memref<1x2048xf32, #tpu.memory_space<vmem>>
    %dma_wait3A_505 = tpu.memref_squeeze %dma_wait3A_504 : memref<1x2048xf32, #tpu.memory_space<vmem>> -> memref<2048xf32, #tpu.memory_space<vmem>>
    tpu.wait_dma2 semaphore(%arg24 : memref<!tpu.dma_semaphore, #tpu.memory_space<semaphore_mem>>) src(%dma_wait3A_505 : memref<2048xf32, #tpu.memory_space<vmem>>) dst(%dma_wait3A_502 : memref<2048xf32, #tpu.memory_space<hbm>>)
    return
  }
}

module attributes {stable_mosaic.version = 14 : i64} {
  func.func @_coords_body(%arg0: i32, %arg1: memref<3x8x2048xf32, #tpu.memory_space<vmem>>, %arg2: memref<8x2048xi32, #tpu.memory_space<vmem>>, %arg3: memref<8x8192xf32, #tpu.memory_space<vmem>>) attributes {dimension_semantics = [#tpu.dimension_semantics<arbitrary>], iteration_bounds = array<i64: 256>, scalar_prefetch = 0 : i64, scratch_operands = 0 : i64, tpu.core_type = #tpu.core_type<tc>, window_params = [{transform_indices = @transform_0, window_bounds = array<i64: 3, 8, 2048>}, {transform_indices = @transform_1, window_bounds = array<i64: 8, 2048>}, {transform_indices = @transform_2, window_bounds = array<i64: 8, 8192>}]} {
    %get3A = arith.constant 0 : index
    %get3A_0 = arith.constant 0 : index
    %get3A_1 = arith.constant 0 : index
    %get3A_2 = vector.load %arg1[%get3A, %get3A_0, %get3A_1] : memref<3x8x2048xf32, #tpu.memory_space<vmem>>, vector<1x8x2048xf32>
    %get3A_3 = vector.shape_cast %get3A_2 : vector<1x8x2048xf32> to vector<8x2048xf32>
    %get3A_4 = arith.constant 1 : index
    %get3A_5 = arith.constant 0 : index
    %get3A_6 = arith.constant 0 : index
    %get3A_7 = vector.load %arg1[%get3A_4, %get3A_5, %get3A_6] : memref<3x8x2048xf32, #tpu.memory_space<vmem>>, vector<1x8x2048xf32>
    %get3A_8 = vector.shape_cast %get3A_7 : vector<1x8x2048xf32> to vector<8x2048xf32>
    %get3A_9 = arith.constant 2 : index
    %get3A_10 = arith.constant 0 : index
    %get3A_11 = arith.constant 0 : index
    %get3A_12 = vector.load %arg1[%get3A_9, %get3A_10, %get3A_11] : memref<3x8x2048xf32, #tpu.memory_space<vmem>>, vector<1x8x2048xf32>
    %get3A_13 = vector.shape_cast %get3A_12 : vector<1x8x2048xf32> to vector<8x2048xf32>
    %neg3A = arith.constant 0.000000e+00 : f32
    %neg3A_14 = vector.broadcast %neg3A : f32 to vector<8x2048xf32>
    %neg3A_15 = arith.subf %neg3A_14, %get3A_13 : vector<8x2048xf32>
    %abs3A = math.absf %get3A_3 : vector<8x2048xf32>
    %abs3A_16 = math.absf %neg3A_15 : vector<8x2048xf32>
    %max3A = arith.maximumf %abs3A, %abs3A_16 : vector<8x2048xf32>
    %min3A = arith.minimumf %abs3A, %abs3A_16 : vector<8x2048xf32>
    %max3A_17 = arith.constant 1.000000e-30 : f32
    %max3A_18 = vector.broadcast %max3A_17 : f32 to vector<8x2048xf32>
    %max3A_19 = arith.maximumf %max3A, %max3A_18 : vector<8x2048xf32>
    %div3A = arith.divf %min3A, %max3A_19 : vector<8x2048xf32>
    %mul3A = arith.mulf %div3A, %div3A : vector<8x2048xf32>
    %mul3A_20 = arith.constant -0.00405405788 : f32
    %mul3A_21 = vector.broadcast %mul3A_20 : f32 to vector<8x2048xf32>
    %mul3A_22 = arith.mulf %mul3A_21, %mul3A : vector<8x2048xf32>
    %add3A = arith.constant 0.0218612291 : f32
    %add3A_23 = vector.broadcast %add3A : f32 to vector<8x2048xf32>
    %add3A_24 = arith.addf %mul3A_22, %add3A_23 : vector<8x2048xf32>
    %mul3A_25 = arith.mulf %add3A_24, %mul3A : vector<8x2048xf32>
    %add3A_26 = arith.constant -0.055909887 : f32
    %add3A_27 = vector.broadcast %add3A_26 : f32 to vector<8x2048xf32>
    %add3A_28 = arith.addf %mul3A_25, %add3A_27 : vector<8x2048xf32>
    %mul3A_29 = arith.mulf %add3A_28, %mul3A : vector<8x2048xf32>
    %add3A_30 = arith.constant 0.0964200422 : f32
    %add3A_31 = vector.broadcast %add3A_30 : f32 to vector<8x2048xf32>
    %add3A_32 = arith.addf %mul3A_29, %add3A_31 : vector<8x2048xf32>
    %mul3A_33 = arith.mulf %add3A_32, %mul3A : vector<8x2048xf32>
    %add3A_34 = arith.constant -0.139085338 : f32
    %add3A_35 = vector.broadcast %add3A_34 : f32 to vector<8x2048xf32>
    %add3A_36 = arith.addf %mul3A_33, %add3A_35 : vector<8x2048xf32>
    %mul3A_37 = arith.mulf %add3A_36, %mul3A : vector<8x2048xf32>
    %add3A_38 = arith.constant 0.199465364 : f32
    %add3A_39 = vector.broadcast %add3A_38 : f32 to vector<8x2048xf32>
    %add3A_40 = arith.addf %mul3A_37, %add3A_39 : vector<8x2048xf32>
    %mul3A_41 = arith.mulf %add3A_40, %mul3A : vector<8x2048xf32>
    %add3A_42 = arith.constant -0.333298564 : f32
    %add3A_43 = vector.broadcast %add3A_42 : f32 to vector<8x2048xf32>
    %add3A_44 = arith.addf %mul3A_41, %add3A_43 : vector<8x2048xf32>
    %mul3A_45 = arith.mulf %add3A_44, %mul3A : vector<8x2048xf32>
    %add3A_46 = arith.constant 0.999999344 : f32
    %add3A_47 = vector.broadcast %add3A_46 : f32 to vector<8x2048xf32>
    %add3A_48 = arith.addf %mul3A_45, %add3A_47 : vector<8x2048xf32>
    %mul3A_49 = arith.mulf %add3A_48, %div3A : vector<8x2048xf32>
    %gt3A = arith.cmpf ogt, %abs3A, %abs3A_16 : vector<8x2048xf32>
    %sub3A = arith.constant 1.57079637 : f32
    %sub3A_50 = vector.broadcast %sub3A : f32 to vector<8x2048xf32>
    %sub3A_51 = arith.subf %sub3A_50, %mul3A_49 : vector<8x2048xf32>
    %select_n3A = arith.select %gt3A, %sub3A_51, %mul3A_49 : vector<8x2048xi1>, vector<8x2048xf32>
    %lt3A = arith.constant 0.000000e+00 : f32
    %lt3A_52 = vector.broadcast %lt3A : f32 to vector<8x2048xf32>
    %lt3A_53 = arith.cmpf olt, %neg3A_15, %lt3A_52 : vector<8x2048xf32>
    %sub3A_54 = arith.constant 3.14159274 : f32
    %sub3A_55 = vector.broadcast %sub3A_54 : f32 to vector<8x2048xf32>
    %sub3A_56 = arith.subf %sub3A_55, %select_n3A : vector<8x2048xf32>
    %select_n3A_57 = arith.select %lt3A_53, %sub3A_56, %select_n3A : vector<8x2048xi1>, vector<8x2048xf32>
    %lt3A_58 = arith.constant 0.000000e+00 : f32
    %lt3A_59 = vector.broadcast %lt3A_58 : f32 to vector<8x2048xf32>
    %lt3A_60 = arith.cmpf olt, %get3A_3, %lt3A_59 : vector<8x2048xf32>
    %neg3A_61 = arith.constant 0.000000e+00 : f32
    %neg3A_62 = vector.broadcast %neg3A_61 : f32 to vector<8x2048xf32>
    %neg3A_63 = arith.subf %neg3A_62, %select_n3A_57 : vector<8x2048xf32>
    %select_n3A_64 = arith.select %lt3A_60, %neg3A_63, %select_n3A_57 : vector<8x2048xi1>, vector<8x2048xf32>
    %mul3A_65 = arith.constant 0.318309873 : f32
    %mul3A_66 = vector.broadcast %mul3A_65 : f32 to vector<8x2048xf32>
    %mul3A_67 = arith.mulf %select_n3A_64, %mul3A_66 : vector<8x2048xf32>
    %jit3A = arith.constant -0.999998986 : f32
    %jit3A_68 = arith.constant 0.999998986 : f32
    %max3A_69 = vector.broadcast %jit3A : f32 to vector<8x2048xf32>
    %max3A_70 = arith.maximumf %max3A_69, %get3A_8 : vector<8x2048xf32>
    %min3A_71 = vector.broadcast %jit3A_68 : f32 to vector<8x2048xf32>
    %min3A_72 = arith.minimumf %min3A_71, %max3A_70 : vector<8x2048xf32>
    %abs3A_73 = math.absf %min3A_72 : vector<8x2048xf32>
    %mul3A_74 = arith.constant -0.0012624911 : f32
    %mul3A_75 = vector.broadcast %mul3A_74 : f32 to vector<8x2048xf32>
    %mul3A_76 = arith.mulf %mul3A_75, %abs3A_73 : vector<8x2048xf32>
    %add3A_77 = arith.constant 6.670090e-03 : f32
    %add3A_78 = vector.broadcast %add3A_77 : f32 to vector<8x2048xf32>
    %add3A_79 = arith.addf %mul3A_76, %add3A_78 : vector<8x2048xf32>
    %mul3A_80 = arith.mulf %add3A_79, %abs3A_73 : vector<8x2048xf32>
    %add3A_81 = arith.constant -0.0170881264 : f32
    %add3A_82 = vector.broadcast %add3A_81 : f32 to vector<8x2048xf32>
    %add3A_83 = arith.addf %mul3A_80, %add3A_82 : vector<8x2048xf32>
    %mul3A_84 = arith.mulf %add3A_83, %abs3A_73 : vector<8x2048xf32>
    %add3A_85 = arith.constant 0.0308918804 : f32
    %add3A_86 = vector.broadcast %add3A_85 : f32 to vector<8x2048xf32>
    %add3A_87 = arith.addf %mul3A_84, %add3A_86 : vector<8x2048xf32>
    %mul3A_88 = arith.mulf %add3A_87, %abs3A_73 : vector<8x2048xf32>
    %add3A_89 = arith.constant -0.0501743034 : f32
    %add3A_90 = vector.broadcast %add3A_89 : f32 to vector<8x2048xf32>
    %add3A_91 = arith.addf %mul3A_88, %add3A_90 : vector<8x2048xf32>
    %mul3A_92 = arith.mulf %add3A_91, %abs3A_73 : vector<8x2048xf32>
    %add3A_93 = arith.constant 0.0889789909 : f32
    %add3A_94 = vector.broadcast %add3A_93 : f32 to vector<8x2048xf32>
    %add3A_95 = arith.addf %mul3A_92, %add3A_94 : vector<8x2048xf32>
    %mul3A_96 = arith.mulf %add3A_95, %abs3A_73 : vector<8x2048xf32>
    %add3A_97 = arith.constant -0.214598805 : f32
    %add3A_98 = vector.broadcast %add3A_97 : f32 to vector<8x2048xf32>
    %add3A_99 = arith.addf %mul3A_96, %add3A_98 : vector<8x2048xf32>
    %mul3A_100 = arith.mulf %add3A_99, %abs3A_73 : vector<8x2048xf32>
    %add3A_101 = arith.constant 1.57079625 : f32
    %add3A_102 = vector.broadcast %add3A_101 : f32 to vector<8x2048xf32>
    %add3A_103 = arith.addf %mul3A_100, %add3A_102 : vector<8x2048xf32>
    %sub3A_104 = arith.constant 1.000000e+00 : f32
    %sub3A_105 = vector.broadcast %sub3A_104 : f32 to vector<8x2048xf32>
    %sub3A_106 = arith.subf %sub3A_105, %abs3A_73 : vector<8x2048xf32>
    %max3A_107 = arith.constant 0.000000e+00 : f32
    %max3A_108 = vector.broadcast %max3A_107 : f32 to vector<8x2048xf32>
    %max3A_109 = arith.maximumf %sub3A_106, %max3A_108 : vector<8x2048xf32>
    %sqrt3A = math.sqrt %max3A_109 : vector<8x2048xf32>
    %mul3A_110 = arith.mulf %sqrt3A, %add3A_103 : vector<8x2048xf32>
    %lt3A_111 = arith.constant 0.000000e+00 : f32
    %lt3A_112 = vector.broadcast %lt3A_111 : f32 to vector<8x2048xf32>
    %lt3A_113 = arith.cmpf olt, %min3A_72, %lt3A_112 : vector<8x2048xf32>
    %sub3A_114 = arith.constant 3.14159274 : f32
    %sub3A_115 = vector.broadcast %sub3A_114 : f32 to vector<8x2048xf32>
    %sub3A_116 = arith.subf %sub3A_115, %mul3A_110 : vector<8x2048xf32>
    %select_n3A_117 = arith.select %lt3A_113, %sub3A_116, %mul3A_110 : vector<8x2048xi1>, vector<8x2048xf32>
    %mul3A_118 = arith.constant 0.636619746 : f32
    %mul3A_119 = vector.broadcast %mul3A_118 : f32 to vector<8x2048xf32>
    %mul3A_120 = arith.mulf %select_n3A_117, %mul3A_119 : vector<8x2048xf32>
    %sub3A_121 = arith.constant 1.000000e+00 : f32
    %sub3A_122 = vector.broadcast %sub3A_121 : f32 to vector<8x2048xf32>
    %sub3A_123 = arith.subf %mul3A_120, %sub3A_122 : vector<8x2048xf32>
    %add3A_124 = arith.constant 1.000000e+00 : f32
    %add3A_125 = vector.broadcast %add3A_124 : f32 to vector<8x2048xf32>
    %add3A_126 = arith.addf %mul3A_67, %add3A_125 : vector<8x2048xf32>
    %mul3A_127 = arith.constant 2.048000e+03 : f32
    %mul3A_128 = vector.broadcast %mul3A_127 : f32 to vector<8x2048xf32>
    %mul3A_129 = arith.mulf %add3A_126, %mul3A_128 : vector<8x2048xf32>
    %sub3A_130 = arith.constant 1.000000e+00 : f32
    %sub3A_131 = vector.broadcast %sub3A_130 : f32 to vector<8x2048xf32>
    %sub3A_132 = arith.subf %mul3A_129, %sub3A_131 : vector<8x2048xf32>
    %mul3A_133 = arith.constant 5.000000e-01 : f32
    %mul3A_134 = vector.broadcast %mul3A_133 : f32 to vector<8x2048xf32>
    %mul3A_135 = arith.mulf %sub3A_132, %mul3A_134 : vector<8x2048xf32>
    %jit3A_136 = arith.constant 0.000000e+00 : f32
    %jit3A_137 = arith.constant 2.047000e+03 : f32
    %max3A_138 = vector.broadcast %jit3A_136 : f32 to vector<8x2048xf32>
    %max3A_139 = arith.maximumf %max3A_138, %mul3A_135 : vector<8x2048xf32>
    %min3A_140 = vector.broadcast %jit3A_137 : f32 to vector<8x2048xf32>
    %min3A_141 = arith.minimumf %min3A_140, %max3A_139 : vector<8x2048xf32>
    %add3A_142 = arith.constant 1.000000e+00 : f32
    %add3A_143 = vector.broadcast %add3A_142 : f32 to vector<8x2048xf32>
    %add3A_144 = arith.addf %sub3A_123, %add3A_143 : vector<8x2048xf32>
    %mul3A_145 = arith.constant 1.024000e+03 : f32
    %mul3A_146 = vector.broadcast %mul3A_145 : f32 to vector<8x2048xf32>
    %mul3A_147 = arith.mulf %add3A_144, %mul3A_146 : vector<8x2048xf32>
    %sub3A_148 = arith.constant 1.000000e+00 : f32
    %sub3A_149 = vector.broadcast %sub3A_148 : f32 to vector<8x2048xf32>
    %sub3A_150 = arith.subf %mul3A_147, %sub3A_149 : vector<8x2048xf32>
    %mul3A_151 = arith.constant 5.000000e-01 : f32
    %mul3A_152 = vector.broadcast %mul3A_151 : f32 to vector<8x2048xf32>
    %mul3A_153 = arith.mulf %sub3A_150, %mul3A_152 : vector<8x2048xf32>
    %jit3A_154 = arith.constant 0.000000e+00 : f32
    %jit3A_155 = arith.constant 1.023000e+03 : f32
    %max3A_156 = vector.broadcast %jit3A_154 : f32 to vector<8x2048xf32>
    %max3A_157 = arith.maximumf %max3A_156, %mul3A_153 : vector<8x2048xf32>
    %min3A_158 = vector.broadcast %jit3A_155 : f32 to vector<8x2048xf32>
    %min3A_159 = arith.minimumf %min3A_158, %max3A_157 : vector<8x2048xf32>
    %floor3A = math.floor %min3A_141 : vector<8x2048xf32>
    %floor3A_160 = math.floor %min3A_159 : vector<8x2048xf32>
    %sub3A_161 = arith.subf %min3A_141, %floor3A : vector<8x2048xf32>
    %sub3A_162 = arith.subf %min3A_159, %floor3A_160 : vector<8x2048xf32>
    %sub3A_163 = arith.constant 1.000000e+00 : f32
    %sub3A_164 = vector.broadcast %sub3A_163 : f32 to vector<8x2048xf32>
    %sub3A_165 = arith.subf %sub3A_164, %sub3A_161 : vector<8x2048xf32>
    %sub3A_166 = arith.constant 1.000000e+00 : f32
    %sub3A_167 = vector.broadcast %sub3A_166 : f32 to vector<8x2048xf32>
    %sub3A_168 = arith.subf %sub3A_167, %sub3A_162 : vector<8x2048xf32>
    %convert_element_type3A = arith.fptosi %floor3A_160 : vector<8x2048xf32> to vector<8x2048xi32>
    %mul3A_169 = arith.constant 2048 : i32
    %mul3A_170 = vector.broadcast %mul3A_169 : i32 to vector<8x2048xi32>
    %mul3A_171 = arith.muli %convert_element_type3A, %mul3A_170 : vector<8x2048xi32>
    %convert_element_type3A_172 = arith.fptosi %floor3A : vector<8x2048xf32> to vector<8x2048xi32>
    %add3A_173 = arith.addi %mul3A_171, %convert_element_type3A_172 : vector<8x2048xi32>
    %swap3A = arith.constant 0 : index
    %swap3A_174 = arith.constant 0 : index
    %swap3A_175 = vector.load %arg2[%swap3A, %swap3A_174] : memref<8x2048xi32, #tpu.memory_space<vmem>>, vector<8x2048xi32>
    tpu.vector_store %arg2[%swap3A, %swap3A_174], %add3A_173 {strides = array<i32>} : memref<8x2048xi32, #tpu.memory_space<vmem>>, vector<8x2048xi32>,
    %mul3A_176 = arith.mulf %sub3A_165, %sub3A_168 : vector<8x2048xf32>
    %swap3A_177 = arith.constant 0 : index
    %swap3A_178 = arith.constant 0 : index
    %swap3A_179 = vector.load %arg3[%swap3A_177, %swap3A_178] : memref<8x8192xf32, #tpu.memory_space<vmem>>, vector<8x2048xf32>
    tpu.vector_store %arg3[%swap3A_177, %swap3A_178], %mul3A_176 {strides = array<i32>} : memref<8x8192xf32, #tpu.memory_space<vmem>>, vector<8x2048xf32>,
    %mul3A_180 = arith.mulf %sub3A_161, %sub3A_168 : vector<8x2048xf32>
    %swap3A_181 = arith.constant 0 : index
    %swap3A_182 = arith.constant 2048 : index
    %swap3A_183 = vector.load %arg3[%swap3A_181, %swap3A_182] : memref<8x8192xf32, #tpu.memory_space<vmem>>, vector<8x2048xf32>
    tpu.vector_store %arg3[%swap3A_181, %swap3A_182], %mul3A_180 {strides = array<i32>} : memref<8x8192xf32, #tpu.memory_space<vmem>>, vector<8x2048xf32>,
    %mul3A_184 = arith.mulf %sub3A_165, %sub3A_162 : vector<8x2048xf32>
    %swap3A_185 = arith.constant 0 : index
    %swap3A_186 = arith.constant 4096 : index
    %swap3A_187 = vector.load %arg3[%swap3A_185, %swap3A_186] : memref<8x8192xf32, #tpu.memory_space<vmem>>, vector<8x2048xf32>
    tpu.vector_store %arg3[%swap3A_185, %swap3A_186], %mul3A_184 {strides = array<i32>} : memref<8x8192xf32, #tpu.memory_space<vmem>>, vector<8x2048xf32>,
    %mul3A_188 = arith.mulf %sub3A_161, %sub3A_162 : vector<8x2048xf32>
    %swap3A_189 = arith.constant 0 : index
    %swap3A_190 = arith.constant 6144 : index
    %swap3A_191 = vector.load %arg3[%swap3A_189, %swap3A_190] : memref<8x8192xf32, #tpu.memory_space<vmem>>, vector<8x2048xf32>
    tpu.vector_store %arg3[%swap3A_189, %swap3A_190], %mul3A_188 {strides = array<i32>} : memref<8x8192xf32, #tpu.memory_space<vmem>>, vector<8x2048xf32>,
    return
  }
  func.func @transform_0(%arg0: i32) -> (i32, i32, i32) {
    %c0_i32 = arith.constant 0 : i32
    %c0_i32_0 = arith.constant 0 : i32
    %c0_i32_1 = arith.constant 0 : i32
    return %c0_i32, %arg0, %c0_i32_0 : i32, i32, i32
  }
  func.func @transform_1(%arg0: i32) -> (i32, i32) {
    %c0_i32 = arith.constant 0 : i32
    %c0_i32_0 = arith.constant 0 : i32
    return %arg0, %c0_i32 : i32, i32
  }
  func.func @transform_2(%arg0: i32) -> (i32, i32) {
    %c0_i32 = arith.constant 0 : i32
    %c0_i32_0 = arith.constant 0 : i32
    return %arg0, %c0_i32 : i32, i32
  }
}

</mosaic_0001>

<sc_bundles>
// kernel: sc_envmap.3.cloned.1.call-start
scs
__scs_entry_jumppad:
0x0: {  	(pc) =	sbr.rel $0x88, $3  }
0x1: {  	(tag) =	ssettag $0x0;
	lr =	simm.s32 $0x1  }
0x2: {  	[smem:$0x3F9F] =	sst lr;
	_ =	strace $0xD0000000  }
0x3: {  	_ = 	snop  }
0x4: {  	_ = 	snop  }
0x5: {  	_ = 	snop  }
0x6: {  	_ = 	snop  }
0x7: {  	_ = 	snop  }
__scs_overlays_trampoline_lowered:
0x8: {  	[smem:$0x3FAE] =	sst s0  }
0x9: {  	[smem:$0x3FAF] =	sst s1  }
0xa: {  	[smem:$0x3FB0] =	sst s2  }
0xb: {  	[smem:$0x3FB1] =	sst s3  }
0xc: {  	[smem:$0x3FB2] =	sst s4  }
0xd: {  	[smem:$0x3FB3] =	sst s5  }
0xe: {  	[smem:$0x3FB4] =	sst s6  }
0xf: {  	[smem:$0x3FB5] =	sst s7  }
0x10: {  	[smem:$0x3FB6] =	sst s8  }
0x11: {  	[smem:$0x3FB7] =	sst s9;
	s0 =	simm.s32 @!p0 $0x0  }
0x12: {  	s1 =	sld [smem:$0x3F9D];
	s0 =	simm.s32 @p0 $0x1  }
0x13: {  	[smem:$0x3FB8] =	sst s0;
	s0 =	simm.s32 @!p1 $0x0  }
0x14: {  	s2 =	sld [smem:$0x3F9C];
	s0 =	simm.s32 @p1 $0x1  }
0x15: {  	[smem:$0x3FB9] =	sst s0;
	s0 =	simm.s32 @!p2 $0x0  }
0x16: {  	s3 =	sld [smem:$0x3FDB];
	s0 =	simm.s32 @p2 $0x1  }
0x17: {  	s4 =	simm.s32 $0x1BF5;
	[smem:$0x3FBB] =	sst s0  }
0x18: {  	s0 =	sld [smem:$0x3F9E];
	_ =	swait.ge [sflag:s4], $0x0  }
0x19: {  	s7 =	sld [smem:$0x3F9F]  }
0x1a: {  	s8 =	sadd.s32 $0xFFFFE003, lr  }
0x1b: {  	s9 =	sadd.s32 $0xFFFFFEF7, lr;
	s5 =	simm.s32 $0xFFFFFFFF;
	p2 =	slt.u32 s8, $0xFFFFF086  }
0x1c: {  	p1 =	slt.u32 s9, $0xF7A;
	s5 =	simm.s32 @!p2 $0x0  }
0x1d: {  	s5 =	simm.s32 @p1 $0x1;
	p0 =	seq.s32 s7, s2  }
0x1e: {  	s7 =	smul.u32 @!p0 $0xF7A, s2;
	p2 =	seq.s32 @!p0 s5, $0x0  }
0x1f: {  	s9 =	smul.u32 $0xF7A, s1;
	s8 =	simm.s32 @!p0 $0x1BF5;
	p2 =	por !p2, p0  }
0x20: {  	[sflag:s8] =	ssyncset.s32 @!p0 $0xFFFFF086;
	s6 =	sadd.s32 @!p0 s3, s7;
	s7 =	simm.s32 @!p0 $0x108  }
0x21: {  	s3 =	sadd.s32 s3, s9;
	s6 =	sadd.s32 @!p0 $0x88, s6;
	s7 =	simm.s32 @p2 $0x1082  }
0x22: {  	[simem:s7], [sflag:s8] =	dma.local @!p0 [hbm:s6], $0xF7A  }
0x23: {  	s9 =	sor.u32 $0xD0000000, s2;
	s6 =	simm.s32 $0x108;
	_ =	swait.ge @!p0 [sflag:s8], $0x0  }
0x24: {  	s3 =	sadd.s32 $0x88, s3;
	s6 =	simm.s32 @!p1 $0x1082;
	[sflag:s4] =	ssyncset.s32 $0xFFFFF086  }
0x25: {  	[simem:s6], [sflag:s4] =	dma.local [hbm:s3], $0xF7A  }
0x26: {  	[smem:$0x3F9F] =	sst s1;
	(tag) =	ssettag s2;
	_ =	strace s9  }
0x27: {  	s1 =	sld [smem:$0x3FAF]  }
0x28: {  	s2 =	sld [smem:$0x3FB0]  }
0x29: {  	s4 =	sld [smem:$0x3FB2]  }
0x2a: {  	p0 =	seq.s32 s5, $0x0;
	s5 =	sld [smem:$0x3FB3]  }
0x2b: {  	s6 =	sld [smem:$0x3FB4]  }
0x2c: {  	s7 =	sld [smem:$0x3FB5]  }
0x2d: {  	s3 =	simm.s32 $0x108;
	s8 =	sld [smem:$0x3FB6]  }
0x2e: {  	s3 =	simm.s32 @!p0 $0x1082;
	s9 =	sld [smem:$0x3FB7]  }
0x2f: {  	lr =	sadd.s32 s0, s3;
	s0 =	sld [smem:$0x3FAE]  }
0x30: {  	s3 =	sld [smem:$0x3FB1]  }
0x31: {  	[smem:$0x3FBA] =	sst s10  }
0x32: {  	s10 =	sld [smem:$0x3FB8];
	_ =	sdelay $0x3  }
0x33: {  	p0 =	seq.s32 s10, $0x1;
	s10 =	sld [smem:$0x3FBA];
	_ =	sdelay $0x3  }
0x34: {  	[smem:$0x3FBA] =	sst s10  }
0x35: {  	s10 =	sld [smem:$0x3FB9];
	_ =	sdelay $0x3  }
0x36: {  	p1 =	seq.s32 s10, $0x1;
	s10 =	sld [smem:$0x3FBA];
	_ =	sdelay $0x3  }
0x37: {  	[smem:$0x3FBA] =	sst s10  }
0x38: {  	s10 =	sld [smem:$0x3FBB]  }
0x39: {  	_ = 	snop;
	(pc) =	sbr.ind lr, $3  }
0x3a: {  	_ = 	snop  }
0x3b: {  	_ = 	snop  }
0x3c: {  	p2 =	seq.s32 s10, $0x1;
	s10 =	sld [smem:$0x3FBA]  }
0x3d: {  	_ =	shalt  }
0x3e: {  	_ =	shalt  }
0x3f: {  	_ =	shalt  }
0x40: {  	_ =	shalt  }
0x41: {  	_ =	shalt  }
0x42: {  	_ =	shalt  }
0x43: {  	_ =	shalt  }
0x44: {  	_ =	shalt  }
0x45: {  	_ =	shalt  }
0x46: {  	_ =	shalt  }
0x47: {  	_ =	shalt  }
0x48: {  	_ =	shalt  }
0x49: {  	_ =	shalt  }
0x4a: {  	_ =	shalt  }
0x4b: {  	_ =	shalt  }
0x4c: {  	_ =	shalt  }
0x4d: {  	_ =	shalt  }
0x4e: {  	_ =	shalt  }
0x4f: {  	_ =	shalt  }
0x50: {  	_ =	shalt  }
0x51: {  	_ =	shalt  }
0x52: {  	_ =	shalt  }
0x53: {  	_ =	shalt  }
0x54: {  	_ =	shalt  }
0x55: {  	_ =	shalt  }
0x56: {  	_ =	shalt  }
0x57: {  	_ =	shalt  }
0x58: {  	_ =	shalt  }
0x59: {  	_ =	shalt  }
0x5a: {  	_ =	shalt  }
0x5b: {  	_ =	shalt  }
0x5c: {  	_ =	shalt  }
0x5d: {  	_ =	shalt  }
0x5e: {  	_ =	shalt  }
0x5f: {  	_ =	shalt  }
0x60: {  	_ =	shalt  }
0x61: {  	_ =	shalt  }
0x62: {  	_ =	shalt  }
0x63: {  	_ =	shalt  }
0x64: {  	_ =	shalt  }
0x65: {  	_ =	shalt  }
0x66: {  	_ =	shalt  }
0x67: {  	_ =	shalt  }
0x68: {  	_ =	shalt  }
0x69: {  	_ =	shalt  }
0x6a: {  	_ =	shalt  }
0x6b: {  	_ =	shalt  }
0x6c: {  	_ =	shalt  }
0x6d: {  	_ =	shalt  }
0x6e: {  	_ =	shalt  }
0x6f: {  	_ =	shalt  }
0x70: {  	_ =	shalt  }
0x71: {  	_ =	shalt  }
0x72: {  	_ =	shalt  }
0x73: {  	_ =	shalt  }
0x74: {  	_ =	shalt  }
0x75: {  	_ =	shalt  }
0x76: {  	_ =	shalt  }
0x77: {  	_ =	shalt  }
0x78: {  	_ =	shalt  }
0x79: {  	_ =	shalt  }
0x7a: {  	_ =	shalt  }
0x7b: {  	_ =	shalt  }
0x7c: {  	_ =	shalt  }
0x7d: {  	_ =	shalt  }
0x7e: {  	_ =	shalt  }
0x7f: {  	_ =	shalt  }
0x80: {  	_ =	shalt  }
0x81: {  	_ =	shalt  }
0x82: {  	_ =	shalt  }
0x83: {  	_ =	shalt  }
0x84: {  	_ =	shalt  }
0x85: {  	_ =	shalt  }
0x86: {  	_ =	shalt  }
0x87: {  	_ =	shalt  }
.Lfunc_end0:
.L_simem_size_0:
called_computation.2_lowered:
.L_overlay_start_0:
0x88: {  	s2 =	sld [smem:$0x3FD9]  }
0x89: {  	s3 =	sld [smem:$0x3FFE];
	_ =	sdelay $0x1  }
0x8a: {  	s1 =	srdreg.scid  }
0x8b: {  	s0 =	sand.u32 $0x1, s1  }
0x8c: {  	s16 =	sshll.u32 s0, $0xA;
	s2 =	sadd.s32 s3, s2  }
0x8d: {  	s2 =	sadd.s32 s2, s16  }
0x8e: {  	[smem:$0x3FC6] =	sst s2  }
0x8f: {  	_ = 	snop  }
0x90: {  	(tm) =	ssettm $0x1  }
0x91: {  	s17 =	sld [smem:$0x3FFB];
	_ =	sdelay $0x3  }
0x92: {  	_ =	strace s17  }
0x93: {  	s2 =	sld [smem:$0x3FFC];
	_ =	sdelay $0x3  }
0x94: {  	_ =	strace s2  }
0x95: {  	s2 =	sld [smem:$0x3FFD];
	_ =	sdelay $0x3  }
0x96: {  	_ =	strace s2  }
0x97: {  	_ =	strace $0x8FFFFFFF  }
0x98: {  	s18 =	sld [smem:$0x3FDB];
	_ =	sdelay $0x1  }
0x99: {  	s19 =	simm.s32 $_scs_section_size  }
0x9a: {  	s4 =	simm.s32 $_size__tile_overlayer_lowered;
	s5 =	simm.s32 $_tile_overlayer_lowered  }
0x9b: {  	s22 =	simm.s32 $0x1BFF;
	s21 =	sshll.u32 s5, $0x1;
	s2 =	sadd.s32 s19, s18  }
0x9c: {  	s6 =	simm.s32 $0x0;
	s20 =	sshll.u32 s4, $0x1;
	s4 =	sadd.s32 s21, s2  }
0x9d: {  	[timem:s6], [sflag:s22] =	dma.local [hbm:s4], s20  }
0x9e: {  	_ =	swait.ge [sflag:s22], s20  }
0x9f: {  	s3 =	ssub.s32 $0x0, s20;
	[sflag:s22] =	ssyncset.done $0x0  }
0xa0: {  	[sflag:s22] =	ssyncadd.s32 s3;
	_ =	sdelay $0x1  }
0xa1: {  	s23 =	simm.s32 $0x1B8B  }
0xa2: {  	_ =	swait.ge [sflag:s23], $0x1  }
0xa3: {  	[sflag:s23] =	ssyncset.done $0x0  }
0xa4: {  	s25 =	simm.s32 $0x1B8E;
	s24 =	sld [smem:$0x3FFE];
	[sflag:s23] =	ssyncadd.s32 $0xFFFFFFFF  }
0xa5: {  	s26 =	simm.s32 $execute0_lowered;
	[smem:$0x3FD2] =	sst s25  }
0xa6: {  	s4 =	sshll.u32 s26, $0x1;
	_ =	strace $0x8000004C;
	[dreg:$0x1] =	wrdreg $0xFFFFFFFF  }
0xa7: {  	s28 =	simm.s32 $_size_execute0_lowered;
	s2 =	sadd.s32 s2, s4;
	[dreg:$0x0] =	wrdreg $0x0  }
0xa8: {  	s4 =	sshll.u32 s28, $0x1;
	[dreg:$0x2] =	wrdreg s2  }
0xa9: {  	[dreg:$0x3] =	wrdreg s4  }
0xaa: {  	[dreg:$0x4] =	wrdreg $0xC0  }
0xab: {  	_ =	task [dreg:s6], $0x5FFFF  }
0xac: {  	[dreg:$0x1] =	wrdreg $0xFFFFFFFF  }
0xad: {  	[dreg:$0x0] =	wrdreg $0x60  }
0xae: {  	[dreg:$0x2] =	wrdreg s24  }
0xaf: {  	[dreg:$0x3] =	wrdreg $0x9  }
0xb0: {  	_ =	task.clear_ibuf [dreg:s6], $0x4FFFF;
	_ =	strace $0x9000004C  }
0xb1: {  	s29 =	simm.s32 $0x9;
	_ =	strace $0x8000004E  }
0xb2: {  	_ =	swait.ge [sflag:s29], $0x1  }
0xb3: {  	[sflag:s29] =	ssyncadd.s32 $0xFFFFFFFF  }
0xb4: {  	_ =	strace $0x9000004E  }
0xb5: {  	_ =	sfence  }
0xb6: {  	s30 =	sld [smem:$0x0];
	_ =	sdelay $0x2  }
0xb7: {  	s31 =	sshll.u32 s1, $0xD;
	s1 =	sshrl.u32 s1, $0x2  }
0xb8: {  	s3 =	sand.u32 $0x4000, s31;
	s1 =	sadd.s32 s1, s30  }
0xb9: {  	s0 =	sor.u32 s3, s0;
	s1 =	sshll.u32 s1, $0x11  }
0xba: {  	s0 =	sor.u32 s1, s0  }
0xbb: {  	s0 =	sadd.s32 $0x8F2B, s0  }
0xbc: {  	[sflag:s0] =	ssyncadd.remote.s32 $0x1  }
0xbd: {  	_ =	sfence.sel $0xFFFF  }
0xbe: {  	[dreg:$0x0] =	wrdreg $0xFFFFFFFF;
	(pc) =	sbr.abs _section_cstart, $3  }
0xbf: {  	[dreg:$0x1] =	wrdreg $0xFFFFFFFF  }
0xc0: {  	_ =	task.clear_ibuf [dreg:s6], $0x2FFFF;
	_ =	strace $0x9FFFFFFF  }
0xc1: {  	(tm) =	ssettm $0x7FFFFFFF  }
tec
execute0_lowered:
.L_overlay_start_1:
0x0: {  	(tag) =	ssettag $0x1  }
0x1: {  	s0 =	rddreg [dreg:$0x0];
	s1 =	srdreg.scid  }
0x2: {  	s13 =	stileid.u32;
	s2 =	simm.s32 $0x0;
	s17 =	simm.s32 $0x1800  }
0x3: {  	s18 =	simm.s32 $0x1;
	s19 =	simm.s32 $0x3000;
	s21 =	simm.s32 $0xB000  }
0x4: {  	s28 =	simm.s32 $0x4;
	s29 =	simm.s32 $0x80;
	s1 =	sand.u32 $0x1, s1  }
0x5: {  	s3 =	sshll.u32 s13, $0x1;
	[smem:$0x7FF] =	sst s2;
	s5 =	sadd.s32 $0x82600, s0  }
0x6: {  	s9 =	smul.u32 $0xC000, s13;
	s6 =	sadd.s32 $0xC02600, s0;
	s26 =	sshll.u32 s13, $0x12  }
0x7: {  	s7 =	sor.u32 s1, s3;
	_ =	strace $0x8000004D;
	s3 =	sadd.s32 $0x342600, s0  }
0x8: {  	s10 =	sshll.u32 s1, $0x16;
	s1 =	ssub.s32 $0x2, s1;
	s4 =	sshll.u32 s7, $0xE  }
0x9: {  	s23 =	sshrl.u32 s1, $0x1;
	s9 =	sadd.s32 s3, s9;
	s8 =	sadd.s32 s4, s0  }
0xa: {  	s4 =	sshll.u32 s13, $0x6;
	s0 =	sadd.s32 s10, s0;
	s1 =	ssub.s32 s1, s23  }
0xb: {  	s25 =	sadd.s32 $0x600, s9;
	[dreg:$0x2] =	wrdreg s9;
	s9 =	sadd.s32 $0x900, s9  }
0xc: {  	s13 =	sshll.u32 s7, $0x11;
	s23 =	simm.s32 $0x2;
	[dreg:$0x4] =	wrdreg s25  }
0xd: {  	s11 =	sor.u32 $0x1, s4;
	s10 =	sadd.s32 $0x402600, s0;
	[dreg:$0x5] =	wrdreg s9  }
0xe: {  	s14 =	sadd.s32 $0x2600, s8;
	s1 =	smax.u32 s1, $0x1;
	s25 =	simm.s32 $0x13000  }
0xf: {  	s8 =	simm.s32 $0x13800;
	s9 =	simm.s32 $0x5;
	s12 =	smul.u32 $0x300, s11  }
0x10: {  	s30 =	sshll.u32 s11, $0xC;
	[dreg:$0x7] =	wrdreg s1;
	s0 =	sadd.s32 s26, s10  }
0x11: {  	[dreg:$0x8] =	wrdreg s0;
	s31 =	sadd.s32 s30, s10;
	s24 =	sadd.s32 s3, s12  }
0x12: {  	s12 =	sshll.u32 s7, $0x6;
	s7 =	sshll.u32 s7, $0x10;
	[dreg:$0x9] =	wrdreg s31  }
0x13: {  	v0 =	vlaneseq.u32;
	s11 =	simm.s32 $0x6;
	[dreg:$0x3] =	wrdreg s24;
	s7 =	sadd.s32 s5, s7  }
0x14: {  	v1 =	vadd.s32 $0x1, v0;
	v2 =	vmul.u32 $0x10, v0;
	s24 =	simm.s32 $0x3;
	[dreg:$0x6] =	wrdreg s7;
	s7 =	simm.s32 $0x0  }
.LBB2_1:
0x15: {  	[dreg:$0xa] =	wrdreg s7  }
0x16: {  	s0 =	rddreg [dreg:$0x2]  }
0x17: {  	[tilespmem:s2], [sflag:$0x1] =	stream.linear.gather [hbm4b:s0+s2], $0x1800, $0x38;
	[tilespmem:$0x1B000] =	vst v63  }
0x18: {  	v3 =	vadd.s32 s2, v1;
	s30 =	rddreg [dreg:$0x3]  }
0x19: {  	v4 =	vor.u32 s2, v0;
	vm0 =	vlt.s32 v3, $0x7FF;
	[tilespmem:s17], [sflag:$0x1] =	stream.linear.gather [hbm4b:s30+s2], $0x1800, $0x38;
	[tilespmem:$0x1B000] =	vst v63  }
0x1a: {  	v5 =	vmul.u32 $0x3, v4;
	v3 =	vnsel vm0, $0x7FF, v3;
	_ =	swait.ge [sflag:s18], $0x1800  }
0x1b: {  	v3 =	vmul.u32 $0x3, v3;
	[sflag:s18] =	ssyncset.done $0x0  }
0x1c: {  	[sflag:s18] =	ssyncadd.s32 $0xFFFFE800  }
0x1d: {  	_ =	swait.ge [sflag:s18], $0x1800  }
0x1e: {  	[sflag:s18] =	ssyncset.done $0x0  }
0x1f: {  	[sflag:s18] =	ssyncadd.s32 $0xFFFFE800  }
0x20: {  	v6 =	vld.idx.msk [tilespmem:v5+s2+$0x0], $0xffff  }
0x21: {  	v7 =	vld.idx.msk [tilespmem:v3+s2+$0x0], $0xffff  }
0x22: {  	v8 =	vld.idx.msk [tilespmem:v5+s17+$0x0], $0xffff  }
0x23: {  	v9 =	vld.idx.msk [tilespmem:v3+s17+$0x0], $0xffff;
	_ =	sdelay $0x1  }
0x24: {  	v6 =	vmul.f32 $1.442695020e+00, v6  }
0x25: {  	v7 =	vmul.f32 $1.442695020e+00, v7  }
0x26: {  	v8 =	vmul.f32 $1.442695020e+00, v8;
	(erf) = vpow2.f32 v6  }
0x27: {  	v6 =	vmul.f32 $1.442695020e+00, v9;
	(erf) = vpow2.f32 v7  }
0x28: {  	(erf) = vpow2.f32 v8  }
0x29: {  	(erf) = vpow2.f32 v6;
	_ =	sdelay $0x1  }
0x2a: {  	v6 =	vshll.u32 v4, $0x4  }
0x2b: {  	v4 =	vor.u32 $0x3, v6  }
0x2c: {  	v7 =	vor.u32 $0x6, v6  }
0x2d: {  	v8 =	vor.u32 $0x9, v6  }
0x2e: {  	v58 =	vadd.s32 $0x1, v5;
	v10 =	vpop (erf)  }
0x2f: {  	v59 =	vadd.s32 $0x1, v3;
	[tilespmem:v6+s19+$0x0] =	vst.idx.msk $0xffff, v10;
	v11 =	vpop (erf)  }
0x30: {  	[tilespmem:v4+s19+$0x0] =	vst.idx.msk $0xffff, v11;
	v4 =	vpop (erf)  }
0x31: {  	[tilespmem:v7+s19+$0x0] =	vst.idx.msk $0xffff, v4;
	v4 =	vpop (erf)  }
0x32: {  	[tilespmem:v8+s19+$0x0] =	vst.idx.msk $0xffff, v4  }
0x33: {  	v4 =	vld.idx.msk [tilespmem:v58+s2+$0x0], $0xffff  }
0x34: {  	v7 =	vld.idx.msk [tilespmem:v59+s2+$0x0], $0xffff  }
0x35: {  	v8 =	vld.idx.msk [tilespmem:v58+s17+$0x0], $0xffff  }
0x36: {  	v60 =	vld.idx.msk [tilespmem:v59+s17+$0x0], $0xffff;
	_ =	sdelay $0x1  }
0x37: {  	v4 =	vmul.f32 $1.442695020e+00, v4  }
0x38: {  	v7 =	vmul.f32 $1.442695020e+00, v7  }
0x39: {  	v8 =	vmul.f32 $1.442695020e+00, v8;
	(erf) = vpow2.f32 v4  }
0x3a: {  	v4 =	vmul.f32 $1.442695020e+00, v60;
	(erf) = vpow2.f32 v7  }
0x3b: {  	(erf) = vpow2.f32 v8  }
0x3c: {  	(erf) = vpow2.f32 v4;
	_ =	sdelay $0x1  }
0x3d: {  	v4 =	vor.u32 $0x1, v6  }
0x3e: {  	v7 =	vor.u32 $0x4, v6  }
0x3f: {  	v8 =	vor.u32 $0x7, v6  }
0x40: {  	v61 =	vor.u32 $0xA, v6  }
0x41: {  	v5 =	vadd.s32 $0x2, v5;
	v62 =	vpop (erf)  }
0x42: {  	v3 =	vadd.s32 $0x2, v3;
	[tilespmem:v4+s19+$0x0] =	vst.idx.msk $0xffff, v62;
	v4 =	vpop (erf)  }
0x43: {  	[tilespmem:v7+s19+$0x0] =	vst.idx.msk $0xffff, v4;
	v4 =	vpop (erf)  }
0x44: {  	[tilespmem:v8+s19+$0x0] =	vst.idx.msk $0xffff, v4;
	v4 =	vpop (erf)  }
0x45: {  	[tilespmem:v61+s19+$0x0] =	vst.idx.msk $0xffff, v4  }
0x46: {  	v4 =	vld.idx.msk [tilespmem:v5+s2+$0x0], $0xffff  }
0x47: {  	v7 =	vld.idx.msk [tilespmem:v3+s2+$0x0], $0xffff;
	_ =	sdelay $0x2  }
0x48: {  	v5 =	vld.idx.msk [tilespmem:v5+s17+$0x0], $0xffff  }
0x49: {  	v3 =	vld.idx.msk [tilespmem:v3+s17+$0x0], $0xffff;
	v4 =	vmul.f32 $1.442695020e+00, v4  }
0x4a: {  	v7 =	vmul.f32 $1.442695020e+00, v7  }
0x4b: {  	(erf) = vpow2.f32 v4  }
0x4c: {  	(erf) = vpow2.f32 v7  }
0x4d: {  	v5 =	vmul.f32 $1.442695020e+00, v5  }
0x4e: {  	v3 =	vmul.f32 $1.442695020e+00, v3  }
0x4f: {  	(erf) = vpow2.f32 v5  }
0x50: {  	(erf) = vpow2.f32 v3;
	v3 =	vor.u32 $0x2, v6  }
0x51: {  	v4 =	vor.u32 $0x5, v6;
	_ =	sdelay $0x1  }
0x52: {  	s31 =	simm.s32 $0x10  }
0x53: {  	v8 =	vadd.s32 s31, v1;
	v5 =	vpop (erf)  }
0x54: {  	vm15 =	vlt.s32 v8, $0x7FF;
	v7 =	vor.u32 $0x8, v6;
	[tilespmem:v3+s19+$0x0] =	vst.idx.msk $0xffff, v5;
	v3 =	vpop (erf);
	v5 =	vor.u32 s31, v0  }
0x55: {  	v8 =	vnsel vm15, $0x7FF, v8;
	v6 =	vor.u32 $0xB, v6;
	[tilespmem:v4+s19+$0x0] =	vst.idx.msk $0xffff, v3;
	v4 =	vmul.u32 $0x3, v5  }
0x56: {  	v3 =	vmul.u32 $0x3, v8;
	_ =	sdelay $0x1  }
0x57: {  	v63 =	vpop (erf)  }
0x58: {  	s7 =	simm.s32 $0x20;
	[tilespmem:v7+s19+$0x0] =	vst.idx.msk $0xffff, v63;
	v7 =	vpop (erf)  }
.LBB2_2:
0x59: {  	p0 =	sne.s32 s7, $0x7F0;
	[tilespmem:v6+s19+$0x0] =	vst.idx.msk $0xffff, v7;
	s15 =	smov.u32 s7;
	s7 =	sadd.s32 $0x10, s7  }
0x5a: {  	v6 =	vld.idx.msk [tilespmem:v4+s2+$0x0], $0xffff  }
0x5b: {  	v7 =	vld.idx.msk [tilespmem:v3+s2+$0x0], $0xffff  }
0x5c: {  	v8 =	vld.idx.msk [tilespmem:v4+s17+$0x0], $0xffff  }
0x5d: {  	v9 =	vld.idx.msk [tilespmem:v3+s17+$0x0], $0xffff;
	_ =	sdelay $0x2  }
0x5e: {  	v6 =	vmul.f32 $1.442695020e+00, v6  }
0x5f: {  	v7 =	vmul.f32 $1.442695020e+00, v7  }
0x60: {  	v8 =	vmul.f32 $1.442695020e+00, v8;
	(erf) = vpow2.f32 v6  }
0x61: {  	v6 =	vmul.f32 $1.442695020e+00, v9;
	(erf) = vpow2.f32 v7  }
0x62: {  	(erf) = vpow2.f32 v8  }
0x63: {  	(erf) = vpow2.f32 v6;
	_ =	sdelay $0x1  }
0x64: {  	v6 =	vshll.u32 v5, $0x4  }
0x65: {  	v5 =	vor.u32 $0x3, v6  }
0x66: {  	v7 =	vor.u32 $0x6, v6  }
0x67: {  	v8 =	vor.u32 $0x9, v6  }
0x68: {  	v9 =	vadd.s32 $0x1, v4;
	v10 =	vpop (erf)  }
0x69: {  	[tilespmem:v6+s19+$0x0] =	vst.idx.msk $0xffff, v10;
	v10 =	vadd.s32 $0x1, v3;
	v11 =	vpop (erf)  }
0x6a: {  	[tilespmem:v5+s19+$0x0] =	vst.idx.msk $0xffff, v11;
	v5 =	vpop (erf)  }
0x6b: {  	[tilespmem:v7+s19+$0x0] =	vst.idx.msk $0xffff, v5;
	v5 =	vpop (erf)  }
0x6c: {  	[tilespmem:v8+s19+$0x0] =	vst.idx.msk $0xffff, v5  }
0x6d: {  	v5 =	vld.idx.msk [tilespmem:v9+s2+$0x0], $0xffff  }
0x6e: {  	v7 =	vld.idx.msk [tilespmem:v10+s2+$0x0], $0xffff  }
0x6f: {  	v8 =	vld.idx.msk [tilespmem:v9+s17+$0x0], $0xffff  }
0x70: {  	v9 =	vld.idx.msk [tilespmem:v10+s17+$0x0], $0xffff;
	_ =	sdelay $0x2  }
0x71: {  	v5 =	vmul.f32 $1.442695020e+00, v5  }
0x72: {  	v7 =	vmul.f32 $1.442695020e+00, v7  }
0x73: {  	v8 =	vmul.f32 $1.442695020e+00, v8;
	(erf) = vpow2.f32 v5  }
0x74: {  	v5 =	vmul.f32 $1.442695020e+00, v9;
	(erf) = vpow2.f32 v7  }
0x75: {  	(erf) = vpow2.f32 v8  }
0x76: {  	(erf) = vpow2.f32 v5;
	_ =	sdelay $0x1  }
0x77: {  	v5 =	vor.u32 $0x1, v6  }
0x78: {  	v7 =	vor.u32 $0x4, v6  }
0x79: {  	v8 =	vor.u32 $0x7, v6  }
0x7a: {  	v9 =	vor.u32 $0xA, v6  }
0x7b: {  	v4 =	vadd.s32 $0x2, v4;
	v10 =	vpop (erf)  }
0x7c: {  	v3 =	vadd.s32 $0x2, v3;
	[tilespmem:v5+s19+$0x0] =	vst.idx.msk $0xffff, v10;
	v5 =	vpop (erf)  }
0x7d: {  	[tilespmem:v7+s19+$0x0] =	vst.idx.msk $0xffff, v5;
	v5 =	vpop (erf)  }
0x7e: {  	[tilespmem:v8+s19+$0x0] =	vst.idx.msk $0xffff, v5;
	v5 =	vpop (erf)  }
0x7f: {  	[tilespmem:v9+s19+$0x0] =	vst.idx.msk $0xffff, v5  }
0x80: {  	v5 =	vld.idx.msk [tilespmem:v4+s2+$0x0], $0xffff  }
0x81: {  	v7 =	vld.idx.msk [tilespmem:v3+s2+$0x0], $0xffff  }
0x82: {  	v4 =	vld.idx.msk [tilespmem:v4+s17+$0x0], $0xffff  }
0x83: {  	v3 =	vld.idx.msk [tilespmem:v3+s17+$0x0], $0xffff;
	_ =	sdelay $0x2  }
0x84: {  	v5 =	vmul.f32 $1.442695020e+00, v5  }
0x85: {  	v7 =	vmul.f32 $1.442695020e+00, v7  }
0x86: {  	v4 =	vmul.f32 $1.442695020e+00, v4;
	(erf) = vpow2.f32 v5  }
0x87: {  	v3 =	vmul.f32 $1.442695020e+00, v3;
	(erf) = vpow2.f32 v7  }
0x88: {  	(erf) = vpow2.f32 v4  }
0x89: {  	(erf) = vpow2.f32 v3;
	_ =	sdelay $0x1  }
0x8a: {  	v7 =	vor.u32 $0x2, v6  }
0x8b: {  	v8 =	vor.u32 $0x5, v6;
	v3 =	vadd.s32 s15, v1  }
0x8c: {  	v9 =	vor.u32 $0x8, v6;
	v5 =	vor.u32 s15, v0;
	vm0 =	vlt.s32 v3, $0x7FF  }
.Ltmp0:
0x8d: {  	v6 =	vor.u32 $0xB, v6;
	v4 =	vmul.u32 $0x3, v5;
	v3 =	vnsel vm0, $0x7FF, v3;
	(pc) =	sbr.rel @p0 .LBB2_2-.Ltmp0, $4  }
0x8e: {  	v3 =	vmul.u32 $0x3, v3;
	v10 =	vpop (erf)  }
0x8f: {  	[tilespmem:v7+s19+$0x0] =	vst.idx.msk $0xffff, v10;
	v7 =	vpop (erf)  }
0x90: {  	[tilespmem:v8+s19+$0x0] =	vst.idx.msk $0xffff, v7;
	v7 =	vpop (erf)  }
0x91: {  	[tilespmem:v9+s19+$0x0] =	vst.idx.msk $0xffff, v7;
	v7 =	vpop (erf)  }
0x92: {  	_ =	sdelay $0x3  }
0x93: {  	[tilespmem:v6+s19+$0x0] =	vst.idx.msk $0xffff, v7  }
0x94: {  	v6 =	vld.idx.msk [tilespmem:v4+s2+$0x0], $0xffff  }
0x95: {  	v7 =	vld.idx.msk [tilespmem:v3+s2+$0x0], $0xffff  }
0x96: {  	v8 =	vld.idx.msk [tilespmem:v4+s17+$0x0], $0xffff  }
0x97: {  	v9 =	vld.idx.msk [tilespmem:v3+s17+$0x0], $0xffff;
	_ =	sdelay $0x1  }
0x98: {  	v6 =	vmul.f32 $1.442695020e+00, v6  }
0x99: {  	v7 =	vmul.f32 $1.442695020e+00, v7  }
0x9a: {  	v8 =	vmul.f32 $1.442695020e+00, v8;
	(erf) = vpow2.f32 v6  }
0x9b: {  	v6 =	vmul.f32 $1.442695020e+00, v9;
	(erf) = vpow2.f32 v7  }
0x9c: {  	(erf) = vpow2.f32 v8  }
0x9d: {  	(erf) = vpow2.f32 v6;
	_ =	sdelay $0x1  }
0x9e: {  	v5 =	vshll.u32 v5, $0x4  }
0x9f: {  	v6 =	vor.u32 $0x3, v5  }
0xa0: {  	v7 =	vor.u32 $0x6, v5  }
0xa1: {  	v8 =	vor.u32 $0x9, v5  }
0xa2: {  	v50 =	vadd.s32 $0x1, v4;
	v10 =	vpop (erf)  }
0xa3: {  	v51 =	vadd.s32 $0x1, v3;
	[tilespmem:v5+s19+$0x0] =	vst.idx.msk $0xffff, v10;
	v11 =	vpop (erf)  }
0xa4: {  	[tilespmem:v6+s19+$0x0] =	vst.idx.msk $0xffff, v11;
	v6 =	vpop (erf)  }
0xa5: {  	[tilespmem:v7+s19+$0x0] =	vst.idx.msk $0xffff, v6;
	v6 =	vpop (erf)  }
0xa6: {  	[tilespmem:v8+s19+$0x0] =	vst.idx.msk $0xffff, v6  }
0xa7: {  	v6 =	vld.idx.msk [tilespmem:v50+s2+$0x0], $0xffff  }
0xa8: {  	v7 =	vld.idx.msk [tilespmem:v51+s2+$0x0], $0xffff  }
0xa9: {  	v8 =	vld.idx.msk [tilespmem:v50+s17+$0x0], $0xffff  }
0xaa: {  	v52 =	vld.idx.msk [tilespmem:v51+s17+$0x0], $0xffff;
	_ =	sdelay $0x1  }
0xab: {  	v6 =	vmul.f32 $1.442695020e+00, v6  }
0xac: {  	v7 =	vmul.f32 $1.442695020e+00, v7  }
0xad: {  	v8 =	vmul.f32 $1.442695020e+00, v8;
	(erf) = vpow2.f32 v6  }
0xae: {  	v6 =	vmul.f32 $1.442695020e+00, v52;
	(erf) = vpow2.f32 v7  }
0xaf: {  	(erf) = vpow2.f32 v8  }
0xb0: {  	(erf) = vpow2.f32 v6;
	_ =	sdelay $0x1  }
0xb1: {  	v6 =	vor.u32 $0x1, v5  }
0xb2: {  	v7 =	vor.u32 $0x4, v5  }
0xb3: {  	v8 =	vor.u32 $0x7, v5  }
0xb4: {  	v53 =	vor.u32 $0xA, v5  }
0xb5: {  	v4 =	vadd.s32 $0x2, v4;
	v54 =	vpop (erf)  }
0xb6: {  	v3 =	vadd.s32 $0x2, v3;
	[tilespmem:v6+s19+$0x0] =	vst.idx.msk $0xffff, v54;
	v6 =	vpop (erf)  }
0xb7: {  	[tilespmem:v7+s19+$0x0] =	vst.idx.msk $0xffff, v6;
	v6 =	vpop (erf)  }
0xb8: {  	[tilespmem:v8+s19+$0x0] =	vst.idx.msk $0xffff, v6;
	v6 =	vpop (erf)  }
0xb9: {  	[tilespmem:v53+s19+$0x0] =	vst.idx.msk $0xffff, v6  }
0xba: {  	v6 =	vld.idx.msk [tilespmem:v4+s2+$0x0], $0xffff  }
0xbb: {  	v7 =	vld.idx.msk [tilespmem:v3+s2+$0x0], $0xffff  }
0xbc: {  	v4 =	vld.idx.msk [tilespmem:v4+s17+$0x0], $0xffff  }
0xbd: {  	v3 =	vld.idx.msk [tilespmem:v3+s17+$0x0], $0xffff;
	_ =	sdelay $0x1  }
0xbe: {  	v6 =	vmul.f32 $1.442695020e+00, v6  }
0xbf: {  	v7 =	vmul.f32 $1.442695020e+00, v7  }
0xc0: {  	v4 =	vmul.f32 $1.442695020e+00, v4;
	(erf) = vpow2.f32 v6  }
0xc1: {  	v3 =	vmul.f32 $1.442695020e+00, v3;
	(erf) = vpow2.f32 v7  }
0xc2: {  	(erf) = vpow2.f32 v4  }
0xc3: {  	(erf) = vpow2.f32 v3;
	_ =	sdelay $0x1  }
0xc4: {  	v3 =	vor.u32 $0x2, v5  }
0xc5: {  	v4 =	vor.u32 $0x5, v5  }
0xc6: {  	v6 =	vor.u32 $0x8, v5  }
0xc7: {  	v5 =	vor.u32 $0xB, v5  }
0xc8: {  	v7 =	vpop (erf)  }
0xc9: {  	[tilespmem:v3+s19+$0x0] =	vst.idx.msk $0xffff, v7;
	v3 =	vpop (erf)  }
0xca: {  	s0 =	simm.s32 $0x0;
	[tilespmem:v4+s19+$0x0] =	vst.idx.msk $0xffff, v3;
	v3 =	vpop (erf)  }
0xcb: {  	v4 =	vadd.s32 s0, v1;
	[tilespmem:v6+s19+$0x0] =	vst.idx.msk $0xffff, v3;
	v3 =	vpop (erf)  }
0xcc: {  	s1 =	rddreg [dreg:$0x4];
	vm0 =	vlt.s32 v4, $0x7FF;
	[tilespmem:v5+s19+$0x0] =	vst.idx.msk $0xffff, v3;
	v3 =	vor.u32 s0, v0  }
0xcd: {  	v4 =	vnsel vm0, $0x7FF, v4;
	[tilespmem:s0], [sflag:$0x1] =	stream.linear.gather [hbm4b:s1+s0], $0x1800, $0x38;
	v5 =	vmul.u32 $0x3, v3;
	[tilespmem:$0x1B000] =	vst v63  }
0xce: {  	s30 =	rddreg [dreg:$0x8];
	v4 =	vmul.u32 $0x3, v4  }
0xcf: {  	[hbm4b:s30+s0] =	stream.linear.scatter [tilespmem:s19], [sflag:$0x2], $0x8000, $0x38;
	[tilespmem:$0x1B000] =	vst v63  }
0xd0: {  	_ =	swait.ge [sflag:s18], $0x1800  }
0xd1: {  	[sflag:s18] =	ssyncset.done $0x0  }
0xd2: {  	[sflag:s18] =	ssyncadd.s32 $0xFFFFE800  }
0xd3: {  	v6 =	vld.idx.msk [tilespmem:v5+s17+$0x0], $0xffff  }
0xd4: {  	v7 =	vld.idx.msk [tilespmem:v4+s17+$0x0], $0xffff  }
0xd5: {  	v8 =	vld.idx.msk [tilespmem:v5+s2+$0x0], $0xffff  }
0xd6: {  	v55 =	vld.idx.msk [tilespmem:v4+s2+$0x0], $0xffff;
	_ =	sdelay $0x1  }
0xd7: {  	v6 =	vmul.f32 $1.442695020e+00, v6  }
0xd8: {  	v7 =	vmul.f32 $1.442695020e+00, v7  }
0xd9: {  	v8 =	vmul.f32 $1.442695020e+00, v8;
	(erf) = vpow2.f32 v6  }
0xda: {  	v6 =	vmul.f32 $1.442695020e+00, v55;
	(erf) = vpow2.f32 v7  }
0xdb: {  	(erf) = vpow2.f32 v8  }
0xdc: {  	(erf) = vpow2.f32 v6;
	_ =	sdelay $0x1  }
0xdd: {  	v3 =	vshll.u32 v3, $0x4  }
0xde: {  	v6 =	vor.u32 $0x3, v3  }
0xdf: {  	v7 =	vor.u32 $0x6, v3  }
0xe0: {  	v8 =	vor.u32 $0x9, v3  }
0xe1: {  	v56 =	vadd.s32 $0x1, v5;
	v57 =	vpop (erf)  }
0xe2: {  	v58 =	vadd.s32 $0x1, v4;
	[tilespmem:v3+s21+$0x0] =	vst.idx.msk $0xffff, v57;
	v59 =	vpop (erf)  }
0xe3: {  	[tilespmem:v6+s21+$0x0] =	vst.idx.msk $0xffff, v59;
	v6 =	vpop (erf)  }
0xe4: {  	[tilespmem:v7+s21+$0x0] =	vst.idx.msk $0xffff, v6;
	v6 =	vpop (erf)  }
0xe5: {  	[tilespmem:v8+s21+$0x0] =	vst.idx.msk $0xffff, v6  }
0xe6: {  	v6 =	vld.idx.msk [tilespmem:v56+s17+$0x0], $0xffff  }
0xe7: {  	v7 =	vld.idx.msk [tilespmem:v58+s17+$0x0], $0xffff  }
0xe8: {  	v8 =	vld.idx.msk [tilespmem:v56+s2+$0x0], $0xffff  }
0xe9: {  	v60 =	vld.idx.msk [tilespmem:v58+s2+$0x0], $0xffff;
	_ =	sdelay $0x1  }
0xea: {  	v6 =	vmul.f32 $1.442695020e+00, v6  }
0xeb: {  	v7 =	vmul.f32 $1.442695020e+00, v7  }
0xec: {  	v8 =	vmul.f32 $1.442695020e+00, v8;
	(erf) = vpow2.f32 v6  }
0xed: {  	v6 =	vmul.f32 $1.442695020e+00, v60;
	(erf) = vpow2.f32 v7  }
0xee: {  	(erf) = vpow2.f32 v8  }
0xef: {  	(erf) = vpow2.f32 v6;
	_ =	sdelay $0x1  }
0xf0: {  	v6 =	vor.u32 $0x1, v3  }
0xf1: {  	v7 =	vor.u32 $0x4, v3  }
0xf2: {  	v8 =	vor.u32 $0x7, v3  }
0xf3: {  	v61 =	vor.u32 $0xA, v3  }
0xf4: {  	v5 =	vadd.s32 $0x2, v5;
	v62 =	vpop (erf)  }
0xf5: {  	v4 =	vadd.s32 $0x2, v4;
	[tilespmem:v6+s21+$0x0] =	vst.idx.msk $0xffff, v62;
	v6 =	vpop (erf)  }
0xf6: {  	[tilespmem:v7+s21+$0x0] =	vst.idx.msk $0xffff, v6;
	v6 =	vpop (erf)  }
0xf7: {  	[tilespmem:v8+s21+$0x0] =	vst.idx.msk $0xffff, v6;
	v6 =	vpop (erf)  }
0xf8: {  	[tilespmem:v61+s21+$0x0] =	vst.idx.msk $0xffff, v6  }
0xf9: {  	v6 =	vld.idx.msk [tilespmem:v5+s17+$0x0], $0xffff  }
0xfa: {  	v7 =	vld.idx.msk [tilespmem:v4+s17+$0x0], $0xffff;
	_ =	sdelay $0x2  }
0xfb: {  	v5 =	vld.idx.msk [tilespmem:v5+s2+$0x0], $0xffff  }
0xfc: {  	v4 =	vld.idx.msk [tilespmem:v4+s2+$0x0], $0xffff;
	v6 =	vmul.f32 $1.442695020e+00, v6  }
0xfd: {  	v7 =	vmul.f32 $1.442695020e+00, v7  }
0xfe: {  	(erf) = vpow2.f32 v6  }
0xff: {  	(erf) = vpow2.f32 v7  }
0x100: {  	v5 =	vmul.f32 $1.442695020e+00, v5  }
0x101: {  	v4 =	vmul.f32 $1.442695020e+00, v4  }
0x102: {  	(erf) = vpow2.f32 v5  }
0x103: {  	(erf) = vpow2.f32 v4;
	v4 =	vor.u32 $0x2, v3  }
0x104: {  	v6 =	vor.u32 $0x5, v3;
	_ =	sdelay $0x1  }
0x105: {  	s31 =	simm.s32 $0x10  }
0x106: {  	v8 =	vadd.s32 s31, v1;
	v5 =	vpop (erf)  }
0x107: {  	vm15 =	vlt.s32 v8, $0x7FF;
	v7 =	vor.u32 $0x8, v3;
	[tilespmem:v4+s21+$0x0] =	vst.idx.msk $0xffff, v5;
	v4 =	vpop (erf);
	v5 =	vor.u32 s31, v0  }
0x108: {  	v8 =	vnsel vm15, $0x7FF, v8;
	[tilespmem:v6+s21+$0x0] =	vst.idx.msk $0xffff, v4;
	v4 =	vmul.u32 $0x3, v5;
	v6 =	vor.u32 $0xB, v3  }
0x109: {  	v3 =	vmul.u32 $0x3, v8;
	_ =	sdelay $0x1  }
0x10a: {  	v63 =	vpop (erf)  }
0x10b: {  	s7 =	simm.s32 $0x20;
	[tilespmem:v7+s21+$0x0] =	vst.idx.msk $0xffff, v63;
	v7 =	vpop (erf)  }
.LBB2_4:
0x10c: {  	p0 =	sne.s32 s7, $0x7F0;
	[tilespmem:v6+s21+$0x0] =	vst.idx.msk $0xffff, v7;
	s15 =	smov.u32 s7;
	s7 =	sadd.s32 $0x10, s7  }
0x10d: {  	v6 =	vld.idx.msk [tilespmem:v4+s17+$0x0], $0xffff  }
0x10e: {  	v7 =	vld.idx.msk [tilespmem:v3+s17+$0x0], $0xffff  }
0x10f: {  	v8 =	vld.idx.msk [tilespmem:v4+s2+$0x0], $0xffff  }
0x110: {  	v9 =	vld.idx.msk [tilespmem:v3+s2+$0x0], $0xffff;
	_ =	sdelay $0x2  }
0x111: {  	v6 =	vmul.f32 $1.442695020e+00, v6  }
0x112: {  	v7 =	vmul.f32 $1.442695020e+00, v7  }
0x113: {  	v8 =	vmul.f32 $1.442695020e+00, v8;
	(erf) = vpow2.f32 v6  }
0x114: {  	v6 =	vmul.f32 $1.442695020e+00, v9;
	(erf) = vpow2.f32 v7  }
0x115: {  	(erf) = vpow2.f32 v8  }
0x116: {  	(erf) = vpow2.f32 v6;
	_ =	sdelay $0x1  }
0x117: {  	v6 =	vshll.u32 v5, $0x4  }
0x118: {  	v5 =	vor.u32 $0x3, v6  }
0x119: {  	v7 =	vor.u32 $0x6, v6  }
0x11a: {  	v8 =	vor.u32 $0x9, v6  }
0x11b: {  	v9 =	vadd.s32 $0x1, v4;
	v10 =	vpop (erf)  }
0x11c: {  	[tilespmem:v6+s21+$0x0] =	vst.idx.msk $0xffff, v10;
	v10 =	vadd.s32 $0x1, v3;
	v11 =	vpop (erf)  }
0x11d: {  	[tilespmem:v5+s21+$0x0] =	vst.idx.msk $0xffff, v11;
	v5 =	vpop (erf)  }
0x11e: {  	[tilespmem:v7+s21+$0x0] =	vst.idx.msk $0xffff, v5;
	v5 =	vpop (erf)  }
0x11f: {  	[tilespmem:v8+s21+$0x0] =	vst.idx.msk $0xffff, v5  }
0x120: {  	v5 =	vld.idx.msk [tilespmem:v9+s17+$0x0], $0xffff  }
0x121: {  	v7 =	vld.idx.msk [tilespmem:v10+s17+$0x0], $0xffff  }
0x122: {  	v8 =	vld.idx.msk [tilespmem:v9+s2+$0x0], $0xffff  }
0x123: {  	v9 =	vld.idx.msk [tilespmem:v10+s2+$0x0], $0xffff;
	_ =	sdelay $0x2  }
0x124: {  	v5 =	vmul.f32 $1.442695020e+00, v5  }
0x125: {  	v7 =	vmul.f32 $1.442695020e+00, v7  }
0x126: {  	v8 =	vmul.f32 $1.442695020e+00, v8;
	(erf) = vpow2.f32 v5  }
0x127: {  	v5 =	vmul.f32 $1.442695020e+00, v9;
	(erf) = vpow2.f32 v7  }
0x128: {  	(erf) = vpow2.f32 v8  }
0x129: {  	(erf) = vpow2.f32 v5;
	_ =	sdelay $0x1  }
0x12a: {  	v5 =	vor.u32 $0x1, v6  }
0x12b: {  	v7 =	vor.u32 $0x4, v6  }
0x12c: {  	v8 =	vor.u32 $0x7, v6  }
0x12d: {  	v9 =	vor.u32 $0xA, v6  }
0x12e: {  	v4 =	vadd.s32 $0x2, v4;
	v10 =	vpop (erf)  }
0x12f: {  	v3 =	vadd.s32 $0x2, v3;
	[tilespmem:v5+s21+$0x0] =	vst.idx.msk $0xffff, v10;
	v5 =	vpop (erf)  }
0x130: {  	[tilespmem:v7+s21+$0x0] =	vst.idx.msk $0xffff, v5;
	v5 =	vpop (erf)  }
0x131: {  	[tilespmem:v8+s21+$0x0] =	vst.idx.msk $0xffff, v5;
	v5 =	vpop (erf)  }
0x132: {  	[tilespmem:v9+s21+$0x0] =	vst.idx.msk $0xffff, v5  }
0x133: {  	v5 =	vld.idx.msk [tilespmem:v4+s17+$0x0], $0xffff  }
0x134: {  	v7 =	vld.idx.msk [tilespmem:v3+s17+$0x0], $0xffff  }
0x135: {  	v4 =	vld.idx.msk [tilespmem:v4+s2+$0x0], $0xffff  }
0x136: {  	v3 =	vld.idx.msk [tilespmem:v3+s2+$0x0], $0xffff;
	_ =	sdelay $0x2  }
0x137: {  	v5 =	vmul.f32 $1.442695020e+00, v5  }
0x138: {  	v7 =	vmul.f32 $1.442695020e+00, v7  }
0x139: {  	v4 =	vmul.f32 $1.442695020e+00, v4;
	(erf) = vpow2.f32 v5  }
0x13a: {  	v3 =	vmul.f32 $1.442695020e+00, v3;
	(erf) = vpow2.f32 v7  }
0x13b: {  	(erf) = vpow2.f32 v4  }
0x13c: {  	(erf) = vpow2.f32 v3;
	_ =	sdelay $0x1  }
0x13d: {  	v7 =	vor.u32 $0x2, v6  }
0x13e: {  	v8 =	vor.u32 $0x5, v6;
	v3 =	vadd.s32 s15, v1  }
0x13f: {  	v9 =	vor.u32 $0x8, v6;
	v5 =	vor.u32 s15, v0;
	vm0 =	vlt.s32 v3, $0x7FF  }
.Ltmp1:
0x140: {  	v6 =	vor.u32 $0xB, v6;
	v4 =	vmul.u32 $0x3, v5;
	v3 =	vnsel vm0, $0x7FF, v3;
	(pc) =	sbr.rel @p0 .LBB2_4-.Ltmp1, $4  }
0x141: {  	v3 =	vmul.u32 $0x3, v3;
	v10 =	vpop (erf)  }
0x142: {  	[tilespmem:v7+s21+$0x0] =	vst.idx.msk $0xffff, v10;
	v7 =	vpop (erf)  }
0x143: {  	[tilespmem:v8+s21+$0x0] =	vst.idx.msk $0xffff, v7;
	v7 =	vpop (erf)  }
0x144: {  	[tilespmem:v9+s21+$0x0] =	vst.idx.msk $0xffff, v7;
	v7 =	vpop (erf)  }
0x145: {  	_ =	sdelay $0x3  }
0x146: {  	[tilespmem:v6+s21+$0x0] =	vst.idx.msk $0xffff, v7  }
0x147: {  	v6 =	vld.idx.msk [tilespmem:v4+s17+$0x0], $0xffff  }
0x148: {  	v7 =	vld.idx.msk [tilespmem:v3+s17+$0x0], $0xffff  }
0x149: {  	v8 =	vld.idx.msk [tilespmem:v4+s2+$0x0], $0xffff  }
0x14a: {  	v9 =	vld.idx.msk [tilespmem:v3+s2+$0x0], $0xffff;
	_ =	sdelay $0x1  }
0x14b: {  	v6 =	vmul.f32 $1.442695020e+00, v6  }
0x14c: {  	v7 =	vmul.f32 $1.442695020e+00, v7  }
0x14d: {  	v8 =	vmul.f32 $1.442695020e+00, v8;
	(erf) = vpow2.f32 v6  }
0x14e: {  	v42 =	vmul.f32 $1.442695020e+00, v9;
	(erf) = vpow2.f32 v7  }
0x14f: {  	(erf) = vpow2.f32 v8  }
0x150: {  	(erf) = vpow2.f32 v42;
	_ =	sdelay $0x1  }
0x151: {  	v5 =	vshll.u32 v5, $0x4  }
0x152: {  	v43 =	vor.u32 $0x3, v5  }
0x153: {  	v44 =	vor.u32 $0x6, v5  }
0x154: {  	v45 =	vor.u32 $0x9, v5  }
0x155: {  	v46 =	vadd.s32 $0x1, v4;
	v10 =	vpop (erf)  }
0x156: {  	v47 =	vadd.s32 $0x1, v3;
	[tilespmem:v5+s21+$0x0] =	vst.idx.msk $0xffff, v10;
	v11 =	vpop (erf)  }
0x157: {  	[tilespmem:v43+s21+$0x0] =	vst.idx.msk $0xffff, v11;
	v48 =	vpop (erf)  }
0x158: {  	[tilespmem:v44+s21+$0x0] =	vst.idx.msk $0xffff, v48;
	v49 =	vpop (erf)  }
0x159: {  	[tilespmem:v45+s21+$0x0] =	vst.idx.msk $0xffff, v49  }
0x15a: {  	v6 =	vld.idx.msk [tilespmem:v46+s17+$0x0], $0xffff  }
0x15b: {  	v7 =	vld.idx.msk [tilespmem:v47+s17+$0x0], $0xffff  }
0x15c: {  	v8 =	vld.idx.msk [tilespmem:v46+s2+$0x0], $0xffff  }
0x15d: {  	v50 =	vld.idx.msk [tilespmem:v47+s2+$0x0], $0xffff;
	_ =	sdelay $0x1  }
0x15e: {  	v6 =	vmul.f32 $1.442695020e+00, v6  }
0x15f: {  	v7 =	vmul.f32 $1.442695020e+00, v7  }
0x160: {  	v8 =	vmul.f32 $1.442695020e+00, v8;
	(erf) = vpow2.f32 v6  }
0x161: {  	v51 =	vmul.f32 $1.442695020e+00, v50;
	(erf) = vpow2.f32 v7  }
0x162: {  	(erf) = vpow2.f32 v8  }
0x163: {  	(erf) = vpow2.f32 v51;
	_ =	sdelay $0x1  }
0x164: {  	v52 =	vor.u32 $0x1, v5  }
0x165: {  	v53 =	vor.u32 $0x4, v5  }
0x166: {  	v54 =	vor.u32 $0x7, v5  }
0x167: {  	v55 =	vor.u32 $0xA, v5  }
0x168: {  	v56 =	vadd.s32 $0x2, v4;
	v57 =	vpop (erf)  }
0x169: {  	v3 =	vadd.s32 $0x2, v3;
	[tilespmem:v52+s21+$0x0] =	vst.idx.msk $0xffff, v57;
	v58 =	vpop (erf)  }
0x16a: {  	[tilespmem:v53+s21+$0x0] =	vst.idx.msk $0xffff, v58;
	v59 =	vpop (erf)  }
0x16b: {  	[tilespmem:v54+s21+$0x0] =	vst.idx.msk $0xffff, v59;
	v60 =	vpop (erf)  }
0x16c: {  	[tilespmem:v55+s21+$0x0] =	vst.idx.msk $0xffff, v60  }
0x16d: {  	v6 =	vld.idx.msk [tilespmem:v56+s17+$0x0], $0xffff  }
0x16e: {  	v7 =	vld.idx.msk [tilespmem:v3+s17+$0x0], $0xffff  }
0x16f: {  	v4 =	vld.idx.msk [tilespmem:v56+s2+$0x0], $0xffff  }
0x170: {  	v3 =	vld.idx.msk [tilespmem:v3+s2+$0x0], $0xffff;
	_ =	sdelay $0x1  }
0x171: {  	v6 =	vmul.f32 $1.442695020e+00, v6  }
0x172: {  	v7 =	vmul.f32 $1.442695020e+00, v7  }
0x173: {  	v4 =	vmul.f32 $1.442695020e+00, v4;
	(erf) = vpow2.f32 v6  }
0x174: {  	v3 =	vmul.f32 $1.442695020e+00, v3;
	(erf) = vpow2.f32 v7  }
0x175: {  	(erf) = vpow2.f32 v4  }
0x176: {  	(erf) = vpow2.f32 v3;
	_ =	sdelay $0x1  }
0x177: {  	v3 =	vor.u32 $0x2, v5  }
0x178: {  	v61 =	vor.u32 $0x5, v5  }
0x179: {  	v62 =	vor.u32 $0x8, v5  }
0x17a: {  	v5 =	vor.u32 $0xB, v5  }
0x17b: {  	v63 =	vpop (erf)  }
0x17c: {  	[tilespmem:v3+s21+$0x0] =	vst.idx.msk $0xffff, v63;
	v3 =	vpop (erf)  }
0x17d: {  	[tilespmem:v61+s21+$0x0] =	vst.idx.msk $0xffff, v3;
	v3 =	vpop (erf)  }
0x17e: {  	[tilespmem:v62+s21+$0x0] =	vst.idx.msk $0xffff, v3;
	v3 =	vpop (erf)  }
0x17f: {  	s0 =	rddreg [dreg:$0x5];
	[tilespmem:v5+s21+$0x0] =	vst.idx.msk $0xffff, v3  }
0x180: {  	[tilespmem:s17], [sflag:$0x1] =	stream.linear.gather [hbm4b:s0+s2], $0x1800, $0x38;
	[tilespmem:$0x1B000] =	vst v63  }
0x181: {  	s31 =	rddreg [dreg:$0x9];
	s15 =	simm.s32 $0x1  }
0x182: {  	[hbm4b:s31+s2] =	stream.linear.scatter [tilespmem:s21], [sflag:$0x3], $0x8000, $0x38;
	[tilespmem:$0x1B000] =	vst v63  }
.LBB2_6:
0x183: {  	s0 =	simm.s32 $0x0  }
0x184: {  	v3 =	vadd.s32 s0, v1  }
0x185: {  	v4 =	vor.u32 s0, v0;
	vm0 =	vlt.s32 v3, $0x7FF  }
0x186: {  	_ =	swait.ge [sflag:s18], $0x1800;
	v5 =	vmul.u32 $0x3, v4;
	v3 =	vnsel vm0, $0x7FF, v3  }
0x187: {  	[sflag:s18] =	ssyncset.done $0x0;
	v3 =	vmul.u32 $0x3, v3  }
0x188: {  	[sflag:s18] =	ssyncadd.s32 $0xFFFFE800  }
0x189: {  	_ =	swait.ge [sflag:s23], $0x8000  }
0x18a: {  	[sflag:s23] =	ssyncset.done $0x0  }
0x18b: {  	[sflag:s23] =	ssyncadd.s32 $0xFFFF8000  }
0x18c: {  	v6 =	vld.idx.msk [tilespmem:v5+s2+$0x0], $0xffff  }
0x18d: {  	v7 =	vld.idx.msk [tilespmem:v3+s2+$0x0], $0xffff  }
0x18e: {  	v8 =	vld.idx.msk [tilespmem:v5+s17+$0x0], $0xffff  }
0x18f: {  	v9 =	vld.idx.msk [tilespmem:v3+s17+$0x0], $0xffff;
	_ =	sdelay $0x1  }
0x190: {  	v6 =	vmul.f32 $1.442695020e+00, v6  }
0x191: {  	v7 =	vmul.f32 $1.442695020e+00, v7  }
0x192: {  	v8 =	vmul.f32 $1.442695020e+00, v8;
	(erf) = vpow2.f32 v6  }
0x193: {  	v6 =	vmul.f32 $1.442695020e+00, v9;
	(erf) = vpow2.f32 v7  }
0x194: {  	(erf) = vpow2.f32 v8  }
0x195: {  	(erf) = vpow2.f32 v6;
	_ =	sdelay $0x1  }
0x196: {  	v6 =	vshll.u32 v4, $0x4  }
0x197: {  	v4 =	vor.u32 $0x3, v6  }
0x198: {  	v7 =	vor.u32 $0x6, v6  }
0x199: {  	v8 =	vor.u32 $0x9, v6  }
0x19a: {  	v58 =	vadd.s32 $0x1, v5;
	v10 =	vpop (erf)  }
0x19b: {  	v59 =	vadd.s32 $0x1, v3;
	[tilespmem:v6+s19+$0x0] =	vst.idx.msk $0xffff, v10;
	v11 =	vpop (erf)  }
0x19c: {  	[tilespmem:v4+s19+$0x0] =	vst.idx.msk $0xffff, v11;
	v4 =	vpop (erf)  }
0x19d: {  	[tilespmem:v7+s19+$0x0] =	vst.idx.msk $0xffff, v4;
	v4 =	vpop (erf)  }
0x19e: {  	[tilespmem:v8+s19+$0x0] =	vst.idx.msk $0xffff, v4  }
0x19f: {  	v4 =	vld.idx.msk [tilespmem:v58+s2+$0x0], $0xffff  }
0x1a0: {  	v7 =	vld.idx.msk [tilespmem:v59+s2+$0x0], $0xffff  }
0x1a1: {  	v8 =	vld.idx.msk [tilespmem:v58+s17+$0x0], $0xffff  }
0x1a2: {  	v60 =	vld.idx.msk [tilespmem:v59+s17+$0x0], $0xffff;
	_ =	sdelay $0x1  }
0x1a3: {  	v4 =	vmul.f32 $1.442695020e+00, v4  }
0x1a4: {  	v7 =	vmul.f32 $1.442695020e+00, v7  }
0x1a5: {  	v8 =	vmul.f32 $1.442695020e+00, v8;
	(erf) = vpow2.f32 v4  }
0x1a6: {  	v4 =	vmul.f32 $1.442695020e+00, v60;
	(erf) = vpow2.f32 v7  }
0x1a7: {  	(erf) = vpow2.f32 v8  }
0x1a8: {  	(erf) = vpow2.f32 v4;
	_ =	sdelay $0x1  }
0x1a9: {  	v4 =	vor.u32 $0x1, v6  }
0x1aa: {  	v7 =	vor.u32 $0x4, v6  }
0x1ab: {  	v8 =	vor.u32 $0x7, v6  }
0x1ac: {  	v61 =	vor.u32 $0xA, v6  }
0x1ad: {  	v5 =	vadd.s32 $0x2, v5;
	v62 =	vpop (erf)  }
0x1ae: {  	v3 =	vadd.s32 $0x2, v3;
	[tilespmem:v4+s19+$0x0] =	vst.idx.msk $0xffff, v62;
	v4 =	vpop (erf)  }
0x1af: {  	[tilespmem:v7+s19+$0x0] =	vst.idx.msk $0xffff, v4;
	v4 =	vpop (erf)  }
0x1b0: {  	[tilespmem:v8+s19+$0x0] =	vst.idx.msk $0xffff, v4;
	v4 =	vpop (erf)  }
0x1b1: {  	[tilespmem:v61+s19+$0x0] =	vst.idx.msk $0xffff, v4  }
0x1b2: {  	v4 =	vld.idx.msk [tilespmem:v5+s2+$0x0], $0xffff  }
0x1b3: {  	v7 =	vld.idx.msk [tilespmem:v3+s2+$0x0], $0xffff;
	_ =	sdelay $0x2  }
0x1b4: {  	v5 =	vld.idx.msk [tilespmem:v5+s17+$0x0], $0xffff  }
0x1b5: {  	v3 =	vld.idx.msk [tilespmem:v3+s17+$0x0], $0xffff;
	v4 =	vmul.f32 $1.442695020e+00, v4  }
0x1b6: {  	v7 =	vmul.f32 $1.442695020e+00, v7  }
0x1b7: {  	(erf) = vpow2.f32 v4  }
0x1b8: {  	(erf) = vpow2.f32 v7  }
0x1b9: {  	v5 =	vmul.f32 $1.442695020e+00, v5  }
0x1ba: {  	v3 =	vmul.f32 $1.442695020e+00, v3  }
0x1bb: {  	(erf) = vpow2.f32 v5  }
0x1bc: {  	(erf) = vpow2.f32 v3;
	v3 =	vor.u32 $0x2, v6  }
0x1bd: {  	v4 =	vor.u32 $0x5, v6;
	_ =	sdelay $0x1  }
0x1be: {  	s31 =	simm.s32 $0x10  }
0x1bf: {  	v8 =	vadd.s32 s31, v1;
	v5 =	vpop (erf)  }
0x1c0: {  	vm15 =	vlt.s32 v8, $0x7FF;
	v7 =	vor.u32 $0x8, v6;
	[tilespmem:v3+s19+$0x0] =	vst.idx.msk $0xffff, v5;
	v3 =	vpop (erf);
	v5 =	vor.u32 s31, v0  }
0x1c1: {  	v8 =	vnsel vm15, $0x7FF, v8;
	v6 =	vor.u32 $0xB, v6;
	[tilespmem:v4+s19+$0x0] =	vst.idx.msk $0xffff, v3;
	v4 =	vmul.u32 $0x3, v5  }
0x1c2: {  	v3 =	vmul.u32 $0x3, v8;
	_ =	sdelay $0x1  }
0x1c3: {  	v63 =	vpop (erf)  }
0x1c4: {  	s7 =	simm.s32 $0x20;
	[tilespmem:v7+s19+$0x0] =	vst.idx.msk $0xffff, v63;
	v7 =	vpop (erf)  }
.LBB2_7:
0x1c5: {  	p0 =	sne.s32 s7, $0x7F0;
	[tilespmem:v6+s19+$0x0] =	vst.idx.msk $0xffff, v7;
	s16 =	smov.u32 s7;
	s7 =	sadd.s32 $0x10, s7  }
0x1c6: {  	v6 =	vld.idx.msk [tilespmem:v4+s2+$0x0], $0xffff  }
0x1c7: {  	v7 =	vld.idx.msk [tilespmem:v3+s2+$0x0], $0xffff  }
0x1c8: {  	v8 =	vld.idx.msk [tilespmem:v4+s17+$0x0], $0xffff  }
0x1c9: {  	v9 =	vld.idx.msk [tilespmem:v3+s17+$0x0], $0xffff;
	_ =	sdelay $0x2  }
0x1ca: {  	v6 =	vmul.f32 $1.442695020e+00, v6  }
0x1cb: {  	v7 =	vmul.f32 $1.442695020e+00, v7  }
0x1cc: {  	v8 =	vmul.f32 $1.442695020e+00, v8;
	(erf) = vpow2.f32 v6  }
0x1cd: {  	v6 =	vmul.f32 $1.442695020e+00, v9;
	(erf) = vpow2.f32 v7  }
0x1ce: {  	(erf) = vpow2.f32 v8  }
0x1cf: {  	(erf) = vpow2.f32 v6;
	_ =	sdelay $0x1  }
0x1d0: {  	v6 =	vshll.u32 v5, $0x4  }
0x1d1: {  	v5 =	vor.u32 $0x3, v6  }
0x1d2: {  	v7 =	vor.u32 $0x6, v6  }
0x1d3: {  	v8 =	vor.u32 $0x9, v6  }
0x1d4: {  	v9 =	vadd.s32 $0x1, v4;
	v10 =	vpop (erf)  }
0x1d5: {  	[tilespmem:v6+s19+$0x0] =	vst.idx.msk $0xffff, v10;
	v10 =	vadd.s32 $0x1, v3;
	v11 =	vpop (erf)  }
0x1d6: {  	[tilespmem:v5+s19+$0x0] =	vst.idx.msk $0xffff, v11;
	v5 =	vpop (erf)  }
0x1d7: {  	[tilespmem:v7+s19+$0x0] =	vst.idx.msk $0xffff, v5;
	v5 =	vpop (erf)  }
0x1d8: {  	[tilespmem:v8+s19+$0x0] =	vst.idx.msk $0xffff, v5  }
0x1d9: {  	v5 =	vld.idx.msk [tilespmem:v9+s2+$0x0], $0xffff  }
0x1da: {  	v7 =	vld.idx.msk [tilespmem:v10+s2+$0x0], $0xffff  }
0x1db: {  	v8 =	vld.idx.msk [tilespmem:v9+s17+$0x0], $0xffff  }
0x1dc: {  	v9 =	vld.idx.msk [tilespmem:v10+s17+$0x0], $0xffff;
	_ =	sdelay $0x2  }
0x1dd: {  	v5 =	vmul.f32 $1.442695020e+00, v5  }
0x1de: {  	v7 =	vmul.f32 $1.442695020e+00, v7  }
0x1df: {  	v8 =	vmul.f32 $1.442695020e+00, v8;
	(erf) = vpow2.f32 v5  }
0x1e0: {  	v5 =	vmul.f32 $1.442695020e+00, v9;
	(erf) = vpow2.f32 v7  }
0x1e1: {  	(erf) = vpow2.f32 v8  }
0x1e2: {  	(erf) = vpow2.f32 v5;
	_ =	sdelay $0x1  }
0x1e3: {  	v5 =	vor.u32 $0x1, v6  }
0x1e4: {  	v7 =	vor.u32 $0x4, v6  }
0x1e5: {  	v8 =	vor.u32 $0x7, v6  }
0x1e6: {  	v9 =	vor.u32 $0xA, v6  }
0x1e7: {  	v4 =	vadd.s32 $0x2, v4;
	v10 =	vpop (erf)  }
0x1e8: {  	v3 =	vadd.s32 $0x2, v3;
	[tilespmem:v5+s19+$0x0] =	vst.idx.msk $0xffff, v10;
	v5 =	vpop (erf)  }
0x1e9: {  	[tilespmem:v7+s19+$0x0] =	vst.idx.msk $0xffff, v5;
	v5 =	vpop (erf)  }
0x1ea: {  	[tilespmem:v8+s19+$0x0] =	vst.idx.msk $0xffff, v5;
	v5 =	vpop (erf)  }
0x1eb: {  	[tilespmem:v9+s19+$0x0] =	vst.idx.msk $0xffff, v5  }
0x1ec: {  	v5 =	vld.idx.msk [tilespmem:v4+s2+$0x0], $0xffff  }
0x1ed: {  	v7 =	vld.idx.msk [tilespmem:v3+s2+$0x0], $0xffff  }
0x1ee: {  	v4 =	vld.idx.msk [tilespmem:v4+s17+$0x0], $0xffff  }
0x1ef: {  	v3 =	vld.idx.msk [tilespmem:v3+s17+$0x0], $0xffff;
	_ =	sdelay $0x2  }
0x1f0: {  	v5 =	vmul.f32 $1.442695020e+00, v5  }
0x1f1: {  	v7 =	vmul.f32 $1.442695020e+00, v7  }
0x1f2: {  	v4 =	vmul.f32 $1.442695020e+00, v4;
	(erf) = vpow2.f32 v5  }
0x1f3: {  	v3 =	vmul.f32 $1.442695020e+00, v3;
	(erf) = vpow2.f32 v7  }
0x1f4: {  	(erf) = vpow2.f32 v4  }
0x1f5: {  	(erf) = vpow2.f32 v3;
	_ =	sdelay $0x1  }
0x1f6: {  	v7 =	vor.u32 $0x2, v6  }
0x1f7: {  	v8 =	vor.u32 $0x5, v6;
	v3 =	vadd.s32 s16, v1  }
0x1f8: {  	v9 =	vor.u32 $0x8, v6;
	v5 =	vor.u32 s16, v0;
	vm0 =	vlt.s32 v3, $0x7FF  }
.Ltmp2:
0x1f9: {  	v6 =	vor.u32 $0xB, v6;
	v4 =	vmul.u32 $0x3, v5;
	v3 =	vnsel vm0, $0x7FF, v3;
	(pc) =	sbr.rel @p0 .LBB2_7-.Ltmp2, $4  }
0x1fa: {  	v3 =	vmul.u32 $0x3, v3;
	v10 =	vpop (erf)  }
0x1fb: {  	[tilespmem:v7+s19+$0x0] =	vst.idx.msk $0xffff, v10;
	v7 =	vpop (erf)  }
0x1fc: {  	[tilespmem:v8+s19+$0x0] =	vst.idx.msk $0xffff, v7;
	v7 =	vpop (erf)  }
0x1fd: {  	[tilespmem:v9+s19+$0x0] =	vst.idx.msk $0xffff, v7;
	v7 =	vpop (erf)  }
0x1fe: {  	_ =	sdelay $0x3  }
0x1ff: {  	[tilespmem:v6+s19+$0x0] =	vst.idx.msk $0xffff, v7  }
0x200: {  	v6 =	vld.idx.msk [tilespmem:v4+s2+$0x0], $0xffff  }
0x201: {  	v7 =	vld.idx.msk [tilespmem:v3+s2+$0x0], $0xffff  }
0x202: {  	v8 =	vld.idx.msk [tilespmem:v4+s17+$0x0], $0xffff  }
0x203: {  	v9 =	vld.idx.msk [tilespmem:v3+s17+$0x0], $0xffff;
	_ =	sdelay $0x1  }
0x204: {  	v6 =	vmul.f32 $1.442695020e+00, v6  }
0x205: {  	v7 =	vmul.f32 $1.442695020e+00, v7  }
0x206: {  	v8 =	vmul.f32 $1.442695020e+00, v8;
	(erf) = vpow2.f32 v6  }
0x207: {  	v6 =	vmul.f32 $1.442695020e+00, v9;
	(erf) = vpow2.f32 v7  }
0x208: {  	(erf) = vpow2.f32 v8  }
0x209: {  	(erf) = vpow2.f32 v6;
	_ =	sdelay $0x1  }
0x20a: {  	v5 =	vshll.u32 v5, $0x4  }
0x20b: {  	v6 =	vor.u32 $0x3, v5  }
0x20c: {  	v7 =	vor.u32 $0x6, v5  }
0x20d: {  	v8 =	vor.u32 $0x9, v5  }
0x20e: {  	v50 =	vadd.s32 $0x1, v4;
	v10 =	vpop (erf)  }
0x20f: {  	v51 =	vadd.s32 $0x1, v3;
	[tilespmem:v5+s19+$0x0] =	vst.idx.msk $0xffff, v10;
	v11 =	vpop (erf)  }
0x210: {  	[tilespmem:v6+s19+$0x0] =	vst.idx.msk $0xffff, v11;
	v6 =	vpop (erf)  }
0x211: {  	[tilespmem:v7+s19+$0x0] =	vst.idx.msk $0xffff, v6;
	v6 =	vpop (erf)  }
0x212: {  	[tilespmem:v8+s19+$0x0] =	vst.idx.msk $0xffff, v6  }
0x213: {  	v6 =	vld.idx.msk [tilespmem:v50+s2+$0x0], $0xffff  }
0x214: {  	v7 =	vld.idx.msk [tilespmem:v51+s2+$0x0], $0xffff  }
0x215: {  	v8 =	vld.idx.msk [tilespmem:v50+s17+$0x0], $0xffff  }
0x216: {  	v52 =	vld.idx.msk [tilespmem:v51+s17+$0x0], $0xffff;
	_ =	sdelay $0x1  }
0x217: {  	v6 =	vmul.f32 $1.442695020e+00, v6  }
0x218: {  	v7 =	vmul.f32 $1.442695020e+00, v7  }
0x219: {  	v8 =	vmul.f32 $1.442695020e+00, v8;
	(erf) = vpow2.f32 v6  }
0x21a: {  	v6 =	vmul.f32 $1.442695020e+00, v52;
	(erf) = vpow2.f32 v7  }
0x21b: {  	(erf) = vpow2.f32 v8  }
0x21c: {  	(erf) = vpow2.f32 v6;
	_ =	sdelay $0x1  }
0x21d: {  	v6 =	vor.u32 $0x1, v5  }
0x21e: {  	v7 =	vor.u32 $0x4, v5  }
0x21f: {  	v8 =	vor.u32 $0x7, v5  }
0x220: {  	v53 =	vor.u32 $0xA, v5  }
0x221: {  	v4 =	vadd.s32 $0x2, v4;
	v54 =	vpop (erf)  }
0x222: {  	v3 =	vadd.s32 $0x2, v3;
	[tilespmem:v6+s19+$0x0] =	vst.idx.msk $0xffff, v54;
	v6 =	vpop (erf)  }
0x223: {  	[tilespmem:v7+s19+$0x0] =	vst.idx.msk $0xffff, v6;
	v6 =	vpop (erf)  }
0x224: {  	[tilespmem:v8+s19+$0x0] =	vst.idx.msk $0xffff, v6;
	v6 =	vpop (erf)  }
0x225: {  	[tilespmem:v53+s19+$0x0] =	vst.idx.msk $0xffff, v6  }
0x226: {  	v6 =	vld.idx.msk [tilespmem:v4+s2+$0x0], $0xffff  }
0x227: {  	v7 =	vld.idx.msk [tilespmem:v3+s2+$0x0], $0xffff  }
0x228: {  	v4 =	vld.idx.msk [tilespmem:v4+s17+$0x0], $0xffff  }
0x229: {  	v3 =	vld.idx.msk [tilespmem:v3+s17+$0x0], $0xffff;
	_ =	sdelay $0x1  }
0x22a: {  	v6 =	vmul.f32 $1.442695020e+00, v6  }
0x22b: {  	v7 =	vmul.f32 $1.442695020e+00, v7  }
0x22c: {  	v4 =	vmul.f32 $1.442695020e+00, v4;
	(erf) = vpow2.f32 v6  }
0x22d: {  	v3 =	vmul.f32 $1.442695020e+00, v3;
	(erf) = vpow2.f32 v7  }
0x22e: {  	(erf) = vpow2.f32 v4  }
0x22f: {  	(erf) = vpow2.f32 v3;
	_ =	sdelay $0x1  }
0x230: {  	v3 =	vor.u32 $0x2, v5  }
0x231: {  	s0 =	sshll.u32 s15, $0x1;
	v4 =	vor.u32 $0x5, v5  }
0x232: {  	s16 =	sor.u32 s4, s0;
	v6 =	vor.u32 $0x8, v5  }
0x233: {  	s0 =	smin.u32 s16, $0x3FD;
	v5 =	vor.u32 $0xB, v5  }
0x234: {  	s0 =	smul.u32 $0x1800, s0;
	v7 =	vpop (erf)  }
0x235: {  	[tilespmem:v3+s19+$0x0] =	vst.idx.msk $0xffff, v7;
	v3 =	vpop (erf)  }
0x236: {  	s0 =	sshrl.u32 s0, $0x3;
	[tilespmem:v4+s19+$0x0] =	vst.idx.msk $0xffff, v3;
	v3 =	vpop (erf)  }
0x237: {  	s0 =	sadd.s32 s3, s0;
	[tilespmem:v6+s19+$0x0] =	vst.idx.msk $0xffff, v3;
	v3 =	vpop (erf)  }
0x238: {  	s1 =	simm.s32 $0x0;
	s30 =	sshll.u32 s16, $0xC;
	s0 =	sadd.s32 $0x600, s0;
	[tilespmem:v5+s19+$0x0] =	vst.idx.msk $0xffff, v3  }
0x239: {  	[tilespmem:s1], [sflag:$0x1] =	stream.linear.gather [hbm4b:s0+s1], $0x1800, $0x38;
	[tilespmem:$0x1B000] =	vst v63  }
0x23a: {  	v3 =	vadd.s32 s1, v1;
	s0 =	sadd.s32 s10, s30  }
0x23b: {  	v4 =	vor.u32 s1, v0;
	vm0 =	vlt.s32 v3, $0x7FF;
	[hbm4b:s0+s1] =	stream.linear.scatter [tilespmem:s19], [sflag:$0x2], $0x8000, $0x38;
	[tilespmem:$0x1B000] =	vst v63  }
0x23c: {  	v5 =	vmul.u32 $0x3, v4;
	v3 =	vnsel vm0, $0x7FF, v3;
	_ =	swait.ge [sflag:s18], $0x1800  }
0x23d: {  	v3 =	vmul.u32 $0x3, v3;
	[sflag:s18] =	ssyncset.done $0x0  }
0x23e: {  	[sflag:s18] =	ssyncadd.s32 $0xFFFFE800  }
0x23f: {  	_ =	swait.ge [sflag:s24], $0x8000  }
0x240: {  	[sflag:s24] =	ssyncset.done $0x0  }
0x241: {  	[sflag:s24] =	ssyncadd.s32 $0xFFFF8000  }
0x242: {  	v6 =	vld.idx.msk [tilespmem:v5+s17+$0x0], $0xffff  }
0x243: {  	v7 =	vld.idx.msk [tilespmem:v3+s17+$0x0], $0xffff  }
0x244: {  	v8 =	vld.idx.msk [tilespmem:v5+s2+$0x0], $0xffff  }
0x245: {  	v55 =	vld.idx.msk [tilespmem:v3+s2+$0x0], $0xffff;
	_ =	sdelay $0x1  }
0x246: {  	v6 =	vmul.f32 $1.442695020e+00, v6  }
0x247: {  	v7 =	vmul.f32 $1.442695020e+00, v7  }
0x248: {  	v8 =	vmul.f32 $1.442695020e+00, v8;
	(erf) = vpow2.f32 v6  }
0x249: {  	v6 =	vmul.f32 $1.442695020e+00, v55;
	(erf) = vpow2.f32 v7  }
0x24a: {  	(erf) = vpow2.f32 v8  }
0x24b: {  	(erf) = vpow2.f32 v6;
	_ =	sdelay $0x1  }
0x24c: {  	v6 =	vshll.u32 v4, $0x4  }
0x24d: {  	v4 =	vor.u32 $0x3, v6  }
0x24e: {  	v7 =	vor.u32 $0x6, v6  }
0x24f: {  	v8 =	vor.u32 $0x9, v6  }
0x250: {  	v56 =	vadd.s32 $0x1, v5;
	v57 =	vpop (erf)  }
0x251: {  	v58 =	vadd.s32 $0x1, v3;
	[tilespmem:v6+s21+$0x0] =	vst.idx.msk $0xffff, v57;
	v59 =	vpop (erf)  }
0x252: {  	[tilespmem:v4+s21+$0x0] =	vst.idx.msk $0xffff, v59;
	v4 =	vpop (erf)  }
0x253: {  	[tilespmem:v7+s21+$0x0] =	vst.idx.msk $0xffff, v4;
	v4 =	vpop (erf)  }
0x254: {  	[tilespmem:v8+s21+$0x0] =	vst.idx.msk $0xffff, v4  }
0x255: {  	v4 =	vld.idx.msk [tilespmem:v56+s17+$0x0], $0xffff  }
0x256: {  	v7 =	vld.idx.msk [tilespmem:v58+s17+$0x0], $0xffff  }
0x257: {  	v8 =	vld.idx.msk [tilespmem:v56+s2+$0x0], $0xffff  }
0x258: {  	v60 =	vld.idx.msk [tilespmem:v58+s2+$0x0], $0xffff;
	_ =	sdelay $0x1  }
0x259: {  	v4 =	vmul.f32 $1.442695020e+00, v4  }
0x25a: {  	v7 =	vmul.f32 $1.442695020e+00, v7  }
0x25b: {  	v8 =	vmul.f32 $1.442695020e+00, v8;
	(erf) = vpow2.f32 v4  }
0x25c: {  	v4 =	vmul.f32 $1.442695020e+00, v60;
	(erf) = vpow2.f32 v7  }
0x25d: {  	(erf) = vpow2.f32 v8  }
0x25e: {  	(erf) = vpow2.f32 v4;
	_ =	sdelay $0x1  }
0x25f: {  	v4 =	vor.u32 $0x1, v6  }
0x260: {  	v7 =	vor.u32 $0x4, v6  }
0x261: {  	v8 =	vor.u32 $0x7, v6  }
0x262: {  	v61 =	vor.u32 $0xA, v6  }
0x263: {  	v5 =	vadd.s32 $0x2, v5;
	v62 =	vpop (erf)  }
0x264: {  	v3 =	vadd.s32 $0x2, v3;
	[tilespmem:v4+s21+$0x0] =	vst.idx.msk $0xffff, v62;
	v4 =	vpop (erf)  }
0x265: {  	[tilespmem:v7+s21+$0x0] =	vst.idx.msk $0xffff, v4;
	v4 =	vpop (erf)  }
0x266: {  	[tilespmem:v8+s21+$0x0] =	vst.idx.msk $0xffff, v4;
	v4 =	vpop (erf)  }
0x267: {  	[tilespmem:v61+s21+$0x0] =	vst.idx.msk $0xffff, v4  }
0x268: {  	v4 =	vld.idx.msk [tilespmem:v5+s17+$0x0], $0xffff  }
0x269: {  	v7 =	vld.idx.msk [tilespmem:v3+s17+$0x0], $0xffff;
	_ =	sdelay $0x2  }
0x26a: {  	v5 =	vld.idx.msk [tilespmem:v5+s2+$0x0], $0xffff  }
0x26b: {  	v3 =	vld.idx.msk [tilespmem:v3+s2+$0x0], $0xffff;
	v4 =	vmul.f32 $1.442695020e+00, v4  }
0x26c: {  	v7 =	vmul.f32 $1.442695020e+00, v7  }
0x26d: {  	(erf) = vpow2.f32 v4  }
0x26e: {  	(erf) = vpow2.f32 v7  }
0x26f: {  	v5 =	vmul.f32 $1.442695020e+00, v5  }
0x270: {  	v3 =	vmul.f32 $1.442695020e+00, v3  }
0x271: {  	(erf) = vpow2.f32 v5  }
0x272: {  	(erf) = vpow2.f32 v3;
	v3 =	vor.u32 $0x2, v6  }
0x273: {  	v4 =	vor.u32 $0x5, v6;
	_ =	sdelay $0x1  }
0x274: {  	s31 =	simm.s32 $0x10  }
0x275: {  	v8 =	vadd.s32 s31, v1;
	v5 =	vpop (erf)  }
0x276: {  	vm15 =	vlt.s32 v8, $0x7FF;
	v7 =	vor.u32 $0x8, v6;
	[tilespmem:v3+s21+$0x0] =	vst.idx.msk $0xffff, v5;
	v3 =	vpop (erf);
	v5 =	vor.u32 s31, v0  }
0x277: {  	v8 =	vnsel vm15, $0x7FF, v8;
	v6 =	vor.u32 $0xB, v6;
	[tilespmem:v4+s21+$0x0] =	vst.idx.msk $0xffff, v3;
	v4 =	vmul.u32 $0x3, v5  }
0x278: {  	v3 =	vmul.u32 $0x3, v8;
	_ =	sdelay $0x1  }
0x279: {  	v63 =	vpop (erf)  }
0x27a: {  	s7 =	simm.s32 $0x20;
	[tilespmem:v7+s21+$0x0] =	vst.idx.msk $0xffff, v63;
	v7 =	vpop (erf)  }
.LBB2_9:
0x27b: {  	p0 =	sne.s32 s7, $0x7F0;
	[tilespmem:v6+s21+$0x0] =	vst.idx.msk $0xffff, v7;
	s20 =	smov.u32 s7;
	s7 =	sadd.s32 $0x10, s7  }
0x27c: {  	v6 =	vld.idx.msk [tilespmem:v4+s17+$0x0], $0xffff  }
0x27d: {  	v7 =	vld.idx.msk [tilespmem:v3+s17+$0x0], $0xffff  }
0x27e: {  	v8 =	vld.idx.msk [tilespmem:v4+s2+$0x0], $0xffff  }
0x27f: {  	v9 =	vld.idx.msk [tilespmem:v3+s2+$0x0], $0xffff;
	_ =	sdelay $0x2  }
0x280: {  	v6 =	vmul.f32 $1.442695020e+00, v6  }
0x281: {  	v7 =	vmul.f32 $1.442695020e+00, v7  }
0x282: {  	v8 =	vmul.f32 $1.442695020e+00, v8;
	(erf) = vpow2.f32 v6  }
0x283: {  	v6 =	vmul.f32 $1.442695020e+00, v9;
	(erf) = vpow2.f32 v7  }
0x284: {  	(erf) = vpow2.f32 v8  }
0x285: {  	(erf) = vpow2.f32 v6;
	_ =	sdelay $0x1  }
0x286: {  	v6 =	vshll.u32 v5, $0x4  }
0x287: {  	v5 =	vor.u32 $0x3, v6  }
0x288: {  	v7 =	vor.u32 $0x6, v6  }
0x289: {  	v8 =	vor.u32 $0x9, v6  }
0x28a: {  	v9 =	vadd.s32 $0x1, v4;
	v10 =	vpop (erf)  }
0x28b: {  	[tilespmem:v6+s21+$0x0] =	vst.idx.msk $0xffff, v10;
	v10 =	vadd.s32 $0x1, v3;
	v11 =	vpop (erf)  }
0x28c: {  	[tilespmem:v5+s21+$0x0] =	vst.idx.msk $0xffff, v11;
	v5 =	vpop (erf)  }
0x28d: {  	[tilespmem:v7+s21+$0x0] =	vst.idx.msk $0xffff, v5;
	v5 =	vpop (erf)  }
0x28e: {  	[tilespmem:v8+s21+$0x0] =	vst.idx.msk $0xffff, v5  }
0x28f: {  	v5 =	vld.idx.msk [tilespmem:v9+s17+$0x0], $0xffff  }
0x290: {  	v7 =	vld.idx.msk [tilespmem:v10+s17+$0x0], $0xffff  }
0x291: {  	v8 =	vld.idx.msk [tilespmem:v9+s2+$0x0], $0xffff  }
0x292: {  	v9 =	vld.idx.msk [tilespmem:v10+s2+$0x0], $0xffff;
	_ =	sdelay $0x2  }
0x293: {  	v5 =	vmul.f32 $1.442695020e+00, v5  }
0x294: {  	v7 =	vmul.f32 $1.442695020e+00, v7  }
0x295: {  	v8 =	vmul.f32 $1.442695020e+00, v8;
	(erf) = vpow2.f32 v5  }
0x296: {  	v5 =	vmul.f32 $1.442695020e+00, v9;
	(erf) = vpow2.f32 v7  }
0x297: {  	(erf) = vpow2.f32 v8  }
0x298: {  	(erf) = vpow2.f32 v5;
	_ =	sdelay $0x1  }
0x299: {  	v5 =	vor.u32 $0x1, v6  }
0x29a: {  	v7 =	vor.u32 $0x4, v6  }
0x29b: {  	v8 =	vor.u32 $0x7, v6  }
0x29c: {  	v9 =	vor.u32 $0xA, v6  }
0x29d: {  	v4 =	vadd.s32 $0x2, v4;
	v10 =	vpop (erf)  }
0x29e: {  	v3 =	vadd.s32 $0x2, v3;
	[tilespmem:v5+s21+$0x0] =	vst.idx.msk $0xffff, v10;
	v5 =	vpop (erf)  }
0x29f: {  	[tilespmem:v7+s21+$0x0] =	vst.idx.msk $0xffff, v5;
	v5 =	vpop (erf)  }
0x2a0: {  	[tilespmem:v8+s21+$0x0] =	vst.idx.msk $0xffff, v5;
	v5 =	vpop (erf)  }
0x2a1: {  	[tilespmem:v9+s21+$0x0] =	vst.idx.msk $0xffff, v5  }
0x2a2: {  	v5 =	vld.idx.msk [tilespmem:v4+s17+$0x0], $0xffff  }
0x2a3: {  	v7 =	vld.idx.msk [tilespmem:v3+s17+$0x0], $0xffff  }
0x2a4: {  	v4 =	vld.idx.msk [tilespmem:v4+s2+$0x0], $0xffff  }
0x2a5: {  	v3 =	vld.idx.msk [tilespmem:v3+s2+$0x0], $0xffff;
	_ =	sdelay $0x2  }
0x2a6: {  	v5 =	vmul.f32 $1.442695020e+00, v5  }
0x2a7: {  	v7 =	vmul.f32 $1.442695020e+00, v7  }
0x2a8: {  	v4 =	vmul.f32 $1.442695020e+00, v4;
	(erf) = vpow2.f32 v5  }
0x2a9: {  	v3 =	vmul.f32 $1.442695020e+00, v3;
	(erf) = vpow2.f32 v7  }
0x2aa: {  	(erf) = vpow2.f32 v4  }
0x2ab: {  	(erf) = vpow2.f32 v3;
	_ =	sdelay $0x1  }
0x2ac: {  	v7 =	vor.u32 $0x2, v6  }
0x2ad: {  	v8 =	vor.u32 $0x5, v6;
	v3 =	vadd.s32 s20, v1  }
0x2ae: {  	v9 =	vor.u32 $0x8, v6;
	v5 =	vor.u32 s20, v0;
	vm0 =	vlt.s32 v3, $0x7FF  }
.Ltmp3:
0x2af: {  	v6 =	vor.u32 $0xB, v6;
	v4 =	vmul.u32 $0x3, v5;
	v3 =	vnsel vm0, $0x7FF, v3;
	(pc) =	sbr.rel @p0 .LBB2_9-.Ltmp3, $4  }
0x2b0: {  	v3 =	vmul.u32 $0x3, v3;
	v10 =	vpop (erf)  }
0x2b1: {  	[tilespmem:v7+s21+$0x0] =	vst.idx.msk $0xffff, v10;
	v7 =	vpop (erf)  }
0x2b2: {  	[tilespmem:v8+s21+$0x0] =	vst.idx.msk $0xffff, v7;
	v7 =	vpop (erf)  }
0x2b3: {  	[tilespmem:v9+s21+$0x0] =	vst.idx.msk $0xffff, v7;
	v7 =	vpop (erf)  }
0x2b4: {  	_ =	sdelay $0x3  }
0x2b5: {  	[tilespmem:v6+s21+$0x0] =	vst.idx.msk $0xffff, v7  }
0x2b6: {  	v6 =	vld.idx.msk [tilespmem:v4+s17+$0x0], $0xffff  }
0x2b7: {  	v7 =	vld.idx.msk [tilespmem:v3+s17+$0x0], $0xffff  }
0x2b8: {  	v8 =	vld.idx.msk [tilespmem:v4+s2+$0x0], $0xffff  }
0x2b9: {  	v9 =	vld.idx.msk [tilespmem:v3+s2+$0x0], $0xffff;
	_ =	sdelay $0x1  }
0x2ba: {  	v6 =	vmul.f32 $1.442695020e+00, v6  }
0x2bb: {  	v7 =	vmul.f32 $1.442695020e+00, v7  }
0x2bc: {  	v8 =	vmul.f32 $1.442695020e+00, v8;
	(erf) = vpow2.f32 v6  }
0x2bd: {  	v42 =	vmul.f32 $1.442695020e+00, v9;
	(erf) = vpow2.f32 v7  }
0x2be: {  	(erf) = vpow2.f32 v8  }
0x2bf: {  	(erf) = vpow2.f32 v42;
	_ =	sdelay $0x1  }
0x2c0: {  	v5 =	vshll.u32 v5, $0x4  }
0x2c1: {  	v43 =	vor.u32 $0x3, v5  }
0x2c2: {  	v44 =	vor.u32 $0x6, v5  }
0x2c3: {  	v45 =	vor.u32 $0x9, v5  }
0x2c4: {  	v46 =	vadd.s32 $0x1, v4;
	v10 =	vpop (erf)  }
0x2c5: {  	v47 =	vadd.s32 $0x1, v3;
	[tilespmem:v5+s21+$0x0] =	vst.idx.msk $0xffff, v10;
	v11 =	vpop (erf)  }
0x2c6: {  	[tilespmem:v43+s21+$0x0] =	vst.idx.msk $0xffff, v11;
	v48 =	vpop (erf)  }
0x2c7: {  	[tilespmem:v44+s21+$0x0] =	vst.idx.msk $0xffff, v48;
	v49 =	vpop (erf)  }
0x2c8: {  	[tilespmem:v45+s21+$0x0] =	vst.idx.msk $0xffff, v49  }
0x2c9: {  	v6 =	vld.idx.msk [tilespmem:v46+s17+$0x0], $0xffff  }
0x2ca: {  	v7 =	vld.idx.msk [tilespmem:v47+s17+$0x0], $0xffff  }
0x2cb: {  	v8 =	vld.idx.msk [tilespmem:v46+s2+$0x0], $0xffff  }
0x2cc: {  	v50 =	vld.idx.msk [tilespmem:v47+s2+$0x0], $0xffff;
	_ =	sdelay $0x1  }
0x2cd: {  	v6 =	vmul.f32 $1.442695020e+00, v6  }
0x2ce: {  	v7 =	vmul.f32 $1.442695020e+00, v7  }
0x2cf: {  	v8 =	vmul.f32 $1.442695020e+00, v8;
	(erf) = vpow2.f32 v6  }
0x2d0: {  	v51 =	vmul.f32 $1.442695020e+00, v50;
	(erf) = vpow2.f32 v7  }
0x2d1: {  	(erf) = vpow2.f32 v8  }
0x2d2: {  	(erf) = vpow2.f32 v51;
	_ =	sdelay $0x1  }
0x2d3: {  	v52 =	vor.u32 $0x1, v5  }
0x2d4: {  	v53 =	vor.u32 $0x4, v5  }
0x2d5: {  	v54 =	vor.u32 $0x7, v5  }
0x2d6: {  	v55 =	vor.u32 $0xA, v5  }
0x2d7: {  	v56 =	vadd.s32 $0x2, v4;
	v57 =	vpop (erf)  }
0x2d8: {  	v3 =	vadd.s32 $0x2, v3;
	[tilespmem:v52+s21+$0x0] =	vst.idx.msk $0xffff, v57;
	v58 =	vpop (erf)  }
0x2d9: {  	[tilespmem:v53+s21+$0x0] =	vst.idx.msk $0xffff, v58;
	v59 =	vpop (erf)  }
0x2da: {  	[tilespmem:v54+s21+$0x0] =	vst.idx.msk $0xffff, v59;
	v60 =	vpop (erf)  }
0x2db: {  	[tilespmem:v55+s21+$0x0] =	vst.idx.msk $0xffff, v60  }
0x2dc: {  	v6 =	vld.idx.msk [tilespmem:v56+s17+$0x0], $0xffff  }
0x2dd: {  	v7 =	vld.idx.msk [tilespmem:v3+s17+$0x0], $0xffff  }
0x2de: {  	v4 =	vld.idx.msk [tilespmem:v56+s2+$0x0], $0xffff  }
0x2df: {  	v3 =	vld.idx.msk [tilespmem:v3+s2+$0x0], $0xffff;
	_ =	sdelay $0x1  }
0x2e0: {  	v6 =	vmul.f32 $1.442695020e+00, v6  }
0x2e1: {  	v7 =	vmul.f32 $1.442695020e+00, v7  }
0x2e2: {  	v4 =	vmul.f32 $1.442695020e+00, v4;
	(erf) = vpow2.f32 v6  }
0x2e3: {  	v3 =	vmul.f32 $1.442695020e+00, v3;
	(erf) = vpow2.f32 v7  }
0x2e4: {  	(erf) = vpow2.f32 v4  }
0x2e5: {  	(erf) = vpow2.f32 v3;
	_ =	sdelay $0x1  }
0x2e6: {  	v3 =	vor.u32 $0x2, v5  }
0x2e7: {  	v61 =	vor.u32 $0x5, v5  }
0x2e8: {  	s0 =	sor.u32 $0x1, s16;
	v62 =	vor.u32 $0x8, v5  }
0x2e9: {  	s1 =	smin.u32 s0, $0x3FD;
	v5 =	vor.u32 $0xB, v5  }
0x2ea: {  	s1 =	smul.u32 $0x1800, s1;
	v63 =	vpop (erf)  }
0x2eb: {  	s15 =	sadd.s32 $0x1, s15;
	[tilespmem:v3+s21+$0x0] =	vst.idx.msk $0xffff, v63;
	v3 =	vpop (erf)  }
0x2ec: {  	p0 =	sne.s32 s15, $0x20;
	s1 =	sshrl.u32 s1, $0x3;
	[tilespmem:v61+s21+$0x0] =	vst.idx.msk $0xffff, v3;
	v3 =	vpop (erf)  }
.Ltmp4:
0x2ed: {  	s1 =	sadd.s32 s3, s1;
	[tilespmem:v62+s21+$0x0] =	vst.idx.msk $0xffff, v3;
	v3 =	vpop (erf);
	(pc) =	sbr.rel @p0 .LBB2_6-.Ltmp4, $4  }
0x2ee: {  	s0 =	sshll.u32 s0, $0xC;
	s1 =	sadd.s32 $0x600, s1;
	[tilespmem:v5+s21+$0x0] =	vst.idx.msk $0xffff, v3  }
0x2ef: {  	[tilespmem:s17], [sflag:$0x1] =	stream.linear.gather [hbm4b:s1+s2], $0x1800, $0x38;
	[tilespmem:$0x1B000] =	vst v63  }
0x2f0: {  	s0 =	sadd.s32 s10, s0  }
0x2f1: {  	[hbm4b:s0+s2] =	stream.linear.scatter [tilespmem:s21], [sflag:$0x3], $0x8000, $0x38;
	[tilespmem:$0x1B000] =	vst v63  }
0x2f2: {  	_ =	swait.ge [sflag:s18], $0x1800  }
0x2f3: {  	[sflag:s18] =	ssyncset.done $0x0  }
0x2f4: {  	[sflag:s18] =	ssyncadd.s32 $0xFFFFE800  }
0x2f5: {  	_ =	swait.ge [sflag:s23], $0x8000  }
0x2f6: {  	[sflag:s23] =	ssyncset.done $0x0  }
0x2f7: {  	[sflag:s23] =	ssyncadd.s32 $0xFFFF8000  }
0x2f8: {  	_ =	swait.ge [sflag:s24], $0x8000  }
0x2f9: {  	[sflag:s24] =	ssyncset.done $0x0  }
0x2fa: {  	[sflag:s24] =	ssyncadd.s32 $0xFFFF8000  }
0x2fb: {  	s15 =	simm.s32 $0x0;
	[bflag:$0x0] =	sbarrier.arrive $0xFFFF  }
0x2fc: {  	[tilespmem:s25], [sflag:$0x4] =	stream.linear.gather [hbm4b:s14+s15], $0x800, $0x38;
	[tilespmem:$0x1B000] =	vst v63  }
0x2fd: {  	s1 =	simm.s32 $0x14000;
	s0 =	rddreg [dreg:$0x6]  }
0x2fe: {  	[tilespmem:s1], [sflag:$0x6] =	stream.linear.gather [hbm4b:s0+s15], $0x2000, $0x38;
	[tilespmem:$0x1B000] =	vst v63  }
0x2ff: {  	_ =	swait.ge [sflag:s28], $0x800  }
0x300: {  	[sflag:s28] =	ssyncset.done $0x0  }
0x301: {  	[sflag:s28] =	ssyncadd.s32 $0xFFFFF800  }
0x302: {  	[tilespmem:s19], [sflag:$0x5] =	stream.indirect.gather [hbm4b:s10+s29], $0x10, s25, s29, $0xb8;
	[tilespmem:$0x1B000] =	vst v63  }
0x303: {  	s16 =	simm.s32 $0x13080;
	s20 =	simm.s32 $0x3800  }
0x304: {  	[tilespmem:s20], [sflag:$0x5] =	stream.indirect.gather [hbm4b:s10+s29], $0x10, s16, s29, $0xb8;
	[tilespmem:$0x1B000] =	vst v63  }
0x305: {  	s22 =	simm.s32 $0x13100;
	s26 =	simm.s32 $0x4000  }
0x306: {  	[tilespmem:s26], [sflag:$0x5] =	stream.indirect.gather [hbm4b:s10+s29], $0x10, s22, s29, $0xb8;
	[tilespmem:$0x1B000] =	vst v63  }
0x307: {  	s30 =	simm.s32 $0x13180;
	s31 =	simm.s32 $0x4800  }
0x308: {  	[tilespmem:s31], [sflag:$0x5] =	stream.indirect.gather [hbm4b:s10+s29], $0x10, s30, s29, $0xb8;
	[tilespmem:$0x1B000] =	vst v63  }
0x309: {  	s7 =	simm.s32 $0x5000;
	s1 =	simm.s32 $0x13200  }
0x30a: {  	[tilespmem:s7], [sflag:$0x5] =	stream.indirect.gather [hbm4b:s10+s29], $0x10, s1, s29, $0xb8;
	[tilespmem:$0x1B000] =	vst v63  }
0x30b: {  	s16 =	simm.s32 $0x13280;
	s20 =	simm.s32 $0x5800  }
0x30c: {  	[tilespmem:s20], [sflag:$0x5] =	stream.indirect.gather [hbm4b:s10+s29], $0x10, s16, s29, $0xb8;
	[tilespmem:$0x1B000] =	vst v63  }
0x30d: {  	s22 =	simm.s32 $0x13300;
	s26 =	simm.s32 $0x6000  }
0x30e: {  	[tilespmem:s26], [sflag:$0x5] =	stream.indirect.gather [hbm4b:s10+s29], $0x10, s22, s29, $0xb8;
	[tilespmem:$0x1B000] =	vst v63  }
0x30f: {  	s30 =	simm.s32 $0x13380;
	s31 =	simm.s32 $0x6800  }
0x310: {  	[tilespmem:s31], [sflag:$0x5] =	stream.indirect.gather [hbm4b:s10+s29], $0x10, s30, s29, $0xb8;
	[tilespmem:$0x1B000] =	vst v63  }
0x311: {  	s1 =	simm.s32 $0x13400;
	s7 =	simm.s32 $0x7000  }
0x312: {  	[tilespmem:s7], [sflag:$0x5] =	stream.indirect.gather [hbm4b:s10+s29], $0x10, s1, s29, $0xb8;
	[tilespmem:$0x1B000] =	vst v63  }
0x313: {  	s16 =	simm.s32 $0x13480;
	s20 =	simm.s32 $0x7800  }
0x314: {  	[tilespmem:s20], [sflag:$0x5] =	stream.indirect.gather [hbm4b:s10+s29], $0x10, s16, s29, $0xb8;
	[tilespmem:$0x1B000] =	vst v63  }
0x315: {  	s22 =	simm.s32 $0x13500;
	s26 =	simm.s32 $0x8000  }
0x316: {  	[tilespmem:s26], [sflag:$0x5] =	stream.indirect.gather [hbm4b:s10+s29], $0x10, s22, s29, $0xb8;
	[tilespmem:$0x1B000] =	vst v63  }
0x317: {  	s30 =	simm.s32 $0x13580;
	s31 =	simm.s32 $0x8800  }
0x318: {  	[tilespmem:s31], [sflag:$0x5] =	stream.indirect.gather [hbm4b:s10+s29], $0x10, s30, s29, $0xb8;
	[tilespmem:$0x1B000] =	vst v63  }
0x319: {  	s1 =	simm.s32 $0x13600;
	s7 =	simm.s32 $0x9000  }
0x31a: {  	[tilespmem:s7], [sflag:$0x5] =	stream.indirect.gather [hbm4b:s10+s29], $0x10, s1, s29, $0xb8;
	[tilespmem:$0x1B000] =	vst v63  }
0x31b: {  	s16 =	simm.s32 $0x13680;
	s20 =	simm.s32 $0x9800  }
0x31c: {  	[tilespmem:s20], [sflag:$0x5] =	stream.indirect.gather [hbm4b:s10+s29], $0x10, s16, s29, $0xb8;
	[tilespmem:$0x1B000] =	vst v63  }
0x31d: {  	s22 =	simm.s32 $0x13700;
	s26 =	simm.s32 $0xA000  }
0x31e: {  	[tilespmem:s26], [sflag:$0x5] =	stream.indirect.gather [hbm4b:s10+s29], $0x10, s22, s29, $0xb8;
	[tilespmem:$0x1B000] =	vst v63  }
0x31f: {  	s30 =	simm.s32 $0x13780;
	s31 =	simm.s32 $0xA800;
	s16 =	simm.s32 $0x0  }
0x320: {  	[tilespmem:s31], [sflag:$0x5] =	stream.indirect.gather [hbm4b:s10+s29], $0x10, s30, s29, $0xb8;
	[tilespmem:$0x1B000] =	vst v63  }
.LBB2_12:
0x321: {  	s20 =	sshllo.u32 s16, $0x1  }
0x322: {  	s0 =	sshll.u32 s20, $0x8  }
0x323: {  	s0 =	sadd.s32 s0, s14  }
0x324: {  	[tilespmem:s8], [sflag:$0x4] =	stream.linear.gather [hbm4b:s0+s2], $0x800, $0x38;
	[tilespmem:$0x1B000] =	vst v63  }
0x325: {  	_ =	swait.ge [sflag:s9], $0x8000  }
0x326: {  	[sflag:s9] =	ssyncset.done $0x0  }
0x327: {  	[sflag:s9] =	ssyncadd.s32 $0xFFFF8000  }
0x328: {  	_ =	swait.ge [sflag:s28], $0x800  }
0x329: {  	[sflag:s28] =	ssyncset.done $0x0  }
0x32a: {  	[sflag:s28] =	ssyncadd.s32 $0xFFFFF800  }
0x32b: {  	[tilespmem:s21], [sflag:$0x5] =	stream.indirect.gather [hbm4b:s10+s29], $0x10, s8, s29, $0xb8;
	[tilespmem:$0x1B000] =	vst v63  }
0x32c: {  	s22 =	simm.s32 $0x13880;
	s1 =	simm.s32 $0xB800  }
0x32d: {  	[tilespmem:s1], [sflag:$0x5] =	stream.indirect.gather [hbm4b:s10+s29], $0x10, s22, s29, $0xb8;
	[tilespmem:$0x1B000] =	vst v63  }
0x32e: {  	s26 =	simm.s32 $0x13900;
	s31 =	simm.s32 $0xC000  }
0x32f: {  	[tilespmem:s31], [sflag:$0x5] =	stream.indirect.gather [hbm4b:s10+s29], $0x10, s26, s29, $0xb8;
	[tilespmem:$0x1B000] =	vst v63  }
0x330: {  	s7 =	simm.s32 $0x13980;
	s22 =	simm.s32 $0xC800  }
0x331: {  	[tilespmem:s22], [sflag:$0x5] =	stream.indirect.gather [hbm4b:s10+s29], $0x10, s7, s29, $0xb8;
	[tilespmem:$0x1B000] =	vst v63  }
0x332: {  	s26 =	simm.s32 $0x13A00;
	s31 =	simm.s32 $0xD000  }
0x333: {  	[tilespmem:s31], [sflag:$0x5] =	stream.indirect.gather [hbm4b:s10+s29], $0x10, s26, s29, $0xb8;
	[tilespmem:$0x1B000] =	vst v63  }
0x334: {  	s7 =	simm.s32 $0x13A80;
	s22 =	simm.s32 $0xD800  }
0x335: {  	[tilespmem:s22], [sflag:$0x5] =	stream.indirect.gather [hbm4b:s10+s29], $0x10, s7, s29, $0xb8;
	[tilespmem:$0x1B000] =	vst v63  }
0x336: {  	s26 =	simm.s32 $0x13B00;
	s31 =	simm.s32 $0xE000  }
0x337: {  	[tilespmem:s31], [sflag:$0x5] =	stream.indirect.gather [hbm4b:s10+s29], $0x10, s26, s29, $0xb8;
	[tilespmem:$0x1B000] =	vst v63  }
0x338: {  	s7 =	simm.s32 $0x13B80;
	s22 =	simm.s32 $0xE800  }
0x339: {  	[tilespmem:s22], [sflag:$0x5] =	stream.indirect.gather [hbm4b:s10+s29], $0x10, s7, s29, $0xb8;
	[tilespmem:$0x1B000] =	vst v63  }
0x33a: {  	s26 =	simm.s32 $0x13C00;
	s31 =	simm.s32 $0xF000  }
0x33b: {  	[tilespmem:s31], [sflag:$0x5] =	stream.indirect.gather [hbm4b:s10+s29], $0x10, s26, s29, $0xb8;
	[tilespmem:$0x1B000] =	vst v63  }
0x33c: {  	s7 =	simm.s32 $0x13C80;
	s22 =	simm.s32 $0xF800  }
0x33d: {  	[tilespmem:s22], [sflag:$0x5] =	stream.indirect.gather [hbm4b:s10+s29], $0x10, s7, s29, $0xb8;
	[tilespmem:$0x1B000] =	vst v63  }
0x33e: {  	s26 =	simm.s32 $0x13D00;
	s31 =	simm.s32 $0x10000  }
0x33f: {  	[tilespmem:s31], [sflag:$0x5] =	stream.indirect.gather [hbm4b:s10+s29], $0x10, s26, s29, $0xb8;
	[tilespmem:$0x1B000] =	vst v63  }
0x340: {  	s7 =	simm.s32 $0x13D80;
	s22 =	simm.s32 $0x10800  }
0x341: {  	[tilespmem:s22], [sflag:$0x5] =	stream.indirect.gather [hbm4b:s10+s29], $0x10, s7, s29, $0xb8;
	[tilespmem:$0x1B000] =	vst v63  }
0x342: {  	s26 =	simm.s32 $0x13E00;
	s31 =	simm.s32 $0x11000  }
0x343: {  	[tilespmem:s31], [sflag:$0x5] =	stream.indirect.gather [hbm4b:s10+s29], $0x10, s26, s29, $0xb8;
	[tilespmem:$0x1B000] =	vst v63  }
0x344: {  	s7 =	simm.s32 $0x13E80;
	s22 =	simm.s32 $0x11800  }
0x345: {  	[tilespmem:s22], [sflag:$0x5] =	stream.indirect.gather [hbm4b:s10+s29], $0x10, s7, s29, $0xb8;
	[tilespmem:$0x1B000] =	vst v63  }
0x346: {  	s22 =	sadd.s32 s12, s20  }
0x347: {  	s26 =	simm.s32 $0x13F00;
	s31 =	simm.s32 $0x12000;
	s0 =	sshll.u32 s22, $0xA  }
0x348: {  	[tilespmem:s31], [sflag:$0x5] =	stream.indirect.gather [hbm4b:s10+s29], $0x10, s26, s29, $0xb8;
	[tilespmem:$0x1B000] =	vst v63  }
0x349: {  	s1 =	simm.s32 $0x13F80;
	s7 =	simm.s32 $0x12800;
	s0 =	sand.u32 $0x1FFFFC00, s0  }
0x34a: {  	[tilespmem:s7], [sflag:$0x5] =	stream.indirect.gather [hbm4b:s10+s29], $0x10, s1, s29, $0xb8;
	[tilespmem:$0x1B000] =	vst v63  }
0x34b: {  	p0 =	seq.s32 s16, $0x0;
	s26 =	simm.s32 $0x16000;
	s0 =	sadd.s32 s5, s0  }
0x34c: {  	[tilespmem:s26], [sflag:$0x6] =	stream.linear.gather [hbm4b:s0+s2], $0x2000, $0x38;
	[tilespmem:$0x1B000] =	vst v63  }
0x34d: {  	s0 =	simm.s32 @!p0 $0x7  }
0x34e: {  	_ =	swait.ge @!p0 [sflag:s0], $0x800  }
0x34f: {  	[sflag:s0] =	ssyncset.done @!p0 $0x0  }
0x350: {  	[sflag:s0] =	ssyncadd.s32 @!p0 $0xFFFFF800  }
0x351: {  	_ =	swait.ge @!p0 [sflag:s0], $0x800  }
0x352: {  	[sflag:s0] =	ssyncset.done @!p0 $0x0  }
0x353: {  	[sflag:s0] =	ssyncadd.s32 @!p0 $0xFFFFF800  }
0x354: {  	v3 =	vmov s15;
	_ =	swait.ge @!p0 [sflag:s0], $0x800  }
0x355: {  	v3 =	vshll.u32 v3, $0x4;
	[sflag:s0] =	ssyncset.done @!p0 $0x0  }
0x356: {  	v3 =	vor.u32 v2, v3;
	[sflag:s0] =	ssyncadd.s32 @!p0 $0xFFFFF800  }
0x357: {  	v4 =	vor.u32 $0x3, v3;
	_ =	swait.ge [sflag:s11], $0x2000  }
0x358: {  	[sflag:s11] =	ssyncset.done $0x0  }
0x359: {  	v5 =	vor.u32 $0x6, v3;
	s26 =	simm.s32 $0x15000;
	[sflag:s11] =	ssyncadd.s32 $0xFFFFE000  }
0x35a: {  	v6 =	vld [tilespmem:s26+$0xFFFFF000]  }
0x35b: {  	v7 =	vor.u32 $0x9, v3;
	v8 =	vld.idx.msk [tilespmem:v3+s19+$0x0], $0xffff  }
0x35c: {  	v4 =	vld.idx.msk [tilespmem:v4+s19+$0x0], $0xffff  }
0x35d: {  	v9 =	vld [tilespmem:s26+$0xFFFFF800]  }
0x35e: {  	v5 =	vld.idx.msk [tilespmem:v5+s19+$0x0], $0xffff  }
0x35f: {  	v10 =	vld [tilespmem:s26+$0x0]  }
0x360: {  	v7 =	vld.idx.msk [tilespmem:v7+s19+$0x0], $0xffff  }
0x361: {  	v11 =	vld [tilespmem:s26+$0x800]  }
0x362: {  	v6 =	vmul.f32 v6, v8;
	v4 =	vmul.f32 v9, v4;
	_ =	sdelay $0x1  }
0x363: {  	v5 =	vmul.f32 v10, v5;
	v4 =	vadd.f32 v4, v6;
	_ =	sdelay $0x1  }
0x364: {  	v4 =	vadd.f32 v5, v4;
	v5 =	vmul.f32 v11, v7;
	_ =	sdelay $0x1  }
0x365: {  	v6 =	vor.u32 $0x4, v3;
	v4 =	vadd.f32 v5, v4;
	_ =	sdelay $0x1  }
0x366: {  	s7 =	simm.s32 $0x19000;
	v5 =	vor.u32 $0x1, v3;
	v4 =	vmax.f32 v4, $0.0e+00  }
0x367: {  	[tilespmem:s7+$0xFFFFF000] =	vst v4  }
0x368: {  	v4 =	vor.u32 $0x7, v3;
	v7 =	vld [tilespmem:s26+$0xFFFFF800]  }
0x369: {  	v8 =	vor.u32 $0xA, v3;
	v6 =	vld.idx.msk [tilespmem:v6+s19+$0x0], $0xffff  }
0x36a: {  	v60 =	vld [tilespmem:s26+$0xFFFFF000]  }
0x36b: {  	v5 =	vld.idx.msk [tilespmem:v5+s19+$0x0], $0xffff  }
0x36c: {  	v61 =	vld [tilespmem:s26+$0x0]  }
0x36d: {  	v4 =	vld.idx.msk [tilespmem:v4+s19+$0x0], $0xffff  }
0x36e: {  	v8 =	vld.idx.msk [tilespmem:v8+s19+$0x0], $0xffff  }
0x36f: {  	v62 =	vld [tilespmem:s26+$0x800]  }
0x370: {  	v6 =	vmul.f32 v7, v6;
	v5 =	vmul.f32 v60, v5;
	_ =	sdelay $0x1  }
0x371: {  	v5 =	vadd.f32 v6, v5;
	v4 =	vmul.f32 v61, v4;
	_ =	sdelay $0x1  }
0x372: {  	v4 =	vadd.f32 v4, v5;
	v5 =	vmul.f32 v62, v8;
	_ =	sdelay $0x1  }
0x373: {  	v6 =	vor.u32 $0x2, v3;
	v4 =	vadd.f32 v5, v4  }
0x374: {  	v5 =	vor.u32 $0x5, v3  }
0x375: {  	v4 =	vmax.f32 v4, $0.0e+00  }
0x376: {  	v7 =	vor.u32 $0x8, v3;
	[tilespmem:s7+$0xFFFFF800] =	vst v4  }
0x377: {  	v4 =	vld [tilespmem:s26+$0xFFFFF800]  }
0x378: {  	v3 =	vor.u32 $0xB, v3;
	v6 =	vld.idx.msk [tilespmem:v6+s19+$0x0], $0xffff  }
0x379: {  	v5 =	vld.idx.msk [tilespmem:v5+s19+$0x0], $0xffff  }
0x37a: {  	v8 =	vld [tilespmem:s26+$0xFFFFF000]  }
0x37b: {  	v7 =	vld.idx.msk [tilespmem:v7+s19+$0x0], $0xffff  }
0x37c: {  	v63 =	vld [tilespmem:s26+$0x0]  }
0x37d: {  	v3 =	vld.idx.msk [tilespmem:v3+s19+$0x0], $0xffff  }
0x37e: {  	v5 =	vmul.f32 v4, v5;
	v4 =	vld [tilespmem:s26+$0x800]  }
0x37f: {  	v6 =	vmul.f32 v8, v6  }
0x380: {  	s31 =	simm.s32 $0x10  }
0x381: {  	s30 =	simm.s32 $0x19000;
	s22 =	sshll.u32 s16, $0x1;
	s0 =	simm.s32 $0x20;
	v5 =	vadd.f32 v5, v6;
	v6 =	vmul.f32 v63, v7;
	v7 =	vmov s31  }
.LBB2_13:
0x382: {  	s7 =	sadd.s32 $0x10, s7  }
0x383: {  	v7 =	vshll.u32 v7, $0x4;
	v5 =	vadd.f32 v6, v5;
	v3 =	vmul.f32 v4, v3;
	s26 =	sadd.s32 $0x10, s26;
	s31 =	smov.u32 s0;
	s1 =	sadd.s32 $0x10, s0  }
0x384: {  	p1 =	sne.s32 s0, $0x7F0;
	v4 =	vor.u32 v2, v7  }
0x385: {  	v6 =	vor.u32 $0x3, v4;
	v7 =	vor.u32 $0x6, v4;
	v3 =	vadd.f32 v3, v5  }
0x386: {  	v5 =	vor.u32 $0x9, v4  }
0x387: {  	v3 =	vmax.f32 v3, $0.0e+00  }
0x388: {  	[tilespmem:s30+$0x0] =	vst v3;
	s30 =	smov.u32 s7  }
0x389: {  	v3 =	vld [tilespmem:s26+$0xFFFFF000]  }
0x38a: {  	v8 =	vld.idx.msk [tilespmem:v4+s19+$0x0], $0xffff  }
0x38b: {  	v6 =	vld.idx.msk [tilespmem:v6+s19+$0x0], $0xffff  }
0x38c: {  	v9 =	vld [tilespmem:s26+$0xFFFFF800]  }
0x38d: {  	v7 =	vld.idx.msk [tilespmem:v7+s19+$0x0], $0xffff  }
0x38e: {  	v10 =	vld [tilespmem:s26+$0x0]  }
0x38f: {  	v5 =	vld.idx.msk [tilespmem:v5+s19+$0x0], $0xffff  }
0x390: {  	v3 =	vmul.f32 v3, v8;
	v8 =	vld [tilespmem:s26+$0x800]  }
0x391: {  	v6 =	vmul.f32 v9, v6;
	_ =	sdelay $0x1  }
0x392: {  	v3 =	vadd.f32 v6, v3;
	v6 =	vmul.f32 v10, v7;
	_ =	sdelay $0x1  }
0x393: {  	v3 =	vadd.f32 v6, v3;
	v5 =	vmul.f32 v8, v5;
	_ =	sdelay $0x1  }
0x394: {  	v3 =	vadd.f32 v5, v3;
	v5 =	vor.u32 $0x1, v4  }
0x395: {  	v6 =	vor.u32 $0x4, v4  }
0x396: {  	v3 =	vmax.f32 v3, $0.0e+00  }
0x397: {  	[tilespmem:s7+$0xFFFFF000] =	vst v3;
	v3 =	vor.u32 $0x7, v4  }
0x398: {  	v7 =	vld [tilespmem:s26+$0xFFFFF800]  }
0x399: {  	v8 =	vor.u32 $0xA, v4;
	v5 =	vld.idx.msk [tilespmem:v5+s19+$0x0], $0xffff  }
0x39a: {  	v6 =	vld.idx.msk [tilespmem:v6+s19+$0x0], $0xffff  }
0x39b: {  	v9 =	vld [tilespmem:s26+$0xFFFFF000]  }
0x39c: {  	v3 =	vld.idx.msk [tilespmem:v3+s19+$0x0], $0xffff  }
0x39d: {  	v10 =	vld [tilespmem:s26+$0x0]  }
0x39e: {  	v8 =	vld.idx.msk [tilespmem:v8+s19+$0x0], $0xffff  }
0x39f: {  	v11 =	vld [tilespmem:s26+$0x800]  }
0x3a0: {  	v6 =	vmul.f32 v7, v6;
	v5 =	vmul.f32 v9, v5;
	_ =	sdelay $0x1  }
0x3a1: {  	v5 =	vadd.f32 v6, v5;
	v3 =	vmul.f32 v10, v3;
	_ =	sdelay $0x1  }
0x3a2: {  	v3 =	vadd.f32 v3, v5;
	v5 =	vmul.f32 v11, v8;
	_ =	sdelay $0x1  }
0x3a3: {  	v3 =	vadd.f32 v5, v3;
	v5 =	vor.u32 $0x5, v4  }
0x3a4: {  	v6 =	vor.u32 $0x2, v4  }
0x3a5: {  	v3 =	vmax.f32 v3, $0.0e+00  }
0x3a6: {  	v7 =	vor.u32 $0x8, v4;
	[tilespmem:s7+$0xFFFFF800] =	vst v3  }
0x3a7: {  	v8 =	vld [tilespmem:s26+$0xFFFFF800]  }
0x3a8: {  	v3 =	vor.u32 $0xB, v4;
	v5 =	vld.idx.msk [tilespmem:v5+s19+$0x0], $0xffff  }
0x3a9: {  	v6 =	vld.idx.msk [tilespmem:v6+s19+$0x0], $0xffff  }
0x3aa: {  	v9 =	vld [tilespmem:s26+$0xFFFFF000]  }
0x3ab: {  	v7 =	vld.idx.msk [tilespmem:v7+s19+$0x0], $0xffff  }
0x3ac: {  	v10 =	vld [tilespmem:s26+$0x0]  }
0x3ad: {  	v3 =	vld.idx.msk [tilespmem:v3+s19+$0x0], $0xffff  }
.Ltmp5:
0x3ae: {  	v5 =	vmul.f32 v8, v5;
	v4 =	vld [tilespmem:s26+$0x800];
	(pc) =	sbr.rel @p1 .LBB2_13-.Ltmp5, $3  }
0x3af: {  	v6 =	vmul.f32 v9, v6;
	_ =	sdelay $0x1  }
0x3b0: {  	v5 =	vadd.f32 v5, v6;
	v6 =	vmul.f32 v10, v7  }
0x3b1: {  	s0 =	smov.u32 s1;
	v7 =	vmov s31  }
0x3b2: {  	v5 =	vadd.f32 v6, v5;
	v3 =	vmul.f32 v4, v3  }
0x3b3: {  	v4 =	vshll.u32 v7, $0x4  }
0x3b4: {  	v4 =	vor.u32 v2, v4;
	v3 =	vadd.f32 v3, v5;
	_ =	sdelay $0x1  }
0x3b5: {  	v5 =	vor.u32 $0x3, v4;
	v3 =	vmax.f32 v3, $0.0e+00  }
0x3b6: {  	s0 =	sadd.s32 $0x10, s26;
	[tilespmem:s30+$0x0] =	vst v3  }
0x3b7: {  	v6 =	vor.u32 $0x6, v4;
	v3 =	vld [tilespmem:s0+$0xFFFFF000]  }
0x3b8: {  	v8 =	vld.idx.msk [tilespmem:v4+s19+$0x0], $0xffff  }
0x3b9: {  	v7 =	vor.u32 $0x9, v4;
	v9 =	vld [tilespmem:s0+$0xFFFFF800]  }
0x3ba: {  	v5 =	vld.idx.msk [tilespmem:v5+s19+$0x0], $0xffff  }
0x3bb: {  	v10 =	vld [tilespmem:s0+$0x0]  }
0x3bc: {  	v6 =	vld.idx.msk [tilespmem:v6+s19+$0x0], $0xffff  }
0x3bd: {  	v11 =	vld [tilespmem:s0+$0x800]  }
0x3be: {  	v7 =	vld.idx.msk [tilespmem:v7+s19+$0x0], $0xffff  }
0x3bf: {  	v3 =	vmul.f32 v3, v8;
	v5 =	vmul.f32 v9, v5;
	_ =	sdelay $0x1  }
0x3c0: {  	v3 =	vadd.f32 v5, v3;
	v5 =	vmul.f32 v10, v6;
	_ =	sdelay $0x1  }
0x3c1: {  	v3 =	vadd.f32 v5, v3;
	v5 =	vmul.f32 v11, v7;
	_ =	sdelay $0x1  }
0x3c2: {  	v6 =	vor.u32 $0x4, v4;
	v3 =	vadd.f32 v5, v3;
	_ =	sdelay $0x1  }
0x3c3: {  	s1 =	sadd.s32 $0x10, s7;
	v5 =	vor.u32 $0x1, v4;
	v3 =	vmax.f32 v3, $0.0e+00  }
0x3c4: {  	[tilespmem:s1+$0xFFFFF000] =	vst v3  }
0x3c5: {  	v3 =	vor.u32 $0x7, v4;
	v7 =	vld [tilespmem:s0+$0xFFFFF800]  }
0x3c6: {  	v8 =	vor.u32 $0xA, v4;
	v6 =	vld.idx.msk [tilespmem:v6+s19+$0x0], $0xffff  }
0x3c7: {  	v52 =	vld [tilespmem:s0+$0xFFFFF000]  }
0x3c8: {  	v5 =	vld.idx.msk [tilespmem:v5+s19+$0x0], $0xffff  }
0x3c9: {  	v53 =	vld [tilespmem:s0+$0x0]  }
0x3ca: {  	v3 =	vld.idx.msk [tilespmem:v3+s19+$0x0], $0xffff  }
0x3cb: {  	v8 =	vld.idx.msk [tilespmem:v8+s19+$0x0], $0xffff  }
0x3cc: {  	v54 =	vld [tilespmem:s0+$0x800]  }
0x3cd: {  	v6 =	vmul.f32 v7, v6;
	v5 =	vmul.f32 v52, v5;
	_ =	sdelay $0x1  }
0x3ce: {  	v5 =	vadd.f32 v6, v5;
	v3 =	vmul.f32 v53, v3;
	_ =	sdelay $0x1  }
0x3cf: {  	v3 =	vadd.f32 v3, v5;
	v5 =	vmul.f32 v54, v8;
	_ =	sdelay $0x1  }
0x3d0: {  	v6 =	vor.u32 $0x2, v4;
	v3 =	vadd.f32 v5, v3;
	_ =	sdelay $0x1  }
0x3d1: {  	v5 =	vor.u32 $0x5, v4;
	v3 =	vmax.f32 v3, $0.0e+00  }
0x3d2: {  	v7 =	vor.u32 $0x8, v4;
	[tilespmem:s1+$0xFFFFF800] =	vst v3  }
0x3d3: {  	v3 =	vld [tilespmem:s0+$0xFFFFF800]  }
0x3d4: {  	v6 =	vld.idx.msk [tilespmem:v6+s19+$0x0], $0xffff  }
0x3d5: {  	v4 =	vor.u32 $0xB, v4;
	v8 =	vld [tilespmem:s0+$0xFFFFF000]  }
0x3d6: {  	v5 =	vld.idx.msk [tilespmem:v5+s19+$0x0], $0xffff  }
0x3d7: {  	v7 =	vld.idx.msk [tilespmem:v7+s19+$0x0], $0xffff  }
0x3d8: {  	v55 =	vld [tilespmem:s0+$0x0]  }
0x3d9: {  	v56 =	vld [tilespmem:s0+$0x800]  }
0x3da: {  	v4 =	vld.idx.msk [tilespmem:v4+s19+$0x0], $0xffff  }
0x3db: {  	v3 =	vmul.f32 v3, v5;
	v5 =	vmul.f32 v8, v6;
	_ =	sdelay $0x1  }
0x3dc: {  	v3 =	vadd.f32 v3, v5;
	v5 =	vmul.f32 v55, v7;
	_ =	sdelay $0x1  }
0x3dd: {  	v4 =	vmul.f32 v56, v4;
	v3 =	vadd.f32 v5, v3;
	_ =	sdelay $0x1  }
0x3de: {  	s26 =	sshll.u32 s16, $0xC;
	v3 =	vadd.f32 v4, v3  }
0x3df: {  	s0 =	sadd.s32 s13, s26  }
0x3e0: {  	s0 =	sshrl.u32 s0, $0x3;
	v3 =	vmax.f32 v3, $0.0e+00  }
0x3e1: {  	s31 =	simm.s32 $0x18000;
	s30 =	sadd.s32 s6, s0;
	s26 =	sor.u32 $0x80000, s0;
	[tilespmem:s1+$0x0] =	vst v3  }
0x3e2: {  	[hbm4b:s30+s2] =	stream.linear.scatter [tilespmem:s31], [sflag:$0x7], $0x800, $0x38;
	[tilespmem:$0x1B000] =	vst v63  }
0x3e3: {  	s0 =	sor.u32 $0x100000, s0;
	s1 =	sadd.s32 s6, s26;
	s30 =	simm.s32 $0x18800  }
0x3e4: {  	[hbm4b:s1+s2] =	stream.linear.scatter [tilespmem:s30], [sflag:$0x7], $0x800, $0x38;
	[tilespmem:$0x1B000] =	vst v63  }
0x3e5: {  	s0 =	sadd.s32 s6, s0;
	s31 =	simm.s32 $0x19000;
	s1 =	smin.u32 s22, $0x3D  }
0x3e6: {  	[hbm4b:s0+s2] =	stream.linear.scatter [tilespmem:s31], [sflag:$0x7], $0x800, $0x38;
	[tilespmem:$0x1B000] =	vst v63  }
0x3e7: {  	s0 =	sadd.s32 $0x2, s1  }
0x3e8: {  	s7 =	sshll.u32 s0, $0x8  }
0x3e9: {  	s1 =	sadd.s32 s7, s14  }
0x3ea: {  	[tilespmem:s25], [sflag:$0x4] =	stream.linear.gather [hbm4b:s1+s2], $0x800, $0x38;
	[tilespmem:$0x1B000] =	vst v63  }
0x3eb: {  	_ =	swait.ge [sflag:s9], $0x8000  }
0x3ec: {  	[sflag:s9] =	ssyncset.done $0x0  }
0x3ed: {  	[sflag:s9] =	ssyncadd.s32 $0xFFFF8000  }
0x3ee: {  	_ =	swait.ge [sflag:s28], $0x800  }
0x3ef: {  	[sflag:s28] =	ssyncset.done $0x0  }
0x3f0: {  	[sflag:s28] =	ssyncadd.s32 $0xFFFFF800  }
0x3f1: {  	[tilespmem:s19], [sflag:$0x5] =	stream.indirect.gather [hbm4b:s10+s29], $0x10, s25, s29, $0xb8;
	[tilespmem:$0x1B000] =	vst v63  }
0x3f2: {  	s26 =	simm.s32 $0x3800;
	s22 =	simm.s32 $0x13080  }
0x3f3: {  	[tilespmem:s26], [sflag:$0x5] =	stream.indirect.gather [hbm4b:s10+s29], $0x10, s22, s29, $0xb8;
	[tilespmem:$0x1B000] =	vst v63  }
0x3f4: {  	s30 =	simm.s32 $0x13100;
	s31 =	simm.s32 $0x4000  }
0x3f5: {  	[tilespmem:s31], [sflag:$0x5] =	stream.indirect.gather [hbm4b:s10+s29], $0x10, s30, s29, $0xb8;
	[tilespmem:$0x1B000] =	vst v63  }
0x3f6: {  	s22 =	simm.s32 $0x13180;
	s26 =	simm.s32 $0x4800  }
0x3f7: {  	[tilespmem:s26], [sflag:$0x5] =	stream.indirect.gather [hbm4b:s10+s29], $0x10, s22, s29, $0xb8;
	[tilespmem:$0x1B000] =	vst v63  }
0x3f8: {  	s30 =	simm.s32 $0x13200;
	s31 =	simm.s32 $0x5000  }
0x3f9: {  	[tilespmem:s31], [sflag:$0x5] =	stream.indirect.gather [hbm4b:s10+s29], $0x10, s30, s29, $0xb8;
	[tilespmem:$0x1B000] =	vst v63  }
0x3fa: {  	s22 =	simm.s32 $0x13280;
	s26 =	simm.s32 $0x5800  }
0x3fb: {  	[tilespmem:s26], [sflag:$0x5] =	stream.indirect.gather [hbm4b:s10+s29], $0x10, s22, s29, $0xb8;
	[tilespmem:$0x1B000] =	vst v63  }
0x3fc: {  	s30 =	simm.s32 $0x13300;
	s31 =	simm.s32 $0x6000  }
0x3fd: {  	[tilespmem:s31], [sflag:$0x5] =	stream.indirect.gather [hbm4b:s10+s29], $0x10, s30, s29, $0xb8;
	[tilespmem:$0x1B000] =	vst v63  }
0x3fe: {  	s22 =	simm.s32 $0x13380;
	s26 =	simm.s32 $0x6800  }
0x3ff: {  	[tilespmem:s26], [sflag:$0x5] =	stream.indirect.gather [hbm4b:s10+s29], $0x10, s22, s29, $0xb8;
	[tilespmem:$0x1B000] =	vst v63  }
0x400: {  	s30 =	simm.s32 $0x13400;
	s31 =	simm.s32 $0x7000  }
0x401: {  	[tilespmem:s31], [sflag:$0x5] =	stream.indirect.gather [hbm4b:s10+s29], $0x10, s30, s29, $0xb8;
	[tilespmem:$0x1B000] =	vst v63  }
0x402: {  	s22 =	simm.s32 $0x13480;
	s26 =	simm.s32 $0x7800  }
0x403: {  	[tilespmem:s26], [sflag:$0x5] =	stream.indirect.gather [hbm4b:s10+s29], $0x10, s22, s29, $0xb8;
	[tilespmem:$0x1B000] =	vst v63  }
0x404: {  	s30 =	simm.s32 $0x13500;
	s31 =	simm.s32 $0x8000  }
0x405: {  	[tilespmem:s31], [sflag:$0x5] =	stream.indirect.gather [hbm4b:s10+s29], $0x10, s30, s29, $0xb8;
	[tilespmem:$0x1B000] =	vst v63  }
0x406: {  	s22 =	simm.s32 $0x13580;
	s26 =	simm.s32 $0x8800  }
0x407: {  	[tilespmem:s26], [sflag:$0x5] =	stream.indirect.gather [hbm4b:s10+s29], $0x10, s22, s29, $0xb8;
	[tilespmem:$0x1B000] =	vst v63  }
0x408: {  	s30 =	simm.s32 $0x13600;
	s31 =	simm.s32 $0x9000  }
0x409: {  	[tilespmem:s31], [sflag:$0x5] =	stream.indirect.gather [hbm4b:s10+s29], $0x10, s30, s29, $0xb8;
	[tilespmem:$0x1B000] =	vst v63  }
0x40a: {  	s22 =	simm.s32 $0x13680;
	s26 =	simm.s32 $0x9800  }
0x40b: {  	[tilespmem:s26], [sflag:$0x5] =	stream.indirect.gather [hbm4b:s10+s29], $0x10, s22, s29, $0xb8;
	[tilespmem:$0x1B000] =	vst v63  }
0x40c: {  	s0 =	sadd.s32 s12, s0;
	s30 =	simm.s32 $0x13700;
	s31 =	simm.s32 $0xA000  }
0x40d: {  	[tilespmem:s31], [sflag:$0x5] =	stream.indirect.gather [hbm4b:s10+s29], $0x10, s30, s29, $0xb8;
	[tilespmem:$0x1B000] =	vst v63  }
0x40e: {  	s7 =	simm.s32 $0x13780;
	s0 =	sshll.u32 s0, $0xA;
	s22 =	simm.s32 $0xA800  }
0x40f: {  	[tilespmem:s22], [sflag:$0x5] =	stream.indirect.gather [hbm4b:s10+s29], $0x10, s7, s29, $0xb8;
	[tilespmem:$0x1B000] =	vst v63  }
0x410: {  	s0 =	sadd.s32 s5, s0;
	s26 =	simm.s32 $0x14000  }
0x411: {  	[tilespmem:s26], [sflag:$0x6] =	stream.linear.gather [hbm4b:s0+s2], $0x2000, $0x38;
	[tilespmem:$0x1B000] =	vst v63  }
0x412: {  	s0 =	simm.s32 @!p0 $0x8  }
0x413: {  	_ =	swait.ge @!p0 [sflag:s0], $0x800  }
0x414: {  	[sflag:s0] =	ssyncset.done @!p0 $0x0  }
0x415: {  	[sflag:s0] =	ssyncadd.s32 @!p0 $0xFFFFF800  }
0x416: {  	_ =	swait.ge @!p0 [sflag:s0], $0x800  }
0x417: {  	[sflag:s0] =	ssyncset.done @!p0 $0x0  }
0x418: {  	s30 =	simm.s32 $0x0;
	[sflag:s0] =	ssyncadd.s32 @!p0 $0xFFFFF800  }
0x419: {  	v3 =	vmov s30;
	_ =	swait.ge @!p0 [sflag:s0], $0x800  }
0x41a: {  	v3 =	vshll.u32 v3, $0x4;
	[sflag:s0] =	ssyncset.done @!p0 $0x0  }
0x41b: {  	v3 =	vor.u32 v2, v3;
	[sflag:s0] =	ssyncadd.s32 @!p0 $0xFFFFF800  }
0x41c: {  	v4 =	vor.u32 $0x3, v3;
	_ =	swait.ge [sflag:s11], $0x2000  }
0x41d: {  	[sflag:s11] =	ssyncset.done $0x0  }
0x41e: {  	s22 =	simm.s32 $0x17000;
	v5 =	vor.u32 $0x6, v3;
	[sflag:s11] =	ssyncadd.s32 $0xFFFFE000  }
0x41f: {  	v6 =	vld [tilespmem:s22+$0xFFFFF000]  }
0x420: {  	v7 =	vor.u32 $0x9, v3;
	v8 =	vld.idx.msk [tilespmem:v3+s21+$0x0], $0xffff  }
0x421: {  	v4 =	vld.idx.msk [tilespmem:v4+s21+$0x0], $0xffff  }
0x422: {  	v57 =	vld [tilespmem:s22+$0xFFFFF800]  }
0x423: {  	v5 =	vld.idx.msk [tilespmem:v5+s21+$0x0], $0xffff  }
0x424: {  	v58 =	vld [tilespmem:s22+$0x0]  }
0x425: {  	v7 =	vld.idx.msk [tilespmem:v7+s21+$0x0], $0xffff  }
0x426: {  	v59 =	vld [tilespmem:s22+$0x800]  }
0x427: {  	v6 =	vmul.f32 v6, v8;
	v4 =	vmul.f32 v57, v4;
	_ =	sdelay $0x1  }
0x428: {  	v5 =	vmul.f32 v58, v5;
	v4 =	vadd.f32 v4, v6;
	_ =	sdelay $0x1  }
0x429: {  	v4 =	vadd.f32 v5, v4;
	v5 =	vmul.f32 v59, v7;
	_ =	sdelay $0x1  }
0x42a: {  	v6 =	vor.u32 $0x4, v3;
	v4 =	vadd.f32 v5, v4;
	_ =	sdelay $0x1  }
0x42b: {  	s7 =	simm.s32 $0x1A800;
	v5 =	vor.u32 $0x1, v3;
	v4 =	vmax.f32 v4, $0.0e+00  }
0x42c: {  	[tilespmem:s7+$0xFFFFF000] =	vst v4  }
0x42d: {  	v4 =	vor.u32 $0x7, v3;
	v7 =	vld [tilespmem:s22+$0xFFFFF800]  }
0x42e: {  	v8 =	vor.u32 $0xA, v3;
	v6 =	vld.idx.msk [tilespmem:v6+s21+$0x0], $0xffff  }
0x42f: {  	v60 =	vld [tilespmem:s22+$0xFFFFF000]  }
0x430: {  	v5 =	vld.idx.msk [tilespmem:v5+s21+$0x0], $0xffff  }
0x431: {  	v61 =	vld [tilespmem:s22+$0x0]  }
0x432: {  	v4 =	vld.idx.msk [tilespmem:v4+s21+$0x0], $0xffff  }
0x433: {  	v8 =	vld.idx.msk [tilespmem:v8+s21+$0x0], $0xffff  }
0x434: {  	v62 =	vld [tilespmem:s22+$0x800]  }
0x435: {  	v6 =	vmul.f32 v7, v6;
	v5 =	vmul.f32 v60, v5;
	_ =	sdelay $0x1  }
0x436: {  	v5 =	vadd.f32 v6, v5;
	v4 =	vmul.f32 v61, v4;
	_ =	sdelay $0x1  }
0x437: {  	v4 =	vadd.f32 v4, v5;
	v5 =	vmul.f32 v62, v8;
	_ =	sdelay $0x1  }
0x438: {  	v6 =	vor.u32 $0x2, v3;
	v4 =	vadd.f32 v5, v4  }
0x439: {  	v5 =	vor.u32 $0x5, v3  }
0x43a: {  	v4 =	vmax.f32 v4, $0.0e+00  }
0x43b: {  	v7 =	vor.u32 $0x8, v3;
	[tilespmem:s7+$0xFFFFF800] =	vst v4  }
0x43c: {  	v4 =	vld [tilespmem:s22+$0xFFFFF800]  }
0x43d: {  	v3 =	vor.u32 $0xB, v3;
	v6 =	vld.idx.msk [tilespmem:v6+s21+$0x0], $0xffff  }
0x43e: {  	v5 =	vld.idx.msk [tilespmem:v5+s21+$0x0], $0xffff  }
0x43f: {  	v8 =	vld [tilespmem:s22+$0xFFFFF000]  }
0x440: {  	v7 =	vld.idx.msk [tilespmem:v7+s21+$0x0], $0xffff  }
0x441: {  	v63 =	vld [tilespmem:s22+$0x0]  }
0x442: {  	v3 =	vld.idx.msk [tilespmem:v3+s21+$0x0], $0xffff  }
0x443: {  	v5 =	vmul.f32 v4, v5;
	v4 =	vld [tilespmem:s22+$0x800]  }
0x444: {  	v6 =	vmul.f32 v8, v6  }
0x445: {  	s31 =	simm.s32 $0x10  }
0x446: {  	s1 =	simm.s32 $0x20;
	s26 =	simm.s32 $0x1A800;
	v5 =	vadd.f32 v5, v6;
	v6 =	vmul.f32 v63, v7;
	v7 =	vmov s31  }
.LBB2_15:
0x447: {  	s7 =	sadd.s32 $0x10, s7  }
0x448: {  	v7 =	vshll.u32 v7, $0x4;
	v5 =	vadd.f32 v6, v5;
	v3 =	vmul.f32 v4, v3;
	s22 =	sadd.s32 $0x10, s22;
	s30 =	smov.u32 s1;
	s0 =	sadd.s32 $0x10, s1  }
0x449: {  	p0 =	sne.s32 s1, $0x7F0;
	v4 =	vor.u32 v2, v7  }
0x44a: {  	v6 =	vor.u32 $0x3, v4;
	v7 =	vor.u32 $0x6, v4;
	v3 =	vadd.f32 v3, v5  }
0x44b: {  	v5 =	vor.u32 $0x9, v4  }
0x44c: {  	v3 =	vmax.f32 v3, $0.0e+00  }
0x44d: {  	[tilespmem:s26+$0x0] =	vst v3;
	s26 =	smov.u32 s7  }
0x44e: {  	v3 =	vld [tilespmem:s22+$0xFFFFF000]  }
0x44f: {  	v8 =	vld.idx.msk [tilespmem:v4+s21+$0x0], $0xffff  }
0x450: {  	v6 =	vld.idx.msk [tilespmem:v6+s21+$0x0], $0xffff  }
0x451: {  	v9 =	vld [tilespmem:s22+$0xFFFFF800]  }
0x452: {  	v7 =	vld.idx.msk [tilespmem:v7+s21+$0x0], $0xffff  }
0x453: {  	v10 =	vld [tilespmem:s22+$0x0]  }
0x454: {  	v5 =	vld.idx.msk [tilespmem:v5+s21+$0x0], $0xffff  }
0x455: {  	v3 =	vmul.f32 v3, v8;
	v8 =	vld [tilespmem:s22+$0x800]  }
0x456: {  	v6 =	vmul.f32 v9, v6;
	_ =	sdelay $0x1  }
0x457: {  	v3 =	vadd.f32 v6, v3;
	v6 =	vmul.f32 v10, v7;
	_ =	sdelay $0x1  }
0x458: {  	v3 =	vadd.f32 v6, v3;
	v5 =	vmul.f32 v8, v5;
	_ =	sdelay $0x1  }
0x459: {  	v3 =	vadd.f32 v5, v3;
	v5 =	vor.u32 $0x1, v4  }
0x45a: {  	v6 =	vor.u32 $0x4, v4  }
0x45b: {  	v3 =	vmax.f32 v3, $0.0e+00  }
0x45c: {  	[tilespmem:s7+$0xFFFFF000] =	vst v3;
	v3 =	vor.u32 $0x7, v4  }
0x45d: {  	v7 =	vld [tilespmem:s22+$0xFFFFF800]  }
0x45e: {  	v8 =	vor.u32 $0xA, v4;
	v5 =	vld.idx.msk [tilespmem:v5+s21+$0x0], $0xffff  }
0x45f: {  	v6 =	vld.idx.msk [tilespmem:v6+s21+$0x0], $0xffff  }
0x460: {  	v9 =	vld [tilespmem:s22+$0xFFFFF000]  }
0x461: {  	v3 =	vld.idx.msk [tilespmem:v3+s21+$0x0], $0xffff  }
0x462: {  	v10 =	vld [tilespmem:s22+$0x0]  }
0x463: {  	v8 =	vld.idx.msk [tilespmem:v8+s21+$0x0], $0xffff  }
0x464: {  	v11 =	vld [tilespmem:s22+$0x800]  }
0x465: {  	v6 =	vmul.f32 v7, v6;
	v5 =	vmul.f32 v9, v5;
	_ =	sdelay $0x1  }
0x466: {  	v5 =	vadd.f32 v6, v5;
	v3 =	vmul.f32 v10, v3;
	_ =	sdelay $0x1  }
0x467: {  	v3 =	vadd.f32 v3, v5;
	v5 =	vmul.f32 v11, v8;
	_ =	sdelay $0x1  }
0x468: {  	v3 =	vadd.f32 v5, v3;
	v5 =	vor.u32 $0x5, v4  }
0x469: {  	v6 =	vor.u32 $0x2, v4  }
0x46a: {  	v3 =	vmax.f32 v3, $0.0e+00  }
0x46b: {  	v7 =	vor.u32 $0x8, v4;
	[tilespmem:s7+$0xFFFFF800] =	vst v3  }
0x46c: {  	v8 =	vld [tilespmem:s22+$0xFFFFF800]  }
0x46d: {  	v3 =	vor.u32 $0xB, v4;
	v5 =	vld.idx.msk [tilespmem:v5+s21+$0x0], $0xffff  }
0x46e: {  	v6 =	vld.idx.msk [tilespmem:v6+s21+$0x0], $0xffff  }
0x46f: {  	v9 =	vld [tilespmem:s22+$0xFFFFF000]  }
0x470: {  	v7 =	vld.idx.msk [tilespmem:v7+s21+$0x0], $0xffff  }
0x471: {  	v10 =	vld [tilespmem:s22+$0x0]  }
0x472: {  	v3 =	vld.idx.msk [tilespmem:v3+s21+$0x0], $0xffff  }
.Ltmp6:
0x473: {  	v5 =	vmul.f32 v8, v5;
	v4 =	vld [tilespmem:s22+$0x800];
	(pc) =	sbr.rel @p0 .LBB2_15-.Ltmp6, $3  }
0x474: {  	v6 =	vmul.f32 v9, v6;
	_ =	sdelay $0x1  }
0x475: {  	v5 =	vadd.f32 v5, v6;
	v6 =	vmul.f32 v10, v7  }
0x476: {  	s1 =	smov.u32 s0;
	v7 =	vmov s30  }
0x477: {  	v5 =	vadd.f32 v6, v5;
	v3 =	vmul.f32 v4, v3  }
0x478: {  	v42 =	vshll.u32 v7, $0x4  }
0x479: {  	v4 =	vor.u32 v2, v42;
	v3 =	vadd.f32 v3, v5;
	_ =	sdelay $0x1  }
0x47a: {  	v43 =	vor.u32 $0x3, v4;
	v3 =	vmax.f32 v3, $0.0e+00  }
0x47b: {  	s0 =	sadd.s32 $0x10, s22;
	[tilespmem:s26+$0x0] =	vst v3  }
0x47c: {  	v44 =	vor.u32 $0x6, v4;
	v3 =	vld [tilespmem:s0+$0xFFFFF000]  }
0x47d: {  	v8 =	vld.idx.msk [tilespmem:v4+s21+$0x0], $0xffff  }
0x47e: {  	v45 =	vor.u32 $0x9, v4;
	v9 =	vld [tilespmem:s0+$0xFFFFF800]  }
0x47f: {  	v5 =	vld.idx.msk [tilespmem:v43+s21+$0x0], $0xffff  }
0x480: {  	v10 =	vld [tilespmem:s0+$0x0]  }
0x481: {  	v6 =	vld.idx.msk [tilespmem:v44+s21+$0x0], $0xffff  }
0x482: {  	v11 =	vld [tilespmem:s0+$0x800]  }
0x483: {  	v7 =	vld.idx.msk [tilespmem:v45+s21+$0x0], $0xffff  }
0x484: {  	v3 =	vmul.f32 v3, v8;
	v5 =	vmul.f32 v9, v5;
	_ =	sdelay $0x1  }
0x485: {  	v46 =	vmul.f32 v10, v6;
	v3 =	vadd.f32 v5, v3;
	_ =	sdelay $0x1  }
0x486: {  	v47 =	vmul.f32 v11, v7;
	v3 =	vadd.f32 v46, v3;
	_ =	sdelay $0x1  }
0x487: {  	v48 =	vor.u32 $0x1, v4;
	v3 =	vadd.f32 v47, v3  }
0x488: {  	v49 =	vor.u32 $0x4, v4  }
0x489: {  	s1 =	sadd.s32 $0x10, s7;
	v3 =	vmax.f32 v3, $0.0e+00  }
0x48a: {  	[tilespmem:s1+$0xFFFFF000] =	vst v3  }
0x48b: {  	v3 =	vor.u32 $0x7, v4;
	v50 =	vld [tilespmem:s0+$0xFFFFF800]  }
0x48c: {  	v51 =	vor.u32 $0xA, v4;
	v5 =	vld.idx.msk [tilespmem:v48+s21+$0x0], $0xffff  }
0x48d: {  	v6 =	vld.idx.msk [tilespmem:v49+s21+$0x0], $0xffff  }
0x48e: {  	v52 =	vld [tilespmem:s0+$0xFFFFF000]  }
0x48f: {  	v53 =	vld [tilespmem:s0+$0x0]  }
0x490: {  	v3 =	vld.idx.msk [tilespmem:v3+s21+$0x0], $0xffff  }
0x491: {  	v8 =	vld.idx.msk [tilespmem:v51+s21+$0x0], $0xffff  }
0x492: {  	v54 =	vld [tilespmem:s0+$0x800]  }
0x493: {  	v5 =	vmul.f32 v52, v5;
	v6 =	vmul.f32 v50, v6;
	_ =	sdelay $0x1  }
0x494: {  	v5 =	vadd.f32 v6, v5;
	v3 =	vmul.f32 v53, v3;
	_ =	sdelay $0x1  }
0x495: {  	v55 =	vmul.f32 v54, v8;
	v3 =	vadd.f32 v3, v5;
	_ =	sdelay $0x1  }
0x496: {  	v56 =	vor.u32 $0x5, v4;
	v3 =	vadd.f32 v55, v3  }
0x497: {  	v57 =	vor.u32 $0x2, v4  }
0x498: {  	v3 =	vmax.f32 v3, $0.0e+00  }
0x499: {  	v58 =	vor.u32 $0x8, v4;
	[tilespmem:s1+$0xFFFFF800] =	vst v3  }
0x49a: {  	v3 =	vld [tilespmem:s0+$0xFFFFF800]  }
0x49b: {  	v4 =	vor.u32 $0xB, v4;
	v5 =	vld.idx.msk [tilespmem:v56+s21+$0x0], $0xffff  }
0x49c: {  	v6 =	vld.idx.msk [tilespmem:v57+s21+$0x0], $0xffff  }
0x49d: {  	v59 =	vld [tilespmem:s0+$0xFFFFF000]  }
0x49e: {  	v7 =	vld.idx.msk [tilespmem:v58+s21+$0x0], $0xffff  }
0x49f: {  	v60 =	vld [tilespmem:s0+$0x0]  }
0x4a0: {  	v4 =	vld.idx.msk [tilespmem:v4+s21+$0x0], $0xffff  }
0x4a1: {  	v61 =	vld [tilespmem:s0+$0x800]  }
0x4a2: {  	v3 =	vmul.f32 v3, v5;
	v62 =	vmul.f32 v59, v6;
	_ =	sdelay $0x1  }
0x4a3: {  	v63 =	vmul.f32 v60, v7;
	v3 =	vadd.f32 v3, v62;
	_ =	sdelay $0x1  }
0x4a4: {  	v4 =	vmul.f32 v61, v4;
	v3 =	vadd.f32 v63, v3;
	_ =	sdelay $0x1  }
0x4a5: {  	s7 =	sshll.u32 s20, $0xB;
	v3 =	vadd.f32 v4, v3  }
0x4a6: {  	s0 =	sadd.s32 s13, s7  }
0x4a7: {  	s16 =	sadd.s32 $0x1, s16;
	s0 =	sshrl.u32 s0, $0x3;
	v3 =	vmax.f32 v3, $0.0e+00  }
0x4a8: {  	s22 =	simm.s32 $0x19800;
	p0 =	sne.s32 s16, $0x20;
	s20 =	sadd.s32 s6, s0;
	[tilespmem:s1+$0x0] =	vst v3  }
0x4a9: {  	[hbm4b:s20+s2] =	stream.linear.scatter [tilespmem:s22], [sflag:$0x8], $0x800, $0x38;
	[tilespmem:$0x1B000] =	vst v63  }
.Ltmp7:
0x4aa: {  	s26 =	sor.u32 $0x80000, s0;
	(pc) =	sbr.rel @p0 .LBB2_12-.Ltmp7, $4  }
0x4ab: {  	s30 =	simm.s32 $0x1A000;
	s0 =	sor.u32 $0x100000, s0;
	s1 =	sadd.s32 s6, s26  }
0x4ac: {  	[hbm4b:s1+s2] =	stream.linear.scatter [tilespmem:s30], [sflag:$0x8], $0x800, $0x38;
	[tilespmem:$0x1B000] =	vst v63  }
0x4ad: {  	s31 =	simm.s32 $0x1A800;
	s0 =	sadd.s32 s6, s0  }
0x4ae: {  	[hbm4b:s0+s2] =	stream.linear.scatter [tilespmem:s31], [sflag:$0x8], $0x800, $0x38;
	[tilespmem:$0x1B000] =	vst v63  }
0x4af: {  	_ =	swait.ge [sflag:s9], $0x8000  }
0x4b0: {  	[sflag:s9] =	ssyncset.done $0x0  }
0x4b1: {  	[sflag:s9] =	ssyncadd.s32 $0xFFFF8000  }
0x4b2: {  	_ =	swait.ge [sflag:s11], $0x2000  }
0x4b3: {  	[sflag:s11] =	ssyncset.done $0x0  }
0x4b4: {  	s0 =	simm.s32 $0x7;
	[sflag:s11] =	ssyncadd.s32 $0xFFFFE000  }
0x4b5: {  	_ =	swait.ge [sflag:s0], $0x800  }
0x4b6: {  	[sflag:s0] =	ssyncset.done $0x0  }
0x4b7: {  	[sflag:s0] =	ssyncadd.s32 $0xFFFFF800  }
0x4b8: {  	_ =	swait.ge [sflag:s0], $0x800  }
0x4b9: {  	[sflag:s0] =	ssyncset.done $0x0  }
0x4ba: {  	[sflag:s0] =	ssyncadd.s32 $0xFFFFF800  }
0x4bb: {  	_ =	swait.ge [sflag:s0], $0x800  }
0x4bc: {  	[sflag:s0] =	ssyncset.done $0x0  }
0x4bd: {  	s1 =	simm.s32 $0x8;
	[sflag:s0] =	ssyncadd.s32 $0xFFFFF800  }
0x4be: {  	_ =	swait.ge [sflag:s1], $0x800  }
0x4bf: {  	[sflag:s1] =	ssyncset.done $0x0  }
0x4c0: {  	[sflag:s1] =	ssyncadd.s32 $0xFFFFF800  }
0x4c1: {  	_ =	swait.ge [sflag:s1], $0x800  }
0x4c2: {  	[sflag:s1] =	ssyncset.done $0x0  }
0x4c3: {  	[sflag:s1] =	ssyncadd.s32 $0xFFFFF800  }
0x4c4: {  	_ =	swait.ge [sflag:s1], $0x800  }
0x4c5: {  	s7 =	rddreg [dreg:$0xa]  }
0x4c6: {  	s31 =	rddreg [dreg:$0x7];
	s7 =	sadd.s32 $0x1, s7  }
0x4c7: {  	p0 =	sne.s32 s7, s31  }
.Ltmp8:
0x4c8: {  	_ = 	snop;
	(pc) =	sbr.rel @p0 .LBB2_1-.Ltmp8, $3  }
0x4c9: {  	_ =	sdelay $0x1  }
0x4ca: {  	[sflag:s1] =	ssyncset.done $0x0  }
0x4cb: {  	[sflag:s1] =	ssyncadd.s32 $0xFFFFF800  }
0x4cc: {  	_ =	sfence.sel $0x180000  }
0x4cd: {  	[bflag:$0x0] =	sbarrier.arrive $0xFFFF  }
0x4ce: {  	_ =	strace $0x9000004D  }
0x4cf: {  	s0 =	stileid.u32;
	[bflag:$0x2] =	sbarrier.arrive $0xFFFF  }
0x4d0: {  	p0 =	sne.s32 s0, $0x0;
	s0 =	rddreg [dreg:$0x1]  }
0x4d1: {  	s0 =	sadd.s32 @!p0 $0x100000, s0  }
0x4d2: {  	[sflag:s0] =	ssyncadd.tile.s32 @!p0 $0x1;
	_ =	shalt  }
.Lfunc_end2:
_tile_overlayer_lowered:
.L_overlay_start_2:
0x4d3: {  	(tag) =	ssettag $0x2  }
0x4d4: {  	s0 =	rddreg [dreg:$0x0];
	s2 =	stileid.u32  }
0x4d5: {  	s1 =	rddreg [dreg:$0x1];
	p0 =	sne.s32 s2, $0x0  }
0x4d6: {  	s3 =	rddreg [dreg:$0x2];
	[bflag:$0x3] =	sbarrier.arrive $0xFFFF;
	s2 =	simm.s32 @!p0 $0x1C09  }
0x4d7: {  	[timem:s3], [sflag:s2] =	dma.local @!p0 [hbm:s0], s1  }
0x4d8: {  	s0 =	simm.s32 @!p0 $0x9  }
0x4d9: {  	_ =	swait.ge @!p0 [sflag:s0], s1  }
0x4da: {  	s1 =	ssub.s32 @!p0 $0x0, s1;
	[sflag:s0] =	ssyncset.done @!p0 $0x0  }
0x4db: {  	[sflag:s0] =	ssyncadd.s32 @!p0 s1  }
0x4dc: {  	[bflag:$0x3] =	sbarrier.arrive $0xFFFF  }
0x4dd: {  	_ =	shalt  }

// kernel: sparse-core-data-format-call.1.cloned.1.call-start
scs
called_computation.1_lowered:
.L_overlay_start_0:
0x0: {  	s2 =	sld [smem:$0x3FD9]  }
0x1: {  	s3 =	sld [smem:$0x3FFE];
	_ =	sdelay $0x1  }
0x2: {  	s1 =	srdreg.scid  }
0x3: {  	s0 =	sand.u32 $0x1, s1  }
0x4: {  	s18 =	sshll.u32 s0, $0xA;
	s2 =	sadd.s32 s3, s2  }
0x5: {  	s2 =	sadd.s32 s2, s18  }
0x6: {  	[smem:$0x3FC6] =	sst s2  }
0x7: {  	_ = 	snop  }
0x8: {  	s2 =	sld [smem:$0x3FC9];
	(tm) =	ssettm $0x1  }
0x9: {  	s19 =	sld [smem:$0x3FFB];
	_ =	sdelay $0x3  }
0xa: {  	_ =	strace s19  }
0xb: {  	s3 =	sld [smem:$0x3FFC];
	_ =	sdelay $0x3  }
0xc: {  	_ =	strace s3  }
0xd: {  	s3 =	sld [smem:$0x3FFD];
	_ =	sdelay $0x3  }
0xe: {  	_ =	strace s3  }
0xf: {  	_ =	strace $0x8FFFFFFF  }
0x10: {  	s20 =	sld [smem:$0x3FDB];
	_ =	sdelay $0x1  }
0x11: {  	s4 =	simm.s32 $_scs_section_size  }
0x12: {  	s5 =	simm.s32 $_size__tile_overlayer_lowered;
	s6 =	simm.s32 $_tile_overlayer_lowered  }
0x13: {  	s23 =	simm.s32 $0x1BFF;
	s22 =	sshll.u32 s6, $0x1;
	s3 =	sadd.s32 s4, s20  }
0x14: {  	s7 =	simm.s32 $0x0;
	s21 =	sshll.u32 s5, $0x1;
	s5 =	sadd.s32 s22, s3  }
0x15: {  	[timem:s7], [sflag:s23] =	dma.local [hbm:s5], s21  }
0x16: {  	_ =	swait.ge [sflag:s23], s21  }
0x17: {  	s4 =	ssub.s32 $0x0, s21;
	[sflag:s23] =	ssyncset.done $0x0  }
0x18: {  	[sflag:s23] =	ssyncadd.s32 s4;
	_ =	sdelay $0x1  }
0x19: {  	s24 =	simm.s32 $0x1B8B  }
0x1a: {  	_ =	swait.ge [sflag:s24], $0x1  }
0x1b: {  	[sflag:s24] =	ssyncset.done $0x0  }
0x1c: {  	s26 =	simm.s32 $0x1B8E;
	s25 =	sld [smem:$0x3FFE];
	[sflag:s24] =	ssyncadd.s32 $0xFFFFFFFF  }
0x1d: {  	s27 =	simm.s32 $execute0_lowered;
	[smem:$0x3FD2] =	sst s26  }
0x1e: {  	s5 =	sshll.u32 s27, $0x1;
	_ =	strace $0x80000046;
	[dreg:$0x1] =	wrdreg $0xFFFFFFFF  }
0x1f: {  	s28 =	simm.s32 $_size_execute0_lowered;
	s3 =	sadd.s32 s3, s5;
	[dreg:$0x0] =	wrdreg $0x0  }
0x20: {  	s5 =	sshll.u32 s28, $0x1;
	[dreg:$0x2] =	wrdreg s3  }
0x21: {  	[dreg:$0x3] =	wrdreg s5  }
0x22: {  	[dreg:$0x4] =	wrdreg $0xC0  }
0x23: {  	_ =	task [dreg:s7], $0x5FFFF  }
0x24: {  	[dreg:$0x1] =	wrdreg $0xFFFFFFFF  }
0x25: {  	[dreg:$0x0] =	wrdreg $0x60  }
0x26: {  	[dreg:$0x2] =	wrdreg s2  }
0x27: {  	[dreg:$0x3] =	wrdreg s25  }
0x28: {  	[dreg:$0x4] =	wrdreg $0x9  }
0x29: {  	_ =	task.clear_ibuf [dreg:s7], $0x5FFFF;
	_ =	strace $0x90000046  }
0x2a: {  	s29 =	simm.s32 $0x9;
	_ =	strace $0x80000048  }
0x2b: {  	_ =	swait.ge [sflag:s29], $0x1  }
0x2c: {  	[sflag:s29] =	ssyncadd.s32 $0xFFFFFFFF  }
0x2d: {  	_ =	strace $0x90000048  }
0x2e: {  	_ =	sfence  }
0x2f: {  	s30 =	sld [smem:$0x0];
	_ =	sdelay $0x2  }
0x30: {  	s31 =	sshll.u32 s1, $0xD;
	s1 =	sshrl.u32 s1, $0x2  }
0x31: {  	s3 =	sand.u32 $0x4000, s31;
	s1 =	sadd.s32 s1, s30  }
0x32: {  	s0 =	sor.u32 s3, s0;
	s1 =	sshll.u32 s1, $0x11  }
0x33: {  	s0 =	sor.u32 s1, s0  }
0x34: {  	s0 =	sadd.s32 $0x8F2B, s0  }
0x35: {  	[sflag:s0] =	ssyncadd.remote.s32 $0x1  }
0x36: {  	_ =	sfence.sel $0xFFFF  }
0x37: {  	[dreg:$0x0] =	wrdreg $0xFFFFFFFF;
	(pc) =	sbr.abs _section_cstart, $3  }
0x38: {  	[dreg:$0x1] =	wrdreg $0xFFFFFFFF  }
0x39: {  	_ =	task.clear_ibuf [dreg:s7], $0x2FFFF;
	_ =	strace $0x9FFFFFFF  }
0x3a: {  	(tm) =	ssettm $0x7FFFFFFF  }
0x3b: {  	_ =	shalt  }
tec
execute0_lowered:
.L_overlay_start_1:
0x0: {  	(tag) =	ssettag $0x1  }
0x1: {  	s0 =	stileid.u32  }
0x2: {  	s2 =	srdreg.scid;
	s31 =	rddreg [dreg:$0x1]  }
0x3: {  	s8 =	simm.s32 $0x2;
	s1 =	sshll.u32 s0, $0x7;
	s2 =	sshll.u32 s2, $0x7  }
0x4: {  	s15 =	simm.s32 $0x0;
	s2 =	sand.u32 $0x80, s2;
	s3 =	ssub.s32 $0x800, s1  }
0x5: {  	s5 =	sshrl.u32 s3, $0xB;
	s3 =	sand.u32 $0x780, s3;
	s4 =	ssub.s32 $0x800, s2  }
0x6: {  	p0 =	sne.s32 s3, $0x0;
	s3 =	simm.s32 $0x1;
	s6 =	sshrl.u32 s4, $0x7  }
0x7: {  	s7 =	sshrl.u32 s4, $0x8;
	s3 =	simm.s32 @!p0 $0x0;
	s6 =	sand.u32 $0x1, s6  }
0x8: {  	s9 =	simm.s32 $0x4000;
	s3 =	sadd.s32 s3, s5;
	s30 =	sadd.s32 s7, s6  }
0x9: {  	s10 =	simm.s32 $0x0;
	s16 =	simm.s32 $0x0;
	s6 =	smul.u32 s30, s3  }
.Ltmp0:
0xa: {  	s17 =	simm.s32 $0x0;
	s12 =	simm.s32 $0x0;
	(pc) =	sbr.rel .LBB1_1-.Ltmp0, $4  }
0xb: {  	s14 =	simm.s32 $0x0;
	s4 =	rddreg [dreg:$0x0];
	s5 =	simm.s32 $0x1  }
0xc: {  	s3 =	rddreg [dreg:$0x2];
	_ =	strace $0x80000047;
	s6 =	smul.u32 $0x3, s6  }
0xd: {  	s13 =	smov.u32 s1;
	s11 =	smov.u32 s2;
	[sflag:s5] =	ssyncpa.u1 $0x0  }
0xe: {  	s7 =	sadd.s32 $0x2600, s31;
	[sflag:s8] =	ssyncpa.u1 $0x0;
	s8 =	sadd.s32 $0x1, s6  }
.LBB1_4:
0xf: {  	_ =	sdelay $0x3  }
0x10: {  	[tilespmem:v0+s20+$0xFFFFFFD0 ss:$0x1] =	vst.idx.msk $0xffff, v6  }
0x11: {  	v56 =	vld.idx.msk [tilespmem:v1+s19+$0x0 ss:$0x1], $0xffff;
	[tilespmem:v0+s20+$0xFFFFFFE0 ss:$0x1] =	vst.idx.msk $0xffff, v4  }
0x12: {  	v57 =	vld.idx.msk [tilespmem:v1+s19+$0xFFFFFF90 ss:$0x1], $0xffff;
	[tilespmem:v0+s20+$0xFFFFFFF0 ss:$0x1] =	vst.idx.msk $0xffff, v2  }
0x13: {  	v58 =	vld.idx.msk [tilespmem:v1+s19+$0xFFFFFFA0 ss:$0x1], $0xffff;
	[tilespmem:v0+s20+$0x0 ss:$0x1] =	vst.idx.msk $0xffff, v3  }
0x14: {  	v59 =	vld.idx.msk [tilespmem:v1+s19+$0xFFFFFFB0 ss:$0x1], $0xffff;
	[tilespmem:v0+s20+$0x10 ss:$0x1] =	vst.idx.msk $0xffff, v5  }
0x15: {  	v60 =	vld.idx.msk [tilespmem:v1+s19+$0xFFFFFFC0 ss:$0x1], $0xffff;
	[tilespmem:v0+s20+$0x20 ss:$0x1] =	vst.idx.msk $0xffff, v7  }
0x16: {  	v61 =	vld.idx.msk [tilespmem:v1+s19+$0xFFFFFFD0 ss:$0x1], $0xffff;
	[tilespmem:v0+s19+$0x30 ss:$0x1] =	vst.idx.msk $0xffff, v56  }
0x17: {  	v62 =	vld.idx.msk [tilespmem:v1+s19+$0xFFFFFFE0 ss:$0x1], $0xffff;
	s27 =	sand.u32 $0x78, s15;
	s21 =	sshll.u32 s17, $0xB;
	s28 =	sshll.u32 s17, $0x7;
	[tilespmem:v0+s19+$0xFFFFFFC0 ss:$0x1] =	vst.idx.msk $0xffff, v57  }
0x18: {  	v63 =	vld.idx.msk [tilespmem:v1+s19+$0xFFFFFFF0 ss:$0x1], $0xffff;
	s22 =	sshll.u32 s15, $0x3;
	s16 =	sshll.u32 s16, $0x13;
	s21 =	sand.u32 $0x3FC000, s21;
	[tilespmem:v0+s19+$0xFFFFFFD0 ss:$0x1] =	vst.idx.msk $0xffff, v58  }
0x19: {  	s31 =	sand.u32 $0x7, s15;
	s17 =	sand.u32 $0x380, s28;
	s29 =	sadd.s32 s21, s22;
	[tilespmem:v0+s19+$0xFFFFFFE0 ss:$0x1] =	vst.idx.msk $0xffff, v59  }
0x1a: {  	s30 =	sand.u32 $0x400, s22;
	s17 =	sor.u32 s17, s27;
	s20 =	sshrl.u32 s29, $0x3;
	[tilespmem:v0+s19+$0xFFFFFFF0 ss:$0x1] =	vst.idx.msk $0xffff, v60  }
0x1b: {  	s16 =	sadd.s32 s7, s16;
	s17 =	sor.u32 s30, s17;
	s20 =	sand.u32 $0x7FF00, s20;
	[tilespmem:v0+s19+$0x0 ss:$0x1] =	vst.idx.msk $0xffff, v61  }
0x1c: {  	s15 =	sshll.u32 s31, $0x12;
	s17 =	sshrl.u32 s17, $0x3;
	[tilespmem:v0+s19+$0x10 ss:$0x1] =	vst.idx.msk $0xffff, v62;
	s16 =	sadd.s32 s20, s16  }
0x1d: {  	s15 =	sor.u32 $0x400, s15;
	[tilespmem:v0+s19+$0x20 ss:$0x1] =	vst.idx.msk $0xffff, v63;
	s16 =	sadd.s32 s17, s16  }
0x1e: {  	[hbm4b:s16+s15] =	stream.strided.scatter [tilespmem:s18], [sflag:$0x2], $0x4000, s9, s15, $0x38;
	[tilespmem:$0x10000] =	vst v63  }
.LBB1_5:
0x1f: {  	s18 =	sadd.s32 $0x100, s11  }
0x20: {  	s15 =	simm.s32 $0x1;
	p1 =	sgt.s32 s18, $0x7FF  }
0x21: {  	s15 =	simm.s32 @!p1 $0x0  }
0x22: {  	s19 =	sadd.s32 s15, s12  }
0x23: {  	s21 =	smov.u32 s13;
	s15 =	sadd.s32 $0x800, s13;
	p2 =	sgt.s32 s19, $0x2  }
0x24: {  	s21 =	smov.u32 @p2 s15  }
0x25: {  	p0 =	slt.u32 s14, $0x2;
	s18 =	smov.u32 @p1 s2;
	p1 =	sgt.s32 s21, $0x7FF  }
0x26: {  	s20 =	simm.s32 @!p0 $0x2;
	s21 =	smov.u32 @p1 s1;
	p1 =	sne.s32 s14, s8  }
.Ltmp1:
0x27: {  	_ =	swait.ge @!p0 [sflag:s20], $0x4000;
	(pc) =	sbr.rel @!p1 .LBB1_6-.Ltmp1, $4  }
0x28: {  	s16 =	smov.u32 s12;
	[sflag:s20] =	ssyncset.done @!p0 $0x0  }
0x29: {  	s17 =	smov.u32 s13;
	s10 =	sadd.s32 $0x4000, s10;
	[sflag:s20] =	ssyncadd.s32 @!p0 $0xFFFFC000  }
0x2a: {  	s19 =	simm.s32 @p2 $0x0;
	s15 =	smov.u32 s11;
	s11 =	smov.u32 s18  }
0x2b: {  	s12 =	smov.u32 s19;
	s14 =	sadd.s32 $0x1, s14;
	s13 =	smov.u32 s21  }
.LBB1_1:
0x2c: {  	p0 =	sge.u32 s14, s6  }
0x2d: {  	s18 =	sshll.u32 @!p0 s12, $0x7  }
0x2e: {  	s19 =	sand.u32 @!p0 $0x78, s11;
	s20 =	sshll.u32 @!p0 s11, $0x2;
	s18 =	sand.u32 @!p0 $0x180, s18  }
0x2f: {  	s31 =	sadd.s32 $0xFFFFFFFF, s14;
	s20 =	sand.u32 @!p0 $0x600, s20;
	s18 =	sor.u32 @!p0 s18, s19  }
0x30: {  	s19 =	sshll.u32 @!p0 s13, $0xA;
	s18 =	sor.u32 @!p0 s20, s18;
	s20 =	sshrl.u32 @!p0 s11, $0x1  }
0x31: {  	s21 =	sxor.u32 @!p0 $0xFFFFFFFF, s14;
	s19 =	sadd.s32 @!p0 s4, s19;
	s20 =	sand.u32 @!p0 $0x300, s20  }
0x32: {  	s21 =	sshll.u32 @!p0 s21, $0xE;
	s19 =	sadd.s32 @!p0 s20, s19;
	s20 =	sand.u32 @!p0 $0x7, s11  }
0x33: {  	s21 =	sand.u32 @!p0 $0x4000, s21;
	s18 =	sshrl.u32 @!p0 s18, $0x3;
	s20 =	sshll.u32 @!p0 s20, $0x12  }
0x34: {  	s18 =	sadd.s32 @!p0 s18, s19;
	s19 =	sor.u32 @!p0 $0x80, s20;
	s20 =	simm.s32 @!p0 $0x2000  }
0x35: {  	[tilespmem:s21], [sflag:$0x1] =	stream.strided.gather @!p0 [hbm4b:s18+s19], $0x4000, s20, s19, $0x38;
	[tilespmem:$0x10000] =	vst v63  }
0x36: {  	p0 =	sge.u32 s31, s6  }
.Ltmp2:
0x37: {  	_ = 	snop;
	(pc) =	sbr.rel @p0 .LBB1_5-.Ltmp2, $1  }
0x38: {  	_ =	sdelay $0x3  }
0x39: {  	s18 =	sand.u32 $0x4000, s10  }
0x3a: {  	s19 =	sor.u32 $0x70, s18  }
0x3b: {  	v1 =	vmov s19;
	_ =	sdelay $0x1  }
0x3c: {  	_ =	swait.ge [sflag:s5], $0x4000  }
0x3d: {  	[sflag:s5] =	ssyncset.done $0x0  }
0x3e: {  	s20 =	simm.s32 $0x0;
	[sflag:s5] =	ssyncadd.s32 $0xFFFFC000  }
0x3f: {  	s18 =	sor.u32 $0x8040, s18;
	v7 =	vld.idx.msk [tilespmem:v1+s20+$0x0 ss:$0x1], $0xffff  }
0x40: {  	v0 =	vmov s18;
	v8 =	vld.idx.msk [tilespmem:v1+s20+$0xFFFFFF90 ss:$0x1], $0xffff  }
0x41: {  	v6 =	vld.idx.msk [tilespmem:v1+s20+$0xFFFFFFA0 ss:$0x1], $0xffff  }
0x42: {  	v4 =	vld.idx.msk [tilespmem:v1+s20+$0xFFFFFFB0 ss:$0x1], $0xffff  }
0x43: {  	v2 =	vld.idx.msk [tilespmem:v1+s20+$0xFFFFFFC0 ss:$0x1], $0xffff  }
0x44: {  	s31 =	sshll.u32 s14, $0xE;
	v3 =	vld.idx.msk [tilespmem:v1+s20+$0xFFFFFFD0 ss:$0x1], $0xffff  }
0x45: {  	s18 =	sand.u32 $0x4000, s31;
	v5 =	vld.idx.msk [tilespmem:v1+s20+$0xFFFFFFE0 ss:$0x1], $0xffff;
	[tilespmem:v0+s20+$0x30 ss:$0x1] =	vst.idx.msk $0xffff, v7  }
0x46: {  	s21 =	simm.s32 $0x400;
	s19 =	simm.s32 $0x80;
	s18 =	sor.u32 $0x8000, s18;
	[tilespmem:v0+s20+$0xFFFFFFC0 ss:$0x1] =	vst.idx.msk $0xffff, v8;
	v7 =	vld.idx.msk [tilespmem:v1+s20+$0xFFFFFFF0 ss:$0x1], $0xffff  }
.LBB1_3:
0x47: {  	p0 =	sne.s32 s21, $0xFE00;
	v8 =	vld.idx.msk [tilespmem:v1+s19+$0x0 ss:$0x1], $0xffff;
	[tilespmem:v0+s20+$0xFFFFFFD0 ss:$0x1] =	vst.idx.msk $0xffff, v6  }
0x48: {  	v9 =	vld.idx.msk [tilespmem:v1+s19+$0xFFFFFF90 ss:$0x1], $0xffff;
	[tilespmem:v0+s20+$0xFFFFFFE0 ss:$0x1] =	vst.idx.msk $0xffff, v4  }
0x49: {  	v6 =	vld.idx.msk [tilespmem:v1+s19+$0xFFFFFFA0 ss:$0x1], $0xffff;
	[tilespmem:v0+s20+$0xFFFFFFF0 ss:$0x1] =	vst.idx.msk $0xffff, v2  }
.Ltmp3:
0x4a: {  	v4 =	vld.idx.msk [tilespmem:v1+s19+$0xFFFFFFB0 ss:$0x1], $0xffff;
	[tilespmem:v0+s20+$0x0 ss:$0x1] =	vst.idx.msk $0xffff, v3;
	(pc) =	sbr.rel @p0 .LBB1_3-.Ltmp3, $4  }
0x4b: {  	v2 =	vld.idx.msk [tilespmem:v1+s19+$0xFFFFFFC0 ss:$0x1], $0xffff;
	[tilespmem:v0+s20+$0x10 ss:$0x1] =	vst.idx.msk $0xffff, v5  }
0x4c: {  	v3 =	vld.idx.msk [tilespmem:v1+s19+$0xFFFFFFD0 ss:$0x1], $0xffff;
	[tilespmem:v0+s20+$0x20 ss:$0x1] =	vst.idx.msk $0xffff, v7;
	s20 =	smov.u32 s19  }
0x4d: {  	v5 =	vld.idx.msk [tilespmem:v1+s20+$0xFFFFFFE0 ss:$0x1], $0xffff;
	[tilespmem:v0+s20+$0x30 ss:$0x1] =	vst.idx.msk $0xffff, v8  }
0x4e: {  	s19 =	sshra.s32 s21, $0x2;
	s21 =	sadd.s32 $0x200, s21;
	[tilespmem:v0+s20+$0xFFFFFFC0 ss:$0x1] =	vst.idx.msk $0xffff, v9;
	v7 =	vld.idx.msk [tilespmem:v1+s20+$0xFFFFFFF0 ss:$0x1], $0xffff  }
.Ltmp4:
0x4f: {  	_ = 	snop;
	(pc) =	sbr.rel .LBB1_4-.Ltmp4, $1  }
0x50: {  	_ =	sdelay $0x3  }
.LBB1_6:
0x51: {  	_ =	sfence.sel $0x180000  }
0x52: {  	s1 =	simm.s32 $0x1;
	[bflag:$0x0] =	sbarrier.arrive $0xFFFF  }
0x53: {  	s31 =	simm.s32 $0x2;
	[sflag:s1] =	ssyncpa.u1 $0x1  }
0x54: {  	[sflag:s31] =	ssyncpa.u1 $0x1  }
0x55: {  	p0 =	sne.s32 s0, $0x0;
	_ =	strace $0x90000047  }
0x56: {  	s0 =	sadd.s32 @!p0 $0x100000, s3;
	[bflag:$0x2] =	sbarrier.arrive $0xFFFF  }
0x57: {  	[sflag:s0] =	ssyncadd.tile.s32 @!p0 $0x1;
	_ =	shalt  }
.Lfunc_end1:
_tile_overlayer_lowered:
.L_overlay_start_2:
0x58: {  	(tag) =	ssettag $0x2  }
0x59: {  	s0 =	rddreg [dreg:$0x0];
	s2 =	stileid.u32  }
0x5a: {  	s1 =	rddreg [dreg:$0x1];
	p0 =	sne.s32 s2, $0x0  }
0x5b: {  	s3 =	rddreg [dreg:$0x2];
	[bflag:$0x3] =	sbarrier.arrive $0xFFFF;
	s2 =	simm.s32 @!p0 $0x1C01  }
0x5c: {  	[timem:s3], [sflag:s2] =	dma.local @!p0 [hbm:s0], s1  }
0x5d: {  	s0 =	simm.s32 @!p0 $0x1  }
0x5e: {  	_ =	swait.ge @!p0 [sflag:s0], s1  }
0x5f: {  	s1 =	ssub.s32 @!p0 $0x0, s1;
	[sflag:s0] =	ssyncset.done @!p0 $0x0  }
0x60: {  	[sflag:s0] =	ssyncadd.s32 @!p0 s1  }
0x61: {  	[bflag:$0x3] =	sbarrier.arrive $0xFFFF  }
0x62: {  	_ =	shalt  }

// kernel: sparse-core-data-format-call.cloned.1.call-start
scs
called_computation_lowered:
.L_overlay_start_0:
0x0: {  	s2 =	sld [smem:$0x3FD9]  }
0x1: {  	s3 =	sld [smem:$0x3FFE];
	_ =	sdelay $0x1  }
0x2: {  	s1 =	srdreg.scid  }
0x3: {  	s0 =	sand.u32 $0x1, s1  }
0x4: {  	s18 =	sshll.u32 s0, $0xA;
	s2 =	sadd.s32 s3, s2  }
0x5: {  	s2 =	sadd.s32 s2, s18  }
0x6: {  	[smem:$0x3FC6] =	sst s2  }
0x7: {  	_ = 	snop  }
0x8: {  	s2 =	sld [smem:$0x3FD0];
	(tm) =	ssettm $0x1  }
0x9: {  	s19 =	sld [smem:$0x3FFB];
	_ =	sdelay $0x3  }
0xa: {  	_ =	strace s19  }
0xb: {  	s3 =	sld [smem:$0x3FFC];
	_ =	sdelay $0x3  }
0xc: {  	_ =	strace s3  }
0xd: {  	s3 =	sld [smem:$0x3FFD];
	_ =	sdelay $0x3  }
0xe: {  	_ =	strace s3  }
0xf: {  	_ =	strace $0x8FFFFFFF  }
0x10: {  	s20 =	sld [smem:$0x3FDB];
	_ =	sdelay $0x1  }
0x11: {  	s4 =	simm.s32 $_scs_section_size  }
0x12: {  	s5 =	simm.s32 $_size__tile_overlayer_lowered;
	s6 =	simm.s32 $_tile_overlayer_lowered  }
0x13: {  	s23 =	simm.s32 $0x1BFF;
	s22 =	sshll.u32 s6, $0x1;
	s3 =	sadd.s32 s4, s20  }
0x14: {  	s7 =	simm.s32 $0x0;
	s21 =	sshll.u32 s5, $0x1;
	s5 =	sadd.s32 s22, s3  }
0x15: {  	[timem:s7], [sflag:s23] =	dma.local [hbm:s5], s21  }
0x16: {  	_ =	swait.ge [sflag:s23], s21  }
0x17: {  	s4 =	ssub.s32 $0x0, s21;
	[sflag:s23] =	ssyncset.done $0x0  }
0x18: {  	[sflag:s23] =	ssyncadd.s32 s4;
	_ =	sdelay $0x1  }
0x19: {  	s24 =	simm.s32 $0x1B8B  }
0x1a: {  	_ =	swait.ge [sflag:s24], $0x1  }
0x1b: {  	[sflag:s24] =	ssyncset.done $0x0  }
0x1c: {  	s26 =	simm.s32 $0x1B8E;
	s25 =	sld [smem:$0x3FFE];
	[sflag:s24] =	ssyncadd.s32 $0xFFFFFFFF  }
0x1d: {  	s27 =	simm.s32 $execute0_lowered;
	[smem:$0x3FD2] =	sst s26  }
0x1e: {  	s5 =	sshll.u32 s27, $0x1;
	_ =	strace $0x80000049;
	[dreg:$0x1] =	wrdreg $0xFFFFFFFF  }
0x1f: {  	s28 =	simm.s32 $_size_execute0_lowered;
	s3 =	sadd.s32 s3, s5;
	[dreg:$0x0] =	wrdreg $0x0  }
0x20: {  	s5 =	sshll.u32 s28, $0x1;
	[dreg:$0x2] =	wrdreg s3  }
0x21: {  	[dreg:$0x3] =	wrdreg s5  }
0x22: {  	[dreg:$0x4] =	wrdreg $0xC0  }
0x23: {  	_ =	task [dreg:s7], $0x5FFFF  }
0x24: {  	[dreg:$0x1] =	wrdreg $0xFFFFFFFF  }
0x25: {  	[dreg:$0x0] =	wrdreg $0x60  }
0x26: {  	[dreg:$0x2] =	wrdreg s2  }
0x27: {  	[dreg:$0x3] =	wrdreg s25  }
0x28: {  	[dreg:$0x4] =	wrdreg $0x9  }
0x29: {  	_ =	task.clear_ibuf [dreg:s7], $0x5FFFF;
	_ =	strace $0x90000049  }
0x2a: {  	s29 =	simm.s32 $0x9;
	_ =	strace $0x8000004B  }
0x2b: {  	_ =	swait.ge [sflag:s29], $0x1  }
0x2c: {  	[sflag:s29] =	ssyncadd.s32 $0xFFFFFFFF  }
0x2d: {  	_ =	strace $0x9000004B  }
0x2e: {  	_ =	sfence  }
0x2f: {  	s30 =	sld [smem:$0x0];
	_ =	sdelay $0x2  }
0x30: {  	s31 =	sshll.u32 s1, $0xD;
	s1 =	sshrl.u32 s1, $0x2  }
0x31: {  	s3 =	sand.u32 $0x4000, s31;
	s1 =	sadd.s32 s1, s30  }
0x32: {  	s0 =	sor.u32 s3, s0;
	s1 =	sshll.u32 s1, $0x11  }
0x33: {  	s0 =	sor.u32 s1, s0  }
0x34: {  	s0 =	sadd.s32 $0x8F2B, s0  }
0x35: {  	[sflag:s0] =	ssyncadd.remote.s32 $0x1  }
0x36: {  	_ =	sfence.sel $0xFFFF  }
0x37: {  	[dreg:$0x0] =	wrdreg $0xFFFFFFFF;
	(pc) =	sbr.abs _section_cstart, $3  }
0x38: {  	[dreg:$0x1] =	wrdreg $0xFFFFFFFF  }
0x39: {  	_ =	task.clear_ibuf [dreg:s7], $0x2FFFF;
	_ =	strace $0x9FFFFFFF  }
0x3a: {  	(tm) =	ssettm $0x7FFFFFFF  }
0x3b: {  	_ =	shalt  }
tec
execute0_lowered:
.L_overlay_start_1:
0x0: {  	(tag) =	ssettag $0x1  }
0x1: {  	s2 =	rddreg [dreg:$0x0]  }
0x2: {  	s1 =	rddreg [dreg:$0x1]  }
0x3: {  	s0 =	rddreg [dreg:$0x2];
	_ =	strace $0x8000004A;
	s4 =	srdreg.scid  }
0x4: {  	s6 =	simm.s32 $0x2;
	s11 =	simm.s32 $0x0;
	p0 =	por $0x0, $0x0  }
.Ltmp0:
0x5: {  	s7 =	simm.s32 $0x2000;
	s12 =	simm.s32 $0x0;
	(pc) =	sbr.rel .LBB1_1-.Ltmp0, $4  }
0x6: {  	s9 =	simm.s32 $0x0;
	s3 =	sadd.s32 $0x82600, s1;
	s5 =	sshll.u32 s4, $0x4  }
0x7: {  	s1 =	stileid.u32;
	s4 =	simm.s32 $0x1;
	s5 =	sand.u32 $0x10, s5  }
0x8: {  	s8 =	simm.s32 $0x0;
	[sflag:s4] =	ssyncpa.u1 $0x0;
	s5 =	sor.u32 s1, s5  }
0x9: {  	[sflag:s6] =	ssyncpa.u1 $0x0;
	s6 =	simm.s32 $0x800;
	s10 =	smov.u32 s5  }
.LBB1_7:
0xa: {  	s13 =	sadd.s32 $0x10, s9  }
0xb: {  	s11 =	sadd.s32 $0x20, s10;
	s15 =	smov.u32 s10;
	p2 =	sgt.s32 s13, $0x3F  }
0xc: {  	p1 =	slt.u32 s8, $0x2;
	s15 =	smov.u32 @p2 s11  }
0xd: {  	s8 =	sadd.s32 $0x1, s8;
	s13 =	simm.s32 @p2 $0x0;
	p2 =	sgt.s32 s15, $0xFF  }
0xe: {  	s15 =	smov.u32 @p2 s5;
	p2 =	sne.s32 s8, $0x22  }
.Ltmp1:
0xf: {  	_ = 	snop;
	(pc) =	sbr.rel @!p2 .LBB1_8-.Ltmp1, $4  }
0x10: {  	s14 =	simm.s32 @!p1 $0x2  }
0x11: {  	s12 =	smov.u32 s10;
	_ =	swait.ge @!p1 [sflag:s14], $0x4000  }
0x12: {  	p0 =	por !p0, !p0;
	s11 =	smov.u32 s9;
	[sflag:s14] =	ssyncset.done @!p1 $0x0  }
0x13: {  	s9 =	smov.u32 s13;
	[sflag:s14] =	ssyncadd.s32 @!p1 $0xFFFFC000;
	s10 =	smov.u32 s15  }
.LBB1_1:
0x14: {  	p1 =	sgt.u32 s8, $0x1F  }
0x15: {  	s13 =	sxor.u32 @!p1 $0xFFFFFFFF, s8;
	s14 =	sshll.u32 @!p1 s10, $0xD  }
0x16: {  	s15 =	sshll.u32 @!p1 s9, $0x7;
	s13 =	sshll.u32 @!p1 s13, $0xE;
	s14 =	sadd.s32 @!p1 s2, s14  }
0x17: {  	s13 =	sand.u32 @!p1 $0x4000, s13;
	s14 =	sadd.s32 @!p1 s15, s14;
	s15 =	simm.s32 @!p1 $0x0  }
0x18: {  	[tilespmem:s13], [sflag:$0x1] =	stream.linear.gather @!p1 [hbm4b:s14+s15], $0x4000, $0x38;
	[tilespmem:$0x10000] =	vst v63  }
0x19: {  	p1 =	seq.s32 s8, $0x0  }
0x1a: {  	p2 =	seq.s32 @!p1 s8, $0x21  }
0x1b: {  	p1 =	por p1, p2  }
.Ltmp2:
0x1c: {  	_ = 	snop;
	(pc) =	sbr.rel @p1 .LBB1_7-.Ltmp2, $1  }
0x1d: {  	_ =	sdelay $0x3  }
0x1e: {  	s13 =	simm.s32 $0x1;
	_ =	swait.ge [sflag:s4], $0x4000;
	s16 =	sshll.u32 s8, $0xE  }
0x1f: {  	s13 =	simm.s32 @!p0 $0x0;
	[sflag:s4] =	ssyncset.done $0x0;
	s31 =	sand.u32 $0x4000, s16  }
0x20: {  	s16 =	simm.s32 $0x0;
	s14 =	sshll.u32 s13, $0xE;
	[sflag:s4] =	ssyncadd.s32 $0xFFFFC000  }
0x21: {  	s13 =	sor.u32 $0x8040, s14;
	s15 =	sor.u32 $0x40, s14;
	s14 =	sor.u32 $0x8000, s31  }
.LBB1_3:
0x22: {  	v0 =	vmov s15;
	_ =	sdelay $0x3  }
0x23: {  	s18 =	simm.s32 $0x0  }
0x24: {  	v6 =	vld.idx.msk [tilespmem:v0+s18+$0x30 ss:$0x1], $0xffff  }
0x25: {  	v7 =	vld.idx.msk [tilespmem:v0+s18+$0xFFFFFFC0 ss:$0x1], $0xffff  }
0x26: {  	v5 =	vld.idx.msk [tilespmem:v0+s18+$0xFFFFFFD0 ss:$0x1], $0xffff  }
0x27: {  	v4 =	vld.idx.msk [tilespmem:v0+s18+$0xFFFFFFE0 ss:$0x1], $0xffff  }
0x28: {  	v3 =	vld.idx.msk [tilespmem:v0+s18+$0xFFFFFFF0 ss:$0x1], $0xffff  }
0x29: {  	v1 =	vld.idx.msk [tilespmem:v0+s18+$0x0 ss:$0x1], $0xffff  }
0x2a: {  	v2 =	vld.idx.msk [tilespmem:v0+s18+$0x10 ss:$0x1], $0xffff;
	[tilespmem:s13+$0x30] =	vst v6  }
0x2b: {  	s17 =	simm.s32 $0x80;
	s19 =	simm.s32 $0x400;
	[tilespmem:s13+$0xFFFFFFC0] =	vst v7;
	v6 =	vld.idx.msk [tilespmem:v0+s18+$0x20 ss:$0x1], $0xffff;
	s18 =	smov.u32 s13  }
.LBB1_4:
0x2c: {  	p1 =	sne.s32 s19, $0xE00;
	v7 =	vld.idx.msk [tilespmem:v0+s17+$0x30 ss:$0x1], $0xffff;
	[tilespmem:s18+$0xFFFFFFD0] =	vst v5  }
0x2d: {  	v8 =	vld.idx.msk [tilespmem:v0+s17+$0xFFFFFFC0 ss:$0x1], $0xffff;
	[tilespmem:s18+$0xFFFFFFE0] =	vst v4  }
0x2e: {  	v5 =	vld.idx.msk [tilespmem:v0+s17+$0xFFFFFFD0 ss:$0x1], $0xffff;
	[tilespmem:s18+$0xFFFFFFF0] =	vst v3  }
.Ltmp3:
0x2f: {  	v4 =	vld.idx.msk [tilespmem:v0+s17+$0xFFFFFFE0 ss:$0x1], $0xffff;
	[tilespmem:s18+$0x0] =	vst v1;
	(pc) =	sbr.rel @p1 .LBB1_4-.Ltmp3, $4  }
0x30: {  	v3 =	vld.idx.msk [tilespmem:v0+s17+$0xFFFFFFF0 ss:$0x1], $0xffff;
	[tilespmem:s18+$0x10] =	vst v2  }
0x31: {  	v1 =	vld.idx.msk [tilespmem:v0+s17+$0x0 ss:$0x1], $0xffff;
	[tilespmem:s18+$0x20] =	vst v6;
	s18 =	sadd.s32 $0x800, s18  }
0x32: {  	v2 =	vld.idx.msk [tilespmem:v0+s17+$0x10 ss:$0x1], $0xffff;
	[tilespmem:s18+$0x30] =	vst v7  }
0x33: {  	[tilespmem:s18+$0xFFFFFFC0] =	vst v8;
	v6 =	vld.idx.msk [tilespmem:v0+s17+$0x20 ss:$0x1], $0xffff;
	s17 =	sshra.s32 s19, $0x2;
	s19 =	sadd.s32 $0x200, s19  }
0x34: {  	_ =	sdelay $0x2  }
0x35: {  	[tilespmem:s18+$0xFFFFFFD0] =	vst v5  }
0x36: {  	v56 =	vld.idx.msk [tilespmem:v0+s17+$0x30 ss:$0x1], $0xffff;
	[tilespmem:s18+$0xFFFFFFE0] =	vst v4  }
0x37: {  	v57 =	vld.idx.msk [tilespmem:v0+s17+$0xFFFFFFC0 ss:$0x1], $0xffff;
	[tilespmem:s18+$0xFFFFFFF0] =	vst v3  }
0x38: {  	v58 =	vld.idx.msk [tilespmem:v0+s17+$0xFFFFFFD0 ss:$0x1], $0xffff;
	[tilespmem:s18+$0x0] =	vst v1  }
0x39: {  	v59 =	vld.idx.msk [tilespmem:v0+s17+$0xFFFFFFE0 ss:$0x1], $0xffff;
	[tilespmem:s18+$0x10] =	vst v2  }
0x3a: {  	v60 =	vld.idx.msk [tilespmem:v0+s17+$0xFFFFFFF0 ss:$0x1], $0xffff;
	s31 =	sadd.s32 $0x800, s18;
	[tilespmem:s18+$0x20] =	vst v6  }
0x3b: {  	v61 =	vld.idx.msk [tilespmem:v0+s17+$0x0 ss:$0x1], $0xffff;
	[tilespmem:s31+$0x30] =	vst v56  }
0x3c: {  	v62 =	vld.idx.msk [tilespmem:v0+s17+$0x10 ss:$0x1], $0xffff;
	s16 =	sadd.s32 $0x1, s16;
	[tilespmem:s31+$0xFFFFFFC0] =	vst v57  }
0x3d: {  	v63 =	vld.idx.msk [tilespmem:v0+s17+$0x20 ss:$0x1], $0xffff;
	p1 =	sne.s32 s16, $0x10;
	[tilespmem:s31+$0xFFFFFFD0] =	vst v58  }
.Ltmp4:
0x3e: {  	[tilespmem:s31+$0xFFFFFFE0] =	vst v59;
	(pc) =	sbr.rel @p1 .LBB1_3-.Ltmp4, $4  }
0x3f: {  	[tilespmem:s31+$0xFFFFFFF0] =	vst v60  }
0x40: {  	[tilespmem:s31+$0x0] =	vst v61  }
0x41: {  	[tilespmem:s31+$0x10] =	vst v62  }
0x42: {  	s13 =	sadd.s32 $0x80, s13;
	s15 =	sadd.s32 $0x400, s15;
	[tilespmem:s31+$0x20] =	vst v63  }
.Ltmp5:
0x43: {  	(pc) =	sbr.rel .LBB1_7-.Ltmp5, $4  }
0x44: {  	s12 =	sshll.u32 s12, $0xD;
	s11 =	sshll.u32 s11, $0x4  }
0x45: {  	s11 =	sand.u32 $0x3F0, s11;
	s12 =	sadd.s32 s3, s12  }
0x46: {  	s11 =	sadd.s32 s11, s12  }
0x47: {  	[hbm4b:s11+s6] =	stream.strided.scatter [tilespmem:s14], [sflag:$0x2], $0x4000, s7, s6, $0x38;
	[tilespmem:$0x10000] =	vst v63  }
.LBB1_8:
0x48: {  	_ =	sfence.sel $0x180000  }
0x49: {  	s2 =	simm.s32 $0x1;
	[bflag:$0x0] =	sbarrier.arrive $0xFFFF  }
0x4a: {  	s31 =	simm.s32 $0x2;
	[sflag:s2] =	ssyncpa.u1 $0x1  }
0x4b: {  	[sflag:s31] =	ssyncpa.u1 $0x1  }
0x4c: {  	p0 =	sne.s32 s1, $0x0;
	_ =	strace $0x9000004A  }
0x4d: {  	s0 =	sadd.s32 @!p0 $0x100000, s0;
	[bflag:$0x2] =	sbarrier.arrive $0xFFFF  }
0x4e: {  	[sflag:s0] =	ssyncadd.tile.s32 @!p0 $0x1;
	_ =	shalt  }
.Lfunc_end1:
_tile_overlayer_lowered:
.L_overlay_start_2:
0x4f: {  	(tag) =	ssettag $0x2  }
0x50: {  	s0 =	rddreg [dreg:$0x0];
	s2 =	stileid.u32  }
0x51: {  	s1 =	rddreg [dreg:$0x1];
	p0 =	sne.s32 s2, $0x0  }
0x52: {  	s3 =	rddreg [dreg:$0x2];
	[bflag:$0x3] =	sbarrier.arrive $0xFFFF;
	s2 =	simm.s32 @!p0 $0x1C01  }
0x53: {  	[timem:s3], [sflag:s2] =	dma.local @!p0 [hbm:s0], s1  }
0x54: {  	s0 =	simm.s32 @!p0 $0x1  }
0x55: {  	_ =	swait.ge @!p0 [sflag:s0], s1  }
0x56: {  	s1 =	ssub.s32 @!p0 $0x0, s1;
	[sflag:s0] =	ssyncset.done @!p0 $0x0  }
0x57: {  	[sflag:s0] =	ssyncadd.s32 @!p0 s1  }
0x58: {  	[bflag:$0x3] =	sbarrier.arrive $0xFFFF  }
0x59: {  	_ =	shalt  }

</sc_bundles>
